<compile_context>
chip_gen: v7x
topology: tpu7x:2x2x1
jax: 0.10.2.dev20260603
libtpu: 0.0.44.dev20260713+nightly
codegen_flags: <defaults>
</compile_context>

<pallas_src>
import functools

import jax
import jax.numpy as jnp
from jax import lax
from jax.experimental import pallas as pl
from jax.experimental.pallas import tpu as pltpu
from jax.experimental.pallas import tpu_sc as plsc

HID = 1024
F = 32
SEQ = F * F
B = 16
NT = B * SEQ
EPS = 1e-12

NC = 2
NS = 16
NW = NC * NS

P = 4
CH = NT // P
RPW = CH // NW
K = 32
NGC = RPW // K

ROWS_BLK = 1024
GRID_P = CH // ROWS_BLK
A1B = ROWS_BLK // F


def _sc_gather_chunk(table, ids3d, tts3d):
    mesh = plsc.VectorSubcoreMesh(core_axis_name="c", subcore_axis_name="s")

    @functools.partial(
        pl.kernel,
        mesh=mesh,
        out_type=(
            jax.ShapeDtypeStruct((CH, HID), jnp.float32),
            jax.ShapeDtypeStruct((CH, 16), jnp.int32),
        ),
        scratch_types=[
            pltpu.VMEM((NGC, K), jnp.int32),
            pltpu.VMEM((RPW // 16, 16), jnp.int32),
            pltpu.VMEM((RPW, 16), jnp.int32),
            pltpu.VMEM((K, HID), jnp.float32),
            pltpu.VMEM((K, HID), jnp.float32),
            pltpu.SemaphoreType.DMA,
            pltpu.SemaphoreType.DMA,
            pltpu.SemaphoreType.DMA,
            pltpu.SemaphoreType.DMA,
            pltpu.SemaphoreType.DMA,
        ],
    )
    def body(table_hbm, ids_hbm, tts_hbm, out_hbm, tt_hbm, idx_v, tt_v, tbuf,
             buf0, buf1, g0, g1, w0, w1, t0):
        wid = lax.axis_index("s") * NC + lax.axis_index("c")
        base = wid * RPW
        pltpu.sync_copy(ids_hbm.at[wid], idx_v)
        pltpu.sync_copy(tts_hbm.at[wid], tt_v)
        def tt_fill(q, _):
            v = tt_v[q]
            for j in range(16):
                tbuf[q * 16 + j] = jnp.full((16,), v[j], jnp.int32)
            return 0
        lax.fori_loop(0, RPW // 16, tt_fill, 0)
        ttcp = pltpu.async_copy(tbuf, tt_hbm.at[pl.ds(base, RPW)], t0)
        bufs = [buf0, buf1]
        gsem = [g0, g1]
        wsem = [w0, w1]
        gcp = [None, None]
        wcp = [None, None]
        gcp[0] = pltpu.async_copy(table_hbm.at[idx_v.at[0]], bufs[0], gsem[0])
        for g in range(NGC):
            bi = g & 1
            ni = (g + 1) & 1
            if g + 1 < NGC:
                if wcp[ni] is not None:
                    wcp[ni].wait()
                gcp[ni] = pltpu.async_copy(
                    table_hbm.at[idx_v.at[g + 1]], bufs[ni], gsem[ni]
                )
            gcp[bi].wait()
            wcp[bi] = pltpu.async_copy(
                bufs[bi], out_hbm.at[pl.ds(base + g * K, K)], wsem[bi]
            )
        wcp[0].wait()
        wcp[1].wait()
        ttcp.wait()

    return body(table, ids3d, tts3d)


def _tc_chunk(p, carry, emb, ax1, ax2, tt16, dtt, gamma, beta):
    def body(*refs):
        if carry is None:
            emb_ref, ax1_ref, ax2_ref, tt_ref, dtt_ref, g_ref, b_ref, o_ref = refs
        else:
            _, emb_ref, ax1_ref, ax2_ref, tt_ref, dtt_ref, g_ref, b_ref, o_ref = refs
        x = emb_ref[...].reshape(A1B, F, HID)
        x = x + ax1_ref[...][:, None, :] + ax2_ref[...][None, :, :]
        ttf = jnp.sum(tt_ref[...].astype(jnp.float32), axis=1,
                      keepdims=True) * (1.0 / 16.0)
        x = x + (ttf * dtt_ref[...]).reshape(A1B, F, HID)
        mean = jnp.mean(x, axis=2, keepdims=True)
        var = jnp.mean(x * x, axis=2, keepdims=True) - mean * mean
        inv = lax.rsqrt(var + EPS)
        y = (x - mean) * inv * g_ref[...][None, :, :] + b_ref[...][None, :, :]
        o_ref[...] = y.reshape(ROWS_BLK, HID)

    specs = [
        pl.BlockSpec((ROWS_BLK, HID), lambda t: (t, 0)),
        pl.BlockSpec((A1B, HID), lambda t: (t % (F // A1B), 0)),
        pl.BlockSpec((F, HID), lambda t: (0, 0)),
        pl.BlockSpec((ROWS_BLK, 16), lambda t: (t, 0)),
        pl.BlockSpec((1, HID), lambda t: (0, 0)),
        pl.BlockSpec((1, HID), lambda t: (0, 0)),
        pl.BlockSpec((1, HID), lambda t: (0, 0)),
    ]
    args = (emb, ax1, ax2, tt16, dtt, gamma, beta)
    aliases = {}
    if carry is not None:
        specs = [pl.BlockSpec(memory_space=pl.ANY)] + specs
        args = (carry,) + args
        aliases = {0: 0}
    return pl.pallas_call(
        body,
        grid=(GRID_P,),
        in_specs=specs,
        out_specs=pl.BlockSpec(
            (ROWS_BLK, HID), lambda t, p=p: (p * GRID_P + t, 0)
        ),
        out_shape=jax.ShapeDtypeStruct((NT, HID), jnp.float32),
        input_output_aliases=aliases,
    )(*args)


def kernel(input_ids, token_type_ids, word_table, ax1, ax2, tt_table, gamma,
           beta):
    ids4d = input_ids.astype(jnp.int32).reshape(P, NW, NGC, K)
    tts4d = token_type_ids.astype(jnp.int32).reshape(P, NW, RPW // 16, 16)
    ax1p = ax1 + tt_table[0:1]
    dtt = tt_table[1:2] - tt_table[0:1]
    g2 = gamma.reshape(1, HID)
    b2 = beta.reshape(1, HID)

    scs = [_sc_gather_chunk(word_table, ids4d[p], tts4d[p]) for p in range(P)]
    out = None
    for p in range(P):
        emb_p, tt_p = scs[p]
        out = _tc_chunk(p, out, emb_p, ax1p, ax2, tt_p, dtt, g2, b2)
    return out.reshape(B, SEQ, HID)

# --- scband reference (transcript-rebuilt; emitter-appended) ---
"""Pipeline reference for scband-bert-axial-embeddings-80659485819424 (READ-ONLY COPY).

The authoritative reference and input builder live on the scoring server;
editing this copy changes nothing except your own understanding.
"""

import jax, jax.numpy as jnp
import numpy as np

VOCAB = 100000
HID = 1024
TYPES = 2
F = 32
SEQ = F * F
B = 16
EPS = 1e-12


def setup_inputs(seed: int = 0) -> dict:
    key = jax.random.key(seed)
    ks = jax.random.split(key, 8)
    input_ids = jax.random.randint(ks[0], (B, SEQ), 0, VOCAB)
    token_type_ids = jax.random.randint(ks[1], (B, SEQ), 0, TYPES)
    word_table = jax.random.normal(ks[2], (VOCAB, HID), dtype=jnp.float32) * 0.02
    word_table = word_table.at[0].set(0.0)  # padding_idx=0
    ax1 = jax.random.normal(ks[3], (F, HID), dtype=jnp.float32)  # axial pos emb axis 0
    ax2 = jax.random.normal(ks[4], (F, HID), dtype=jnp.float32)  # axial pos emb axis 1
    tt_table = jax.random.normal(ks[5], (TYPES, HID), dtype=jnp.float32) * 0.02
    gamma = jnp.ones((HID,), dtype=jnp.float32)
    beta = jnp.zeros((HID,), dtype=jnp.float32)
    return {
        "input_ids": input_ids,
        "token_type_ids": token_type_ids,
        "word_table": word_table,
        "ax1": ax1,
        "ax2": ax2,
        "tt_table": tt_table,
        "gamma": gamma,
        "beta": beta,
    }


def reference(input_ids, token_type_ids, word_table, ax1, ax2, tt_table, gamma, beta):
    seq_len = input_ids.shape[1]
    # word embedding lookup (gather)
    inputs_embeds = jnp.take(word_table, input_ids, axis=0)
    # summed axial positional embedding: (1,F,1,HID) + (1,1,F,HID) -> (F*F, HID), slice to seq_len
    pos = (ax1[:, None, :] + ax2[None, :, :]).reshape(F * F, HID)[:seq_len]
    # token type embedding lookup (gather)
    token_type_embeddings = jnp.take(tt_table, token_type_ids, axis=0)
    emb = inputs_embeds + pos[None, :, :] + token_type_embeddings
    # LayerNorm over last dim (biased variance, as in torch)
    mean = jnp.mean(emb, axis=-1, keepdims=True)
    var = jnp.var(emb, axis=-1, keepdims=True)
    out = (emb - mean) / jnp.sqrt(var + EPS) * gamma + beta
    # dropout is identity in eval mode
    return out

if __name__ == "__main__":
    import jax
    _d = setup_inputs()
    print(jax.jit(kernel)(*tuple(_d.values())))

</pallas_src>

<mosaic_0001>
#map = affine_map<(d0, d1) -> (0, 0)>
#map1 = affine_map<(d0, d1) -> (0, 0, 0)>
module attributes {stable_mosaic.version = 14 : i64} {
  func.func @body(%arg0: i32, %arg1: i32, %arg2: memref<100000x1024xf32, #tpu.memory_space<hbm>>, %arg3: memref<32x4x32xi32, #tpu.memory_space<hbm>>, %arg4: memref<32x8x16xi32, #tpu.memory_space<hbm>>, %arg5: memref<4096x1024xf32, #tpu.memory_space<hbm>>, %arg6: memref<4096x16xi32, #tpu.memory_space<hbm>>, %arg7: memref<4x32xi32, #tpu.memory_space<vmem>>, %arg8: memref<8x16xi32, #tpu.memory_space<vmem>>, %arg9: memref<128x16xi32, #tpu.memory_space<vmem>>, %arg10: memref<32x1024xf32, #tpu.memory_space<vmem>>, %arg11: memref<32x1024xf32, #tpu.memory_space<vmem>>, %arg12: memref<!tpu.dma_semaphore, #tpu.memory_space<semaphore_mem>>, %arg13: memref<!tpu.dma_semaphore, #tpu.memory_space<semaphore_mem>>, %arg14: memref<!tpu.dma_semaphore, #tpu.memory_space<semaphore_mem>>, %arg15: memref<!tpu.dma_semaphore, #tpu.memory_space<semaphore_mem>>, %arg16: memref<!tpu.dma_semaphore, #tpu.memory_space<semaphore_mem>>) attributes {dimension_semantics = [#tpu.dimension_semantics<core_parallel>, #tpu.dimension_semantics<subcore_parallel>], iteration_bounds = array<i64: 2, 16>, scalar_prefetch = 0 : i64, scratch_operands = 10 : i64, tpu.core_type = #tpu.core_type<sc_vector_subcore>, window_params = [{transform_indices = #map}, {transform_indices = #map1}, {transform_indices = #map1}, {transform_indices = #map}, {transform_indices = #map}]} {
    %mul3A = arith.constant 2 : i32
    %mul3A_0 = arith.muli %arg1, %mul3A : i32
    %add3A = arith.addi %mul3A_0, %arg0 : i32
    %mul3A_1 = arith.constant 128 : i32
    %mul3A_2 = arith.muli %add3A, %mul3A_1 : i32
    "tpu.region"() ({
      %run_scoped3A = tpu.sem_alloc : memref<!tpu.dma_semaphore, #tpu.memory_space<semaphore_mem>>
      %dma_start3A_111 = arith.constant 0 : i32
      %dma_start3A_112 = arith.constant 0 : i32
      %dma_start3A_113 = tpu.memref_slice %arg3[%add3A, %dma_start3A_111, %dma_start3A_112] : memref<32x4x32xi32, #tpu.memory_space<hbm>> -> memref<1x4x32xi32, #tpu.memory_space<hbm>>
      %dma_start3A_114 = tpu.memref_squeeze %dma_start3A_113 : memref<1x4x32xi32, #tpu.memory_space<hbm>> -> memref<4x32xi32, #tpu.memory_space<hbm>>
      %dma_start3A_115 = arith.constant 0 : i32
      %dma_start3A_116 = arith.constant 0 : i32
      %dma_start3A_117 = tpu.memref_slice %arg3[%add3A, %dma_start3A_115, %dma_start3A_116] : memref<32x4x32xi32, #tpu.memory_space<hbm>> -> memref<1x4x32xi32, #tpu.memory_space<hbm>>
      %dma_start3A_118 = tpu.memref_squeeze %dma_start3A_117 : memref<1x4x32xi32, #tpu.memory_space<hbm>> -> memref<4x32xi32, #tpu.memory_space<hbm>>
      tpu.enqueue_dma source(%dma_start3A_118 : memref<4x32xi32, #tpu.memory_space<hbm>>) target(%arg7 : memref<4x32xi32, #tpu.memory_space<vmem>>) target_semaphore(%run_scoped3A : memref<!tpu.dma_semaphore, #tpu.memory_space<semaphore_mem>>)
      %dma_wait3A_119 = arith.constant 0 : i32
      %dma_wait3A_120 = arith.constant 0 : i32
      %dma_wait3A_121 = tpu.memref_slice %arg3[%add3A, %dma_wait3A_119, %dma_wait3A_120] : memref<32x4x32xi32, #tpu.memory_space<hbm>> -> memref<1x4x32xi32, #tpu.memory_space<hbm>>
      %dma_wait3A_122 = tpu.memref_squeeze %dma_wait3A_121 : memref<1x4x32xi32, #tpu.memory_space<hbm>> -> memref<4x32xi32, #tpu.memory_space<hbm>>
      %dma_wait3A_123 = arith.constant 0 : i32
      %dma_wait3A_124 = arith.constant 0 : i32
      %dma_wait3A_125 = tpu.memref_slice %arg3[%add3A, %dma_wait3A_123, %dma_wait3A_124] : memref<32x4x32xi32, #tpu.memory_space<hbm>> -> memref<1x4x32xi32, #tpu.memory_space<hbm>>
      %dma_wait3A_126 = tpu.memref_squeeze %dma_wait3A_125 : memref<1x4x32xi32, #tpu.memory_space<hbm>> -> memref<4x32xi32, #tpu.memory_space<hbm>>
      tpu.wait_dma2 semaphore(%run_scoped3A : memref<!tpu.dma_semaphore, #tpu.memory_space<semaphore_mem>>) src(%dma_wait3A_126 : memref<4x32xi32, #tpu.memory_space<hbm>>) dst(%arg7 : memref<4x32xi32, #tpu.memory_space<vmem>>)
      tpu.yield
    }) : () -> ()
    "tpu.region"() ({
      %run_scoped3A = tpu.sem_alloc : memref<!tpu.dma_semaphore, #tpu.memory_space<semaphore_mem>>
      %dma_start3A_111 = arith.constant 0 : i32
      %dma_start3A_112 = arith.constant 0 : i32
      %dma_start3A_113 = tpu.memref_slice %arg4[%add3A, %dma_start3A_111, %dma_start3A_112] : memref<32x8x16xi32, #tpu.memory_space<hbm>> -> memref<1x8x16xi32, #tpu.memory_space<hbm>>
      %dma_start3A_114 = tpu.memref_squeeze %dma_start3A_113 : memref<1x8x16xi32, #tpu.memory_space<hbm>> -> memref<8x16xi32, #tpu.memory_space<hbm>>
      %dma_start3A_115 = arith.constant 0 : i32
      %dma_start3A_116 = arith.constant 0 : i32
      %dma_start3A_117 = tpu.memref_slice %arg4[%add3A, %dma_start3A_115, %dma_start3A_116] : memref<32x8x16xi32, #tpu.memory_space<hbm>> -> memref<1x8x16xi32, #tpu.memory_space<hbm>>
      %dma_start3A_118 = tpu.memref_squeeze %dma_start3A_117 : memref<1x8x16xi32, #tpu.memory_space<hbm>> -> memref<8x16xi32, #tpu.memory_space<hbm>>
      tpu.enqueue_dma source(%dma_start3A_118 : memref<8x16xi32, #tpu.memory_space<hbm>>) target(%arg8 : memref<8x16xi32, #tpu.memory_space<vmem>>) target_semaphore(%run_scoped3A : memref<!tpu.dma_semaphore, #tpu.memory_space<semaphore_mem>>)
      %dma_wait3A_119 = arith.constant 0 : i32
      %dma_wait3A_120 = arith.constant 0 : i32
      %dma_wait3A_121 = tpu.memref_slice %arg4[%add3A, %dma_wait3A_119, %dma_wait3A_120] : memref<32x8x16xi32, #tpu.memory_space<hbm>> -> memref<1x8x16xi32, #tpu.memory_space<hbm>>
      %dma_wait3A_122 = tpu.memref_squeeze %dma_wait3A_121 : memref<1x8x16xi32, #tpu.memory_space<hbm>> -> memref<8x16xi32, #tpu.memory_space<hbm>>
      %dma_wait3A_123 = arith.constant 0 : i32
      %dma_wait3A_124 = arith.constant 0 : i32
      %dma_wait3A_125 = tpu.memref_slice %arg4[%add3A, %dma_wait3A_123, %dma_wait3A_124] : memref<32x8x16xi32, #tpu.memory_space<hbm>> -> memref<1x8x16xi32, #tpu.memory_space<hbm>>
      %dma_wait3A_126 = tpu.memref_squeeze %dma_wait3A_125 : memref<1x8x16xi32, #tpu.memory_space<hbm>> -> memref<8x16xi32, #tpu.memory_space<hbm>>
      tpu.wait_dma2 semaphore(%run_scoped3A : memref<!tpu.dma_semaphore, #tpu.memory_space<semaphore_mem>>) src(%dma_wait3A_126 : memref<8x16xi32, #tpu.memory_space<hbm>>) dst(%arg8 : memref<8x16xi32, #tpu.memory_space<vmem>>)
      tpu.yield
    }) : () -> ()
    %scan3A = arith.constant 0 : i32
    %scan3A_3 = arith.constant 0 : i32
    %scan3A_4 = arith.constant 8 : i32
    %scan3A_5 = arith.addi %scan3A_3, %scan3A_4 : i32
    %scan3A_6 = arith.constant 1 : i32
    %scan3A_7 = scf.for %scan3A_111 = %scan3A_3 to %scan3A_5 step %scan3A_6 iter_args(%scan3A_112 = %scan3A) -> (i32)  : i32 {
      %get3A = arith.index_cast %scan3A_111 : i32 to index
      %get3A_113 = arith.constant 0 : index
      %get3A_114 = tpu.vector_load %arg8[%get3A, %get3A_113] {strides = array<i32>} : memref<8x16xi32, #tpu.memory_space<vmem>>, vector<1x16xi32>,
      %get3A_115 = vector.shape_cast %get3A_114 : vector<1x16xi32> to vector<16xi32>
      %slice3A = vector.extract_strided_slice %get3A_115 {offsets = [0], sizes = [1], strides = [1]} : vector<16xi32> to vector<1xi32>
      %squeeze3A = vector.extract %slice3A[0] : i32 from vector<1xi32>
      %broadcast_in_dim3A = vector.broadcast %squeeze3A : i32 to vector<16xi32>
      %mul3A_116 = arith.constant 16 : i32
      %mul3A_117 = arith.muli %scan3A_111, %mul3A_116 : i32
      %add3A_118 = arith.constant 0 : i32
      %add3A_119 = arith.addi %mul3A_117, %add3A_118 : i32
      %swap3A = arith.index_cast %add3A_119 : i32 to index
      %swap3A_120 = arith.constant 0 : index
      %swap3A_121 = tpu.vector_load %arg9[%swap3A, %swap3A_120] {strides = array<i32>} : memref<128x16xi32, #tpu.memory_space<vmem>>, vector<1x16xi32>,
      %swap3A_122 = vector.shape_cast %swap3A_121 : vector<1x16xi32> to vector<16xi32>
      %swap3A_123 = vector.shape_cast %broadcast_in_dim3A : vector<16xi32> to vector<1x16xi32>
      tpu.vector_store %arg9[%swap3A, %swap3A_120], %swap3A_123 {strides = array<i32>} : memref<128x16xi32, #tpu.memory_space<vmem>>, vector<1x16xi32>,
      %slice3A_124 = vector.extract_strided_slice %get3A_115 {offsets = [1], sizes = [1], strides = [1]} : vector<16xi32> to vector<1xi32>
      %squeeze3A_125 = vector.extract %slice3A_124[0] : i32 from vector<1xi32>
      %broadcast_in_dim3A_126 = vector.broadcast %squeeze3A_125 : i32 to vector<16xi32>
      %mul3A_127 = arith.constant 16 : i32
      %mul3A_128 = arith.muli %scan3A_111, %mul3A_127 : i32
      %add3A_129 = arith.constant 1 : i32
      %add3A_130 = arith.addi %mul3A_128, %add3A_129 : i32
      %swap3A_131 = arith.index_cast %add3A_130 : i32 to index
      %swap3A_132 = arith.constant 0 : index
      %swap3A_133 = tpu.vector_load %arg9[%swap3A_131, %swap3A_132] {strides = array<i32>} : memref<128x16xi32, #tpu.memory_space<vmem>>, vector<1x16xi32>,
      %swap3A_134 = vector.shape_cast %swap3A_133 : vector<1x16xi32> to vector<16xi32>
      %swap3A_135 = vector.shape_cast %broadcast_in_dim3A_126 : vector<16xi32> to vector<1x16xi32>
      tpu.vector_store %arg9[%swap3A_131, %swap3A_132], %swap3A_135 {strides = array<i32>} : memref<128x16xi32, #tpu.memory_space<vmem>>, vector<1x16xi32>,
      %slice3A_136 = vector.extract_strided_slice %get3A_115 {offsets = [2], sizes = [1], strides = [1]} : vector<16xi32> to vector<1xi32>
      %squeeze3A_137 = vector.extract %slice3A_136[0] : i32 from vector<1xi32>
      %broadcast_in_dim3A_138 = vector.broadcast %squeeze3A_137 : i32 to vector<16xi32>
      %mul3A_139 = arith.constant 16 : i32
      %mul3A_140 = arith.muli %scan3A_111, %mul3A_139 : i32
      %add3A_141 = arith.constant 2 : i32
      %add3A_142 = arith.addi %mul3A_140, %add3A_141 : i32
      %swap3A_143 = arith.index_cast %add3A_142 : i32 to index
      %swap3A_144 = arith.constant 0 : index
      %swap3A_145 = tpu.vector_load %arg9[%swap3A_143, %swap3A_144] {strides = array<i32>} : memref<128x16xi32, #tpu.memory_space<vmem>>, vector<1x16xi32>,
      %swap3A_146 = vector.shape_cast %swap3A_145 : vector<1x16xi32> to vector<16xi32>
      %swap3A_147 = vector.shape_cast %broadcast_in_dim3A_138 : vector<16xi32> to vector<1x16xi32>
      tpu.vector_store %arg9[%swap3A_143, %swap3A_144], %swap3A_147 {strides = array<i32>} : memref<128x16xi32, #tpu.memory_space<vmem>>, vector<1x16xi32>,
      %slice3A_148 = vector.extract_strided_slice %get3A_115 {offsets = [3], sizes = [1], strides = [1]} : vector<16xi32> to vector<1xi32>
      %squeeze3A_149 = vector.extract %slice3A_148[0] : i32 from vector<1xi32>
      %broadcast_in_dim3A_150 = vector.broadcast %squeeze3A_149 : i32 to vector<16xi32>
      %mul3A_151 = arith.constant 16 : i32
      %mul3A_152 = arith.muli %scan3A_111, %mul3A_151 : i32
      %add3A_153 = arith.constant 3 : i32
      %add3A_154 = arith.addi %mul3A_152, %add3A_153 : i32
      %swap3A_155 = arith.index_cast %add3A_154 : i32 to index
      %swap3A_156 = arith.constant 0 : index
      %swap3A_157 = tpu.vector_load %arg9[%swap3A_155, %swap3A_156] {strides = array<i32>} : memref<128x16xi32, #tpu.memory_space<vmem>>, vector<1x16xi32>,
      %swap3A_158 = vector.shape_cast %swap3A_157 : vector<1x16xi32> to vector<16xi32>
      %swap3A_159 = vector.shape_cast %broadcast_in_dim3A_150 : vector<16xi32> to vector<1x16xi32>
      tpu.vector_store %arg9[%swap3A_155, %swap3A_156], %swap3A_159 {strides = array<i32>} : memref<128x16xi32, #tpu.memory_space<vmem>>, vector<1x16xi32>,
      %slice3A_160 = vector.extract_strided_slice %get3A_115 {offsets = [4], sizes = [1], strides = [1]} : vector<16xi32> to vector<1xi32>
      %squeeze3A_161 = vector.extract %slice3A_160[0] : i32 from vector<1xi32>
      %broadcast_in_dim3A_162 = vector.broadcast %squeeze3A_161 : i32 to vector<16xi32>
      %mul3A_163 = arith.constant 16 : i32
      %mul3A_164 = arith.muli %scan3A_111, %mul3A_163 : i32
      %add3A_165 = arith.constant 4 : i32
      %add3A_166 = arith.addi %mul3A_164, %add3A_165 : i32
      %swap3A_167 = arith.index_cast %add3A_166 : i32 to index
      %swap3A_168 = arith.constant 0 : index
      %swap3A_169 = tpu.vector_load %arg9[%swap3A_167, %swap3A_168] {strides = array<i32>} : memref<128x16xi32, #tpu.memory_space<vmem>>, vector<1x16xi32>,
      %swap3A_170 = vector.shape_cast %swap3A_169 : vector<1x16xi32> to vector<16xi32>
      %swap3A_171 = vector.shape_cast %broadcast_in_dim3A_162 : vector<16xi32> to vector<1x16xi32>
      tpu.vector_store %arg9[%swap3A_167, %swap3A_168], %swap3A_171 {strides = array<i32>} : memref<128x16xi32, #tpu.memory_space<vmem>>, vector<1x16xi32>,
      %slice3A_172 = vector.extract_strided_slice %get3A_115 {offsets = [5], sizes = [1], strides = [1]} : vector<16xi32> to vector<1xi32>
      %squeeze3A_173 = vector.extract %slice3A_172[0] : i32 from vector<1xi32>
      %broadcast_in_dim3A_174 = vector.broadcast %squeeze3A_173 : i32 to vector<16xi32>
      %mul3A_175 = arith.constant 16 : i32
      %mul3A_176 = arith.muli %scan3A_111, %mul3A_175 : i32
      %add3A_177 = arith.constant 5 : i32
      %add3A_178 = arith.addi %mul3A_176, %add3A_177 : i32
      %swap3A_179 = arith.index_cast %add3A_178 : i32 to index
      %swap3A_180 = arith.constant 0 : index
      %swap3A_181 = tpu.vector_load %arg9[%swap3A_179, %swap3A_180] {strides = array<i32>} : memref<128x16xi32, #tpu.memory_space<vmem>>, vector<1x16xi32>,
      %swap3A_182 = vector.shape_cast %swap3A_181 : vector<1x16xi32> to vector<16xi32>
      %swap3A_183 = vector.shape_cast %broadcast_in_dim3A_174 : vector<16xi32> to vector<1x16xi32>
      tpu.vector_store %arg9[%swap3A_179, %swap3A_180], %swap3A_183 {strides = array<i32>} : memref<128x16xi32, #tpu.memory_space<vmem>>, vector<1x16xi32>,
      %slice3A_184 = vector.extract_strided_slice %get3A_115 {offsets = [6], sizes = [1], strides = [1]} : vector<16xi32> to vector<1xi32>
      %squeeze3A_185 = vector.extract %slice3A_184[0] : i32 from vector<1xi32>
      %broadcast_in_dim3A_186 = vector.broadcast %squeeze3A_185 : i32 to vector<16xi32>
      %mul3A_187 = arith.constant 16 : i32
      %mul3A_188 = arith.muli %scan3A_111, %mul3A_187 : i32
      %add3A_189 = arith.constant 6 : i32
      %add3A_190 = arith.addi %mul3A_188, %add3A_189 : i32
      %swap3A_191 = arith.index_cast %add3A_190 : i32 to index
      %swap3A_192 = arith.constant 0 : index
      %swap3A_193 = tpu.vector_load %arg9[%swap3A_191, %swap3A_192] {strides = array<i32>} : memref<128x16xi32, #tpu.memory_space<vmem>>, vector<1x16xi32>,
      %swap3A_194 = vector.shape_cast %swap3A_193 : vector<1x16xi32> to vector<16xi32>
      %swap3A_195 = vector.shape_cast %broadcast_in_dim3A_186 : vector<16xi32> to vector<1x16xi32>
      tpu.vector_store %arg9[%swap3A_191, %swap3A_192], %swap3A_195 {strides = array<i32>} : memref<128x16xi32, #tpu.memory_space<vmem>>, vector<1x16xi32>,
      %slice3A_196 = vector.extract_strided_slice %get3A_115 {offsets = [7], sizes = [1], strides = [1]} : vector<16xi32> to vector<1xi32>
      %squeeze3A_197 = vector.extract %slice3A_196[0] : i32 from vector<1xi32>
      %broadcast_in_dim3A_198 = vector.broadcast %squeeze3A_197 : i32 to vector<16xi32>
      %mul3A_199 = arith.constant 16 : i32
      %mul3A_200 = arith.muli %scan3A_111, %mul3A_199 : i32
      %add3A_201 = arith.constant 7 : i32
      %add3A_202 = arith.addi %mul3A_200, %add3A_201 : i32
      %swap3A_203 = arith.index_cast %add3A_202 : i32 to index
      %swap3A_204 = arith.constant 0 : index
      %swap3A_205 = tpu.vector_load %arg9[%swap3A_203, %swap3A_204] {strides = array<i32>} : memref<128x16xi32, #tpu.memory_space<vmem>>, vector<1x16xi32>,
      %swap3A_206 = vector.shape_cast %swap3A_205 : vector<1x16xi32> to vector<16xi32>
      %swap3A_207 = vector.shape_cast %broadcast_in_dim3A_198 : vector<16xi32> to vector<1x16xi32>
      tpu.vector_store %arg9[%swap3A_203, %swap3A_204], %swap3A_207 {strides = array<i32>} : memref<128x16xi32, #tpu.memory_space<vmem>>, vector<1x16xi32>,
      %slice3A_208 = vector.extract_strided_slice %get3A_115 {offsets = [8], sizes = [1], strides = [1]} : vector<16xi32> to vector<1xi32>
      %squeeze3A_209 = vector.extract %slice3A_208[0] : i32 from vector<1xi32>
      %broadcast_in_dim3A_210 = vector.broadcast %squeeze3A_209 : i32 to vector<16xi32>
      %mul3A_211 = arith.constant 16 : i32
      %mul3A_212 = arith.muli %scan3A_111, %mul3A_211 : i32
      %add3A_213 = arith.constant 8 : i32
      %add3A_214 = arith.addi %mul3A_212, %add3A_213 : i32
      %swap3A_215 = arith.index_cast %add3A_214 : i32 to index
      %swap3A_216 = arith.constant 0 : index
      %swap3A_217 = tpu.vector_load %arg9[%swap3A_215, %swap3A_216] {strides = array<i32>} : memref<128x16xi32, #tpu.memory_space<vmem>>, vector<1x16xi32>,
      %swap3A_218 = vector.shape_cast %swap3A_217 : vector<1x16xi32> to vector<16xi32>
      %swap3A_219 = vector.shape_cast %broadcast_in_dim3A_210 : vector<16xi32> to vector<1x16xi32>
      tpu.vector_store %arg9[%swap3A_215, %swap3A_216], %swap3A_219 {strides = array<i32>} : memref<128x16xi32, #tpu.memory_space<vmem>>, vector<1x16xi32>,
      %slice3A_220 = vector.extract_strided_slice %get3A_115 {offsets = [9], sizes = [1], strides = [1]} : vector<16xi32> to vector<1xi32>
      %squeeze3A_221 = vector.extract %slice3A_220[0] : i32 from vector<1xi32>
      %broadcast_in_dim3A_222 = vector.broadcast %squeeze3A_221 : i32 to vector<16xi32>
      %mul3A_223 = arith.constant 16 : i32
      %mul3A_224 = arith.muli %scan3A_111, %mul3A_223 : i32
      %add3A_225 = arith.constant 9 : i32
      %add3A_226 = arith.addi %mul3A_224, %add3A_225 : i32
      %swap3A_227 = arith.index_cast %add3A_226 : i32 to index
      %swap3A_228 = arith.constant 0 : index
      %swap3A_229 = tpu.vector_load %arg9[%swap3A_227, %swap3A_228] {strides = array<i32>} : memref<128x16xi32, #tpu.memory_space<vmem>>, vector<1x16xi32>,
      %swap3A_230 = vector.shape_cast %swap3A_229 : vector<1x16xi32> to vector<16xi32>
      %swap3A_231 = vector.shape_cast %broadcast_in_dim3A_222 : vector<16xi32> to vector<1x16xi32>
      tpu.vector_store %arg9[%swap3A_227, %swap3A_228], %swap3A_231 {strides = array<i32>} : memref<128x16xi32, #tpu.memory_space<vmem>>, vector<1x16xi32>,
      %slice3A_232 = vector.extract_strided_slice %get3A_115 {offsets = [10], sizes = [1], strides = [1]} : vector<16xi32> to vector<1xi32>
      %squeeze3A_233 = vector.extract %slice3A_232[0] : i32 from vector<1xi32>
      %broadcast_in_dim3A_234 = vector.broadcast %squeeze3A_233 : i32 to vector<16xi32>
      %mul3A_235 = arith.constant 16 : i32
      %mul3A_236 = arith.muli %scan3A_111, %mul3A_235 : i32
      %add3A_237 = arith.constant 10 : i32
      %add3A_238 = arith.addi %mul3A_236, %add3A_237 : i32
      %swap3A_239 = arith.index_cast %add3A_238 : i32 to index
      %swap3A_240 = arith.constant 0 : index
      %swap3A_241 = tpu.vector_load %arg9[%swap3A_239, %swap3A_240] {strides = array<i32>} : memref<128x16xi32, #tpu.memory_space<vmem>>, vector<1x16xi32>,
      %swap3A_242 = vector.shape_cast %swap3A_241 : vector<1x16xi32> to vector<16xi32>
      %swap3A_243 = vector.shape_cast %broadcast_in_dim3A_234 : vector<16xi32> to vector<1x16xi32>
      tpu.vector_store %arg9[%swap3A_239, %swap3A_240], %swap3A_243 {strides = array<i32>} : memref<128x16xi32, #tpu.memory_space<vmem>>, vector<1x16xi32>,
      %slice3A_244 = vector.extract_strided_slice %get3A_115 {offsets = [11], sizes = [1], strides = [1]} : vector<16xi32> to vector<1xi32>
      %squeeze3A_245 = vector.extract %slice3A_244[0] : i32 from vector<1xi32>
      %broadcast_in_dim3A_246 = vector.broadcast %squeeze3A_245 : i32 to vector<16xi32>
      %mul3A_247 = arith.constant 16 : i32
      %mul3A_248 = arith.muli %scan3A_111, %mul3A_247 : i32
      %add3A_249 = arith.constant 11 : i32
      %add3A_250 = arith.addi %mul3A_248, %add3A_249 : i32
      %swap3A_251 = arith.index_cast %add3A_250 : i32 to index
      %swap3A_252 = arith.constant 0 : index
      %swap3A_253 = tpu.vector_load %arg9[%swap3A_251, %swap3A_252] {strides = array<i32>} : memref<128x16xi32, #tpu.memory_space<vmem>>, vector<1x16xi32>,
      %swap3A_254 = vector.shape_cast %swap3A_253 : vector<1x16xi32> to vector<16xi32>
      %swap3A_255 = vector.shape_cast %broadcast_in_dim3A_246 : vector<16xi32> to vector<1x16xi32>
      tpu.vector_store %arg9[%swap3A_251, %swap3A_252], %swap3A_255 {strides = array<i32>} : memref<128x16xi32, #tpu.memory_space<vmem>>, vector<1x16xi32>,
      %slice3A_256 = vector.extract_strided_slice %get3A_115 {offsets = [12], sizes = [1], strides = [1]} : vector<16xi32> to vector<1xi32>
      %squeeze3A_257 = vector.extract %slice3A_256[0] : i32 from vector<1xi32>
      %broadcast_in_dim3A_258 = vector.broadcast %squeeze3A_257 : i32 to vector<16xi32>
      %mul3A_259 = arith.constant 16 : i32
      %mul3A_260 = arith.muli %scan3A_111, %mul3A_259 : i32
      %add3A_261 = arith.constant 12 : i32
      %add3A_262 = arith.addi %mul3A_260, %add3A_261 : i32
      %swap3A_263 = arith.index_cast %add3A_262 : i32 to index
      %swap3A_264 = arith.constant 0 : index
      %swap3A_265 = tpu.vector_load %arg9[%swap3A_263, %swap3A_264] {strides = array<i32>} : memref<128x16xi32, #tpu.memory_space<vmem>>, vector<1x16xi32>,
      %swap3A_266 = vector.shape_cast %swap3A_265 : vector<1x16xi32> to vector<16xi32>
      %swap3A_267 = vector.shape_cast %broadcast_in_dim3A_258 : vector<16xi32> to vector<1x16xi32>
      tpu.vector_store %arg9[%swap3A_263, %swap3A_264], %swap3A_267 {strides = array<i32>} : memref<128x16xi32, #tpu.memory_space<vmem>>, vector<1x16xi32>,
      %slice3A_268 = vector.extract_strided_slice %get3A_115 {offsets = [13], sizes = [1], strides = [1]} : vector<16xi32> to vector<1xi32>
      %squeeze3A_269 = vector.extract %slice3A_268[0] : i32 from vector<1xi32>
      %broadcast_in_dim3A_270 = vector.broadcast %squeeze3A_269 : i32 to vector<16xi32>
      %mul3A_271 = arith.constant 16 : i32
      %mul3A_272 = arith.muli %scan3A_111, %mul3A_271 : i32
      %add3A_273 = arith.constant 13 : i32
      %add3A_274 = arith.addi %mul3A_272, %add3A_273 : i32
      %swap3A_275 = arith.index_cast %add3A_274 : i32 to index
      %swap3A_276 = arith.constant 0 : index
      %swap3A_277 = tpu.vector_load %arg9[%swap3A_275, %swap3A_276] {strides = array<i32>} : memref<128x16xi32, #tpu.memory_space<vmem>>, vector<1x16xi32>,
      %swap3A_278 = vector.shape_cast %swap3A_277 : vector<1x16xi32> to vector<16xi32>
      %swap3A_279 = vector.shape_cast %broadcast_in_dim3A_270 : vector<16xi32> to vector<1x16xi32>
      tpu.vector_store %arg9[%swap3A_275, %swap3A_276], %swap3A_279 {strides = array<i32>} : memref<128x16xi32, #tpu.memory_space<vmem>>, vector<1x16xi32>,
      %slice3A_280 = vector.extract_strided_slice %get3A_115 {offsets = [14], sizes = [1], strides = [1]} : vector<16xi32> to vector<1xi32>
      %squeeze3A_281 = vector.extract %slice3A_280[0] : i32 from vector<1xi32>
      %broadcast_in_dim3A_282 = vector.broadcast %squeeze3A_281 : i32 to vector<16xi32>
      %mul3A_283 = arith.constant 16 : i32
      %mul3A_284 = arith.muli %scan3A_111, %mul3A_283 : i32
      %add3A_285 = arith.constant 14 : i32
      %add3A_286 = arith.addi %mul3A_284, %add3A_285 : i32
      %swap3A_287 = arith.index_cast %add3A_286 : i32 to index
      %swap3A_288 = arith.constant 0 : index
      %swap3A_289 = tpu.vector_load %arg9[%swap3A_287, %swap3A_288] {strides = array<i32>} : memref<128x16xi32, #tpu.memory_space<vmem>>, vector<1x16xi32>,
      %swap3A_290 = vector.shape_cast %swap3A_289 : vector<1x16xi32> to vector<16xi32>
      %swap3A_291 = vector.shape_cast %broadcast_in_dim3A_282 : vector<16xi32> to vector<1x16xi32>
      tpu.vector_store %arg9[%swap3A_287, %swap3A_288], %swap3A_291 {strides = array<i32>} : memref<128x16xi32, #tpu.memory_space<vmem>>, vector<1x16xi32>,
      %slice3A_292 = vector.extract_strided_slice %get3A_115 {offsets = [15], sizes = [1], strides = [1]} : vector<16xi32> to vector<1xi32>
      %squeeze3A_293 = vector.extract %slice3A_292[0] : i32 from vector<1xi32>
      %broadcast_in_dim3A_294 = vector.broadcast %squeeze3A_293 : i32 to vector<16xi32>
      %mul3A_295 = arith.constant 16 : i32
      %mul3A_296 = arith.muli %scan3A_111, %mul3A_295 : i32
      %add3A_297 = arith.constant 15 : i32
      %add3A_298 = arith.addi %mul3A_296, %add3A_297 : i32
      %swap3A_299 = arith.index_cast %add3A_298 : i32 to index
      %swap3A_300 = arith.constant 0 : index
      %swap3A_301 = tpu.vector_load %arg9[%swap3A_299, %swap3A_300] {strides = array<i32>} : memref<128x16xi32, #tpu.memory_space<vmem>>, vector<1x16xi32>,
      %swap3A_302 = vector.shape_cast %swap3A_301 : vector<1x16xi32> to vector<16xi32>
      %swap3A_303 = vector.shape_cast %broadcast_in_dim3A_294 : vector<16xi32> to vector<1x16xi32>
      tpu.vector_store %arg9[%swap3A_299, %swap3A_300], %swap3A_303 {strides = array<i32>} : memref<128x16xi32, #tpu.memory_space<vmem>>, vector<1x16xi32>,
      %scan3A_304 = arith.constant 0 : i32
      scf.yield %scan3A_304 : i32
    }
    %scan3A_8 = arith.constant 8 : i32
    %dma_start3A = arith.constant 0 : i32
    %dma_start3A_9 = tpu.memref_slice %arg6[%mul3A_2, %dma_start3A] : memref<4096x16xi32, #tpu.memory_space<hbm>> -> memref<128x16xi32, #tpu.memory_space<hbm>>
    %dma_start3A_10 = arith.constant 0 : i32
    %dma_start3A_11 = tpu.memref_slice %arg6[%mul3A_2, %dma_start3A_10] : memref<4096x16xi32, #tpu.memory_space<hbm>> -> memref<128x16xi32, #tpu.memory_space<hbm>>
    tpu.enqueue_dma source(%arg9 : memref<128x16xi32, #tpu.memory_space<vmem>>) target(%dma_start3A_11 : memref<128x16xi32, #tpu.memory_space<hbm>>) target_semaphore(%arg16 : memref<!tpu.dma_semaphore, #tpu.memory_space<semaphore_mem>>)
    %dma_start3A_12 = arith.constant 0 : i32
    %dma_start3A_13 = arith.constant 0 : i32
    %dma_start3A_14 = tpu.memref_slice %arg7[%dma_start3A_12, %dma_start3A_13] : memref<4x32xi32, #tpu.memory_space<vmem>> -> memref<1x32xi32, #tpu.memory_space<vmem>>
    %dma_start3A_15 = tpu.memref_squeeze %dma_start3A_14 : memref<1x32xi32, #tpu.memory_space<vmem>> -> memref<32xi32, #tpu.memory_space<vmem>>
    %dma_start3A_16 = arith.constant 0 : i32
    %dma_start3A_17 = arith.constant 0 : i32
    %dma_start3A_18 = tpu.memref_slice %arg2[%dma_start3A_16, %dma_start3A_17] : memref<100000x1024xf32, #tpu.memory_space<hbm>> -> memref<100000x1024xf32, #tpu.memory_space<hbm>>
    tpu.enqueue_indirect_dma source(%dma_start3A_18 : memref<100000x1024xf32, #tpu.memory_space<hbm>>) target(%arg10 : memref<32x1024xf32, #tpu.memory_space<vmem>>) offsets(%dma_start3A_15 : memref<32xi32, #tpu.memory_space<vmem>>) semaphore(%arg12 : memref<!tpu.dma_semaphore, #tpu.memory_space<semaphore_mem>>)
    %dma_start3A_19 = arith.constant 1 : i32
    %dma_start3A_20 = arith.constant 0 : i32
    %dma_start3A_21 = tpu.memref_slice %arg7[%dma_start3A_19, %dma_start3A_20] : memref<4x32xi32, #tpu.memory_space<vmem>> -> memref<1x32xi32, #tpu.memory_space<vmem>>
    %dma_start3A_22 = tpu.memref_squeeze %dma_start3A_21 : memref<1x32xi32, #tpu.memory_space<vmem>> -> memref<32xi32, #tpu.memory_space<vmem>>
    %dma_start3A_23 = arith.constant 0 : i32
    %dma_start3A_24 = arith.constant 0 : i32
    %dma_start3A_25 = tpu.memref_slice %arg2[%dma_start3A_23, %dma_start3A_24] : memref<100000x1024xf32, #tpu.memory_space<hbm>> -> memref<100000x1024xf32, #tpu.memory_space<hbm>>
    tpu.enqueue_indirect_dma source(%dma_start3A_25 : memref<100000x1024xf32, #tpu.memory_space<hbm>>) target(%arg11 : memref<32x1024xf32, #tpu.memory_space<vmem>>) offsets(%dma_start3A_22 : memref<32xi32, #tpu.memory_space<vmem>>) semaphore(%arg13 : memref<!tpu.dma_semaphore, #tpu.memory_space<semaphore_mem>>)
    %dma_wait3A = arith.constant 0 : i32
    %dma_wait3A_26 = arith.constant 0 : i32
    %dma_wait3A_27 = tpu.memref_slice %arg7[%dma_wait3A, %dma_wait3A_26] : memref<4x32xi32, #tpu.memory_space<vmem>> -> memref<1x32xi32, #tpu.memory_space<vmem>>
    %dma_wait3A_28 = tpu.memref_squeeze %dma_wait3A_27 : memref<1x32xi32, #tpu.memory_space<vmem>> -> memref<32xi32, #tpu.memory_space<vmem>>
    %dma_wait3A_29 = arith.constant 0 : i32
    %dma_wait3A_30 = arith.constant 0 : i32
    %dma_wait3A_31 = tpu.memref_slice %arg2[%dma_wait3A_29, %dma_wait3A_30] : memref<100000x1024xf32, #tpu.memory_space<hbm>> -> memref<100000x1024xf32, #tpu.memory_space<hbm>>
    tpu.wait_indirect_dma semaphore(%arg12 : memref<!tpu.dma_semaphore, #tpu.memory_space<semaphore_mem>>) src(%dma_wait3A_31 : memref<100000x1024xf32, #tpu.memory_space<hbm>>) dst(%arg10 : memref<32x1024xf32, #tpu.memory_space<vmem>>)
    %add3A_32 = arith.constant 0 : i32
    %add3A_33 = arith.addi %mul3A_2, %add3A_32 : i32
    %dma_start3A_34 = arith.constant 0 : i32
    %dma_start3A_35 = tpu.memref_slice %arg5[%add3A_33, %dma_start3A_34] : memref<4096x1024xf32, #tpu.memory_space<hbm>> -> memref<32x1024xf32, #tpu.memory_space<hbm>>
    %dma_start3A_36 = arith.constant 0 : i32
    %dma_start3A_37 = tpu.memref_slice %arg5[%add3A_33, %dma_start3A_36] : memref<4096x1024xf32, #tpu.memory_space<hbm>> -> memref<32x1024xf32, #tpu.memory_space<hbm>>
    tpu.enqueue_dma source(%arg10 : memref<32x1024xf32, #tpu.memory_space<vmem>>) target(%dma_start3A_37 : memref<32x1024xf32, #tpu.memory_space<hbm>>) target_semaphore(%arg14 : memref<!tpu.dma_semaphore, #tpu.memory_space<semaphore_mem>>)
    %dma_wait3A_38 = arith.constant 0 : i32
    %dma_wait3A_39 = tpu.memref_slice %arg5[%add3A_33, %dma_wait3A_38] : memref<4096x1024xf32, #tpu.memory_space<hbm>> -> memref<32x1024xf32, #tpu.memory_space<hbm>>
    %dma_wait3A_40 = arith.constant 0 : i32
    %dma_wait3A_41 = tpu.memref_slice %arg5[%add3A_33, %dma_wait3A_40] : memref<4096x1024xf32, #tpu.memory_space<hbm>> -> memref<32x1024xf32, #tpu.memory_space<hbm>>
    tpu.wait_dma2 semaphore(%arg14 : memref<!tpu.dma_semaphore, #tpu.memory_space<semaphore_mem>>) src(%arg10 : memref<32x1024xf32, #tpu.memory_space<vmem>>) dst(%dma_wait3A_41 : memref<32x1024xf32, #tpu.memory_space<hbm>>)
    %dma_start3A_42 = arith.constant 2 : i32
    %dma_start3A_43 = arith.constant 0 : i32
    %dma_start3A_44 = tpu.memref_slice %arg7[%dma_start3A_42, %dma_start3A_43] : memref<4x32xi32, #tpu.memory_space<vmem>> -> memref<1x32xi32, #tpu.memory_space<vmem>>
    %dma_start3A_45 = tpu.memref_squeeze %dma_start3A_44 : memref<1x32xi32, #tpu.memory_space<vmem>> -> memref<32xi32, #tpu.memory_space<vmem>>
    %dma_start3A_46 = arith.constant 0 : i32
    %dma_start3A_47 = arith.constant 0 : i32
    %dma_start3A_48 = tpu.memref_slice %arg2[%dma_start3A_46, %dma_start3A_47] : memref<100000x1024xf32, #tpu.memory_space<hbm>> -> memref<100000x1024xf32, #tpu.memory_space<hbm>>
    tpu.enqueue_indirect_dma source(%dma_start3A_48 : memref<100000x1024xf32, #tpu.memory_space<hbm>>) target(%arg10 : memref<32x1024xf32, #tpu.memory_space<vmem>>) offsets(%dma_start3A_45 : memref<32xi32, #tpu.memory_space<vmem>>) semaphore(%arg12 : memref<!tpu.dma_semaphore, #tpu.memory_space<semaphore_mem>>)
    %dma_wait3A_49 = arith.constant 1 : i32
    %dma_wait3A_50 = arith.constant 0 : i32
    %dma_wait3A_51 = tpu.memref_slice %arg7[%dma_wait3A_49, %dma_wait3A_50] : memref<4x32xi32, #tpu.memory_space<vmem>> -> memref<1x32xi32, #tpu.memory_space<vmem>>
    %dma_wait3A_52 = tpu.memref_squeeze %dma_wait3A_51 : memref<1x32xi32, #tpu.memory_space<vmem>> -> memref<32xi32, #tpu.memory_space<vmem>>
    %dma_wait3A_53 = arith.constant 0 : i32
    %dma_wait3A_54 = arith.constant 0 : i32
    %dma_wait3A_55 = tpu.memref_slice %arg2[%dma_wait3A_53, %dma_wait3A_54] : memref<100000x1024xf32, #tpu.memory_space<hbm>> -> memref<100000x1024xf32, #tpu.memory_space<hbm>>
    tpu.wait_indirect_dma semaphore(%arg13 : memref<!tpu.dma_semaphore, #tpu.memory_space<semaphore_mem>>) src(%dma_wait3A_55 : memref<100000x1024xf32, #tpu.memory_space<hbm>>) dst(%arg11 : memref<32x1024xf32, #tpu.memory_space<vmem>>)
    %add3A_56 = arith.constant 32 : i32
    %add3A_57 = arith.addi %mul3A_2, %add3A_56 : i32
    %dma_start3A_58 = arith.constant 0 : i32
    %dma_start3A_59 = tpu.memref_slice %arg5[%add3A_57, %dma_start3A_58] : memref<4096x1024xf32, #tpu.memory_space<hbm>> -> memref<32x1024xf32, #tpu.memory_space<hbm>>
    %dma_start3A_60 = arith.constant 0 : i32
    %dma_start3A_61 = tpu.memref_slice %arg5[%add3A_57, %dma_start3A_60] : memref<4096x1024xf32, #tpu.memory_space<hbm>> -> memref<32x1024xf32, #tpu.memory_space<hbm>>
    tpu.enqueue_dma source(%arg11 : memref<32x1024xf32, #tpu.memory_space<vmem>>) target(%dma_start3A_61 : memref<32x1024xf32, #tpu.memory_space<hbm>>) target_semaphore(%arg15 : memref<!tpu.dma_semaphore, #tpu.memory_space<semaphore_mem>>)
    %dma_wait3A_62 = arith.constant 0 : i32
    %dma_wait3A_63 = tpu.memref_slice %arg5[%add3A_57, %dma_wait3A_62] : memref<4096x1024xf32, #tpu.memory_space<hbm>> -> memref<32x1024xf32, #tpu.memory_space<hbm>>
    %dma_wait3A_64 = arith.constant 0 : i32
    %dma_wait3A_65 = tpu.memref_slice %arg5[%add3A_57, %dma_wait3A_64] : memref<4096x1024xf32, #tpu.memory_space<hbm>> -> memref<32x1024xf32, #tpu.memory_space<hbm>>
    tpu.wait_dma2 semaphore(%arg15 : memref<!tpu.dma_semaphore, #tpu.memory_space<semaphore_mem>>) src(%arg11 : memref<32x1024xf32, #tpu.memory_space<vmem>>) dst(%dma_wait3A_65 : memref<32x1024xf32, #tpu.memory_space<hbm>>)
    %dma_start3A_66 = arith.constant 3 : i32
    %dma_start3A_67 = arith.constant 0 : i32
    %dma_start3A_68 = tpu.memref_slice %arg7[%dma_start3A_66, %dma_start3A_67] : memref<4x32xi32, #tpu.memory_space<vmem>> -> memref<1x32xi32, #tpu.memory_space<vmem>>
    %dma_start3A_69 = tpu.memref_squeeze %dma_start3A_68 : memref<1x32xi32, #tpu.memory_space<vmem>> -> memref<32xi32, #tpu.memory_space<vmem>>
    %dma_start3A_70 = arith.constant 0 : i32
    %dma_start3A_71 = arith.constant 0 : i32
    %dma_start3A_72 = tpu.memref_slice %arg2[%dma_start3A_70, %dma_start3A_71] : memref<100000x1024xf32, #tpu.memory_space<hbm>> -> memref<100000x1024xf32, #tpu.memory_space<hbm>>
    tpu.enqueue_indirect_dma source(%dma_start3A_72 : memref<100000x1024xf32, #tpu.memory_space<hbm>>) target(%arg11 : memref<32x1024xf32, #tpu.memory_space<vmem>>) offsets(%dma_start3A_69 : memref<32xi32, #tpu.memory_space<vmem>>) semaphore(%arg13 : memref<!tpu.dma_semaphore, #tpu.memory_space<semaphore_mem>>)
    %dma_wait3A_73 = arith.constant 2 : i32
    %dma_wait3A_74 = arith.constant 0 : i32
    %dma_wait3A_75 = tpu.memref_slice %arg7[%dma_wait3A_73, %dma_wait3A_74] : memref<4x32xi32, #tpu.memory_space<vmem>> -> memref<1x32xi32, #tpu.memory_space<vmem>>
    %dma_wait3A_76 = tpu.memref_squeeze %dma_wait3A_75 : memref<1x32xi32, #tpu.memory_space<vmem>> -> memref<32xi32, #tpu.memory_space<vmem>>
    %dma_wait3A_77 = arith.constant 0 : i32
    %dma_wait3A_78 = arith.constant 0 : i32
    %dma_wait3A_79 = tpu.memref_slice %arg2[%dma_wait3A_77, %dma_wait3A_78] : memref<100000x1024xf32, #tpu.memory_space<hbm>> -> memref<100000x1024xf32, #tpu.memory_space<hbm>>
    tpu.wait_indirect_dma semaphore(%arg12 : memref<!tpu.dma_semaphore, #tpu.memory_space<semaphore_mem>>) src(%dma_wait3A_79 : memref<100000x1024xf32, #tpu.memory_space<hbm>>) dst(%arg10 : memref<32x1024xf32, #tpu.memory_space<vmem>>)
    %add3A_80 = arith.constant 64 : i32
    %add3A_81 = arith.addi %mul3A_2, %add3A_80 : i32
    %dma_start3A_82 = arith.constant 0 : i32
    %dma_start3A_83 = tpu.memref_slice %arg5[%add3A_81, %dma_start3A_82] : memref<4096x1024xf32, #tpu.memory_space<hbm>> -> memref<32x1024xf32, #tpu.memory_space<hbm>>
    %dma_start3A_84 = arith.constant 0 : i32
    %dma_start3A_85 = tpu.memref_slice %arg5[%add3A_81, %dma_start3A_84] : memref<4096x1024xf32, #tpu.memory_space<hbm>> -> memref<32x1024xf32, #tpu.memory_space<hbm>>
    tpu.enqueue_dma source(%arg10 : memref<32x1024xf32, #tpu.memory_space<vmem>>) target(%dma_start3A_85 : memref<32x1024xf32, #tpu.memory_space<hbm>>) target_semaphore(%arg14 : memref<!tpu.dma_semaphore, #tpu.memory_space<semaphore_mem>>)
    %dma_wait3A_86 = arith.constant 3 : i32
    %dma_wait3A_87 = arith.constant 0 : i32
    %dma_wait3A_88 = tpu.memref_slice %arg7[%dma_wait3A_86, %dma_wait3A_87] : memref<4x32xi32, #tpu.memory_space<vmem>> -> memref<1x32xi32, #tpu.memory_space<vmem>>
    %dma_wait3A_89 = tpu.memref_squeeze %dma_wait3A_88 : memref<1x32xi32, #tpu.memory_space<vmem>> -> memref<32xi32, #tpu.memory_space<vmem>>
    %dma_wait3A_90 = arith.constant 0 : i32
    %dma_wait3A_91 = arith.constant 0 : i32
    %dma_wait3A_92 = tpu.memref_slice %arg2[%dma_wait3A_90, %dma_wait3A_91] : memref<100000x1024xf32, #tpu.memory_space<hbm>> -> memref<100000x1024xf32, #tpu.memory_space<hbm>>
    tpu.wait_indirect_dma semaphore(%arg13 : memref<!tpu.dma_semaphore, #tpu.memory_space<semaphore_mem>>) src(%dma_wait3A_92 : memref<100000x1024xf32, #tpu.memory_space<hbm>>) dst(%arg11 : memref<32x1024xf32, #tpu.memory_space<vmem>>)
    %add3A_93 = arith.constant 96 : i32
    %add3A_94 = arith.addi %mul3A_2, %add3A_93 : i32
    %dma_start3A_95 = arith.constant 0 : i32
    %dma_start3A_96 = tpu.memref_slice %arg5[%add3A_94, %dma_start3A_95] : memref<4096x1024xf32, #tpu.memory_space<hbm>> -> memref<32x1024xf32, #tpu.memory_space<hbm>>
    %dma_start3A_97 = arith.constant 0 : i32
    %dma_start3A_98 = tpu.memref_slice %arg5[%add3A_94, %dma_start3A_97] : memref<4096x1024xf32, #tpu.memory_space<hbm>> -> memref<32x1024xf32, #tpu.memory_space<hbm>>
    tpu.enqueue_dma source(%arg11 : memref<32x1024xf32, #tpu.memory_space<vmem>>) target(%dma_start3A_98 : memref<32x1024xf32, #tpu.memory_space<hbm>>) target_semaphore(%arg15 : memref<!tpu.dma_semaphore, #tpu.memory_space<semaphore_mem>>)
    %dma_wait3A_99 = arith.constant 0 : i32
    %dma_wait3A_100 = tpu.memref_slice %arg5[%add3A_81, %dma_wait3A_99] : memref<4096x1024xf32, #tpu.memory_space<hbm>> -> memref<32x1024xf32, #tpu.memory_space<hbm>>
    %dma_wait3A_101 = arith.constant 0 : i32
    %dma_wait3A_102 = tpu.memref_slice %arg5[%add3A_81, %dma_wait3A_101] : memref<4096x1024xf32, #tpu.memory_space<hbm>> -> memref<32x1024xf32, #tpu.memory_space<hbm>>
    tpu.wait_dma2 semaphore(%arg14 : memref<!tpu.dma_semaphore, #tpu.memory_space<semaphore_mem>>) src(%arg10 : memref<32x1024xf32, #tpu.memory_space<vmem>>) dst(%dma_wait3A_102 : memref<32x1024xf32, #tpu.memory_space<hbm>>)
    %dma_wait3A_103 = arith.constant 0 : i32
    %dma_wait3A_104 = tpu.memref_slice %arg5[%add3A_94, %dma_wait3A_103] : memref<4096x1024xf32, #tpu.memory_space<hbm>> -> memref<32x1024xf32, #tpu.memory_space<hbm>>
    %dma_wait3A_105 = arith.constant 0 : i32
    %dma_wait3A_106 = tpu.memref_slice %arg5[%add3A_94, %dma_wait3A_105] : memref<4096x1024xf32, #tpu.memory_space<hbm>> -> memref<32x1024xf32, #tpu.memory_space<hbm>>
    tpu.wait_dma2 semaphore(%arg15 : memref<!tpu.dma_semaphore, #tpu.memory_space<semaphore_mem>>) src(%arg11 : memref<32x1024xf32, #tpu.memory_space<vmem>>) dst(%dma_wait3A_106 : memref<32x1024xf32, #tpu.memory_space<hbm>>)
    %dma_wait3A_107 = arith.constant 0 : i32
    %dma_wait3A_108 = tpu.memref_slice %arg6[%mul3A_2, %dma_wait3A_107] : memref<4096x16xi32, #tpu.memory_space<hbm>> -> memref<128x16xi32, #tpu.memory_space<hbm>>
    %dma_wait3A_109 = arith.constant 0 : i32
    %dma_wait3A_110 = tpu.memref_slice %arg6[%mul3A_2, %dma_wait3A_109] : memref<4096x16xi32, #tpu.memory_space<hbm>> -> memref<128x16xi32, #tpu.memory_space<hbm>>
    tpu.wait_dma2 semaphore(%arg16 : memref<!tpu.dma_semaphore, #tpu.memory_space<semaphore_mem>>) src(%arg9 : memref<128x16xi32, #tpu.memory_space<vmem>>) dst(%dma_wait3A_110 : memref<128x16xi32, #tpu.memory_space<hbm>>)
    return
  }
}

#map = affine_map<(d0, d1) -> (0, 0)>
#map1 = affine_map<(d0, d1) -> (0, 0, 0)>
module attributes {stable_mosaic.version = 14 : i64} {
  func.func @body(%arg0: i32, %arg1: i32, %arg2: memref<100000x1024xf32, #tpu.memory_space<hbm>>, %arg3: memref<32x4x32xi32, #tpu.memory_space<hbm>>, %arg4: memref<32x8x16xi32, #tpu.memory_space<hbm>>, %arg5: memref<4096x1024xf32, #tpu.memory_space<hbm>>, %arg6: memref<4096x16xi32, #tpu.memory_space<hbm>>, %arg7: memref<4x32xi32, #tpu.memory_space<vmem>>, %arg8: memref<8x16xi32, #tpu.memory_space<vmem>>, %arg9: memref<128x16xi32, #tpu.memory_space<vmem>>, %arg10: memref<32x1024xf32, #tpu.memory_space<vmem>>, %arg11: memref<32x1024xf32, #tpu.memory_space<vmem>>, %arg12: memref<!tpu.dma_semaphore, #tpu.memory_space<semaphore_mem>>, %arg13: memref<!tpu.dma_semaphore, #tpu.memory_space<semaphore_mem>>, %arg14: memref<!tpu.dma_semaphore, #tpu.memory_space<semaphore_mem>>, %arg15: memref<!tpu.dma_semaphore, #tpu.memory_space<semaphore_mem>>, %arg16: memref<!tpu.dma_semaphore, #tpu.memory_space<semaphore_mem>>) attributes {dimension_semantics = [#tpu.dimension_semantics<core_parallel>, #tpu.dimension_semantics<subcore_parallel>], iteration_bounds = array<i64: 2, 16>, scalar_prefetch = 0 : i64, scratch_operands = 10 : i64, tpu.core_type = #tpu.core_type<sc_vector_subcore>, window_params = [{transform_indices = #map}, {transform_indices = #map1}, {transform_indices = #map1}, {transform_indices = #map}, {transform_indices = #map}]} {
    %mul3A = arith.constant 2 : i32
    %mul3A_0 = arith.muli %arg1, %mul3A : i32
    %add3A = arith.addi %mul3A_0, %arg0 : i32
    %mul3A_1 = arith.constant 128 : i32
    %mul3A_2 = arith.muli %add3A, %mul3A_1 : i32
    "tpu.region"() ({
      %run_scoped3A = tpu.sem_alloc : memref<!tpu.dma_semaphore, #tpu.memory_space<semaphore_mem>>
      %dma_start3A_111 = arith.constant 0 : i32
      %dma_start3A_112 = arith.constant 0 : i32
      %dma_start3A_113 = tpu.memref_slice %arg3[%add3A, %dma_start3A_111, %dma_start3A_112] : memref<32x4x32xi32, #tpu.memory_space<hbm>> -> memref<1x4x32xi32, #tpu.memory_space<hbm>>
      %dma_start3A_114 = tpu.memref_squeeze %dma_start3A_113 : memref<1x4x32xi32, #tpu.memory_space<hbm>> -> memref<4x32xi32, #tpu.memory_space<hbm>>
      %dma_start3A_115 = arith.constant 0 : i32
      %dma_start3A_116 = arith.constant 0 : i32
      %dma_start3A_117 = tpu.memref_slice %arg3[%add3A, %dma_start3A_115, %dma_start3A_116] : memref<32x4x32xi32, #tpu.memory_space<hbm>> -> memref<1x4x32xi32, #tpu.memory_space<hbm>>
      %dma_start3A_118 = tpu.memref_squeeze %dma_start3A_117 : memref<1x4x32xi32, #tpu.memory_space<hbm>> -> memref<4x32xi32, #tpu.memory_space<hbm>>
      tpu.enqueue_dma source(%dma_start3A_118 : memref<4x32xi32, #tpu.memory_space<hbm>>) target(%arg7 : memref<4x32xi32, #tpu.memory_space<vmem>>) target_semaphore(%run_scoped3A : memref<!tpu.dma_semaphore, #tpu.memory_space<semaphore_mem>>)
      %dma_wait3A_119 = arith.constant 0 : i32
      %dma_wait3A_120 = arith.constant 0 : i32
      %dma_wait3A_121 = tpu.memref_slice %arg3[%add3A, %dma_wait3A_119, %dma_wait3A_120] : memref<32x4x32xi32, #tpu.memory_space<hbm>> -> memref<1x4x32xi32, #tpu.memory_space<hbm>>
      %dma_wait3A_122 = tpu.memref_squeeze %dma_wait3A_121 : memref<1x4x32xi32, #tpu.memory_space<hbm>> -> memref<4x32xi32, #tpu.memory_space<hbm>>
      %dma_wait3A_123 = arith.constant 0 : i32
      %dma_wait3A_124 = arith.constant 0 : i32
      %dma_wait3A_125 = tpu.memref_slice %arg3[%add3A, %dma_wait3A_123, %dma_wait3A_124] : memref<32x4x32xi32, #tpu.memory_space<hbm>> -> memref<1x4x32xi32, #tpu.memory_space<hbm>>
      %dma_wait3A_126 = tpu.memref_squeeze %dma_wait3A_125 : memref<1x4x32xi32, #tpu.memory_space<hbm>> -> memref<4x32xi32, #tpu.memory_space<hbm>>
      tpu.wait_dma2 semaphore(%run_scoped3A : memref<!tpu.dma_semaphore, #tpu.memory_space<semaphore_mem>>) src(%dma_wait3A_126 : memref<4x32xi32, #tpu.memory_space<hbm>>) dst(%arg7 : memref<4x32xi32, #tpu.memory_space<vmem>>)
      tpu.yield
    }) : () -> ()
    "tpu.region"() ({
      %run_scoped3A = tpu.sem_alloc : memref<!tpu.dma_semaphore, #tpu.memory_space<semaphore_mem>>
      %dma_start3A_111 = arith.constant 0 : i32
      %dma_start3A_112 = arith.constant 0 : i32
      %dma_start3A_113 = tpu.memref_slice %arg4[%add3A, %dma_start3A_111, %dma_start3A_112] : memref<32x8x16xi32, #tpu.memory_space<hbm>> -> memref<1x8x16xi32, #tpu.memory_space<hbm>>
      %dma_start3A_114 = tpu.memref_squeeze %dma_start3A_113 : memref<1x8x16xi32, #tpu.memory_space<hbm>> -> memref<8x16xi32, #tpu.memory_space<hbm>>
      %dma_start3A_115 = arith.constant 0 : i32
      %dma_start3A_116 = arith.constant 0 : i32
      %dma_start3A_117 = tpu.memref_slice %arg4[%add3A, %dma_start3A_115, %dma_start3A_116] : memref<32x8x16xi32, #tpu.memory_space<hbm>> -> memref<1x8x16xi32, #tpu.memory_space<hbm>>
      %dma_start3A_118 = tpu.memref_squeeze %dma_start3A_117 : memref<1x8x16xi32, #tpu.memory_space<hbm>> -> memref<8x16xi32, #tpu.memory_space<hbm>>
      tpu.enqueue_dma source(%dma_start3A_118 : memref<8x16xi32, #tpu.memory_space<hbm>>) target(%arg8 : memref<8x16xi32, #tpu.memory_space<vmem>>) target_semaphore(%run_scoped3A : memref<!tpu.dma_semaphore, #tpu.memory_space<semaphore_mem>>)
      %dma_wait3A_119 = arith.constant 0 : i32
      %dma_wait3A_120 = arith.constant 0 : i32
      %dma_wait3A_121 = tpu.memref_slice %arg4[%add3A, %dma_wait3A_119, %dma_wait3A_120] : memref<32x8x16xi32, #tpu.memory_space<hbm>> -> memref<1x8x16xi32, #tpu.memory_space<hbm>>
      %dma_wait3A_122 = tpu.memref_squeeze %dma_wait3A_121 : memref<1x8x16xi32, #tpu.memory_space<hbm>> -> memref<8x16xi32, #tpu.memory_space<hbm>>
      %dma_wait3A_123 = arith.constant 0 : i32
      %dma_wait3A_124 = arith.constant 0 : i32
      %dma_wait3A_125 = tpu.memref_slice %arg4[%add3A, %dma_wait3A_123, %dma_wait3A_124] : memref<32x8x16xi32, #tpu.memory_space<hbm>> -> memref<1x8x16xi32, #tpu.memory_space<hbm>>
      %dma_wait3A_126 = tpu.memref_squeeze %dma_wait3A_125 : memref<1x8x16xi32, #tpu.memory_space<hbm>> -> memref<8x16xi32, #tpu.memory_space<hbm>>
      tpu.wait_dma2 semaphore(%run_scoped3A : memref<!tpu.dma_semaphore, #tpu.memory_space<semaphore_mem>>) src(%dma_wait3A_126 : memref<8x16xi32, #tpu.memory_space<hbm>>) dst(%arg8 : memref<8x16xi32, #tpu.memory_space<vmem>>)
      tpu.yield
    }) : () -> ()
    %scan3A = arith.constant 0 : i32
    %scan3A_3 = arith.constant 0 : i32
    %scan3A_4 = arith.constant 8 : i32
    %scan3A_5 = arith.addi %scan3A_3, %scan3A_4 : i32
    %scan3A_6 = arith.constant 1 : i32
    %scan3A_7 = scf.for %scan3A_111 = %scan3A_3 to %scan3A_5 step %scan3A_6 iter_args(%scan3A_112 = %scan3A) -> (i32)  : i32 {
      %get3A = arith.index_cast %scan3A_111 : i32 to index
      %get3A_113 = arith.constant 0 : index
      %get3A_114 = tpu.vector_load %arg8[%get3A, %get3A_113] {strides = array<i32>} : memref<8x16xi32, #tpu.memory_space<vmem>>, vector<1x16xi32>,
      %get3A_115 = vector.shape_cast %get3A_114 : vector<1x16xi32> to vector<16xi32>
      %slice3A = vector.extract_strided_slice %get3A_115 {offsets = [0], sizes = [1], strides = [1]} : vector<16xi32> to vector<1xi32>
      %squeeze3A = vector.extract %slice3A[0] : i32 from vector<1xi32>
      %broadcast_in_dim3A = vector.broadcast %squeeze3A : i32 to vector<16xi32>
      %mul3A_116 = arith.constant 16 : i32
      %mul3A_117 = arith.muli %scan3A_111, %mul3A_116 : i32
      %add3A_118 = arith.constant 0 : i32
      %add3A_119 = arith.addi %mul3A_117, %add3A_118 : i32
      %swap3A = arith.index_cast %add3A_119 : i32 to index
      %swap3A_120 = arith.constant 0 : index
      %swap3A_121 = tpu.vector_load %arg9[%swap3A, %swap3A_120] {strides = array<i32>} : memref<128x16xi32, #tpu.memory_space<vmem>>, vector<1x16xi32>,
      %swap3A_122 = vector.shape_cast %swap3A_121 : vector<1x16xi32> to vector<16xi32>
      %swap3A_123 = vector.shape_cast %broadcast_in_dim3A : vector<16xi32> to vector<1x16xi32>
      tpu.vector_store %arg9[%swap3A, %swap3A_120], %swap3A_123 {strides = array<i32>} : memref<128x16xi32, #tpu.memory_space<vmem>>, vector<1x16xi32>,
      %slice3A_124 = vector.extract_strided_slice %get3A_115 {offsets = [1], sizes = [1], strides = [1]} : vector<16xi32> to vector<1xi32>
      %squeeze3A_125 = vector.extract %slice3A_124[0] : i32 from vector<1xi32>
      %broadcast_in_dim3A_126 = vector.broadcast %squeeze3A_125 : i32 to vector<16xi32>
      %mul3A_127 = arith.constant 16 : i32
      %mul3A_128 = arith.muli %scan3A_111, %mul3A_127 : i32
      %add3A_129 = arith.constant 1 : i32
      %add3A_130 = arith.addi %mul3A_128, %add3A_129 : i32
      %swap3A_131 = arith.index_cast %add3A_130 : i32 to index
      %swap3A_132 = arith.constant 0 : index
      %swap3A_133 = tpu.vector_load %arg9[%swap3A_131, %swap3A_132] {strides = array<i32>} : memref<128x16xi32, #tpu.memory_space<vmem>>, vector<1x16xi32>,
      %swap3A_134 = vector.shape_cast %swap3A_133 : vector<1x16xi32> to vector<16xi32>
      %swap3A_135 = vector.shape_cast %broadcast_in_dim3A_126 : vector<16xi32> to vector<1x16xi32>
      tpu.vector_store %arg9[%swap3A_131, %swap3A_132], %swap3A_135 {strides = array<i32>} : memref<128x16xi32, #tpu.memory_space<vmem>>, vector<1x16xi32>,
      %slice3A_136 = vector.extract_strided_slice %get3A_115 {offsets = [2], sizes = [1], strides = [1]} : vector<16xi32> to vector<1xi32>
      %squeeze3A_137 = vector.extract %slice3A_136[0] : i32 from vector<1xi32>
      %broadcast_in_dim3A_138 = vector.broadcast %squeeze3A_137 : i32 to vector<16xi32>
      %mul3A_139 = arith.constant 16 : i32
      %mul3A_140 = arith.muli %scan3A_111, %mul3A_139 : i32
      %add3A_141 = arith.constant 2 : i32
      %add3A_142 = arith.addi %mul3A_140, %add3A_141 : i32
      %swap3A_143 = arith.index_cast %add3A_142 : i32 to index
      %swap3A_144 = arith.constant 0 : index
      %swap3A_145 = tpu.vector_load %arg9[%swap3A_143, %swap3A_144] {strides = array<i32>} : memref<128x16xi32, #tpu.memory_space<vmem>>, vector<1x16xi32>,
      %swap3A_146 = vector.shape_cast %swap3A_145 : vector<1x16xi32> to vector<16xi32>
      %swap3A_147 = vector.shape_cast %broadcast_in_dim3A_138 : vector<16xi32> to vector<1x16xi32>
      tpu.vector_store %arg9[%swap3A_143, %swap3A_144], %swap3A_147 {strides = array<i32>} : memref<128x16xi32, #tpu.memory_space<vmem>>, vector<1x16xi32>,
      %slice3A_148 = vector.extract_strided_slice %get3A_115 {offsets = [3], sizes = [1], strides = [1]} : vector<16xi32> to vector<1xi32>
      %squeeze3A_149 = vector.extract %slice3A_148[0] : i32 from vector<1xi32>
      %broadcast_in_dim3A_150 = vector.broadcast %squeeze3A_149 : i32 to vector<16xi32>
      %mul3A_151 = arith.constant 16 : i32
      %mul3A_152 = arith.muli %scan3A_111, %mul3A_151 : i32
      %add3A_153 = arith.constant 3 : i32
      %add3A_154 = arith.addi %mul3A_152, %add3A_153 : i32
      %swap3A_155 = arith.index_cast %add3A_154 : i32 to index
      %swap3A_156 = arith.constant 0 : index
      %swap3A_157 = tpu.vector_load %arg9[%swap3A_155, %swap3A_156] {strides = array<i32>} : memref<128x16xi32, #tpu.memory_space<vmem>>, vector<1x16xi32>,
      %swap3A_158 = vector.shape_cast %swap3A_157 : vector<1x16xi32> to vector<16xi32>
      %swap3A_159 = vector.shape_cast %broadcast_in_dim3A_150 : vector<16xi32> to vector<1x16xi32>
      tpu.vector_store %arg9[%swap3A_155, %swap3A_156], %swap3A_159 {strides = array<i32>} : memref<128x16xi32, #tpu.memory_space<vmem>>, vector<1x16xi32>,
      %slice3A_160 = vector.extract_strided_slice %get3A_115 {offsets = [4], sizes = [1], strides = [1]} : vector<16xi32> to vector<1xi32>
      %squeeze3A_161 = vector.extract %slice3A_160[0] : i32 from vector<1xi32>
      %broadcast_in_dim3A_162 = vector.broadcast %squeeze3A_161 : i32 to vector<16xi32>
      %mul3A_163 = arith.constant 16 : i32
      %mul3A_164 = arith.muli %scan3A_111, %mul3A_163 : i32
      %add3A_165 = arith.constant 4 : i32
      %add3A_166 = arith.addi %mul3A_164, %add3A_165 : i32
      %swap3A_167 = arith.index_cast %add3A_166 : i32 to index
      %swap3A_168 = arith.constant 0 : index
      %swap3A_169 = tpu.vector_load %arg9[%swap3A_167, %swap3A_168] {strides = array<i32>} : memref<128x16xi32, #tpu.memory_space<vmem>>, vector<1x16xi32>,
      %swap3A_170 = vector.shape_cast %swap3A_169 : vector<1x16xi32> to vector<16xi32>
      %swap3A_171 = vector.shape_cast %broadcast_in_dim3A_162 : vector<16xi32> to vector<1x16xi32>
      tpu.vector_store %arg9[%swap3A_167, %swap3A_168], %swap3A_171 {strides = array<i32>} : memref<128x16xi32, #tpu.memory_space<vmem>>, vector<1x16xi32>,
      %slice3A_172 = vector.extract_strided_slice %get3A_115 {offsets = [5], sizes = [1], strides = [1]} : vector<16xi32> to vector<1xi32>
      %squeeze3A_173 = vector.extract %slice3A_172[0] : i32 from vector<1xi32>
      %broadcast_in_dim3A_174 = vector.broadcast %squeeze3A_173 : i32 to vector<16xi32>
      %mul3A_175 = arith.constant 16 : i32
      %mul3A_176 = arith.muli %scan3A_111, %mul3A_175 : i32
      %add3A_177 = arith.constant 5 : i32
      %add3A_178 = arith.addi %mul3A_176, %add3A_177 : i32
      %swap3A_179 = arith.index_cast %add3A_178 : i32 to index
      %swap3A_180 = arith.constant 0 : index
      %swap3A_181 = tpu.vector_load %arg9[%swap3A_179, %swap3A_180] {strides = array<i32>} : memref<128x16xi32, #tpu.memory_space<vmem>>, vector<1x16xi32>,
      %swap3A_182 = vector.shape_cast %swap3A_181 : vector<1x16xi32> to vector<16xi32>
      %swap3A_183 = vector.shape_cast %broadcast_in_dim3A_174 : vector<16xi32> to vector<1x16xi32>
      tpu.vector_store %arg9[%swap3A_179, %swap3A_180], %swap3A_183 {strides = array<i32>} : memref<128x16xi32, #tpu.memory_space<vmem>>, vector<1x16xi32>,
      %slice3A_184 = vector.extract_strided_slice %get3A_115 {offsets = [6], sizes = [1], strides = [1]} : vector<16xi32> to vector<1xi32>
      %squeeze3A_185 = vector.extract %slice3A_184[0] : i32 from vector<1xi32>
      %broadcast_in_dim3A_186 = vector.broadcast %squeeze3A_185 : i32 to vector<16xi32>
      %mul3A_187 = arith.constant 16 : i32
      %mul3A_188 = arith.muli %scan3A_111, %mul3A_187 : i32
      %add3A_189 = arith.constant 6 : i32
      %add3A_190 = arith.addi %mul3A_188, %add3A_189 : i32
      %swap3A_191 = arith.index_cast %add3A_190 : i32 to index
      %swap3A_192 = arith.constant 0 : index
      %swap3A_193 = tpu.vector_load %arg9[%swap3A_191, %swap3A_192] {strides = array<i32>} : memref<128x16xi32, #tpu.memory_space<vmem>>, vector<1x16xi32>,
      %swap3A_194 = vector.shape_cast %swap3A_193 : vector<1x16xi32> to vector<16xi32>
      %swap3A_195 = vector.shape_cast %broadcast_in_dim3A_186 : vector<16xi32> to vector<1x16xi32>
      tpu.vector_store %arg9[%swap3A_191, %swap3A_192], %swap3A_195 {strides = array<i32>} : memref<128x16xi32, #tpu.memory_space<vmem>>, vector<1x16xi32>,
      %slice3A_196 = vector.extract_strided_slice %get3A_115 {offsets = [7], sizes = [1], strides = [1]} : vector<16xi32> to vector<1xi32>
      %squeeze3A_197 = vector.extract %slice3A_196[0] : i32 from vector<1xi32>
      %broadcast_in_dim3A_198 = vector.broadcast %squeeze3A_197 : i32 to vector<16xi32>
      %mul3A_199 = arith.constant 16 : i32
      %mul3A_200 = arith.muli %scan3A_111, %mul3A_199 : i32
      %add3A_201 = arith.constant 7 : i32
      %add3A_202 = arith.addi %mul3A_200, %add3A_201 : i32
      %swap3A_203 = arith.index_cast %add3A_202 : i32 to index
      %swap3A_204 = arith.constant 0 : index
      %swap3A_205 = tpu.vector_load %arg9[%swap3A_203, %swap3A_204] {strides = array<i32>} : memref<128x16xi32, #tpu.memory_space<vmem>>, vector<1x16xi32>,
      %swap3A_206 = vector.shape_cast %swap3A_205 : vector<1x16xi32> to vector<16xi32>
      %swap3A_207 = vector.shape_cast %broadcast_in_dim3A_198 : vector<16xi32> to vector<1x16xi32>
      tpu.vector_store %arg9[%swap3A_203, %swap3A_204], %swap3A_207 {strides = array<i32>} : memref<128x16xi32, #tpu.memory_space<vmem>>, vector<1x16xi32>,
      %slice3A_208 = vector.extract_strided_slice %get3A_115 {offsets = [8], sizes = [1], strides = [1]} : vector<16xi32> to vector<1xi32>
      %squeeze3A_209 = vector.extract %slice3A_208[0] : i32 from vector<1xi32>
      %broadcast_in_dim3A_210 = vector.broadcast %squeeze3A_209 : i32 to vector<16xi32>
      %mul3A_211 = arith.constant 16 : i32
      %mul3A_212 = arith.muli %scan3A_111, %mul3A_211 : i32
      %add3A_213 = arith.constant 8 : i32
      %add3A_214 = arith.addi %mul3A_212, %add3A_213 : i32
      %swap3A_215 = arith.index_cast %add3A_214 : i32 to index
      %swap3A_216 = arith.constant 0 : index
      %swap3A_217 = tpu.vector_load %arg9[%swap3A_215, %swap3A_216] {strides = array<i32>} : memref<128x16xi32, #tpu.memory_space<vmem>>, vector<1x16xi32>,
      %swap3A_218 = vector.shape_cast %swap3A_217 : vector<1x16xi32> to vector<16xi32>
      %swap3A_219 = vector.shape_cast %broadcast_in_dim3A_210 : vector<16xi32> to vector<1x16xi32>
      tpu.vector_store %arg9[%swap3A_215, %swap3A_216], %swap3A_219 {strides = array<i32>} : memref<128x16xi32, #tpu.memory_space<vmem>>, vector<1x16xi32>,
      %slice3A_220 = vector.extract_strided_slice %get3A_115 {offsets = [9], sizes = [1], strides = [1]} : vector<16xi32> to vector<1xi32>
      %squeeze3A_221 = vector.extract %slice3A_220[0] : i32 from vector<1xi32>
      %broadcast_in_dim3A_222 = vector.broadcast %squeeze3A_221 : i32 to vector<16xi32>
      %mul3A_223 = arith.constant 16 : i32
      %mul3A_224 = arith.muli %scan3A_111, %mul3A_223 : i32
      %add3A_225 = arith.constant 9 : i32
      %add3A_226 = arith.addi %mul3A_224, %add3A_225 : i32
      %swap3A_227 = arith.index_cast %add3A_226 : i32 to index
      %swap3A_228 = arith.constant 0 : index
      %swap3A_229 = tpu.vector_load %arg9[%swap3A_227, %swap3A_228] {strides = array<i32>} : memref<128x16xi32, #tpu.memory_space<vmem>>, vector<1x16xi32>,
      %swap3A_230 = vector.shape_cast %swap3A_229 : vector<1x16xi32> to vector<16xi32>
      %swap3A_231 = vector.shape_cast %broadcast_in_dim3A_222 : vector<16xi32> to vector<1x16xi32>
      tpu.vector_store %arg9[%swap3A_227, %swap3A_228], %swap3A_231 {strides = array<i32>} : memref<128x16xi32, #tpu.memory_space<vmem>>, vector<1x16xi32>,
      %slice3A_232 = vector.extract_strided_slice %get3A_115 {offsets = [10], sizes = [1], strides = [1]} : vector<16xi32> to vector<1xi32>
      %squeeze3A_233 = vector.extract %slice3A_232[0] : i32 from vector<1xi32>
      %broadcast_in_dim3A_234 = vector.broadcast %squeeze3A_233 : i32 to vector<16xi32>
      %mul3A_235 = arith.constant 16 : i32
      %mul3A_236 = arith.muli %scan3A_111, %mul3A_235 : i32
      %add3A_237 = arith.constant 10 : i32
      %add3A_238 = arith.addi %mul3A_236, %add3A_237 : i32
      %swap3A_239 = arith.index_cast %add3A_238 : i32 to index
      %swap3A_240 = arith.constant 0 : index
      %swap3A_241 = tpu.vector_load %arg9[%swap3A_239, %swap3A_240] {strides = array<i32>} : memref<128x16xi32, #tpu.memory_space<vmem>>, vector<1x16xi32>,
      %swap3A_242 = vector.shape_cast %swap3A_241 : vector<1x16xi32> to vector<16xi32>
      %swap3A_243 = vector.shape_cast %broadcast_in_dim3A_234 : vector<16xi32> to vector<1x16xi32>
      tpu.vector_store %arg9[%swap3A_239, %swap3A_240], %swap3A_243 {strides = array<i32>} : memref<128x16xi32, #tpu.memory_space<vmem>>, vector<1x16xi32>,
      %slice3A_244 = vector.extract_strided_slice %get3A_115 {offsets = [11], sizes = [1], strides = [1]} : vector<16xi32> to vector<1xi32>
      %squeeze3A_245 = vector.extract %slice3A_244[0] : i32 from vector<1xi32>
      %broadcast_in_dim3A_246 = vector.broadcast %squeeze3A_245 : i32 to vector<16xi32>
      %mul3A_247 = arith.constant 16 : i32
      %mul3A_248 = arith.muli %scan3A_111, %mul3A_247 : i32
      %add3A_249 = arith.constant 11 : i32
      %add3A_250 = arith.addi %mul3A_248, %add3A_249 : i32
      %swap3A_251 = arith.index_cast %add3A_250 : i32 to index
      %swap3A_252 = arith.constant 0 : index
      %swap3A_253 = tpu.vector_load %arg9[%swap3A_251, %swap3A_252] {strides = array<i32>} : memref<128x16xi32, #tpu.memory_space<vmem>>, vector<1x16xi32>,
      %swap3A_254 = vector.shape_cast %swap3A_253 : vector<1x16xi32> to vector<16xi32>
      %swap3A_255 = vector.shape_cast %broadcast_in_dim3A_246 : vector<16xi32> to vector<1x16xi32>
      tpu.vector_store %arg9[%swap3A_251, %swap3A_252], %swap3A_255 {strides = array<i32>} : memref<128x16xi32, #tpu.memory_space<vmem>>, vector<1x16xi32>,
      %slice3A_256 = vector.extract_strided_slice %get3A_115 {offsets = [12], sizes = [1], strides = [1]} : vector<16xi32> to vector<1xi32>
      %squeeze3A_257 = vector.extract %slice3A_256[0] : i32 from vector<1xi32>
      %broadcast_in_dim3A_258 = vector.broadcast %squeeze3A_257 : i32 to vector<16xi32>
      %mul3A_259 = arith.constant 16 : i32
      %mul3A_260 = arith.muli %scan3A_111, %mul3A_259 : i32
      %add3A_261 = arith.constant 12 : i32
      %add3A_262 = arith.addi %mul3A_260, %add3A_261 : i32
      %swap3A_263 = arith.index_cast %add3A_262 : i32 to index
      %swap3A_264 = arith.constant 0 : index
      %swap3A_265 = tpu.vector_load %arg9[%swap3A_263, %swap3A_264] {strides = array<i32>} : memref<128x16xi32, #tpu.memory_space<vmem>>, vector<1x16xi32>,
      %swap3A_266 = vector.shape_cast %swap3A_265 : vector<1x16xi32> to vector<16xi32>
      %swap3A_267 = vector.shape_cast %broadcast_in_dim3A_258 : vector<16xi32> to vector<1x16xi32>
      tpu.vector_store %arg9[%swap3A_263, %swap3A_264], %swap3A_267 {strides = array<i32>} : memref<128x16xi32, #tpu.memory_space<vmem>>, vector<1x16xi32>,
      %slice3A_268 = vector.extract_strided_slice %get3A_115 {offsets = [13], sizes = [1], strides = [1]} : vector<16xi32> to vector<1xi32>
      %squeeze3A_269 = vector.extract %slice3A_268[0] : i32 from vector<1xi32>
      %broadcast_in_dim3A_270 = vector.broadcast %squeeze3A_269 : i32 to vector<16xi32>
      %mul3A_271 = arith.constant 16 : i32
      %mul3A_272 = arith.muli %scan3A_111, %mul3A_271 : i32
      %add3A_273 = arith.constant 13 : i32
      %add3A_274 = arith.addi %mul3A_272, %add3A_273 : i32
      %swap3A_275 = arith.index_cast %add3A_274 : i32 to index
      %swap3A_276 = arith.constant 0 : index
      %swap3A_277 = tpu.vector_load %arg9[%swap3A_275, %swap3A_276] {strides = array<i32>} : memref<128x16xi32, #tpu.memory_space<vmem>>, vector<1x16xi32>,
      %swap3A_278 = vector.shape_cast %swap3A_277 : vector<1x16xi32> to vector<16xi32>
      %swap3A_279 = vector.shape_cast %broadcast_in_dim3A_270 : vector<16xi32> to vector<1x16xi32>
      tpu.vector_store %arg9[%swap3A_275, %swap3A_276], %swap3A_279 {strides = array<i32>} : memref<128x16xi32, #tpu.memory_space<vmem>>, vector<1x16xi32>,
      %slice3A_280 = vector.extract_strided_slice %get3A_115 {offsets = [14], sizes = [1], strides = [1]} : vector<16xi32> to vector<1xi32>
      %squeeze3A_281 = vector.extract %slice3A_280[0] : i32 from vector<1xi32>
      %broadcast_in_dim3A_282 = vector.broadcast %squeeze3A_281 : i32 to vector<16xi32>
      %mul3A_283 = arith.constant 16 : i32
      %mul3A_284 = arith.muli %scan3A_111, %mul3A_283 : i32
      %add3A_285 = arith.constant 14 : i32
      %add3A_286 = arith.addi %mul3A_284, %add3A_285 : i32
      %swap3A_287 = arith.index_cast %add3A_286 : i32 to index
      %swap3A_288 = arith.constant 0 : index
      %swap3A_289 = tpu.vector_load %arg9[%swap3A_287, %swap3A_288] {strides = array<i32>} : memref<128x16xi32, #tpu.memory_space<vmem>>, vector<1x16xi32>,
      %swap3A_290 = vector.shape_cast %swap3A_289 : vector<1x16xi32> to vector<16xi32>
      %swap3A_291 = vector.shape_cast %broadcast_in_dim3A_282 : vector<16xi32> to vector<1x16xi32>
      tpu.vector_store %arg9[%swap3A_287, %swap3A_288], %swap3A_291 {strides = array<i32>} : memref<128x16xi32, #tpu.memory_space<vmem>>, vector<1x16xi32>,
      %slice3A_292 = vector.extract_strided_slice %get3A_115 {offsets = [15], sizes = [1], strides = [1]} : vector<16xi32> to vector<1xi32>
      %squeeze3A_293 = vector.extract %slice3A_292[0] : i32 from vector<1xi32>
      %broadcast_in_dim3A_294 = vector.broadcast %squeeze3A_293 : i32 to vector<16xi32>
      %mul3A_295 = arith.constant 16 : i32
      %mul3A_296 = arith.muli %scan3A_111, %mul3A_295 : i32
      %add3A_297 = arith.constant 15 : i32
      %add3A_298 = arith.addi %mul3A_296, %add3A_297 : i32
      %swap3A_299 = arith.index_cast %add3A_298 : i32 to index
      %swap3A_300 = arith.constant 0 : index
      %swap3A_301 = tpu.vector_load %arg9[%swap3A_299, %swap3A_300] {strides = array<i32>} : memref<128x16xi32, #tpu.memory_space<vmem>>, vector<1x16xi32>,
      %swap3A_302 = vector.shape_cast %swap3A_301 : vector<1x16xi32> to vector<16xi32>
      %swap3A_303 = vector.shape_cast %broadcast_in_dim3A_294 : vector<16xi32> to vector<1x16xi32>
      tpu.vector_store %arg9[%swap3A_299, %swap3A_300], %swap3A_303 {strides = array<i32>} : memref<128x16xi32, #tpu.memory_space<vmem>>, vector<1x16xi32>,
      %scan3A_304 = arith.constant 0 : i32
      scf.yield %scan3A_304 : i32
    }
    %scan3A_8 = arith.constant 8 : i32
    %dma_start3A = arith.constant 0 : i32
    %dma_start3A_9 = tpu.memref_slice %arg6[%mul3A_2, %dma_start3A] : memref<4096x16xi32, #tpu.memory_space<hbm>> -> memref<128x16xi32, #tpu.memory_space<hbm>>
    %dma_start3A_10 = arith.constant 0 : i32
    %dma_start3A_11 = tpu.memref_slice %arg6[%mul3A_2, %dma_start3A_10] : memref<4096x16xi32, #tpu.memory_space<hbm>> -> memref<128x16xi32, #tpu.memory_space<hbm>>
    tpu.enqueue_dma source(%arg9 : memref<128x16xi32, #tpu.memory_space<vmem>>) target(%dma_start3A_11 : memref<128x16xi32, #tpu.memory_space<hbm>>) target_semaphore(%arg16 : memref<!tpu.dma_semaphore, #tpu.memory_space<semaphore_mem>>)
    %dma_start3A_12 = arith.constant 0 : i32
    %dma_start3A_13 = arith.constant 0 : i32
    %dma_start3A_14 = tpu.memref_slice %arg7[%dma_start3A_12, %dma_start3A_13] : memref<4x32xi32, #tpu.memory_space<vmem>> -> memref<1x32xi32, #tpu.memory_space<vmem>>
    %dma_start3A_15 = tpu.memref_squeeze %dma_start3A_14 : memref<1x32xi32, #tpu.memory_space<vmem>> -> memref<32xi32, #tpu.memory_space<vmem>>
    %dma_start3A_16 = arith.constant 0 : i32
    %dma_start3A_17 = arith.constant 0 : i32
    %dma_start3A_18 = tpu.memref_slice %arg2[%dma_start3A_16, %dma_start3A_17] : memref<100000x1024xf32, #tpu.memory_space<hbm>> -> memref<100000x1024xf32, #tpu.memory_space<hbm>>
    tpu.enqueue_indirect_dma source(%dma_start3A_18 : memref<100000x1024xf32, #tpu.memory_space<hbm>>) target(%arg10 : memref<32x1024xf32, #tpu.memory_space<vmem>>) offsets(%dma_start3A_15 : memref<32xi32, #tpu.memory_space<vmem>>) semaphore(%arg12 : memref<!tpu.dma_semaphore, #tpu.memory_space<semaphore_mem>>)
    %dma_start3A_19 = arith.constant 1 : i32
    %dma_start3A_20 = arith.constant 0 : i32
    %dma_start3A_21 = tpu.memref_slice %arg7[%dma_start3A_19, %dma_start3A_20] : memref<4x32xi32, #tpu.memory_space<vmem>> -> memref<1x32xi32, #tpu.memory_space<vmem>>
    %dma_start3A_22 = tpu.memref_squeeze %dma_start3A_21 : memref<1x32xi32, #tpu.memory_space<vmem>> -> memref<32xi32, #tpu.memory_space<vmem>>
    %dma_start3A_23 = arith.constant 0 : i32
    %dma_start3A_24 = arith.constant 0 : i32
    %dma_start3A_25 = tpu.memref_slice %arg2[%dma_start3A_23, %dma_start3A_24] : memref<100000x1024xf32, #tpu.memory_space<hbm>> -> memref<100000x1024xf32, #tpu.memory_space<hbm>>
    tpu.enqueue_indirect_dma source(%dma_start3A_25 : memref<100000x1024xf32, #tpu.memory_space<hbm>>) target(%arg11 : memref<32x1024xf32, #tpu.memory_space<vmem>>) offsets(%dma_start3A_22 : memref<32xi32, #tpu.memory_space<vmem>>) semaphore(%arg13 : memref<!tpu.dma_semaphore, #tpu.memory_space<semaphore_mem>>)
    %dma_wait3A = arith.constant 0 : i32
    %dma_wait3A_26 = arith.constant 0 : i32
    %dma_wait3A_27 = tpu.memref_slice %arg7[%dma_wait3A, %dma_wait3A_26] : memref<4x32xi32, #tpu.memory_space<vmem>> -> memref<1x32xi32, #tpu.memory_space<vmem>>
    %dma_wait3A_28 = tpu.memref_squeeze %dma_wait3A_27 : memref<1x32xi32, #tpu.memory_space<vmem>> -> memref<32xi32, #tpu.memory_space<vmem>>
    %dma_wait3A_29 = arith.constant 0 : i32
    %dma_wait3A_30 = arith.constant 0 : i32
    %dma_wait3A_31 = tpu.memref_slice %arg2[%dma_wait3A_29, %dma_wait3A_30] : memref<100000x1024xf32, #tpu.memory_space<hbm>> -> memref<100000x1024xf32, #tpu.memory_space<hbm>>
    tpu.wait_indirect_dma semaphore(%arg12 : memref<!tpu.dma_semaphore, #tpu.memory_space<semaphore_mem>>) src(%dma_wait3A_31 : memref<100000x1024xf32, #tpu.memory_space<hbm>>) dst(%arg10 : memref<32x1024xf32, #tpu.memory_space<vmem>>)
    %add3A_32 = arith.constant 0 : i32
    %add3A_33 = arith.addi %mul3A_2, %add3A_32 : i32
    %dma_start3A_34 = arith.constant 0 : i32
    %dma_start3A_35 = tpu.memref_slice %arg5[%add3A_33, %dma_start3A_34] : memref<4096x1024xf32, #tpu.memory_space<hbm>> -> memref<32x1024xf32, #tpu.memory_space<hbm>>
    %dma_start3A_36 = arith.constant 0 : i32
    %dma_start3A_37 = tpu.memref_slice %arg5[%add3A_33, %dma_start3A_36] : memref<4096x1024xf32, #tpu.memory_space<hbm>> -> memref<32x1024xf32, #tpu.memory_space<hbm>>
    tpu.enqueue_dma source(%arg10 : memref<32x1024xf32, #tpu.memory_space<vmem>>) target(%dma_start3A_37 : memref<32x1024xf32, #tpu.memory_space<hbm>>) target_semaphore(%arg14 : memref<!tpu.dma_semaphore, #tpu.memory_space<semaphore_mem>>)
    %dma_wait3A_38 = arith.constant 0 : i32
    %dma_wait3A_39 = tpu.memref_slice %arg5[%add3A_33, %dma_wait3A_38] : memref<4096x1024xf32, #tpu.memory_space<hbm>> -> memref<32x1024xf32, #tpu.memory_space<hbm>>
    %dma_wait3A_40 = arith.constant 0 : i32
    %dma_wait3A_41 = tpu.memref_slice %arg5[%add3A_33, %dma_wait3A_40] : memref<4096x1024xf32, #tpu.memory_space<hbm>> -> memref<32x1024xf32, #tpu.memory_space<hbm>>
    tpu.wait_dma2 semaphore(%arg14 : memref<!tpu.dma_semaphore, #tpu.memory_space<semaphore_mem>>) src(%arg10 : memref<32x1024xf32, #tpu.memory_space<vmem>>) dst(%dma_wait3A_41 : memref<32x1024xf32, #tpu.memory_space<hbm>>)
    %dma_start3A_42 = arith.constant 2 : i32
    %dma_start3A_43 = arith.constant 0 : i32
    %dma_start3A_44 = tpu.memref_slice %arg7[%dma_start3A_42, %dma_start3A_43] : memref<4x32xi32, #tpu.memory_space<vmem>> -> memref<1x32xi32, #tpu.memory_space<vmem>>
    %dma_start3A_45 = tpu.memref_squeeze %dma_start3A_44 : memref<1x32xi32, #tpu.memory_space<vmem>> -> memref<32xi32, #tpu.memory_space<vmem>>
    %dma_start3A_46 = arith.constant 0 : i32
    %dma_start3A_47 = arith.constant 0 : i32
    %dma_start3A_48 = tpu.memref_slice %arg2[%dma_start3A_46, %dma_start3A_47] : memref<100000x1024xf32, #tpu.memory_space<hbm>> -> memref<100000x1024xf32, #tpu.memory_space<hbm>>
    tpu.enqueue_indirect_dma source(%dma_start3A_48 : memref<100000x1024xf32, #tpu.memory_space<hbm>>) target(%arg10 : memref<32x1024xf32, #tpu.memory_space<vmem>>) offsets(%dma_start3A_45 : memref<32xi32, #tpu.memory_space<vmem>>) semaphore(%arg12 : memref<!tpu.dma_semaphore, #tpu.memory_space<semaphore_mem>>)
    %dma_wait3A_49 = arith.constant 1 : i32
    %dma_wait3A_50 = arith.constant 0 : i32
    %dma_wait3A_51 = tpu.memref_slice %arg7[%dma_wait3A_49, %dma_wait3A_50] : memref<4x32xi32, #tpu.memory_space<vmem>> -> memref<1x32xi32, #tpu.memory_space<vmem>>
    %dma_wait3A_52 = tpu.memref_squeeze %dma_wait3A_51 : memref<1x32xi32, #tpu.memory_space<vmem>> -> memref<32xi32, #tpu.memory_space<vmem>>
    %dma_wait3A_53 = arith.constant 0 : i32
    %dma_wait3A_54 = arith.constant 0 : i32
    %dma_wait3A_55 = tpu.memref_slice %arg2[%dma_wait3A_53, %dma_wait3A_54] : memref<100000x1024xf32, #tpu.memory_space<hbm>> -> memref<100000x1024xf32, #tpu.memory_space<hbm>>
    tpu.wait_indirect_dma semaphore(%arg13 : memref<!tpu.dma_semaphore, #tpu.memory_space<semaphore_mem>>) src(%dma_wait3A_55 : memref<100000x1024xf32, #tpu.memory_space<hbm>>) dst(%arg11 : memref<32x1024xf32, #tpu.memory_space<vmem>>)
    %add3A_56 = arith.constant 32 : i32
    %add3A_57 = arith.addi %mul3A_2, %add3A_56 : i32
    %dma_start3A_58 = arith.constant 0 : i32
    %dma_start3A_59 = tpu.memref_slice %arg5[%add3A_57, %dma_start3A_58] : memref<4096x1024xf32, #tpu.memory_space<hbm>> -> memref<32x1024xf32, #tpu.memory_space<hbm>>
    %dma_start3A_60 = arith.constant 0 : i32
    %dma_start3A_61 = tpu.memref_slice %arg5[%add3A_57, %dma_start3A_60] : memref<4096x1024xf32, #tpu.memory_space<hbm>> -> memref<32x1024xf32, #tpu.memory_space<hbm>>
    tpu.enqueue_dma source(%arg11 : memref<32x1024xf32, #tpu.memory_space<vmem>>) target(%dma_start3A_61 : memref<32x1024xf32, #tpu.memory_space<hbm>>) target_semaphore(%arg15 : memref<!tpu.dma_semaphore, #tpu.memory_space<semaphore_mem>>)
    %dma_wait3A_62 = arith.constant 0 : i32
    %dma_wait3A_63 = tpu.memref_slice %arg5[%add3A_57, %dma_wait3A_62] : memref<4096x1024xf32, #tpu.memory_space<hbm>> -> memref<32x1024xf32, #tpu.memory_space<hbm>>
    %dma_wait3A_64 = arith.constant 0 : i32
    %dma_wait3A_65 = tpu.memref_slice %arg5[%add3A_57, %dma_wait3A_64] : memref<4096x1024xf32, #tpu.memory_space<hbm>> -> memref<32x1024xf32, #tpu.memory_space<hbm>>
    tpu.wait_dma2 semaphore(%arg15 : memref<!tpu.dma_semaphore, #tpu.memory_space<semaphore_mem>>) src(%arg11 : memref<32x1024xf32, #tpu.memory_space<vmem>>) dst(%dma_wait3A_65 : memref<32x1024xf32, #tpu.memory_space<hbm>>)
    %dma_start3A_66 = arith.constant 3 : i32
    %dma_start3A_67 = arith.constant 0 : i32
    %dma_start3A_68 = tpu.memref_slice %arg7[%dma_start3A_66, %dma_start3A_67] : memref<4x32xi32, #tpu.memory_space<vmem>> -> memref<1x32xi32, #tpu.memory_space<vmem>>
    %dma_start3A_69 = tpu.memref_squeeze %dma_start3A_68 : memref<1x32xi32, #tpu.memory_space<vmem>> -> memref<32xi32, #tpu.memory_space<vmem>>
    %dma_start3A_70 = arith.constant 0 : i32
    %dma_start3A_71 = arith.constant 0 : i32
    %dma_start3A_72 = tpu.memref_slice %arg2[%dma_start3A_70, %dma_start3A_71] : memref<100000x1024xf32, #tpu.memory_space<hbm>> -> memref<100000x1024xf32, #tpu.memory_space<hbm>>
    tpu.enqueue_indirect_dma source(%dma_start3A_72 : memref<100000x1024xf32, #tpu.memory_space<hbm>>) target(%arg11 : memref<32x1024xf32, #tpu.memory_space<vmem>>) offsets(%dma_start3A_69 : memref<32xi32, #tpu.memory_space<vmem>>) semaphore(%arg13 : memref<!tpu.dma_semaphore, #tpu.memory_space<semaphore_mem>>)
    %dma_wait3A_73 = arith.constant 2 : i32
    %dma_wait3A_74 = arith.constant 0 : i32
    %dma_wait3A_75 = tpu.memref_slice %arg7[%dma_wait3A_73, %dma_wait3A_74] : memref<4x32xi32, #tpu.memory_space<vmem>> -> memref<1x32xi32, #tpu.memory_space<vmem>>
    %dma_wait3A_76 = tpu.memref_squeeze %dma_wait3A_75 : memref<1x32xi32, #tpu.memory_space<vmem>> -> memref<32xi32, #tpu.memory_space<vmem>>
    %dma_wait3A_77 = arith.constant 0 : i32
    %dma_wait3A_78 = arith.constant 0 : i32
    %dma_wait3A_79 = tpu.memref_slice %arg2[%dma_wait3A_77, %dma_wait3A_78] : memref<100000x1024xf32, #tpu.memory_space<hbm>> -> memref<100000x1024xf32, #tpu.memory_space<hbm>>
    tpu.wait_indirect_dma semaphore(%arg12 : memref<!tpu.dma_semaphore, #tpu.memory_space<semaphore_mem>>) src(%dma_wait3A_79 : memref<100000x1024xf32, #tpu.memory_space<hbm>>) dst(%arg10 : memref<32x1024xf32, #tpu.memory_space<vmem>>)
    %add3A_80 = arith.constant 64 : i32
    %add3A_81 = arith.addi %mul3A_2, %add3A_80 : i32
    %dma_start3A_82 = arith.constant 0 : i32
    %dma_start3A_83 = tpu.memref_slice %arg5[%add3A_81, %dma_start3A_82] : memref<4096x1024xf32, #tpu.memory_space<hbm>> -> memref<32x1024xf32, #tpu.memory_space<hbm>>
    %dma_start3A_84 = arith.constant 0 : i32
    %dma_start3A_85 = tpu.memref_slice %arg5[%add3A_81, %dma_start3A_84] : memref<4096x1024xf32, #tpu.memory_space<hbm>> -> memref<32x1024xf32, #tpu.memory_space<hbm>>
    tpu.enqueue_dma source(%arg10 : memref<32x1024xf32, #tpu.memory_space<vmem>>) target(%dma_start3A_85 : memref<32x1024xf32, #tpu.memory_space<hbm>>) target_semaphore(%arg14 : memref<!tpu.dma_semaphore, #tpu.memory_space<semaphore_mem>>)
    %dma_wait3A_86 = arith.constant 3 : i32
    %dma_wait3A_87 = arith.constant 0 : i32
    %dma_wait3A_88 = tpu.memref_slice %arg7[%dma_wait3A_86, %dma_wait3A_87] : memref<4x32xi32, #tpu.memory_space<vmem>> -> memref<1x32xi32, #tpu.memory_space<vmem>>
    %dma_wait3A_89 = tpu.memref_squeeze %dma_wait3A_88 : memref<1x32xi32, #tpu.memory_space<vmem>> -> memref<32xi32, #tpu.memory_space<vmem>>
    %dma_wait3A_90 = arith.constant 0 : i32
    %dma_wait3A_91 = arith.constant 0 : i32
    %dma_wait3A_92 = tpu.memref_slice %arg2[%dma_wait3A_90, %dma_wait3A_91] : memref<100000x1024xf32, #tpu.memory_space<hbm>> -> memref<100000x1024xf32, #tpu.memory_space<hbm>>
    tpu.wait_indirect_dma semaphore(%arg13 : memref<!tpu.dma_semaphore, #tpu.memory_space<semaphore_mem>>) src(%dma_wait3A_92 : memref<100000x1024xf32, #tpu.memory_space<hbm>>) dst(%arg11 : memref<32x1024xf32, #tpu.memory_space<vmem>>)
    %add3A_93 = arith.constant 96 : i32
    %add3A_94 = arith.addi %mul3A_2, %add3A_93 : i32
    %dma_start3A_95 = arith.constant 0 : i32
    %dma_start3A_96 = tpu.memref_slice %arg5[%add3A_94, %dma_start3A_95] : memref<4096x1024xf32, #tpu.memory_space<hbm>> -> memref<32x1024xf32, #tpu.memory_space<hbm>>
    %dma_start3A_97 = arith.constant 0 : i32
    %dma_start3A_98 = tpu.memref_slice %arg5[%add3A_94, %dma_start3A_97] : memref<4096x1024xf32, #tpu.memory_space<hbm>> -> memref<32x1024xf32, #tpu.memory_space<hbm>>
    tpu.enqueue_dma source(%arg11 : memref<32x1024xf32, #tpu.memory_space<vmem>>) target(%dma_start3A_98 : memref<32x1024xf32, #tpu.memory_space<hbm>>) target_semaphore(%arg15 : memref<!tpu.dma_semaphore, #tpu.memory_space<semaphore_mem>>)
    %dma_wait3A_99 = arith.constant 0 : i32
    %dma_wait3A_100 = tpu.memref_slice %arg5[%add3A_81, %dma_wait3A_99] : memref<4096x1024xf32, #tpu.memory_space<hbm>> -> memref<32x1024xf32, #tpu.memory_space<hbm>>
    %dma_wait3A_101 = arith.constant 0 : i32
    %dma_wait3A_102 = tpu.memref_slice %arg5[%add3A_81, %dma_wait3A_101] : memref<4096x1024xf32, #tpu.memory_space<hbm>> -> memref<32x1024xf32, #tpu.memory_space<hbm>>
    tpu.wait_dma2 semaphore(%arg14 : memref<!tpu.dma_semaphore, #tpu.memory_space<semaphore_mem>>) src(%arg10 : memref<32x1024xf32, #tpu.memory_space<vmem>>) dst(%dma_wait3A_102 : memref<32x1024xf32, #tpu.memory_space<hbm>>)
    %dma_wait3A_103 = arith.constant 0 : i32
    %dma_wait3A_104 = tpu.memref_slice %arg5[%add3A_94, %dma_wait3A_103] : memref<4096x1024xf32, #tpu.memory_space<hbm>> -> memref<32x1024xf32, #tpu.memory_space<hbm>>
    %dma_wait3A_105 = arith.constant 0 : i32
    %dma_wait3A_106 = tpu.memref_slice %arg5[%add3A_94, %dma_wait3A_105] : memref<4096x1024xf32, #tpu.memory_space<hbm>> -> memref<32x1024xf32, #tpu.memory_space<hbm>>
    tpu.wait_dma2 semaphore(%arg15 : memref<!tpu.dma_semaphore, #tpu.memory_space<semaphore_mem>>) src(%arg11 : memref<32x1024xf32, #tpu.memory_space<vmem>>) dst(%dma_wait3A_106 : memref<32x1024xf32, #tpu.memory_space<hbm>>)
    %dma_wait3A_107 = arith.constant 0 : i32
    %dma_wait3A_108 = tpu.memref_slice %arg6[%mul3A_2, %dma_wait3A_107] : memref<4096x16xi32, #tpu.memory_space<hbm>> -> memref<128x16xi32, #tpu.memory_space<hbm>>
    %dma_wait3A_109 = arith.constant 0 : i32
    %dma_wait3A_110 = tpu.memref_slice %arg6[%mul3A_2, %dma_wait3A_109] : memref<4096x16xi32, #tpu.memory_space<hbm>> -> memref<128x16xi32, #tpu.memory_space<hbm>>
    tpu.wait_dma2 semaphore(%arg16 : memref<!tpu.dma_semaphore, #tpu.memory_space<semaphore_mem>>) src(%arg9 : memref<128x16xi32, #tpu.memory_space<vmem>>) dst(%dma_wait3A_110 : memref<128x16xi32, #tpu.memory_space<hbm>>)
    return
  }
}

#map = affine_map<(d0, d1) -> (0, 0)>
#map1 = affine_map<(d0, d1) -> (0, 0, 0)>
module attributes {stable_mosaic.version = 14 : i64} {
  func.func @body(%arg0: i32, %arg1: i32, %arg2: memref<100000x1024xf32, #tpu.memory_space<hbm>>, %arg3: memref<32x4x32xi32, #tpu.memory_space<hbm>>, %arg4: memref<32x8x16xi32, #tpu.memory_space<hbm>>, %arg5: memref<4096x1024xf32, #tpu.memory_space<hbm>>, %arg6: memref<4096x16xi32, #tpu.memory_space<hbm>>, %arg7: memref<4x32xi32, #tpu.memory_space<vmem>>, %arg8: memref<8x16xi32, #tpu.memory_space<vmem>>, %arg9: memref<128x16xi32, #tpu.memory_space<vmem>>, %arg10: memref<32x1024xf32, #tpu.memory_space<vmem>>, %arg11: memref<32x1024xf32, #tpu.memory_space<vmem>>, %arg12: memref<!tpu.dma_semaphore, #tpu.memory_space<semaphore_mem>>, %arg13: memref<!tpu.dma_semaphore, #tpu.memory_space<semaphore_mem>>, %arg14: memref<!tpu.dma_semaphore, #tpu.memory_space<semaphore_mem>>, %arg15: memref<!tpu.dma_semaphore, #tpu.memory_space<semaphore_mem>>, %arg16: memref<!tpu.dma_semaphore, #tpu.memory_space<semaphore_mem>>) attributes {dimension_semantics = [#tpu.dimension_semantics<core_parallel>, #tpu.dimension_semantics<subcore_parallel>], iteration_bounds = array<i64: 2, 16>, scalar_prefetch = 0 : i64, scratch_operands = 10 : i64, tpu.core_type = #tpu.core_type<sc_vector_subcore>, window_params = [{transform_indices = #map}, {transform_indices = #map1}, {transform_indices = #map1}, {transform_indices = #map}, {transform_indices = #map}]} {
    %mul3A = arith.constant 2 : i32
    %mul3A_0 = arith.muli %arg1, %mul3A : i32
    %add3A = arith.addi %mul3A_0, %arg0 : i32
    %mul3A_1 = arith.constant 128 : i32
    %mul3A_2 = arith.muli %add3A, %mul3A_1 : i32
    "tpu.region"() ({
      %run_scoped3A = tpu.sem_alloc : memref<!tpu.dma_semaphore, #tpu.memory_space<semaphore_mem>>
      %dma_start3A_111 = arith.constant 0 : i32
      %dma_start3A_112 = arith.constant 0 : i32
      %dma_start3A_113 = tpu.memref_slice %arg3[%add3A, %dma_start3A_111, %dma_start3A_112] : memref<32x4x32xi32, #tpu.memory_space<hbm>> -> memref<1x4x32xi32, #tpu.memory_space<hbm>>
      %dma_start3A_114 = tpu.memref_squeeze %dma_start3A_113 : memref<1x4x32xi32, #tpu.memory_space<hbm>> -> memref<4x32xi32, #tpu.memory_space<hbm>>
      %dma_start3A_115 = arith.constant 0 : i32
      %dma_start3A_116 = arith.constant 0 : i32
      %dma_start3A_117 = tpu.memref_slice %arg3[%add3A, %dma_start3A_115, %dma_start3A_116] : memref<32x4x32xi32, #tpu.memory_space<hbm>> -> memref<1x4x32xi32, #tpu.memory_space<hbm>>
      %dma_start3A_118 = tpu.memref_squeeze %dma_start3A_117 : memref<1x4x32xi32, #tpu.memory_space<hbm>> -> memref<4x32xi32, #tpu.memory_space<hbm>>
      tpu.enqueue_dma source(%dma_start3A_118 : memref<4x32xi32, #tpu.memory_space<hbm>>) target(%arg7 : memref<4x32xi32, #tpu.memory_space<vmem>>) target_semaphore(%run_scoped3A : memref<!tpu.dma_semaphore, #tpu.memory_space<semaphore_mem>>)
      %dma_wait3A_119 = arith.constant 0 : i32
      %dma_wait3A_120 = arith.constant 0 : i32
      %dma_wait3A_121 = tpu.memref_slice %arg3[%add3A, %dma_wait3A_119, %dma_wait3A_120] : memref<32x4x32xi32, #tpu.memory_space<hbm>> -> memref<1x4x32xi32, #tpu.memory_space<hbm>>
      %dma_wait3A_122 = tpu.memref_squeeze %dma_wait3A_121 : memref<1x4x32xi32, #tpu.memory_space<hbm>> -> memref<4x32xi32, #tpu.memory_space<hbm>>
      %dma_wait3A_123 = arith.constant 0 : i32
      %dma_wait3A_124 = arith.constant 0 : i32
      %dma_wait3A_125 = tpu.memref_slice %arg3[%add3A, %dma_wait3A_123, %dma_wait3A_124] : memref<32x4x32xi32, #tpu.memory_space<hbm>> -> memref<1x4x32xi32, #tpu.memory_space<hbm>>
      %dma_wait3A_126 = tpu.memref_squeeze %dma_wait3A_125 : memref<1x4x32xi32, #tpu.memory_space<hbm>> -> memref<4x32xi32, #tpu.memory_space<hbm>>
      tpu.wait_dma2 semaphore(%run_scoped3A : memref<!tpu.dma_semaphore, #tpu.memory_space<semaphore_mem>>) src(%dma_wait3A_126 : memref<4x32xi32, #tpu.memory_space<hbm>>) dst(%arg7 : memref<4x32xi32, #tpu.memory_space<vmem>>)
      tpu.yield
    }) : () -> ()
    "tpu.region"() ({
      %run_scoped3A = tpu.sem_alloc : memref<!tpu.dma_semaphore, #tpu.memory_space<semaphore_mem>>
      %dma_start3A_111 = arith.constant 0 : i32
      %dma_start3A_112 = arith.constant 0 : i32
      %dma_start3A_113 = tpu.memref_slice %arg4[%add3A, %dma_start3A_111, %dma_start3A_112] : memref<32x8x16xi32, #tpu.memory_space<hbm>> -> memref<1x8x16xi32, #tpu.memory_space<hbm>>
      %dma_start3A_114 = tpu.memref_squeeze %dma_start3A_113 : memref<1x8x16xi32, #tpu.memory_space<hbm>> -> memref<8x16xi32, #tpu.memory_space<hbm>>
      %dma_start3A_115 = arith.constant 0 : i32
      %dma_start3A_116 = arith.constant 0 : i32
      %dma_start3A_117 = tpu.memref_slice %arg4[%add3A, %dma_start3A_115, %dma_start3A_116] : memref<32x8x16xi32, #tpu.memory_space<hbm>> -> memref<1x8x16xi32, #tpu.memory_space<hbm>>
      %dma_start3A_118 = tpu.memref_squeeze %dma_start3A_117 : memref<1x8x16xi32, #tpu.memory_space<hbm>> -> memref<8x16xi32, #tpu.memory_space<hbm>>
      tpu.enqueue_dma source(%dma_start3A_118 : memref<8x16xi32, #tpu.memory_space<hbm>>) target(%arg8 : memref<8x16xi32, #tpu.memory_space<vmem>>) target_semaphore(%run_scoped3A : memref<!tpu.dma_semaphore, #tpu.memory_space<semaphore_mem>>)
      %dma_wait3A_119 = arith.constant 0 : i32
      %dma_wait3A_120 = arith.constant 0 : i32
      %dma_wait3A_121 = tpu.memref_slice %arg4[%add3A, %dma_wait3A_119, %dma_wait3A_120] : memref<32x8x16xi32, #tpu.memory_space<hbm>> -> memref<1x8x16xi32, #tpu.memory_space<hbm>>
      %dma_wait3A_122 = tpu.memref_squeeze %dma_wait3A_121 : memref<1x8x16xi32, #tpu.memory_space<hbm>> -> memref<8x16xi32, #tpu.memory_space<hbm>>
      %dma_wait3A_123 = arith.constant 0 : i32
      %dma_wait3A_124 = arith.constant 0 : i32
      %dma_wait3A_125 = tpu.memref_slice %arg4[%add3A, %dma_wait3A_123, %dma_wait3A_124] : memref<32x8x16xi32, #tpu.memory_space<hbm>> -> memref<1x8x16xi32, #tpu.memory_space<hbm>>
      %dma_wait3A_126 = tpu.memref_squeeze %dma_wait3A_125 : memref<1x8x16xi32, #tpu.memory_space<hbm>> -> memref<8x16xi32, #tpu.memory_space<hbm>>
      tpu.wait_dma2 semaphore(%run_scoped3A : memref<!tpu.dma_semaphore, #tpu.memory_space<semaphore_mem>>) src(%dma_wait3A_126 : memref<8x16xi32, #tpu.memory_space<hbm>>) dst(%arg8 : memref<8x16xi32, #tpu.memory_space<vmem>>)
      tpu.yield
    }) : () -> ()
    %scan3A = arith.constant 0 : i32
    %scan3A_3 = arith.constant 0 : i32
    %scan3A_4 = arith.constant 8 : i32
    %scan3A_5 = arith.addi %scan3A_3, %scan3A_4 : i32
    %scan3A_6 = arith.constant 1 : i32
    %scan3A_7 = scf.for %scan3A_111 = %scan3A_3 to %scan3A_5 step %scan3A_6 iter_args(%scan3A_112 = %scan3A) -> (i32)  : i32 {
      %get3A = arith.index_cast %scan3A_111 : i32 to index
      %get3A_113 = arith.constant 0 : index
      %get3A_114 = tpu.vector_load %arg8[%get3A, %get3A_113] {strides = array<i32>} : memref<8x16xi32, #tpu.memory_space<vmem>>, vector<1x16xi32>,
      %get3A_115 = vector.shape_cast %get3A_114 : vector<1x16xi32> to vector<16xi32>
      %slice3A = vector.extract_strided_slice %get3A_115 {offsets = [0], sizes = [1], strides = [1]} : vector<16xi32> to vector<1xi32>
      %squeeze3A = vector.extract %slice3A[0] : i32 from vector<1xi32>
      %broadcast_in_dim3A = vector.broadcast %squeeze3A : i32 to vector<16xi32>
      %mul3A_116 = arith.constant 16 : i32
      %mul3A_117 = arith.muli %scan3A_111, %mul3A_116 : i32
      %add3A_118 = arith.constant 0 : i32
      %add3A_119 = arith.addi %mul3A_117, %add3A_118 : i32
      %swap3A = arith.index_cast %add3A_119 : i32 to index
      %swap3A_120 = arith.constant 0 : index
      %swap3A_121 = tpu.vector_load %arg9[%swap3A, %swap3A_120] {strides = array<i32>} : memref<128x16xi32, #tpu.memory_space<vmem>>, vector<1x16xi32>,
      %swap3A_122 = vector.shape_cast %swap3A_121 : vector<1x16xi32> to vector<16xi32>
      %swap3A_123 = vector.shape_cast %broadcast_in_dim3A : vector<16xi32> to vector<1x16xi32>
      tpu.vector_store %arg9[%swap3A, %swap3A_120], %swap3A_123 {strides = array<i32>} : memref<128x16xi32, #tpu.memory_space<vmem>>, vector<1x16xi32>,
      %slice3A_124 = vector.extract_strided_slice %get3A_115 {offsets = [1], sizes = [1], strides = [1]} : vector<16xi32> to vector<1xi32>
      %squeeze3A_125 = vector.extract %slice3A_124[0] : i32 from vector<1xi32>
      %broadcast_in_dim3A_126 = vector.broadcast %squeeze3A_125 : i32 to vector<16xi32>
      %mul3A_127 = arith.constant 16 : i32
      %mul3A_128 = arith.muli %scan3A_111, %mul3A_127 : i32
      %add3A_129 = arith.constant 1 : i32
      %add3A_130 = arith.addi %mul3A_128, %add3A_129 : i32
      %swap3A_131 = arith.index_cast %add3A_130 : i32 to index
      %swap3A_132 = arith.constant 0 : index
      %swap3A_133 = tpu.vector_load %arg9[%swap3A_131, %swap3A_132] {strides = array<i32>} : memref<128x16xi32, #tpu.memory_space<vmem>>, vector<1x16xi32>,
      %swap3A_134 = vector.shape_cast %swap3A_133 : vector<1x16xi32> to vector<16xi32>
      %swap3A_135 = vector.shape_cast %broadcast_in_dim3A_126 : vector<16xi32> to vector<1x16xi32>
      tpu.vector_store %arg9[%swap3A_131, %swap3A_132], %swap3A_135 {strides = array<i32>} : memref<128x16xi32, #tpu.memory_space<vmem>>, vector<1x16xi32>,
      %slice3A_136 = vector.extract_strided_slice %get3A_115 {offsets = [2], sizes = [1], strides = [1]} : vector<16xi32> to vector<1xi32>
      %squeeze3A_137 = vector.extract %slice3A_136[0] : i32 from vector<1xi32>
      %broadcast_in_dim3A_138 = vector.broadcast %squeeze3A_137 : i32 to vector<16xi32>
      %mul3A_139 = arith.constant 16 : i32
      %mul3A_140 = arith.muli %scan3A_111, %mul3A_139 : i32
      %add3A_141 = arith.constant 2 : i32
      %add3A_142 = arith.addi %mul3A_140, %add3A_141 : i32
      %swap3A_143 = arith.index_cast %add3A_142 : i32 to index
      %swap3A_144 = arith.constant 0 : index
      %swap3A_145 = tpu.vector_load %arg9[%swap3A_143, %swap3A_144] {strides = array<i32>} : memref<128x16xi32, #tpu.memory_space<vmem>>, vector<1x16xi32>,
      %swap3A_146 = vector.shape_cast %swap3A_145 : vector<1x16xi32> to vector<16xi32>
      %swap3A_147 = vector.shape_cast %broadcast_in_dim3A_138 : vector<16xi32> to vector<1x16xi32>
      tpu.vector_store %arg9[%swap3A_143, %swap3A_144], %swap3A_147 {strides = array<i32>} : memref<128x16xi32, #tpu.memory_space<vmem>>, vector<1x16xi32>,
      %slice3A_148 = vector.extract_strided_slice %get3A_115 {offsets = [3], sizes = [1], strides = [1]} : vector<16xi32> to vector<1xi32>
      %squeeze3A_149 = vector.extract %slice3A_148[0] : i32 from vector<1xi32>
      %broadcast_in_dim3A_150 = vector.broadcast %squeeze3A_149 : i32 to vector<16xi32>
      %mul3A_151 = arith.constant 16 : i32
      %mul3A_152 = arith.muli %scan3A_111, %mul3A_151 : i32
      %add3A_153 = arith.constant 3 : i32
      %add3A_154 = arith.addi %mul3A_152, %add3A_153 : i32
      %swap3A_155 = arith.index_cast %add3A_154 : i32 to index
      %swap3A_156 = arith.constant 0 : index
      %swap3A_157 = tpu.vector_load %arg9[%swap3A_155, %swap3A_156] {strides = array<i32>} : memref<128x16xi32, #tpu.memory_space<vmem>>, vector<1x16xi32>,
      %swap3A_158 = vector.shape_cast %swap3A_157 : vector<1x16xi32> to vector<16xi32>
      %swap3A_159 = vector.shape_cast %broadcast_in_dim3A_150 : vector<16xi32> to vector<1x16xi32>
      tpu.vector_store %arg9[%swap3A_155, %swap3A_156], %swap3A_159 {strides = array<i32>} : memref<128x16xi32, #tpu.memory_space<vmem>>, vector<1x16xi32>,
      %slice3A_160 = vector.extract_strided_slice %get3A_115 {offsets = [4], sizes = [1], strides = [1]} : vector<16xi32> to vector<1xi32>
      %squeeze3A_161 = vector.extract %slice3A_160[0] : i32 from vector<1xi32>
      %broadcast_in_dim3A_162 = vector.broadcast %squeeze3A_161 : i32 to vector<16xi32>
      %mul3A_163 = arith.constant 16 : i32
      %mul3A_164 = arith.muli %scan3A_111, %mul3A_163 : i32
      %add3A_165 = arith.constant 4 : i32
      %add3A_166 = arith.addi %mul3A_164, %add3A_165 : i32
      %swap3A_167 = arith.index_cast %add3A_166 : i32 to index
      %swap3A_168 = arith.constant 0 : index
      %swap3A_169 = tpu.vector_load %arg9[%swap3A_167, %swap3A_168] {strides = array<i32>} : memref<128x16xi32, #tpu.memory_space<vmem>>, vector<1x16xi32>,
      %swap3A_170 = vector.shape_cast %swap3A_169 : vector<1x16xi32> to vector<16xi32>
      %swap3A_171 = vector.shape_cast %broadcast_in_dim3A_162 : vector<16xi32> to vector<1x16xi32>
      tpu.vector_store %arg9[%swap3A_167, %swap3A_168], %swap3A_171 {strides = array<i32>} : memref<128x16xi32, #tpu.memory_space<vmem>>, vector<1x16xi32>,
      %slice3A_172 = vector.extract_strided_slice %get3A_115 {offsets = [5], sizes = [1], strides = [1]} : vector<16xi32> to vector<1xi32>
      %squeeze3A_173 = vector.extract %slice3A_172[0] : i32 from vector<1xi32>
      %broadcast_in_dim3A_174 = vector.broadcast %squeeze3A_173 : i32 to vector<16xi32>
      %mul3A_175 = arith.constant 16 : i32
      %mul3A_176 = arith.muli %scan3A_111, %mul3A_175 : i32
      %add3A_177 = arith.constant 5 : i32
      %add3A_178 = arith.addi %mul3A_176, %add3A_177 : i32
      %swap3A_179 = arith.index_cast %add3A_178 : i32 to index
      %swap3A_180 = arith.constant 0 : index
      %swap3A_181 = tpu.vector_load %arg9[%swap3A_179, %swap3A_180] {strides = array<i32>} : memref<128x16xi32, #tpu.memory_space<vmem>>, vector<1x16xi32>,
      %swap3A_182 = vector.shape_cast %swap3A_181 : vector<1x16xi32> to vector<16xi32>
      %swap3A_183 = vector.shape_cast %broadcast_in_dim3A_174 : vector<16xi32> to vector<1x16xi32>
      tpu.vector_store %arg9[%swap3A_179, %swap3A_180], %swap3A_183 {strides = array<i32>} : memref<128x16xi32, #tpu.memory_space<vmem>>, vector<1x16xi32>,
      %slice3A_184 = vector.extract_strided_slice %get3A_115 {offsets = [6], sizes = [1], strides = [1]} : vector<16xi32> to vector<1xi32>
      %squeeze3A_185 = vector.extract %slice3A_184[0] : i32 from vector<1xi32>
      %broadcast_in_dim3A_186 = vector.broadcast %squeeze3A_185 : i32 to vector<16xi32>
      %mul3A_187 = arith.constant 16 : i32
      %mul3A_188 = arith.muli %scan3A_111, %mul3A_187 : i32
      %add3A_189 = arith.constant 6 : i32
      %add3A_190 = arith.addi %mul3A_188, %add3A_189 : i32
      %swap3A_191 = arith.index_cast %add3A_190 : i32 to index
      %swap3A_192 = arith.constant 0 : index
      %swap3A_193 = tpu.vector_load %arg9[%swap3A_191, %swap3A_192] {strides = array<i32>} : memref<128x16xi32, #tpu.memory_space<vmem>>, vector<1x16xi32>,
      %swap3A_194 = vector.shape_cast %swap3A_193 : vector<1x16xi32> to vector<16xi32>
      %swap3A_195 = vector.shape_cast %broadcast_in_dim3A_186 : vector<16xi32> to vector<1x16xi32>
      tpu.vector_store %arg9[%swap3A_191, %swap3A_192], %swap3A_195 {strides = array<i32>} : memref<128x16xi32, #tpu.memory_space<vmem>>, vector<1x16xi32>,
      %slice3A_196 = vector.extract_strided_slice %get3A_115 {offsets = [7], sizes = [1], strides = [1]} : vector<16xi32> to vector<1xi32>
      %squeeze3A_197 = vector.extract %slice3A_196[0] : i32 from vector<1xi32>
      %broadcast_in_dim3A_198 = vector.broadcast %squeeze3A_197 : i32 to vector<16xi32>
      %mul3A_199 = arith.constant 16 : i32
      %mul3A_200 = arith.muli %scan3A_111, %mul3A_199 : i32
      %add3A_201 = arith.constant 7 : i32
      %add3A_202 = arith.addi %mul3A_200, %add3A_201 : i32
      %swap3A_203 = arith.index_cast %add3A_202 : i32 to index
      %swap3A_204 = arith.constant 0 : index
      %swap3A_205 = tpu.vector_load %arg9[%swap3A_203, %swap3A_204] {strides = array<i32>} : memref<128x16xi32, #tpu.memory_space<vmem>>, vector<1x16xi32>,
      %swap3A_206 = vector.shape_cast %swap3A_205 : vector<1x16xi32> to vector<16xi32>
      %swap3A_207 = vector.shape_cast %broadcast_in_dim3A_198 : vector<16xi32> to vector<1x16xi32>
      tpu.vector_store %arg9[%swap3A_203, %swap3A_204], %swap3A_207 {strides = array<i32>} : memref<128x16xi32, #tpu.memory_space<vmem>>, vector<1x16xi32>,
      %slice3A_208 = vector.extract_strided_slice %get3A_115 {offsets = [8], sizes = [1], strides = [1]} : vector<16xi32> to vector<1xi32>
      %squeeze3A_209 = vector.extract %slice3A_208[0] : i32 from vector<1xi32>
      %broadcast_in_dim3A_210 = vector.broadcast %squeeze3A_209 : i32 to vector<16xi32>
      %mul3A_211 = arith.constant 16 : i32
      %mul3A_212 = arith.muli %scan3A_111, %mul3A_211 : i32
      %add3A_213 = arith.constant 8 : i32
      %add3A_214 = arith.addi %mul3A_212, %add3A_213 : i32
      %swap3A_215 = arith.index_cast %add3A_214 : i32 to index
      %swap3A_216 = arith.constant 0 : index
      %swap3A_217 = tpu.vector_load %arg9[%swap3A_215, %swap3A_216] {strides = array<i32>} : memref<128x16xi32, #tpu.memory_space<vmem>>, vector<1x16xi32>,
      %swap3A_218 = vector.shape_cast %swap3A_217 : vector<1x16xi32> to vector<16xi32>
      %swap3A_219 = vector.shape_cast %broadcast_in_dim3A_210 : vector<16xi32> to vector<1x16xi32>
      tpu.vector_store %arg9[%swap3A_215, %swap3A_216], %swap3A_219 {strides = array<i32>} : memref<128x16xi32, #tpu.memory_space<vmem>>, vector<1x16xi32>,
      %slice3A_220 = vector.extract_strided_slice %get3A_115 {offsets = [9], sizes = [1], strides = [1]} : vector<16xi32> to vector<1xi32>
      %squeeze3A_221 = vector.extract %slice3A_220[0] : i32 from vector<1xi32>
      %broadcast_in_dim3A_222 = vector.broadcast %squeeze3A_221 : i32 to vector<16xi32>
      %mul3A_223 = arith.constant 16 : i32
      %mul3A_224 = arith.muli %scan3A_111, %mul3A_223 : i32
      %add3A_225 = arith.constant 9 : i32
      %add3A_226 = arith.addi %mul3A_224, %add3A_225 : i32
      %swap3A_227 = arith.index_cast %add3A_226 : i32 to index
      %swap3A_228 = arith.constant 0 : index
      %swap3A_229 = tpu.vector_load %arg9[%swap3A_227, %swap3A_228] {strides = array<i32>} : memref<128x16xi32, #tpu.memory_space<vmem>>, vector<1x16xi32>,
      %swap3A_230 = vector.shape_cast %swap3A_229 : vector<1x16xi32> to vector<16xi32>
      %swap3A_231 = vector.shape_cast %broadcast_in_dim3A_222 : vector<16xi32> to vector<1x16xi32>
      tpu.vector_store %arg9[%swap3A_227, %swap3A_228], %swap3A_231 {strides = array<i32>} : memref<128x16xi32, #tpu.memory_space<vmem>>, vector<1x16xi32>,
      %slice3A_232 = vector.extract_strided_slice %get3A_115 {offsets = [10], sizes = [1], strides = [1]} : vector<16xi32> to vector<1xi32>
      %squeeze3A_233 = vector.extract %slice3A_232[0] : i32 from vector<1xi32>
      %broadcast_in_dim3A_234 = vector.broadcast %squeeze3A_233 : i32 to vector<16xi32>
      %mul3A_235 = arith.constant 16 : i32
      %mul3A_236 = arith.muli %scan3A_111, %mul3A_235 : i32
      %add3A_237 = arith.constant 10 : i32
      %add3A_238 = arith.addi %mul3A_236, %add3A_237 : i32
      %swap3A_239 = arith.index_cast %add3A_238 : i32 to index
      %swap3A_240 = arith.constant 0 : index
      %swap3A_241 = tpu.vector_load %arg9[%swap3A_239, %swap3A_240] {strides = array<i32>} : memref<128x16xi32, #tpu.memory_space<vmem>>, vector<1x16xi32>,
      %swap3A_242 = vector.shape_cast %swap3A_241 : vector<1x16xi32> to vector<16xi32>
      %swap3A_243 = vector.shape_cast %broadcast_in_dim3A_234 : vector<16xi32> to vector<1x16xi32>
      tpu.vector_store %arg9[%swap3A_239, %swap3A_240], %swap3A_243 {strides = array<i32>} : memref<128x16xi32, #tpu.memory_space<vmem>>, vector<1x16xi32>,
      %slice3A_244 = vector.extract_strided_slice %get3A_115 {offsets = [11], sizes = [1], strides = [1]} : vector<16xi32> to vector<1xi32>
      %squeeze3A_245 = vector.extract %slice3A_244[0] : i32 from vector<1xi32>
      %broadcast_in_dim3A_246 = vector.broadcast %squeeze3A_245 : i32 to vector<16xi32>
      %mul3A_247 = arith.constant 16 : i32
      %mul3A_248 = arith.muli %scan3A_111, %mul3A_247 : i32
      %add3A_249 = arith.constant 11 : i32
      %add3A_250 = arith.addi %mul3A_248, %add3A_249 : i32
      %swap3A_251 = arith.index_cast %add3A_250 : i32 to index
      %swap3A_252 = arith.constant 0 : index
      %swap3A_253 = tpu.vector_load %arg9[%swap3A_251, %swap3A_252] {strides = array<i32>} : memref<128x16xi32, #tpu.memory_space<vmem>>, vector<1x16xi32>,
      %swap3A_254 = vector.shape_cast %swap3A_253 : vector<1x16xi32> to vector<16xi32>
      %swap3A_255 = vector.shape_cast %broadcast_in_dim3A_246 : vector<16xi32> to vector<1x16xi32>
      tpu.vector_store %arg9[%swap3A_251, %swap3A_252], %swap3A_255 {strides = array<i32>} : memref<128x16xi32, #tpu.memory_space<vmem>>, vector<1x16xi32>,
      %slice3A_256 = vector.extract_strided_slice %get3A_115 {offsets = [12], sizes = [1], strides = [1]} : vector<16xi32> to vector<1xi32>
      %squeeze3A_257 = vector.extract %slice3A_256[0] : i32 from vector<1xi32>
      %broadcast_in_dim3A_258 = vector.broadcast %squeeze3A_257 : i32 to vector<16xi32>
      %mul3A_259 = arith.constant 16 : i32
      %mul3A_260 = arith.muli %scan3A_111, %mul3A_259 : i32
      %add3A_261 = arith.constant 12 : i32
      %add3A_262 = arith.addi %mul3A_260, %add3A_261 : i32
      %swap3A_263 = arith.index_cast %add3A_262 : i32 to index
      %swap3A_264 = arith.constant 0 : index
      %swap3A_265 = tpu.vector_load %arg9[%swap3A_263, %swap3A_264] {strides = array<i32>} : memref<128x16xi32, #tpu.memory_space<vmem>>, vector<1x16xi32>,
      %swap3A_266 = vector.shape_cast %swap3A_265 : vector<1x16xi32> to vector<16xi32>
      %swap3A_267 = vector.shape_cast %broadcast_in_dim3A_258 : vector<16xi32> to vector<1x16xi32>
      tpu.vector_store %arg9[%swap3A_263, %swap3A_264], %swap3A_267 {strides = array<i32>} : memref<128x16xi32, #tpu.memory_space<vmem>>, vector<1x16xi32>,
      %slice3A_268 = vector.extract_strided_slice %get3A_115 {offsets = [13], sizes = [1], strides = [1]} : vector<16xi32> to vector<1xi32>
      %squeeze3A_269 = vector.extract %slice3A_268[0] : i32 from vector<1xi32>
      %broadcast_in_dim3A_270 = vector.broadcast %squeeze3A_269 : i32 to vector<16xi32>
      %mul3A_271 = arith.constant 16 : i32
      %mul3A_272 = arith.muli %scan3A_111, %mul3A_271 : i32
      %add3A_273 = arith.constant 13 : i32
      %add3A_274 = arith.addi %mul3A_272, %add3A_273 : i32
      %swap3A_275 = arith.index_cast %add3A_274 : i32 to index
      %swap3A_276 = arith.constant 0 : index
      %swap3A_277 = tpu.vector_load %arg9[%swap3A_275, %swap3A_276] {strides = array<i32>} : memref<128x16xi32, #tpu.memory_space<vmem>>, vector<1x16xi32>,
      %swap3A_278 = vector.shape_cast %swap3A_277 : vector<1x16xi32> to vector<16xi32>
      %swap3A_279 = vector.shape_cast %broadcast_in_dim3A_270 : vector<16xi32> to vector<1x16xi32>
      tpu.vector_store %arg9[%swap3A_275, %swap3A_276], %swap3A_279 {strides = array<i32>} : memref<128x16xi32, #tpu.memory_space<vmem>>, vector<1x16xi32>,
      %slice3A_280 = vector.extract_strided_slice %get3A_115 {offsets = [14], sizes = [1], strides = [1]} : vector<16xi32> to vector<1xi32>
      %squeeze3A_281 = vector.extract %slice3A_280[0] : i32 from vector<1xi32>
      %broadcast_in_dim3A_282 = vector.broadcast %squeeze3A_281 : i32 to vector<16xi32>
      %mul3A_283 = arith.constant 16 : i32
      %mul3A_284 = arith.muli %scan3A_111, %mul3A_283 : i32
      %add3A_285 = arith.constant 14 : i32
      %add3A_286 = arith.addi %mul3A_284, %add3A_285 : i32
      %swap3A_287 = arith.index_cast %add3A_286 : i32 to index
      %swap3A_288 = arith.constant 0 : index
      %swap3A_289 = tpu.vector_load %arg9[%swap3A_287, %swap3A_288] {strides = array<i32>} : memref<128x16xi32, #tpu.memory_space<vmem>>, vector<1x16xi32>,
      %swap3A_290 = vector.shape_cast %swap3A_289 : vector<1x16xi32> to vector<16xi32>
      %swap3A_291 = vector.shape_cast %broadcast_in_dim3A_282 : vector<16xi32> to vector<1x16xi32>
      tpu.vector_store %arg9[%swap3A_287, %swap3A_288], %swap3A_291 {strides = array<i32>} : memref<128x16xi32, #tpu.memory_space<vmem>>, vector<1x16xi32>,
      %slice3A_292 = vector.extract_strided_slice %get3A_115 {offsets = [15], sizes = [1], strides = [1]} : vector<16xi32> to vector<1xi32>
      %squeeze3A_293 = vector.extract %slice3A_292[0] : i32 from vector<1xi32>
      %broadcast_in_dim3A_294 = vector.broadcast %squeeze3A_293 : i32 to vector<16xi32>
      %mul3A_295 = arith.constant 16 : i32
      %mul3A_296 = arith.muli %scan3A_111, %mul3A_295 : i32
      %add3A_297 = arith.constant 15 : i32
      %add3A_298 = arith.addi %mul3A_296, %add3A_297 : i32
      %swap3A_299 = arith.index_cast %add3A_298 : i32 to index
      %swap3A_300 = arith.constant 0 : index
      %swap3A_301 = tpu.vector_load %arg9[%swap3A_299, %swap3A_300] {strides = array<i32>} : memref<128x16xi32, #tpu.memory_space<vmem>>, vector<1x16xi32>,
      %swap3A_302 = vector.shape_cast %swap3A_301 : vector<1x16xi32> to vector<16xi32>
      %swap3A_303 = vector.shape_cast %broadcast_in_dim3A_294 : vector<16xi32> to vector<1x16xi32>
      tpu.vector_store %arg9[%swap3A_299, %swap3A_300], %swap3A_303 {strides = array<i32>} : memref<128x16xi32, #tpu.memory_space<vmem>>, vector<1x16xi32>,
      %scan3A_304 = arith.constant 0 : i32
      scf.yield %scan3A_304 : i32
    }
    %scan3A_8 = arith.constant 8 : i32
    %dma_start3A = arith.constant 0 : i32
    %dma_start3A_9 = tpu.memref_slice %arg6[%mul3A_2, %dma_start3A] : memref<4096x16xi32, #tpu.memory_space<hbm>> -> memref<128x16xi32, #tpu.memory_space<hbm>>
    %dma_start3A_10 = arith.constant 0 : i32
    %dma_start3A_11 = tpu.memref_slice %arg6[%mul3A_2, %dma_start3A_10] : memref<4096x16xi32, #tpu.memory_space<hbm>> -> memref<128x16xi32, #tpu.memory_space<hbm>>
    tpu.enqueue_dma source(%arg9 : memref<128x16xi32, #tpu.memory_space<vmem>>) target(%dma_start3A_11 : memref<128x16xi32, #tpu.memory_space<hbm>>) target_semaphore(%arg16 : memref<!tpu.dma_semaphore, #tpu.memory_space<semaphore_mem>>)
    %dma_start3A_12 = arith.constant 0 : i32
    %dma_start3A_13 = arith.constant 0 : i32
    %dma_start3A_14 = tpu.memref_slice %arg7[%dma_start3A_12, %dma_start3A_13] : memref<4x32xi32, #tpu.memory_space<vmem>> -> memref<1x32xi32, #tpu.memory_space<vmem>>
    %dma_start3A_15 = tpu.memref_squeeze %dma_start3A_14 : memref<1x32xi32, #tpu.memory_space<vmem>> -> memref<32xi32, #tpu.memory_space<vmem>>
    %dma_start3A_16 = arith.constant 0 : i32
    %dma_start3A_17 = arith.constant 0 : i32
    %dma_start3A_18 = tpu.memref_slice %arg2[%dma_start3A_16, %dma_start3A_17] : memref<100000x1024xf32, #tpu.memory_space<hbm>> -> memref<100000x1024xf32, #tpu.memory_space<hbm>>
    tpu.enqueue_indirect_dma source(%dma_start3A_18 : memref<100000x1024xf32, #tpu.memory_space<hbm>>) target(%arg10 : memref<32x1024xf32, #tpu.memory_space<vmem>>) offsets(%dma_start3A_15 : memref<32xi32, #tpu.memory_space<vmem>>) semaphore(%arg12 : memref<!tpu.dma_semaphore, #tpu.memory_space<semaphore_mem>>)
    %dma_start3A_19 = arith.constant 1 : i32
    %dma_start3A_20 = arith.constant 0 : i32
    %dma_start3A_21 = tpu.memref_slice %arg7[%dma_start3A_19, %dma_start3A_20] : memref<4x32xi32, #tpu.memory_space<vmem>> -> memref<1x32xi32, #tpu.memory_space<vmem>>
    %dma_start3A_22 = tpu.memref_squeeze %dma_start3A_21 : memref<1x32xi32, #tpu.memory_space<vmem>> -> memref<32xi32, #tpu.memory_space<vmem>>
    %dma_start3A_23 = arith.constant 0 : i32
    %dma_start3A_24 = arith.constant 0 : i32
    %dma_start3A_25 = tpu.memref_slice %arg2[%dma_start3A_23, %dma_start3A_24] : memref<100000x1024xf32, #tpu.memory_space<hbm>> -> memref<100000x1024xf32, #tpu.memory_space<hbm>>
    tpu.enqueue_indirect_dma source(%dma_start3A_25 : memref<100000x1024xf32, #tpu.memory_space<hbm>>) target(%arg11 : memref<32x1024xf32, #tpu.memory_space<vmem>>) offsets(%dma_start3A_22 : memref<32xi32, #tpu.memory_space<vmem>>) semaphore(%arg13 : memref<!tpu.dma_semaphore, #tpu.memory_space<semaphore_mem>>)
    %dma_wait3A = arith.constant 0 : i32
    %dma_wait3A_26 = arith.constant 0 : i32
    %dma_wait3A_27 = tpu.memref_slice %arg7[%dma_wait3A, %dma_wait3A_26] : memref<4x32xi32, #tpu.memory_space<vmem>> -> memref<1x32xi32, #tpu.memory_space<vmem>>
    %dma_wait3A_28 = tpu.memref_squeeze %dma_wait3A_27 : memref<1x32xi32, #tpu.memory_space<vmem>> -> memref<32xi32, #tpu.memory_space<vmem>>
    %dma_wait3A_29 = arith.constant 0 : i32
    %dma_wait3A_30 = arith.constant 0 : i32
    %dma_wait3A_31 = tpu.memref_slice %arg2[%dma_wait3A_29, %dma_wait3A_30] : memref<100000x1024xf32, #tpu.memory_space<hbm>> -> memref<100000x1024xf32, #tpu.memory_space<hbm>>
    tpu.wait_indirect_dma semaphore(%arg12 : memref<!tpu.dma_semaphore, #tpu.memory_space<semaphore_mem>>) src(%dma_wait3A_31 : memref<100000x1024xf32, #tpu.memory_space<hbm>>) dst(%arg10 : memref<32x1024xf32, #tpu.memory_space<vmem>>)
    %add3A_32 = arith.constant 0 : i32
    %add3A_33 = arith.addi %mul3A_2, %add3A_32 : i32
    %dma_start3A_34 = arith.constant 0 : i32
    %dma_start3A_35 = tpu.memref_slice %arg5[%add3A_33, %dma_start3A_34] : memref<4096x1024xf32, #tpu.memory_space<hbm>> -> memref<32x1024xf32, #tpu.memory_space<hbm>>
    %dma_start3A_36 = arith.constant 0 : i32
    %dma_start3A_37 = tpu.memref_slice %arg5[%add3A_33, %dma_start3A_36] : memref<4096x1024xf32, #tpu.memory_space<hbm>> -> memref<32x1024xf32, #tpu.memory_space<hbm>>
    tpu.enqueue_dma source(%arg10 : memref<32x1024xf32, #tpu.memory_space<vmem>>) target(%dma_start3A_37 : memref<32x1024xf32, #tpu.memory_space<hbm>>) target_semaphore(%arg14 : memref<!tpu.dma_semaphore, #tpu.memory_space<semaphore_mem>>)
    %dma_wait3A_38 = arith.constant 0 : i32
    %dma_wait3A_39 = tpu.memref_slice %arg5[%add3A_33, %dma_wait3A_38] : memref<4096x1024xf32, #tpu.memory_space<hbm>> -> memref<32x1024xf32, #tpu.memory_space<hbm>>
    %dma_wait3A_40 = arith.constant 0 : i32
    %dma_wait3A_41 = tpu.memref_slice %arg5[%add3A_33, %dma_wait3A_40] : memref<4096x1024xf32, #tpu.memory_space<hbm>> -> memref<32x1024xf32, #tpu.memory_space<hbm>>
    tpu.wait_dma2 semaphore(%arg14 : memref<!tpu.dma_semaphore, #tpu.memory_space<semaphore_mem>>) src(%arg10 : memref<32x1024xf32, #tpu.memory_space<vmem>>) dst(%dma_wait3A_41 : memref<32x1024xf32, #tpu.memory_space<hbm>>)
    %dma_start3A_42 = arith.constant 2 : i32
    %dma_start3A_43 = arith.constant 0 : i32
    %dma_start3A_44 = tpu.memref_slice %arg7[%dma_start3A_42, %dma_start3A_43] : memref<4x32xi32, #tpu.memory_space<vmem>> -> memref<1x32xi32, #tpu.memory_space<vmem>>
    %dma_start3A_45 = tpu.memref_squeeze %dma_start3A_44 : memref<1x32xi32, #tpu.memory_space<vmem>> -> memref<32xi32, #tpu.memory_space<vmem>>
    %dma_start3A_46 = arith.constant 0 : i32
    %dma_start3A_47 = arith.constant 0 : i32
    %dma_start3A_48 = tpu.memref_slice %arg2[%dma_start3A_46, %dma_start3A_47] : memref<100000x1024xf32, #tpu.memory_space<hbm>> -> memref<100000x1024xf32, #tpu.memory_space<hbm>>
    tpu.enqueue_indirect_dma source(%dma_start3A_48 : memref<100000x1024xf32, #tpu.memory_space<hbm>>) target(%arg10 : memref<32x1024xf32, #tpu.memory_space<vmem>>) offsets(%dma_start3A_45 : memref<32xi32, #tpu.memory_space<vmem>>) semaphore(%arg12 : memref<!tpu.dma_semaphore, #tpu.memory_space<semaphore_mem>>)
    %dma_wait3A_49 = arith.constant 1 : i32
    %dma_wait3A_50 = arith.constant 0 : i32
    %dma_wait3A_51 = tpu.memref_slice %arg7[%dma_wait3A_49, %dma_wait3A_50] : memref<4x32xi32, #tpu.memory_space<vmem>> -> memref<1x32xi32, #tpu.memory_space<vmem>>
    %dma_wait3A_52 = tpu.memref_squeeze %dma_wait3A_51 : memref<1x32xi32, #tpu.memory_space<vmem>> -> memref<32xi32, #tpu.memory_space<vmem>>
    %dma_wait3A_53 = arith.constant 0 : i32
    %dma_wait3A_54 = arith.constant 0 : i32
    %dma_wait3A_55 = tpu.memref_slice %arg2[%dma_wait3A_53, %dma_wait3A_54] : memref<100000x1024xf32, #tpu.memory_space<hbm>> -> memref<100000x1024xf32, #tpu.memory_space<hbm>>
    tpu.wait_indirect_dma semaphore(%arg13 : memref<!tpu.dma_semaphore, #tpu.memory_space<semaphore_mem>>) src(%dma_wait3A_55 : memref<100000x1024xf32, #tpu.memory_space<hbm>>) dst(%arg11 : memref<32x1024xf32, #tpu.memory_space<vmem>>)
    %add3A_56 = arith.constant 32 : i32
    %add3A_57 = arith.addi %mul3A_2, %add3A_56 : i32
    %dma_start3A_58 = arith.constant 0 : i32
    %dma_start3A_59 = tpu.memref_slice %arg5[%add3A_57, %dma_start3A_58] : memref<4096x1024xf32, #tpu.memory_space<hbm>> -> memref<32x1024xf32, #tpu.memory_space<hbm>>
    %dma_start3A_60 = arith.constant 0 : i32
    %dma_start3A_61 = tpu.memref_slice %arg5[%add3A_57, %dma_start3A_60] : memref<4096x1024xf32, #tpu.memory_space<hbm>> -> memref<32x1024xf32, #tpu.memory_space<hbm>>
    tpu.enqueue_dma source(%arg11 : memref<32x1024xf32, #tpu.memory_space<vmem>>) target(%dma_start3A_61 : memref<32x1024xf32, #tpu.memory_space<hbm>>) target_semaphore(%arg15 : memref<!tpu.dma_semaphore, #tpu.memory_space<semaphore_mem>>)
    %dma_wait3A_62 = arith.constant 0 : i32
    %dma_wait3A_63 = tpu.memref_slice %arg5[%add3A_57, %dma_wait3A_62] : memref<4096x1024xf32, #tpu.memory_space<hbm>> -> memref<32x1024xf32, #tpu.memory_space<hbm>>
    %dma_wait3A_64 = arith.constant 0 : i32
    %dma_wait3A_65 = tpu.memref_slice %arg5[%add3A_57, %dma_wait3A_64] : memref<4096x1024xf32, #tpu.memory_space<hbm>> -> memref<32x1024xf32, #tpu.memory_space<hbm>>
    tpu.wait_dma2 semaphore(%arg15 : memref<!tpu.dma_semaphore, #tpu.memory_space<semaphore_mem>>) src(%arg11 : memref<32x1024xf32, #tpu.memory_space<vmem>>) dst(%dma_wait3A_65 : memref<32x1024xf32, #tpu.memory_space<hbm>>)
    %dma_start3A_66 = arith.constant 3 : i32
    %dma_start3A_67 = arith.constant 0 : i32
    %dma_start3A_68 = tpu.memref_slice %arg7[%dma_start3A_66, %dma_start3A_67] : memref<4x32xi32, #tpu.memory_space<vmem>> -> memref<1x32xi32, #tpu.memory_space<vmem>>
    %dma_start3A_69 = tpu.memref_squeeze %dma_start3A_68 : memref<1x32xi32, #tpu.memory_space<vmem>> -> memref<32xi32, #tpu.memory_space<vmem>>
    %dma_start3A_70 = arith.constant 0 : i32
    %dma_start3A_71 = arith.constant 0 : i32
    %dma_start3A_72 = tpu.memref_slice %arg2[%dma_start3A_70, %dma_start3A_71] : memref<100000x1024xf32, #tpu.memory_space<hbm>> -> memref<100000x1024xf32, #tpu.memory_space<hbm>>
    tpu.enqueue_indirect_dma source(%dma_start3A_72 : memref<100000x1024xf32, #tpu.memory_space<hbm>>) target(%arg11 : memref<32x1024xf32, #tpu.memory_space<vmem>>) offsets(%dma_start3A_69 : memref<32xi32, #tpu.memory_space<vmem>>) semaphore(%arg13 : memref<!tpu.dma_semaphore, #tpu.memory_space<semaphore_mem>>)
    %dma_wait3A_73 = arith.constant 2 : i32
    %dma_wait3A_74 = arith.constant 0 : i32
    %dma_wait3A_75 = tpu.memref_slice %arg7[%dma_wait3A_73, %dma_wait3A_74] : memref<4x32xi32, #tpu.memory_space<vmem>> -> memref<1x32xi32, #tpu.memory_space<vmem>>
    %dma_wait3A_76 = tpu.memref_squeeze %dma_wait3A_75 : memref<1x32xi32, #tpu.memory_space<vmem>> -> memref<32xi32, #tpu.memory_space<vmem>>
    %dma_wait3A_77 = arith.constant 0 : i32
    %dma_wait3A_78 = arith.constant 0 : i32
    %dma_wait3A_79 = tpu.memref_slice %arg2[%dma_wait3A_77, %dma_wait3A_78] : memref<100000x1024xf32, #tpu.memory_space<hbm>> -> memref<100000x1024xf32, #tpu.memory_space<hbm>>
    tpu.wait_indirect_dma semaphore(%arg12 : memref<!tpu.dma_semaphore, #tpu.memory_space<semaphore_mem>>) src(%dma_wait3A_79 : memref<100000x1024xf32, #tpu.memory_space<hbm>>) dst(%arg10 : memref<32x1024xf32, #tpu.memory_space<vmem>>)
    %add3A_80 = arith.constant 64 : i32
    %add3A_81 = arith.addi %mul3A_2, %add3A_80 : i32
    %dma_start3A_82 = arith.constant 0 : i32
    %dma_start3A_83 = tpu.memref_slice %arg5[%add3A_81, %dma_start3A_82] : memref<4096x1024xf32, #tpu.memory_space<hbm>> -> memref<32x1024xf32, #tpu.memory_space<hbm>>
    %dma_start3A_84 = arith.constant 0 : i32
    %dma_start3A_85 = tpu.memref_slice %arg5[%add3A_81, %dma_start3A_84] : memref<4096x1024xf32, #tpu.memory_space<hbm>> -> memref<32x1024xf32, #tpu.memory_space<hbm>>
    tpu.enqueue_dma source(%arg10 : memref<32x1024xf32, #tpu.memory_space<vmem>>) target(%dma_start3A_85 : memref<32x1024xf32, #tpu.memory_space<hbm>>) target_semaphore(%arg14 : memref<!tpu.dma_semaphore, #tpu.memory_space<semaphore_mem>>)
    %dma_wait3A_86 = arith.constant 3 : i32
    %dma_wait3A_87 = arith.constant 0 : i32
    %dma_wait3A_88 = tpu.memref_slice %arg7[%dma_wait3A_86, %dma_wait3A_87] : memref<4x32xi32, #tpu.memory_space<vmem>> -> memref<1x32xi32, #tpu.memory_space<vmem>>
    %dma_wait3A_89 = tpu.memref_squeeze %dma_wait3A_88 : memref<1x32xi32, #tpu.memory_space<vmem>> -> memref<32xi32, #tpu.memory_space<vmem>>
    %dma_wait3A_90 = arith.constant 0 : i32
    %dma_wait3A_91 = arith.constant 0 : i32
    %dma_wait3A_92 = tpu.memref_slice %arg2[%dma_wait3A_90, %dma_wait3A_91] : memref<100000x1024xf32, #tpu.memory_space<hbm>> -> memref<100000x1024xf32, #tpu.memory_space<hbm>>
    tpu.wait_indirect_dma semaphore(%arg13 : memref<!tpu.dma_semaphore, #tpu.memory_space<semaphore_mem>>) src(%dma_wait3A_92 : memref<100000x1024xf32, #tpu.memory_space<hbm>>) dst(%arg11 : memref<32x1024xf32, #tpu.memory_space<vmem>>)
    %add3A_93 = arith.constant 96 : i32
    %add3A_94 = arith.addi %mul3A_2, %add3A_93 : i32
    %dma_start3A_95 = arith.constant 0 : i32
    %dma_start3A_96 = tpu.memref_slice %arg5[%add3A_94, %dma_start3A_95] : memref<4096x1024xf32, #tpu.memory_space<hbm>> -> memref<32x1024xf32, #tpu.memory_space<hbm>>
    %dma_start3A_97 = arith.constant 0 : i32
    %dma_start3A_98 = tpu.memref_slice %arg5[%add3A_94, %dma_start3A_97] : memref<4096x1024xf32, #tpu.memory_space<hbm>> -> memref<32x1024xf32, #tpu.memory_space<hbm>>
    tpu.enqueue_dma source(%arg11 : memref<32x1024xf32, #tpu.memory_space<vmem>>) target(%dma_start3A_98 : memref<32x1024xf32, #tpu.memory_space<hbm>>) target_semaphore(%arg15 : memref<!tpu.dma_semaphore, #tpu.memory_space<semaphore_mem>>)
    %dma_wait3A_99 = arith.constant 0 : i32
    %dma_wait3A_100 = tpu.memref_slice %arg5[%add3A_81, %dma_wait3A_99] : memref<4096x1024xf32, #tpu.memory_space<hbm>> -> memref<32x1024xf32, #tpu.memory_space<hbm>>
    %dma_wait3A_101 = arith.constant 0 : i32
    %dma_wait3A_102 = tpu.memref_slice %arg5[%add3A_81, %dma_wait3A_101] : memref<4096x1024xf32, #tpu.memory_space<hbm>> -> memref<32x1024xf32, #tpu.memory_space<hbm>>
    tpu.wait_dma2 semaphore(%arg14 : memref<!tpu.dma_semaphore, #tpu.memory_space<semaphore_mem>>) src(%arg10 : memref<32x1024xf32, #tpu.memory_space<vmem>>) dst(%dma_wait3A_102 : memref<32x1024xf32, #tpu.memory_space<hbm>>)
    %dma_wait3A_103 = arith.constant 0 : i32
    %dma_wait3A_104 = tpu.memref_slice %arg5[%add3A_94, %dma_wait3A_103] : memref<4096x1024xf32, #tpu.memory_space<hbm>> -> memref<32x1024xf32, #tpu.memory_space<hbm>>
    %dma_wait3A_105 = arith.constant 0 : i32
    %dma_wait3A_106 = tpu.memref_slice %arg5[%add3A_94, %dma_wait3A_105] : memref<4096x1024xf32, #tpu.memory_space<hbm>> -> memref<32x1024xf32, #tpu.memory_space<hbm>>
    tpu.wait_dma2 semaphore(%arg15 : memref<!tpu.dma_semaphore, #tpu.memory_space<semaphore_mem>>) src(%arg11 : memref<32x1024xf32, #tpu.memory_space<vmem>>) dst(%dma_wait3A_106 : memref<32x1024xf32, #tpu.memory_space<hbm>>)
    %dma_wait3A_107 = arith.constant 0 : i32
    %dma_wait3A_108 = tpu.memref_slice %arg6[%mul3A_2, %dma_wait3A_107] : memref<4096x16xi32, #tpu.memory_space<hbm>> -> memref<128x16xi32, #tpu.memory_space<hbm>>
    %dma_wait3A_109 = arith.constant 0 : i32
    %dma_wait3A_110 = tpu.memref_slice %arg6[%mul3A_2, %dma_wait3A_109] : memref<4096x16xi32, #tpu.memory_space<hbm>> -> memref<128x16xi32, #tpu.memory_space<hbm>>
    tpu.wait_dma2 semaphore(%arg16 : memref<!tpu.dma_semaphore, #tpu.memory_space<semaphore_mem>>) src(%arg9 : memref<128x16xi32, #tpu.memory_space<vmem>>) dst(%dma_wait3A_110 : memref<128x16xi32, #tpu.memory_space<hbm>>)
    return
  }
}

#map = affine_map<(d0, d1) -> (0, 0)>
#map1 = affine_map<(d0, d1) -> (0, 0, 0)>
module attributes {stable_mosaic.version = 14 : i64} {
  func.func @body(%arg0: i32, %arg1: i32, %arg2: memref<100000x1024xf32, #tpu.memory_space<hbm>>, %arg3: memref<32x4x32xi32, #tpu.memory_space<hbm>>, %arg4: memref<32x8x16xi32, #tpu.memory_space<hbm>>, %arg5: memref<4096x1024xf32, #tpu.memory_space<hbm>>, %arg6: memref<4096x16xi32, #tpu.memory_space<hbm>>, %arg7: memref<4x32xi32, #tpu.memory_space<vmem>>, %arg8: memref<8x16xi32, #tpu.memory_space<vmem>>, %arg9: memref<128x16xi32, #tpu.memory_space<vmem>>, %arg10: memref<32x1024xf32, #tpu.memory_space<vmem>>, %arg11: memref<32x1024xf32, #tpu.memory_space<vmem>>, %arg12: memref<!tpu.dma_semaphore, #tpu.memory_space<semaphore_mem>>, %arg13: memref<!tpu.dma_semaphore, #tpu.memory_space<semaphore_mem>>, %arg14: memref<!tpu.dma_semaphore, #tpu.memory_space<semaphore_mem>>, %arg15: memref<!tpu.dma_semaphore, #tpu.memory_space<semaphore_mem>>, %arg16: memref<!tpu.dma_semaphore, #tpu.memory_space<semaphore_mem>>) attributes {dimension_semantics = [#tpu.dimension_semantics<core_parallel>, #tpu.dimension_semantics<subcore_parallel>], iteration_bounds = array<i64: 2, 16>, scalar_prefetch = 0 : i64, scratch_operands = 10 : i64, tpu.core_type = #tpu.core_type<sc_vector_subcore>, window_params = [{transform_indices = #map}, {transform_indices = #map1}, {transform_indices = #map1}, {transform_indices = #map}, {transform_indices = #map}]} {
    %mul3A = arith.constant 2 : i32
    %mul3A_0 = arith.muli %arg1, %mul3A : i32
    %add3A = arith.addi %mul3A_0, %arg0 : i32
    %mul3A_1 = arith.constant 128 : i32
    %mul3A_2 = arith.muli %add3A, %mul3A_1 : i32
    "tpu.region"() ({
      %run_scoped3A = tpu.sem_alloc : memref<!tpu.dma_semaphore, #tpu.memory_space<semaphore_mem>>
      %dma_start3A_111 = arith.constant 0 : i32
      %dma_start3A_112 = arith.constant 0 : i32
      %dma_start3A_113 = tpu.memref_slice %arg3[%add3A, %dma_start3A_111, %dma_start3A_112] : memref<32x4x32xi32, #tpu.memory_space<hbm>> -> memref<1x4x32xi32, #tpu.memory_space<hbm>>
      %dma_start3A_114 = tpu.memref_squeeze %dma_start3A_113 : memref<1x4x32xi32, #tpu.memory_space<hbm>> -> memref<4x32xi32, #tpu.memory_space<hbm>>
      %dma_start3A_115 = arith.constant 0 : i32
      %dma_start3A_116 = arith.constant 0 : i32
      %dma_start3A_117 = tpu.memref_slice %arg3[%add3A, %dma_start3A_115, %dma_start3A_116] : memref<32x4x32xi32, #tpu.memory_space<hbm>> -> memref<1x4x32xi32, #tpu.memory_space<hbm>>
      %dma_start3A_118 = tpu.memref_squeeze %dma_start3A_117 : memref<1x4x32xi32, #tpu.memory_space<hbm>> -> memref<4x32xi32, #tpu.memory_space<hbm>>
      tpu.enqueue_dma source(%dma_start3A_118 : memref<4x32xi32, #tpu.memory_space<hbm>>) target(%arg7 : memref<4x32xi32, #tpu.memory_space<vmem>>) target_semaphore(%run_scoped3A : memref<!tpu.dma_semaphore, #tpu.memory_space<semaphore_mem>>)
      %dma_wait3A_119 = arith.constant 0 : i32
      %dma_wait3A_120 = arith.constant 0 : i32
      %dma_wait3A_121 = tpu.memref_slice %arg3[%add3A, %dma_wait3A_119, %dma_wait3A_120] : memref<32x4x32xi32, #tpu.memory_space<hbm>> -> memref<1x4x32xi32, #tpu.memory_space<hbm>>
      %dma_wait3A_122 = tpu.memref_squeeze %dma_wait3A_121 : memref<1x4x32xi32, #tpu.memory_space<hbm>> -> memref<4x32xi32, #tpu.memory_space<hbm>>
      %dma_wait3A_123 = arith.constant 0 : i32
      %dma_wait3A_124 = arith.constant 0 : i32
      %dma_wait3A_125 = tpu.memref_slice %arg3[%add3A, %dma_wait3A_123, %dma_wait3A_124] : memref<32x4x32xi32, #tpu.memory_space<hbm>> -> memref<1x4x32xi32, #tpu.memory_space<hbm>>
      %dma_wait3A_126 = tpu.memref_squeeze %dma_wait3A_125 : memref<1x4x32xi32, #tpu.memory_space<hbm>> -> memref<4x32xi32, #tpu.memory_space<hbm>>
      tpu.wait_dma2 semaphore(%run_scoped3A : memref<!tpu.dma_semaphore, #tpu.memory_space<semaphore_mem>>) src(%dma_wait3A_126 : memref<4x32xi32, #tpu.memory_space<hbm>>) dst(%arg7 : memref<4x32xi32, #tpu.memory_space<vmem>>)
      tpu.yield
    }) : () -> ()
    "tpu.region"() ({
      %run_scoped3A = tpu.sem_alloc : memref<!tpu.dma_semaphore, #tpu.memory_space<semaphore_mem>>
      %dma_start3A_111 = arith.constant 0 : i32
      %dma_start3A_112 = arith.constant 0 : i32
      %dma_start3A_113 = tpu.memref_slice %arg4[%add3A, %dma_start3A_111, %dma_start3A_112] : memref<32x8x16xi32, #tpu.memory_space<hbm>> -> memref<1x8x16xi32, #tpu.memory_space<hbm>>
      %dma_start3A_114 = tpu.memref_squeeze %dma_start3A_113 : memref<1x8x16xi32, #tpu.memory_space<hbm>> -> memref<8x16xi32, #tpu.memory_space<hbm>>
      %dma_start3A_115 = arith.constant 0 : i32
      %dma_start3A_116 = arith.constant 0 : i32
      %dma_start3A_117 = tpu.memref_slice %arg4[%add3A, %dma_start3A_115, %dma_start3A_116] : memref<32x8x16xi32, #tpu.memory_space<hbm>> -> memref<1x8x16xi32, #tpu.memory_space<hbm>>
      %dma_start3A_118 = tpu.memref_squeeze %dma_start3A_117 : memref<1x8x16xi32, #tpu.memory_space<hbm>> -> memref<8x16xi32, #tpu.memory_space<hbm>>
      tpu.enqueue_dma source(%dma_start3A_118 : memref<8x16xi32, #tpu.memory_space<hbm>>) target(%arg8 : memref<8x16xi32, #tpu.memory_space<vmem>>) target_semaphore(%run_scoped3A : memref<!tpu.dma_semaphore, #tpu.memory_space<semaphore_mem>>)
      %dma_wait3A_119 = arith.constant 0 : i32
      %dma_wait3A_120 = arith.constant 0 : i32
      %dma_wait3A_121 = tpu.memref_slice %arg4[%add3A, %dma_wait3A_119, %dma_wait3A_120] : memref<32x8x16xi32, #tpu.memory_space<hbm>> -> memref<1x8x16xi32, #tpu.memory_space<hbm>>
      %dma_wait3A_122 = tpu.memref_squeeze %dma_wait3A_121 : memref<1x8x16xi32, #tpu.memory_space<hbm>> -> memref<8x16xi32, #tpu.memory_space<hbm>>
      %dma_wait3A_123 = arith.constant 0 : i32
      %dma_wait3A_124 = arith.constant 0 : i32
      %dma_wait3A_125 = tpu.memref_slice %arg4[%add3A, %dma_wait3A_123, %dma_wait3A_124] : memref<32x8x16xi32, #tpu.memory_space<hbm>> -> memref<1x8x16xi32, #tpu.memory_space<hbm>>
      %dma_wait3A_126 = tpu.memref_squeeze %dma_wait3A_125 : memref<1x8x16xi32, #tpu.memory_space<hbm>> -> memref<8x16xi32, #tpu.memory_space<hbm>>
      tpu.wait_dma2 semaphore(%run_scoped3A : memref<!tpu.dma_semaphore, #tpu.memory_space<semaphore_mem>>) src(%dma_wait3A_126 : memref<8x16xi32, #tpu.memory_space<hbm>>) dst(%arg8 : memref<8x16xi32, #tpu.memory_space<vmem>>)
      tpu.yield
    }) : () -> ()
    %scan3A = arith.constant 0 : i32
    %scan3A_3 = arith.constant 0 : i32
    %scan3A_4 = arith.constant 8 : i32
    %scan3A_5 = arith.addi %scan3A_3, %scan3A_4 : i32
    %scan3A_6 = arith.constant 1 : i32
    %scan3A_7 = scf.for %scan3A_111 = %scan3A_3 to %scan3A_5 step %scan3A_6 iter_args(%scan3A_112 = %scan3A) -> (i32)  : i32 {
      %get3A = arith.index_cast %scan3A_111 : i32 to index
      %get3A_113 = arith.constant 0 : index
      %get3A_114 = tpu.vector_load %arg8[%get3A, %get3A_113] {strides = array<i32>} : memref<8x16xi32, #tpu.memory_space<vmem>>, vector<1x16xi32>,
      %get3A_115 = vector.shape_cast %get3A_114 : vector<1x16xi32> to vector<16xi32>
      %slice3A = vector.extract_strided_slice %get3A_115 {offsets = [0], sizes = [1], strides = [1]} : vector<16xi32> to vector<1xi32>
      %squeeze3A = vector.extract %slice3A[0] : i32 from vector<1xi32>
      %broadcast_in_dim3A = vector.broadcast %squeeze3A : i32 to vector<16xi32>
      %mul3A_116 = arith.constant 16 : i32
      %mul3A_117 = arith.muli %scan3A_111, %mul3A_116 : i32
      %add3A_118 = arith.constant 0 : i32
      %add3A_119 = arith.addi %mul3A_117, %add3A_118 : i32
      %swap3A = arith.index_cast %add3A_119 : i32 to index
      %swap3A_120 = arith.constant 0 : index
      %swap3A_121 = tpu.vector_load %arg9[%swap3A, %swap3A_120] {strides = array<i32>} : memref<128x16xi32, #tpu.memory_space<vmem>>, vector<1x16xi32>,
      %swap3A_122 = vector.shape_cast %swap3A_121 : vector<1x16xi32> to vector<16xi32>
      %swap3A_123 = vector.shape_cast %broadcast_in_dim3A : vector<16xi32> to vector<1x16xi32>
      tpu.vector_store %arg9[%swap3A, %swap3A_120], %swap3A_123 {strides = array<i32>} : memref<128x16xi32, #tpu.memory_space<vmem>>, vector<1x16xi32>,
      %slice3A_124 = vector.extract_strided_slice %get3A_115 {offsets = [1], sizes = [1], strides = [1]} : vector<16xi32> to vector<1xi32>
      %squeeze3A_125 = vector.extract %slice3A_124[0] : i32 from vector<1xi32>
      %broadcast_in_dim3A_126 = vector.broadcast %squeeze3A_125 : i32 to vector<16xi32>
      %mul3A_127 = arith.constant 16 : i32
      %mul3A_128 = arith.muli %scan3A_111, %mul3A_127 : i32
      %add3A_129 = arith.constant 1 : i32
      %add3A_130 = arith.addi %mul3A_128, %add3A_129 : i32
      %swap3A_131 = arith.index_cast %add3A_130 : i32 to index
      %swap3A_132 = arith.constant 0 : index
      %swap3A_133 = tpu.vector_load %arg9[%swap3A_131, %swap3A_132] {strides = array<i32>} : memref<128x16xi32, #tpu.memory_space<vmem>>, vector<1x16xi32>,
      %swap3A_134 = vector.shape_cast %swap3A_133 : vector<1x16xi32> to vector<16xi32>
      %swap3A_135 = vector.shape_cast %broadcast_in_dim3A_126 : vector<16xi32> to vector<1x16xi32>
      tpu.vector_store %arg9[%swap3A_131, %swap3A_132], %swap3A_135 {strides = array<i32>} : memref<128x16xi32, #tpu.memory_space<vmem>>, vector<1x16xi32>,
      %slice3A_136 = vector.extract_strided_slice %get3A_115 {offsets = [2], sizes = [1], strides = [1]} : vector<16xi32> to vector<1xi32>
      %squeeze3A_137 = vector.extract %slice3A_136[0] : i32 from vector<1xi32>
      %broadcast_in_dim3A_138 = vector.broadcast %squeeze3A_137 : i32 to vector<16xi32>
      %mul3A_139 = arith.constant 16 : i32
      %mul3A_140 = arith.muli %scan3A_111, %mul3A_139 : i32
      %add3A_141 = arith.constant 2 : i32
      %add3A_142 = arith.addi %mul3A_140, %add3A_141 : i32
      %swap3A_143 = arith.index_cast %add3A_142 : i32 to index
      %swap3A_144 = arith.constant 0 : index
      %swap3A_145 = tpu.vector_load %arg9[%swap3A_143, %swap3A_144] {strides = array<i32>} : memref<128x16xi32, #tpu.memory_space<vmem>>, vector<1x16xi32>,
      %swap3A_146 = vector.shape_cast %swap3A_145 : vector<1x16xi32> to vector<16xi32>
      %swap3A_147 = vector.shape_cast %broadcast_in_dim3A_138 : vector<16xi32> to vector<1x16xi32>
      tpu.vector_store %arg9[%swap3A_143, %swap3A_144], %swap3A_147 {strides = array<i32>} : memref<128x16xi32, #tpu.memory_space<vmem>>, vector<1x16xi32>,
      %slice3A_148 = vector.extract_strided_slice %get3A_115 {offsets = [3], sizes = [1], strides = [1]} : vector<16xi32> to vector<1xi32>
      %squeeze3A_149 = vector.extract %slice3A_148[0] : i32 from vector<1xi32>
      %broadcast_in_dim3A_150 = vector.broadcast %squeeze3A_149 : i32 to vector<16xi32>
      %mul3A_151 = arith.constant 16 : i32
      %mul3A_152 = arith.muli %scan3A_111, %mul3A_151 : i32
      %add3A_153 = arith.constant 3 : i32
      %add3A_154 = arith.addi %mul3A_152, %add3A_153 : i32
      %swap3A_155 = arith.index_cast %add3A_154 : i32 to index
      %swap3A_156 = arith.constant 0 : index
      %swap3A_157 = tpu.vector_load %arg9[%swap3A_155, %swap3A_156] {strides = array<i32>} : memref<128x16xi32, #tpu.memory_space<vmem>>, vector<1x16xi32>,
      %swap3A_158 = vector.shape_cast %swap3A_157 : vector<1x16xi32> to vector<16xi32>
      %swap3A_159 = vector.shape_cast %broadcast_in_dim3A_150 : vector<16xi32> to vector<1x16xi32>
      tpu.vector_store %arg9[%swap3A_155, %swap3A_156], %swap3A_159 {strides = array<i32>} : memref<128x16xi32, #tpu.memory_space<vmem>>, vector<1x16xi32>,
      %slice3A_160 = vector.extract_strided_slice %get3A_115 {offsets = [4], sizes = [1], strides = [1]} : vector<16xi32> to vector<1xi32>
      %squeeze3A_161 = vector.extract %slice3A_160[0] : i32 from vector<1xi32>
      %broadcast_in_dim3A_162 = vector.broadcast %squeeze3A_161 : i32 to vector<16xi32>
      %mul3A_163 = arith.constant 16 : i32
      %mul3A_164 = arith.muli %scan3A_111, %mul3A_163 : i32
      %add3A_165 = arith.constant 4 : i32
      %add3A_166 = arith.addi %mul3A_164, %add3A_165 : i32
      %swap3A_167 = arith.index_cast %add3A_166 : i32 to index
      %swap3A_168 = arith.constant 0 : index
      %swap3A_169 = tpu.vector_load %arg9[%swap3A_167, %swap3A_168] {strides = array<i32>} : memref<128x16xi32, #tpu.memory_space<vmem>>, vector<1x16xi32>,
      %swap3A_170 = vector.shape_cast %swap3A_169 : vector<1x16xi32> to vector<16xi32>
      %swap3A_171 = vector.shape_cast %broadcast_in_dim3A_162 : vector<16xi32> to vector<1x16xi32>
      tpu.vector_store %arg9[%swap3A_167, %swap3A_168], %swap3A_171 {strides = array<i32>} : memref<128x16xi32, #tpu.memory_space<vmem>>, vector<1x16xi32>,
      %slice3A_172 = vector.extract_strided_slice %get3A_115 {offsets = [5], sizes = [1], strides = [1]} : vector<16xi32> to vector<1xi32>
      %squeeze3A_173 = vector.extract %slice3A_172[0] : i32 from vector<1xi32>
      %broadcast_in_dim3A_174 = vector.broadcast %squeeze3A_173 : i32 to vector<16xi32>
      %mul3A_175 = arith.constant 16 : i32
      %mul3A_176 = arith.muli %scan3A_111, %mul3A_175 : i32
      %add3A_177 = arith.constant 5 : i32
      %add3A_178 = arith.addi %mul3A_176, %add3A_177 : i32
      %swap3A_179 = arith.index_cast %add3A_178 : i32 to index
      %swap3A_180 = arith.constant 0 : index
      %swap3A_181 = tpu.vector_load %arg9[%swap3A_179, %swap3A_180] {strides = array<i32>} : memref<128x16xi32, #tpu.memory_space<vmem>>, vector<1x16xi32>,
      %swap3A_182 = vector.shape_cast %swap3A_181 : vector<1x16xi32> to vector<16xi32>
      %swap3A_183 = vector.shape_cast %broadcast_in_dim3A_174 : vector<16xi32> to vector<1x16xi32>
      tpu.vector_store %arg9[%swap3A_179, %swap3A_180], %swap3A_183 {strides = array<i32>} : memref<128x16xi32, #tpu.memory_space<vmem>>, vector<1x16xi32>,
      %slice3A_184 = vector.extract_strided_slice %get3A_115 {offsets = [6], sizes = [1], strides = [1]} : vector<16xi32> to vector<1xi32>
      %squeeze3A_185 = vector.extract %slice3A_184[0] : i32 from vector<1xi32>
      %broadcast_in_dim3A_186 = vector.broadcast %squeeze3A_185 : i32 to vector<16xi32>
      %mul3A_187 = arith.constant 16 : i32
      %mul3A_188 = arith.muli %scan3A_111, %mul3A_187 : i32
      %add3A_189 = arith.constant 6 : i32
      %add3A_190 = arith.addi %mul3A_188, %add3A_189 : i32
      %swap3A_191 = arith.index_cast %add3A_190 : i32 to index
      %swap3A_192 = arith.constant 0 : index
      %swap3A_193 = tpu.vector_load %arg9[%swap3A_191, %swap3A_192] {strides = array<i32>} : memref<128x16xi32, #tpu.memory_space<vmem>>, vector<1x16xi32>,
      %swap3A_194 = vector.shape_cast %swap3A_193 : vector<1x16xi32> to vector<16xi32>
      %swap3A_195 = vector.shape_cast %broadcast_in_dim3A_186 : vector<16xi32> to vector<1x16xi32>
      tpu.vector_store %arg9[%swap3A_191, %swap3A_192], %swap3A_195 {strides = array<i32>} : memref<128x16xi32, #tpu.memory_space<vmem>>, vector<1x16xi32>,
      %slice3A_196 = vector.extract_strided_slice %get3A_115 {offsets = [7], sizes = [1], strides = [1]} : vector<16xi32> to vector<1xi32>
      %squeeze3A_197 = vector.extract %slice3A_196[0] : i32 from vector<1xi32>
      %broadcast_in_dim3A_198 = vector.broadcast %squeeze3A_197 : i32 to vector<16xi32>
      %mul3A_199 = arith.constant 16 : i32
      %mul3A_200 = arith.muli %scan3A_111, %mul3A_199 : i32
      %add3A_201 = arith.constant 7 : i32
      %add3A_202 = arith.addi %mul3A_200, %add3A_201 : i32
      %swap3A_203 = arith.index_cast %add3A_202 : i32 to index
      %swap3A_204 = arith.constant 0 : index
      %swap3A_205 = tpu.vector_load %arg9[%swap3A_203, %swap3A_204] {strides = array<i32>} : memref<128x16xi32, #tpu.memory_space<vmem>>, vector<1x16xi32>,
      %swap3A_206 = vector.shape_cast %swap3A_205 : vector<1x16xi32> to vector<16xi32>
      %swap3A_207 = vector.shape_cast %broadcast_in_dim3A_198 : vector<16xi32> to vector<1x16xi32>
      tpu.vector_store %arg9[%swap3A_203, %swap3A_204], %swap3A_207 {strides = array<i32>} : memref<128x16xi32, #tpu.memory_space<vmem>>, vector<1x16xi32>,
      %slice3A_208 = vector.extract_strided_slice %get3A_115 {offsets = [8], sizes = [1], strides = [1]} : vector<16xi32> to vector<1xi32>
      %squeeze3A_209 = vector.extract %slice3A_208[0] : i32 from vector<1xi32>
      %broadcast_in_dim3A_210 = vector.broadcast %squeeze3A_209 : i32 to vector<16xi32>
      %mul3A_211 = arith.constant 16 : i32
      %mul3A_212 = arith.muli %scan3A_111, %mul3A_211 : i32
      %add3A_213 = arith.constant 8 : i32
      %add3A_214 = arith.addi %mul3A_212, %add3A_213 : i32
      %swap3A_215 = arith.index_cast %add3A_214 : i32 to index
      %swap3A_216 = arith.constant 0 : index
      %swap3A_217 = tpu.vector_load %arg9[%swap3A_215, %swap3A_216] {strides = array<i32>} : memref<128x16xi32, #tpu.memory_space<vmem>>, vector<1x16xi32>,
      %swap3A_218 = vector.shape_cast %swap3A_217 : vector<1x16xi32> to vector<16xi32>
      %swap3A_219 = vector.shape_cast %broadcast_in_dim3A_210 : vector<16xi32> to vector<1x16xi32>
      tpu.vector_store %arg9[%swap3A_215, %swap3A_216], %swap3A_219 {strides = array<i32>} : memref<128x16xi32, #tpu.memory_space<vmem>>, vector<1x16xi32>,
      %slice3A_220 = vector.extract_strided_slice %get3A_115 {offsets = [9], sizes = [1], strides = [1]} : vector<16xi32> to vector<1xi32>
      %squeeze3A_221 = vector.extract %slice3A_220[0] : i32 from vector<1xi32>
      %broadcast_in_dim3A_222 = vector.broadcast %squeeze3A_221 : i32 to vector<16xi32>
      %mul3A_223 = arith.constant 16 : i32
      %mul3A_224 = arith.muli %scan3A_111, %mul3A_223 : i32
      %add3A_225 = arith.constant 9 : i32
      %add3A_226 = arith.addi %mul3A_224, %add3A_225 : i32
      %swap3A_227 = arith.index_cast %add3A_226 : i32 to index
      %swap3A_228 = arith.constant 0 : index
      %swap3A_229 = tpu.vector_load %arg9[%swap3A_227, %swap3A_228] {strides = array<i32>} : memref<128x16xi32, #tpu.memory_space<vmem>>, vector<1x16xi32>,
      %swap3A_230 = vector.shape_cast %swap3A_229 : vector<1x16xi32> to vector<16xi32>
      %swap3A_231 = vector.shape_cast %broadcast_in_dim3A_222 : vector<16xi32> to vector<1x16xi32>
      tpu.vector_store %arg9[%swap3A_227, %swap3A_228], %swap3A_231 {strides = array<i32>} : memref<128x16xi32, #tpu.memory_space<vmem>>, vector<1x16xi32>,
      %slice3A_232 = vector.extract_strided_slice %get3A_115 {offsets = [10], sizes = [1], strides = [1]} : vector<16xi32> to vector<1xi32>
      %squeeze3A_233 = vector.extract %slice3A_232[0] : i32 from vector<1xi32>
      %broadcast_in_dim3A_234 = vector.broadcast %squeeze3A_233 : i32 to vector<16xi32>
      %mul3A_235 = arith.constant 16 : i32
      %mul3A_236 = arith.muli %scan3A_111, %mul3A_235 : i32
      %add3A_237 = arith.constant 10 : i32
      %add3A_238 = arith.addi %mul3A_236, %add3A_237 : i32
      %swap3A_239 = arith.index_cast %add3A_238 : i32 to index
      %swap3A_240 = arith.constant 0 : index
      %swap3A_241 = tpu.vector_load %arg9[%swap3A_239, %swap3A_240] {strides = array<i32>} : memref<128x16xi32, #tpu.memory_space<vmem>>, vector<1x16xi32>,
      %swap3A_242 = vector.shape_cast %swap3A_241 : vector<1x16xi32> to vector<16xi32>
      %swap3A_243 = vector.shape_cast %broadcast_in_dim3A_234 : vector<16xi32> to vector<1x16xi32>
      tpu.vector_store %arg9[%swap3A_239, %swap3A_240], %swap3A_243 {strides = array<i32>} : memref<128x16xi32, #tpu.memory_space<vmem>>, vector<1x16xi32>,
      %slice3A_244 = vector.extract_strided_slice %get3A_115 {offsets = [11], sizes = [1], strides = [1]} : vector<16xi32> to vector<1xi32>
      %squeeze3A_245 = vector.extract %slice3A_244[0] : i32 from vector<1xi32>
      %broadcast_in_dim3A_246 = vector.broadcast %squeeze3A_245 : i32 to vector<16xi32>
      %mul3A_247 = arith.constant 16 : i32
      %mul3A_248 = arith.muli %scan3A_111, %mul3A_247 : i32
      %add3A_249 = arith.constant 11 : i32
      %add3A_250 = arith.addi %mul3A_248, %add3A_249 : i32
      %swap3A_251 = arith.index_cast %add3A_250 : i32 to index
      %swap3A_252 = arith.constant 0 : index
      %swap3A_253 = tpu.vector_load %arg9[%swap3A_251, %swap3A_252] {strides = array<i32>} : memref<128x16xi32, #tpu.memory_space<vmem>>, vector<1x16xi32>,
      %swap3A_254 = vector.shape_cast %swap3A_253 : vector<1x16xi32> to vector<16xi32>
      %swap3A_255 = vector.shape_cast %broadcast_in_dim3A_246 : vector<16xi32> to vector<1x16xi32>
      tpu.vector_store %arg9[%swap3A_251, %swap3A_252], %swap3A_255 {strides = array<i32>} : memref<128x16xi32, #tpu.memory_space<vmem>>, vector<1x16xi32>,
      %slice3A_256 = vector.extract_strided_slice %get3A_115 {offsets = [12], sizes = [1], strides = [1]} : vector<16xi32> to vector<1xi32>
      %squeeze3A_257 = vector.extract %slice3A_256[0] : i32 from vector<1xi32>
      %broadcast_in_dim3A_258 = vector.broadcast %squeeze3A_257 : i32 to vector<16xi32>
      %mul3A_259 = arith.constant 16 : i32
      %mul3A_260 = arith.muli %scan3A_111, %mul3A_259 : i32
      %add3A_261 = arith.constant 12 : i32
      %add3A_262 = arith.addi %mul3A_260, %add3A_261 : i32
      %swap3A_263 = arith.index_cast %add3A_262 : i32 to index
      %swap3A_264 = arith.constant 0 : index
      %swap3A_265 = tpu.vector_load %arg9[%swap3A_263, %swap3A_264] {strides = array<i32>} : memref<128x16xi32, #tpu.memory_space<vmem>>, vector<1x16xi32>,
      %swap3A_266 = vector.shape_cast %swap3A_265 : vector<1x16xi32> to vector<16xi32>
      %swap3A_267 = vector.shape_cast %broadcast_in_dim3A_258 : vector<16xi32> to vector<1x16xi32>
      tpu.vector_store %arg9[%swap3A_263, %swap3A_264], %swap3A_267 {strides = array<i32>} : memref<128x16xi32, #tpu.memory_space<vmem>>, vector<1x16xi32>,
      %slice3A_268 = vector.extract_strided_slice %get3A_115 {offsets = [13], sizes = [1], strides = [1]} : vector<16xi32> to vector<1xi32>
      %squeeze3A_269 = vector.extract %slice3A_268[0] : i32 from vector<1xi32>
      %broadcast_in_dim3A_270 = vector.broadcast %squeeze3A_269 : i32 to vector<16xi32>
      %mul3A_271 = arith.constant 16 : i32
      %mul3A_272 = arith.muli %scan3A_111, %mul3A_271 : i32
      %add3A_273 = arith.constant 13 : i32
      %add3A_274 = arith.addi %mul3A_272, %add3A_273 : i32
      %swap3A_275 = arith.index_cast %add3A_274 : i32 to index
      %swap3A_276 = arith.constant 0 : index
      %swap3A_277 = tpu.vector_load %arg9[%swap3A_275, %swap3A_276] {strides = array<i32>} : memref<128x16xi32, #tpu.memory_space<vmem>>, vector<1x16xi32>,
      %swap3A_278 = vector.shape_cast %swap3A_277 : vector<1x16xi32> to vector<16xi32>
      %swap3A_279 = vector.shape_cast %broadcast_in_dim3A_270 : vector<16xi32> to vector<1x16xi32>
      tpu.vector_store %arg9[%swap3A_275, %swap3A_276], %swap3A_279 {strides = array<i32>} : memref<128x16xi32, #tpu.memory_space<vmem>>, vector<1x16xi32>,
      %slice3A_280 = vector.extract_strided_slice %get3A_115 {offsets = [14], sizes = [1], strides = [1]} : vector<16xi32> to vector<1xi32>
      %squeeze3A_281 = vector.extract %slice3A_280[0] : i32 from vector<1xi32>
      %broadcast_in_dim3A_282 = vector.broadcast %squeeze3A_281 : i32 to vector<16xi32>
      %mul3A_283 = arith.constant 16 : i32
      %mul3A_284 = arith.muli %scan3A_111, %mul3A_283 : i32
      %add3A_285 = arith.constant 14 : i32
      %add3A_286 = arith.addi %mul3A_284, %add3A_285 : i32
      %swap3A_287 = arith.index_cast %add3A_286 : i32 to index
      %swap3A_288 = arith.constant 0 : index
      %swap3A_289 = tpu.vector_load %arg9[%swap3A_287, %swap3A_288] {strides = array<i32>} : memref<128x16xi32, #tpu.memory_space<vmem>>, vector<1x16xi32>,
      %swap3A_290 = vector.shape_cast %swap3A_289 : vector<1x16xi32> to vector<16xi32>
      %swap3A_291 = vector.shape_cast %broadcast_in_dim3A_282 : vector<16xi32> to vector<1x16xi32>
      tpu.vector_store %arg9[%swap3A_287, %swap3A_288], %swap3A_291 {strides = array<i32>} : memref<128x16xi32, #tpu.memory_space<vmem>>, vector<1x16xi32>,
      %slice3A_292 = vector.extract_strided_slice %get3A_115 {offsets = [15], sizes = [1], strides = [1]} : vector<16xi32> to vector<1xi32>
      %squeeze3A_293 = vector.extract %slice3A_292[0] : i32 from vector<1xi32>
      %broadcast_in_dim3A_294 = vector.broadcast %squeeze3A_293 : i32 to vector<16xi32>
      %mul3A_295 = arith.constant 16 : i32
      %mul3A_296 = arith.muli %scan3A_111, %mul3A_295 : i32
      %add3A_297 = arith.constant 15 : i32
      %add3A_298 = arith.addi %mul3A_296, %add3A_297 : i32
      %swap3A_299 = arith.index_cast %add3A_298 : i32 to index
      %swap3A_300 = arith.constant 0 : index
      %swap3A_301 = tpu.vector_load %arg9[%swap3A_299, %swap3A_300] {strides = array<i32>} : memref<128x16xi32, #tpu.memory_space<vmem>>, vector<1x16xi32>,
      %swap3A_302 = vector.shape_cast %swap3A_301 : vector<1x16xi32> to vector<16xi32>
      %swap3A_303 = vector.shape_cast %broadcast_in_dim3A_294 : vector<16xi32> to vector<1x16xi32>
      tpu.vector_store %arg9[%swap3A_299, %swap3A_300], %swap3A_303 {strides = array<i32>} : memref<128x16xi32, #tpu.memory_space<vmem>>, vector<1x16xi32>,
      %scan3A_304 = arith.constant 0 : i32
      scf.yield %scan3A_304 : i32
    }
    %scan3A_8 = arith.constant 8 : i32
    %dma_start3A = arith.constant 0 : i32
    %dma_start3A_9 = tpu.memref_slice %arg6[%mul3A_2, %dma_start3A] : memref<4096x16xi32, #tpu.memory_space<hbm>> -> memref<128x16xi32, #tpu.memory_space<hbm>>
    %dma_start3A_10 = arith.constant 0 : i32
    %dma_start3A_11 = tpu.memref_slice %arg6[%mul3A_2, %dma_start3A_10] : memref<4096x16xi32, #tpu.memory_space<hbm>> -> memref<128x16xi32, #tpu.memory_space<hbm>>
    tpu.enqueue_dma source(%arg9 : memref<128x16xi32, #tpu.memory_space<vmem>>) target(%dma_start3A_11 : memref<128x16xi32, #tpu.memory_space<hbm>>) target_semaphore(%arg16 : memref<!tpu.dma_semaphore, #tpu.memory_space<semaphore_mem>>)
    %dma_start3A_12 = arith.constant 0 : i32
    %dma_start3A_13 = arith.constant 0 : i32
    %dma_start3A_14 = tpu.memref_slice %arg7[%dma_start3A_12, %dma_start3A_13] : memref<4x32xi32, #tpu.memory_space<vmem>> -> memref<1x32xi32, #tpu.memory_space<vmem>>
    %dma_start3A_15 = tpu.memref_squeeze %dma_start3A_14 : memref<1x32xi32, #tpu.memory_space<vmem>> -> memref<32xi32, #tpu.memory_space<vmem>>
    %dma_start3A_16 = arith.constant 0 : i32
    %dma_start3A_17 = arith.constant 0 : i32
    %dma_start3A_18 = tpu.memref_slice %arg2[%dma_start3A_16, %dma_start3A_17] : memref<100000x1024xf32, #tpu.memory_space<hbm>> -> memref<100000x1024xf32, #tpu.memory_space<hbm>>
    tpu.enqueue_indirect_dma source(%dma_start3A_18 : memref<100000x1024xf32, #tpu.memory_space<hbm>>) target(%arg10 : memref<32x1024xf32, #tpu.memory_space<vmem>>) offsets(%dma_start3A_15 : memref<32xi32, #tpu.memory_space<vmem>>) semaphore(%arg12 : memref<!tpu.dma_semaphore, #tpu.memory_space<semaphore_mem>>)
    %dma_start3A_19 = arith.constant 1 : i32
    %dma_start3A_20 = arith.constant 0 : i32
    %dma_start3A_21 = tpu.memref_slice %arg7[%dma_start3A_19, %dma_start3A_20] : memref<4x32xi32, #tpu.memory_space<vmem>> -> memref<1x32xi32, #tpu.memory_space<vmem>>
    %dma_start3A_22 = tpu.memref_squeeze %dma_start3A_21 : memref<1x32xi32, #tpu.memory_space<vmem>> -> memref<32xi32, #tpu.memory_space<vmem>>
    %dma_start3A_23 = arith.constant 0 : i32
    %dma_start3A_24 = arith.constant 0 : i32
    %dma_start3A_25 = tpu.memref_slice %arg2[%dma_start3A_23, %dma_start3A_24] : memref<100000x1024xf32, #tpu.memory_space<hbm>> -> memref<100000x1024xf32, #tpu.memory_space<hbm>>
    tpu.enqueue_indirect_dma source(%dma_start3A_25 : memref<100000x1024xf32, #tpu.memory_space<hbm>>) target(%arg11 : memref<32x1024xf32, #tpu.memory_space<vmem>>) offsets(%dma_start3A_22 : memref<32xi32, #tpu.memory_space<vmem>>) semaphore(%arg13 : memref<!tpu.dma_semaphore, #tpu.memory_space<semaphore_mem>>)
    %dma_wait3A = arith.constant 0 : i32
    %dma_wait3A_26 = arith.constant 0 : i32
    %dma_wait3A_27 = tpu.memref_slice %arg7[%dma_wait3A, %dma_wait3A_26] : memref<4x32xi32, #tpu.memory_space<vmem>> -> memref<1x32xi32, #tpu.memory_space<vmem>>
    %dma_wait3A_28 = tpu.memref_squeeze %dma_wait3A_27 : memref<1x32xi32, #tpu.memory_space<vmem>> -> memref<32xi32, #tpu.memory_space<vmem>>
    %dma_wait3A_29 = arith.constant 0 : i32
    %dma_wait3A_30 = arith.constant 0 : i32
    %dma_wait3A_31 = tpu.memref_slice %arg2[%dma_wait3A_29, %dma_wait3A_30] : memref<100000x1024xf32, #tpu.memory_space<hbm>> -> memref<100000x1024xf32, #tpu.memory_space<hbm>>
    tpu.wait_indirect_dma semaphore(%arg12 : memref<!tpu.dma_semaphore, #tpu.memory_space<semaphore_mem>>) src(%dma_wait3A_31 : memref<100000x1024xf32, #tpu.memory_space<hbm>>) dst(%arg10 : memref<32x1024xf32, #tpu.memory_space<vmem>>)
    %add3A_32 = arith.constant 0 : i32
    %add3A_33 = arith.addi %mul3A_2, %add3A_32 : i32
    %dma_start3A_34 = arith.constant 0 : i32
    %dma_start3A_35 = tpu.memref_slice %arg5[%add3A_33, %dma_start3A_34] : memref<4096x1024xf32, #tpu.memory_space<hbm>> -> memref<32x1024xf32, #tpu.memory_space<hbm>>
    %dma_start3A_36 = arith.constant 0 : i32
    %dma_start3A_37 = tpu.memref_slice %arg5[%add3A_33, %dma_start3A_36] : memref<4096x1024xf32, #tpu.memory_space<hbm>> -> memref<32x1024xf32, #tpu.memory_space<hbm>>
    tpu.enqueue_dma source(%arg10 : memref<32x1024xf32, #tpu.memory_space<vmem>>) target(%dma_start3A_37 : memref<32x1024xf32, #tpu.memory_space<hbm>>) target_semaphore(%arg14 : memref<!tpu.dma_semaphore, #tpu.memory_space<semaphore_mem>>)
    %dma_wait3A_38 = arith.constant 0 : i32
    %dma_wait3A_39 = tpu.memref_slice %arg5[%add3A_33, %dma_wait3A_38] : memref<4096x1024xf32, #tpu.memory_space<hbm>> -> memref<32x1024xf32, #tpu.memory_space<hbm>>
    %dma_wait3A_40 = arith.constant 0 : i32
    %dma_wait3A_41 = tpu.memref_slice %arg5[%add3A_33, %dma_wait3A_40] : memref<4096x1024xf32, #tpu.memory_space<hbm>> -> memref<32x1024xf32, #tpu.memory_space<hbm>>
    tpu.wait_dma2 semaphore(%arg14 : memref<!tpu.dma_semaphore, #tpu.memory_space<semaphore_mem>>) src(%arg10 : memref<32x1024xf32, #tpu.memory_space<vmem>>) dst(%dma_wait3A_41 : memref<32x1024xf32, #tpu.memory_space<hbm>>)
    %dma_start3A_42 = arith.constant 2 : i32
    %dma_start3A_43 = arith.constant 0 : i32
    %dma_start3A_44 = tpu.memref_slice %arg7[%dma_start3A_42, %dma_start3A_43] : memref<4x32xi32, #tpu.memory_space<vmem>> -> memref<1x32xi32, #tpu.memory_space<vmem>>
    %dma_start3A_45 = tpu.memref_squeeze %dma_start3A_44 : memref<1x32xi32, #tpu.memory_space<vmem>> -> memref<32xi32, #tpu.memory_space<vmem>>
    %dma_start3A_46 = arith.constant 0 : i32
    %dma_start3A_47 = arith.constant 0 : i32
    %dma_start3A_48 = tpu.memref_slice %arg2[%dma_start3A_46, %dma_start3A_47] : memref<100000x1024xf32, #tpu.memory_space<hbm>> -> memref<100000x1024xf32, #tpu.memory_space<hbm>>
    tpu.enqueue_indirect_dma source(%dma_start3A_48 : memref<100000x1024xf32, #tpu.memory_space<hbm>>) target(%arg10 : memref<32x1024xf32, #tpu.memory_space<vmem>>) offsets(%dma_start3A_45 : memref<32xi32, #tpu.memory_space<vmem>>) semaphore(%arg12 : memref<!tpu.dma_semaphore, #tpu.memory_space<semaphore_mem>>)
    %dma_wait3A_49 = arith.constant 1 : i32
    %dma_wait3A_50 = arith.constant 0 : i32
    %dma_wait3A_51 = tpu.memref_slice %arg7[%dma_wait3A_49, %dma_wait3A_50] : memref<4x32xi32, #tpu.memory_space<vmem>> -> memref<1x32xi32, #tpu.memory_space<vmem>>
    %dma_wait3A_52 = tpu.memref_squeeze %dma_wait3A_51 : memref<1x32xi32, #tpu.memory_space<vmem>> -> memref<32xi32, #tpu.memory_space<vmem>>
    %dma_wait3A_53 = arith.constant 0 : i32
    %dma_wait3A_54 = arith.constant 0 : i32
    %dma_wait3A_55 = tpu.memref_slice %arg2[%dma_wait3A_53, %dma_wait3A_54] : memref<100000x1024xf32, #tpu.memory_space<hbm>> -> memref<100000x1024xf32, #tpu.memory_space<hbm>>
    tpu.wait_indirect_dma semaphore(%arg13 : memref<!tpu.dma_semaphore, #tpu.memory_space<semaphore_mem>>) src(%dma_wait3A_55 : memref<100000x1024xf32, #tpu.memory_space<hbm>>) dst(%arg11 : memref<32x1024xf32, #tpu.memory_space<vmem>>)
    %add3A_56 = arith.constant 32 : i32
    %add3A_57 = arith.addi %mul3A_2, %add3A_56 : i32
    %dma_start3A_58 = arith.constant 0 : i32
    %dma_start3A_59 = tpu.memref_slice %arg5[%add3A_57, %dma_start3A_58] : memref<4096x1024xf32, #tpu.memory_space<hbm>> -> memref<32x1024xf32, #tpu.memory_space<hbm>>
    %dma_start3A_60 = arith.constant 0 : i32
    %dma_start3A_61 = tpu.memref_slice %arg5[%add3A_57, %dma_start3A_60] : memref<4096x1024xf32, #tpu.memory_space<hbm>> -> memref<32x1024xf32, #tpu.memory_space<hbm>>
    tpu.enqueue_dma source(%arg11 : memref<32x1024xf32, #tpu.memory_space<vmem>>) target(%dma_start3A_61 : memref<32x1024xf32, #tpu.memory_space<hbm>>) target_semaphore(%arg15 : memref<!tpu.dma_semaphore, #tpu.memory_space<semaphore_mem>>)
    %dma_wait3A_62 = arith.constant 0 : i32
    %dma_wait3A_63 = tpu.memref_slice %arg5[%add3A_57, %dma_wait3A_62] : memref<4096x1024xf32, #tpu.memory_space<hbm>> -> memref<32x1024xf32, #tpu.memory_space<hbm>>
    %dma_wait3A_64 = arith.constant 0 : i32
    %dma_wait3A_65 = tpu.memref_slice %arg5[%add3A_57, %dma_wait3A_64] : memref<4096x1024xf32, #tpu.memory_space<hbm>> -> memref<32x1024xf32, #tpu.memory_space<hbm>>
    tpu.wait_dma2 semaphore(%arg15 : memref<!tpu.dma_semaphore, #tpu.memory_space<semaphore_mem>>) src(%arg11 : memref<32x1024xf32, #tpu.memory_space<vmem>>) dst(%dma_wait3A_65 : memref<32x1024xf32, #tpu.memory_space<hbm>>)
    %dma_start3A_66 = arith.constant 3 : i32
    %dma_start3A_67 = arith.constant 0 : i32
    %dma_start3A_68 = tpu.memref_slice %arg7[%dma_start3A_66, %dma_start3A_67] : memref<4x32xi32, #tpu.memory_space<vmem>> -> memref<1x32xi32, #tpu.memory_space<vmem>>
    %dma_start3A_69 = tpu.memref_squeeze %dma_start3A_68 : memref<1x32xi32, #tpu.memory_space<vmem>> -> memref<32xi32, #tpu.memory_space<vmem>>
    %dma_start3A_70 = arith.constant 0 : i32
    %dma_start3A_71 = arith.constant 0 : i32
    %dma_start3A_72 = tpu.memref_slice %arg2[%dma_start3A_70, %dma_start3A_71] : memref<100000x1024xf32, #tpu.memory_space<hbm>> -> memref<100000x1024xf32, #tpu.memory_space<hbm>>
    tpu.enqueue_indirect_dma source(%dma_start3A_72 : memref<100000x1024xf32, #tpu.memory_space<hbm>>) target(%arg11 : memref<32x1024xf32, #tpu.memory_space<vmem>>) offsets(%dma_start3A_69 : memref<32xi32, #tpu.memory_space<vmem>>) semaphore(%arg13 : memref<!tpu.dma_semaphore, #tpu.memory_space<semaphore_mem>>)
    %dma_wait3A_73 = arith.constant 2 : i32
    %dma_wait3A_74 = arith.constant 0 : i32
    %dma_wait3A_75 = tpu.memref_slice %arg7[%dma_wait3A_73, %dma_wait3A_74] : memref<4x32xi32, #tpu.memory_space<vmem>> -> memref<1x32xi32, #tpu.memory_space<vmem>>
    %dma_wait3A_76 = tpu.memref_squeeze %dma_wait3A_75 : memref<1x32xi32, #tpu.memory_space<vmem>> -> memref<32xi32, #tpu.memory_space<vmem>>
    %dma_wait3A_77 = arith.constant 0 : i32
    %dma_wait3A_78 = arith.constant 0 : i32
    %dma_wait3A_79 = tpu.memref_slice %arg2[%dma_wait3A_77, %dma_wait3A_78] : memref<100000x1024xf32, #tpu.memory_space<hbm>> -> memref<100000x1024xf32, #tpu.memory_space<hbm>>
    tpu.wait_indirect_dma semaphore(%arg12 : memref<!tpu.dma_semaphore, #tpu.memory_space<semaphore_mem>>) src(%dma_wait3A_79 : memref<100000x1024xf32, #tpu.memory_space<hbm>>) dst(%arg10 : memref<32x1024xf32, #tpu.memory_space<vmem>>)
    %add3A_80 = arith.constant 64 : i32
    %add3A_81 = arith.addi %mul3A_2, %add3A_80 : i32
    %dma_start3A_82 = arith.constant 0 : i32
    %dma_start3A_83 = tpu.memref_slice %arg5[%add3A_81, %dma_start3A_82] : memref<4096x1024xf32, #tpu.memory_space<hbm>> -> memref<32x1024xf32, #tpu.memory_space<hbm>>
    %dma_start3A_84 = arith.constant 0 : i32
    %dma_start3A_85 = tpu.memref_slice %arg5[%add3A_81, %dma_start3A_84] : memref<4096x1024xf32, #tpu.memory_space<hbm>> -> memref<32x1024xf32, #tpu.memory_space<hbm>>
    tpu.enqueue_dma source(%arg10 : memref<32x1024xf32, #tpu.memory_space<vmem>>) target(%dma_start3A_85 : memref<32x1024xf32, #tpu.memory_space<hbm>>) target_semaphore(%arg14 : memref<!tpu.dma_semaphore, #tpu.memory_space<semaphore_mem>>)
    %dma_wait3A_86 = arith.constant 3 : i32
    %dma_wait3A_87 = arith.constant 0 : i32
    %dma_wait3A_88 = tpu.memref_slice %arg7[%dma_wait3A_86, %dma_wait3A_87] : memref<4x32xi32, #tpu.memory_space<vmem>> -> memref<1x32xi32, #tpu.memory_space<vmem>>
    %dma_wait3A_89 = tpu.memref_squeeze %dma_wait3A_88 : memref<1x32xi32, #tpu.memory_space<vmem>> -> memref<32xi32, #tpu.memory_space<vmem>>
    %dma_wait3A_90 = arith.constant 0 : i32
    %dma_wait3A_91 = arith.constant 0 : i32
    %dma_wait3A_92 = tpu.memref_slice %arg2[%dma_wait3A_90, %dma_wait3A_91] : memref<100000x1024xf32, #tpu.memory_space<hbm>> -> memref<100000x1024xf32, #tpu.memory_space<hbm>>
    tpu.wait_indirect_dma semaphore(%arg13 : memref<!tpu.dma_semaphore, #tpu.memory_space<semaphore_mem>>) src(%dma_wait3A_92 : memref<100000x1024xf32, #tpu.memory_space<hbm>>) dst(%arg11 : memref<32x1024xf32, #tpu.memory_space<vmem>>)
    %add3A_93 = arith.constant 96 : i32
    %add3A_94 = arith.addi %mul3A_2, %add3A_93 : i32
    %dma_start3A_95 = arith.constant 0 : i32
    %dma_start3A_96 = tpu.memref_slice %arg5[%add3A_94, %dma_start3A_95] : memref<4096x1024xf32, #tpu.memory_space<hbm>> -> memref<32x1024xf32, #tpu.memory_space<hbm>>
    %dma_start3A_97 = arith.constant 0 : i32
    %dma_start3A_98 = tpu.memref_slice %arg5[%add3A_94, %dma_start3A_97] : memref<4096x1024xf32, #tpu.memory_space<hbm>> -> memref<32x1024xf32, #tpu.memory_space<hbm>>
    tpu.enqueue_dma source(%arg11 : memref<32x1024xf32, #tpu.memory_space<vmem>>) target(%dma_start3A_98 : memref<32x1024xf32, #tpu.memory_space<hbm>>) target_semaphore(%arg15 : memref<!tpu.dma_semaphore, #tpu.memory_space<semaphore_mem>>)
    %dma_wait3A_99 = arith.constant 0 : i32
    %dma_wait3A_100 = tpu.memref_slice %arg5[%add3A_81, %dma_wait3A_99] : memref<4096x1024xf32, #tpu.memory_space<hbm>> -> memref<32x1024xf32, #tpu.memory_space<hbm>>
    %dma_wait3A_101 = arith.constant 0 : i32
    %dma_wait3A_102 = tpu.memref_slice %arg5[%add3A_81, %dma_wait3A_101] : memref<4096x1024xf32, #tpu.memory_space<hbm>> -> memref<32x1024xf32, #tpu.memory_space<hbm>>
    tpu.wait_dma2 semaphore(%arg14 : memref<!tpu.dma_semaphore, #tpu.memory_space<semaphore_mem>>) src(%arg10 : memref<32x1024xf32, #tpu.memory_space<vmem>>) dst(%dma_wait3A_102 : memref<32x1024xf32, #tpu.memory_space<hbm>>)
    %dma_wait3A_103 = arith.constant 0 : i32
    %dma_wait3A_104 = tpu.memref_slice %arg5[%add3A_94, %dma_wait3A_103] : memref<4096x1024xf32, #tpu.memory_space<hbm>> -> memref<32x1024xf32, #tpu.memory_space<hbm>>
    %dma_wait3A_105 = arith.constant 0 : i32
    %dma_wait3A_106 = tpu.memref_slice %arg5[%add3A_94, %dma_wait3A_105] : memref<4096x1024xf32, #tpu.memory_space<hbm>> -> memref<32x1024xf32, #tpu.memory_space<hbm>>
    tpu.wait_dma2 semaphore(%arg15 : memref<!tpu.dma_semaphore, #tpu.memory_space<semaphore_mem>>) src(%arg11 : memref<32x1024xf32, #tpu.memory_space<vmem>>) dst(%dma_wait3A_106 : memref<32x1024xf32, #tpu.memory_space<hbm>>)
    %dma_wait3A_107 = arith.constant 0 : i32
    %dma_wait3A_108 = tpu.memref_slice %arg6[%mul3A_2, %dma_wait3A_107] : memref<4096x16xi32, #tpu.memory_space<hbm>> -> memref<128x16xi32, #tpu.memory_space<hbm>>
    %dma_wait3A_109 = arith.constant 0 : i32
    %dma_wait3A_110 = tpu.memref_slice %arg6[%mul3A_2, %dma_wait3A_109] : memref<4096x16xi32, #tpu.memory_space<hbm>> -> memref<128x16xi32, #tpu.memory_space<hbm>>
    tpu.wait_dma2 semaphore(%arg16 : memref<!tpu.dma_semaphore, #tpu.memory_space<semaphore_mem>>) src(%arg9 : memref<128x16xi32, #tpu.memory_space<vmem>>) dst(%dma_wait3A_110 : memref<128x16xi32, #tpu.memory_space<hbm>>)
    return
  }
}

module attributes {stable_mosaic.version = 14 : i64} {
  func.func @body(%arg0: i32, %arg1: memref<16384x1024xf32, #tpu.memory_space<any>>, %arg2: memref<1024x1024xf32, #tpu.memory_space<vmem>>, %arg3: memref<32x1024xf32, #tpu.memory_space<vmem>>, %arg4: memref<32x1024xf32, #tpu.memory_space<vmem>>, %arg5: memref<1024x16xi32, #tpu.memory_space<vmem>>, %arg6: memref<1x1024xf32, #tpu.memory_space<vmem>>, %arg7: memref<1x1024xf32, #tpu.memory_space<vmem>>, %arg8: memref<1x1024xf32, #tpu.memory_space<vmem>>, %arg9: memref<1024x1024xf32, #tpu.memory_space<vmem>>) attributes {dimension_semantics = [#tpu.dimension_semantics<arbitrary>], iteration_bounds = array<i64: 4>, scalar_prefetch = 0 : i64, scratch_operands = 0 : i64, tpu.core_type = #tpu.core_type<tc>, window_params = [{}, {transform_indices = @transform_1, window_bounds = array<i64: 1024, 1024>}, {transform_indices = @transform_2, window_bounds = array<i64: 32, 1024>}, {pipeline_mode = #tpu.pipeline_mode<synchronous>, transform_indices = @transform_3, window_bounds = array<i64: 32, 1024>}, {transform_indices = @transform_4, window_bounds = array<i64: 1024, 16>}, {pipeline_mode = #tpu.pipeline_mode<synchronous>, transform_indices = @transform_5, window_bounds = array<i64: 1, 1024>}, {pipeline_mode = #tpu.pipeline_mode<synchronous>, transform_indices = @transform_6, window_bounds = array<i64: 1, 1024>}, {pipeline_mode = #tpu.pipeline_mode<synchronous>, transform_indices = @transform_7, window_bounds = array<i64: 1, 1024>}, {transform_indices = @transform_8, window_bounds = array<i64: 1024, 1024>}]} {
    %get3A = arith.constant 0 : index
    %get3A_0 = arith.constant 0 : index
    %get3A_1 = vector.load %arg2[%get3A, %get3A_0] : memref<1024x1024xf32, #tpu.memory_space<vmem>>, vector<1024x1024xf32>
    %reshape3A = vector.shape_cast %get3A_1 : vector<1024x1024xf32> to vector<32x32x1024xf32>
    %get3A_2 = arith.constant 0 : index
    %get3A_3 = arith.constant 0 : index
    %get3A_4 = vector.load %arg3[%get3A_2, %get3A_3] : memref<32x1024xf32, #tpu.memory_space<vmem>>, vector<32x1024xf32>
    %broadcast_in_dim3A = vector.shape_cast %get3A_4 : vector<32x1024xf32> to vector<32x1x1024xf32>
    %add3A = vector.broadcast %broadcast_in_dim3A : vector<32x1x1024xf32> to vector<32x32x1024xf32>
    %add3A_5 = arith.addf %reshape3A, %add3A : vector<32x32x1024xf32>
    %get3A_6 = arith.constant 0 : index
    %get3A_7 = arith.constant 0 : index
    %get3A_8 = vector.load %arg4[%get3A_6, %get3A_7] : memref<32x1024xf32, #tpu.memory_space<vmem>>, vector<32x1024xf32>
    %broadcast_in_dim3A_9 = vector.shape_cast %get3A_8 : vector<32x1024xf32> to vector<1x32x1024xf32>
    %add3A_10 = vector.broadcast %broadcast_in_dim3A_9 : vector<1x32x1024xf32> to vector<32x32x1024xf32>
    %add3A_11 = arith.addf %add3A_5, %add3A_10 : vector<32x32x1024xf32>
    %get3A_12 = arith.constant 0 : index
    %get3A_13 = arith.constant 0 : index
    %get3A_14 = vector.load %arg5[%get3A_12, %get3A_13] : memref<1024x16xi32, #tpu.memory_space<vmem>>, vector<1024x16xi32>
    %convert_element_type3A = arith.sitofp %get3A_14 : vector<1024x16xi32> to vector<1024x16xf32>
    %reduce_sum3A = arith.constant dense<0.000000e+00> : vector<1024xf32>
    %reduce_sum3A_15 = vector.multi_reduction <add>, %convert_element_type3A, %reduce_sum3A [1] : vector<1024x16xf32> to vector<1024xf32>
    %broadcast_in_dim3A_16 = vector.shape_cast %reduce_sum3A_15 : vector<1024xf32> to vector<1024x1xf32>
    %mul3A = arith.constant 6.250000e-02 : f32
    %mul3A_17 = vector.broadcast %mul3A : f32 to vector<1024x1xf32>
    %mul3A_18 = arith.mulf %broadcast_in_dim3A_16, %mul3A_17 : vector<1024x1xf32>
    %get3A_19 = arith.constant 0 : index
    %get3A_20 = arith.constant 0 : index
    %get3A_21 = vector.load %arg6[%get3A_19, %get3A_20] : memref<1x1024xf32, #tpu.memory_space<vmem>>, vector<1x1024xf32>
    %mul3A_22 = vector.broadcast %mul3A_18 : vector<1024x1xf32> to vector<1024x1024xf32>
    %mul3A_23 = vector.broadcast %get3A_21 : vector<1x1024xf32> to vector<1024x1024xf32>
    %mul3A_24 = arith.mulf %mul3A_22, %mul3A_23 : vector<1024x1024xf32>
    %reshape3A_25 = vector.shape_cast %mul3A_24 : vector<1024x1024xf32> to vector<32x32x1024xf32>
    %add3A_26 = arith.addf %add3A_11, %reshape3A_25 : vector<32x32x1024xf32>
    %reduce_sum3A_27 = arith.constant dense<0.000000e+00> : vector<32x32xf32>
    %reduce_sum3A_28 = vector.multi_reduction <add>, %add3A_26, %reduce_sum3A_27 [2] : vector<32x32x1024xf32> to vector<32x32xf32>
    %broadcast_in_dim3A_29 = vector.shape_cast %reduce_sum3A_28 : vector<32x32xf32> to vector<32x32x1xf32>
    %div3A = arith.constant 1.024000e+03 : f32
    %div3A_30 = vector.broadcast %div3A : f32 to vector<32x32x1xf32>
    %div3A_31 = arith.divf %broadcast_in_dim3A_29, %div3A_30 : vector<32x32x1xf32>
    %mul3A_32 = arith.mulf %add3A_26, %add3A_26 : vector<32x32x1024xf32>
    %reduce_sum3A_33 = arith.constant dense<0.000000e+00> : vector<32x32xf32>
    %reduce_sum3A_34 = vector.multi_reduction <add>, %mul3A_32, %reduce_sum3A_33 [2] : vector<32x32x1024xf32> to vector<32x32xf32>
    %broadcast_in_dim3A_35 = vector.shape_cast %reduce_sum3A_34 : vector<32x32xf32> to vector<32x32x1xf32>
    %div3A_36 = arith.constant 1.024000e+03 : f32
    %div3A_37 = vector.broadcast %div3A_36 : f32 to vector<32x32x1xf32>
    %div3A_38 = arith.divf %broadcast_in_dim3A_35, %div3A_37 : vector<32x32x1xf32>
    %mul3A_39 = arith.mulf %div3A_31, %div3A_31 : vector<32x32x1xf32>
    %sub3A = arith.subf %div3A_38, %mul3A_39 : vector<32x32x1xf32>
    %add3A_40 = arith.constant 9.99999996E-13 : f32
    %add3A_41 = vector.broadcast %add3A_40 : f32 to vector<32x32x1xf32>
    %add3A_42 = arith.addf %sub3A, %add3A_41 : vector<32x32x1xf32>
    %rsqrt3A = math.rsqrt %add3A_42 : vector<32x32x1xf32>
    %sub3A_43 = vector.broadcast %div3A_31 : vector<32x32x1xf32> to vector<32x32x1024xf32>
    %sub3A_44 = arith.subf %add3A_26, %sub3A_43 : vector<32x32x1024xf32>
    %mul3A_45 = vector.broadcast %rsqrt3A : vector<32x32x1xf32> to vector<32x32x1024xf32>
    %mul3A_46 = arith.mulf %sub3A_44, %mul3A_45 : vector<32x32x1024xf32>
    %get3A_47 = arith.constant 0 : index
    %get3A_48 = arith.constant 0 : index
    %get3A_49 = vector.load %arg7[%get3A_47, %get3A_48] : memref<1x1024xf32, #tpu.memory_space<vmem>>, vector<1x1024xf32>
    %broadcast_in_dim3A_50 = vector.shape_cast %get3A_49 : vector<1x1024xf32> to vector<1x1x1024xf32>
    %mul3A_51 = vector.broadcast %broadcast_in_dim3A_50 : vector<1x1x1024xf32> to vector<32x32x1024xf32>
    %mul3A_52 = arith.mulf %mul3A_46, %mul3A_51 : vector<32x32x1024xf32>
    %get3A_53 = arith.constant 0 : index
    %get3A_54 = arith.constant 0 : index
    %get3A_55 = vector.load %arg8[%get3A_53, %get3A_54] : memref<1x1024xf32, #tpu.memory_space<vmem>>, vector<1x1024xf32>
    %broadcast_in_dim3A_56 = vector.shape_cast %get3A_55 : vector<1x1024xf32> to vector<1x1x1024xf32>
    %add3A_57 = vector.broadcast %broadcast_in_dim3A_56 : vector<1x1x1024xf32> to vector<32x32x1024xf32>
    %add3A_58 = arith.addf %mul3A_52, %add3A_57 : vector<32x32x1024xf32>
    %reshape3A_59 = vector.shape_cast %add3A_58 : vector<32x32x1024xf32> to vector<1024x1024xf32>
    %swap3A = arith.constant 0 : index
    %swap3A_60 = arith.constant 0 : index
    %swap3A_61 = vector.load %arg9[%swap3A, %swap3A_60] : memref<1024x1024xf32, #tpu.memory_space<vmem>>, vector<1024x1024xf32>
    tpu.vector_store %arg9[%swap3A, %swap3A_60], %reshape3A_59 {strides = array<i32>} : memref<1024x1024xf32, #tpu.memory_space<vmem>>, vector<1024x1024xf32>,
    return
  }
  func.func @transform_1(%arg0: i32) -> (i32, i32) {
    %c0_i32 = arith.constant 0 : i32
    %c0_i32_0 = arith.constant 0 : i32
    return %arg0, %c0_i32 : i32, i32
  }
  func.func @transform_2(%arg0: i32) -> (i32, i32) {
    %jit3A = arith.constant 1 : i32
    %eq3A = arith.constant 0 : i32
    %eq3A_0 = arith.cmpi eq, %jit3A, %eq3A : i32
    %jit3A_1 = arith.constant 1 : i32
    %select_n3A = arith.select %eq3A_0, %jit3A_1, %jit3A : i32
    %rem3A = arith.remsi %arg0, %select_n3A : i32
    %ne3A = arith.constant 0 : i32
    %ne3A_2 = arith.cmpi ne, %rem3A, %ne3A : i32
    %lt3A = arith.constant 0 : i32
    %lt3A_3 = arith.cmpi slt, %rem3A, %lt3A : i32
    %lt3A_4 = arith.constant 0 : i32
    %lt3A_5 = arith.cmpi slt, %select_n3A, %lt3A_4 : i32
    %ne3A_6 = arith.xori %lt3A_3, %lt3A_5 : i1
    %and3A = arith.andi %ne3A_6, %ne3A_2 : i1
    %add3A = arith.addi %rem3A, %select_n3A : i32
    %select_n3A_7 = arith.select %and3A, %add3A, %rem3A : i32
    %c0_i32 = arith.constant 0 : i32
    %c0_i32_8 = arith.constant 0 : i32
    return %select_n3A_7, %c0_i32 : i32, i32
  }
  func.func @transform_3(%arg0: i32) -> (i32, i32) {
    %c0_i32 = arith.constant 0 : i32
    %c0_i32_0 = arith.constant 0 : i32
    %c0_i32_1 = arith.constant 0 : i32
    return %c0_i32, %c0_i32_0 : i32, i32
  }
  func.func @transform_4(%arg0: i32) -> (i32, i32) {
    %c0_i32 = arith.constant 0 : i32
    %c0_i32_0 = arith.constant 0 : i32
    return %arg0, %c0_i32 : i32, i32
  }
  func.func @transform_5(%arg0: i32) -> (i32, i32) {
    %c0_i32 = arith.constant 0 : i32
    %c0_i32_0 = arith.constant 0 : i32
    %c0_i32_1 = arith.constant 0 : i32
    return %c0_i32, %c0_i32_0 : i32, i32
  }
  func.func @transform_6(%arg0: i32) -> (i32, i32) {
    %c0_i32 = arith.constant 0 : i32
    %c0_i32_0 = arith.constant 0 : i32
    %c0_i32_1 = arith.constant 0 : i32
    return %c0_i32, %c0_i32_0 : i32, i32
  }
  func.func @transform_7(%arg0: i32) -> (i32, i32) {
    %c0_i32 = arith.constant 0 : i32
    %c0_i32_0 = arith.constant 0 : i32
    %c0_i32_1 = arith.constant 0 : i32
    return %c0_i32, %c0_i32_0 : i32, i32
  }
  func.func @transform_8(%arg0: i32) -> (i32, i32) {
    %add3A = arith.constant 4 : i32
    %add3A_0 = arith.addi %add3A, %arg0 : i32
    %c0_i32 = arith.constant 0 : i32
    %c0_i32_1 = arith.constant 0 : i32
    return %add3A_0, %c0_i32 : i32, i32
  }
}

module attributes {stable_mosaic.version = 14 : i64} {
  func.func @body(%arg0: i32, %arg1: memref<16384x1024xf32, #tpu.memory_space<any>>, %arg2: memref<1024x1024xf32, #tpu.memory_space<vmem>>, %arg3: memref<32x1024xf32, #tpu.memory_space<vmem>>, %arg4: memref<32x1024xf32, #tpu.memory_space<vmem>>, %arg5: memref<1024x16xi32, #tpu.memory_space<vmem>>, %arg6: memref<1x1024xf32, #tpu.memory_space<vmem>>, %arg7: memref<1x1024xf32, #tpu.memory_space<vmem>>, %arg8: memref<1x1024xf32, #tpu.memory_space<vmem>>, %arg9: memref<1024x1024xf32, #tpu.memory_space<vmem>>) attributes {dimension_semantics = [#tpu.dimension_semantics<arbitrary>], iteration_bounds = array<i64: 4>, scalar_prefetch = 0 : i64, scratch_operands = 0 : i64, tpu.core_type = #tpu.core_type<tc>, window_params = [{}, {transform_indices = @transform_1, window_bounds = array<i64: 1024, 1024>}, {transform_indices = @transform_2, window_bounds = array<i64: 32, 1024>}, {pipeline_mode = #tpu.pipeline_mode<synchronous>, transform_indices = @transform_3, window_bounds = array<i64: 32, 1024>}, {transform_indices = @transform_4, window_bounds = array<i64: 1024, 16>}, {pipeline_mode = #tpu.pipeline_mode<synchronous>, transform_indices = @transform_5, window_bounds = array<i64: 1, 1024>}, {pipeline_mode = #tpu.pipeline_mode<synchronous>, transform_indices = @transform_6, window_bounds = array<i64: 1, 1024>}, {pipeline_mode = #tpu.pipeline_mode<synchronous>, transform_indices = @transform_7, window_bounds = array<i64: 1, 1024>}, {transform_indices = @transform_8, window_bounds = array<i64: 1024, 1024>}]} {
    %get3A = arith.constant 0 : index
    %get3A_0 = arith.constant 0 : index
    %get3A_1 = vector.load %arg2[%get3A, %get3A_0] : memref<1024x1024xf32, #tpu.memory_space<vmem>>, vector<1024x1024xf32>
    %reshape3A = vector.shape_cast %get3A_1 : vector<1024x1024xf32> to vector<32x32x1024xf32>
    %get3A_2 = arith.constant 0 : index
    %get3A_3 = arith.constant 0 : index
    %get3A_4 = vector.load %arg3[%get3A_2, %get3A_3] : memref<32x1024xf32, #tpu.memory_space<vmem>>, vector<32x1024xf32>
    %broadcast_in_dim3A = vector.shape_cast %get3A_4 : vector<32x1024xf32> to vector<32x1x1024xf32>
    %add3A = vector.broadcast %broadcast_in_dim3A : vector<32x1x1024xf32> to vector<32x32x1024xf32>
    %add3A_5 = arith.addf %reshape3A, %add3A : vector<32x32x1024xf32>
    %get3A_6 = arith.constant 0 : index
    %get3A_7 = arith.constant 0 : index
    %get3A_8 = vector.load %arg4[%get3A_6, %get3A_7] : memref<32x1024xf32, #tpu.memory_space<vmem>>, vector<32x1024xf32>
    %broadcast_in_dim3A_9 = vector.shape_cast %get3A_8 : vector<32x1024xf32> to vector<1x32x1024xf32>
    %add3A_10 = vector.broadcast %broadcast_in_dim3A_9 : vector<1x32x1024xf32> to vector<32x32x1024xf32>
    %add3A_11 = arith.addf %add3A_5, %add3A_10 : vector<32x32x1024xf32>
    %get3A_12 = arith.constant 0 : index
    %get3A_13 = arith.constant 0 : index
    %get3A_14 = vector.load %arg5[%get3A_12, %get3A_13] : memref<1024x16xi32, #tpu.memory_space<vmem>>, vector<1024x16xi32>
    %convert_element_type3A = arith.sitofp %get3A_14 : vector<1024x16xi32> to vector<1024x16xf32>
    %reduce_sum3A = arith.constant dense<0.000000e+00> : vector<1024xf32>
    %reduce_sum3A_15 = vector.multi_reduction <add>, %convert_element_type3A, %reduce_sum3A [1] : vector<1024x16xf32> to vector<1024xf32>
    %broadcast_in_dim3A_16 = vector.shape_cast %reduce_sum3A_15 : vector<1024xf32> to vector<1024x1xf32>
    %mul3A = arith.constant 6.250000e-02 : f32
    %mul3A_17 = vector.broadcast %mul3A : f32 to vector<1024x1xf32>
    %mul3A_18 = arith.mulf %broadcast_in_dim3A_16, %mul3A_17 : vector<1024x1xf32>
    %get3A_19 = arith.constant 0 : index
    %get3A_20 = arith.constant 0 : index
    %get3A_21 = vector.load %arg6[%get3A_19, %get3A_20] : memref<1x1024xf32, #tpu.memory_space<vmem>>, vector<1x1024xf32>
    %mul3A_22 = vector.broadcast %mul3A_18 : vector<1024x1xf32> to vector<1024x1024xf32>
    %mul3A_23 = vector.broadcast %get3A_21 : vector<1x1024xf32> to vector<1024x1024xf32>
    %mul3A_24 = arith.mulf %mul3A_22, %mul3A_23 : vector<1024x1024xf32>
    %reshape3A_25 = vector.shape_cast %mul3A_24 : vector<1024x1024xf32> to vector<32x32x1024xf32>
    %add3A_26 = arith.addf %add3A_11, %reshape3A_25 : vector<32x32x1024xf32>
    %reduce_sum3A_27 = arith.constant dense<0.000000e+00> : vector<32x32xf32>
    %reduce_sum3A_28 = vector.multi_reduction <add>, %add3A_26, %reduce_sum3A_27 [2] : vector<32x32x1024xf32> to vector<32x32xf32>
    %broadcast_in_dim3A_29 = vector.shape_cast %reduce_sum3A_28 : vector<32x32xf32> to vector<32x32x1xf32>
    %div3A = arith.constant 1.024000e+03 : f32
    %div3A_30 = vector.broadcast %div3A : f32 to vector<32x32x1xf32>
    %div3A_31 = arith.divf %broadcast_in_dim3A_29, %div3A_30 : vector<32x32x1xf32>
    %mul3A_32 = arith.mulf %add3A_26, %add3A_26 : vector<32x32x1024xf32>
    %reduce_sum3A_33 = arith.constant dense<0.000000e+00> : vector<32x32xf32>
    %reduce_sum3A_34 = vector.multi_reduction <add>, %mul3A_32, %reduce_sum3A_33 [2] : vector<32x32x1024xf32> to vector<32x32xf32>
    %broadcast_in_dim3A_35 = vector.shape_cast %reduce_sum3A_34 : vector<32x32xf32> to vector<32x32x1xf32>
    %div3A_36 = arith.constant 1.024000e+03 : f32
    %div3A_37 = vector.broadcast %div3A_36 : f32 to vector<32x32x1xf32>
    %div3A_38 = arith.divf %broadcast_in_dim3A_35, %div3A_37 : vector<32x32x1xf32>
    %mul3A_39 = arith.mulf %div3A_31, %div3A_31 : vector<32x32x1xf32>
    %sub3A = arith.subf %div3A_38, %mul3A_39 : vector<32x32x1xf32>
    %add3A_40 = arith.constant 9.99999996E-13 : f32
    %add3A_41 = vector.broadcast %add3A_40 : f32 to vector<32x32x1xf32>
    %add3A_42 = arith.addf %sub3A, %add3A_41 : vector<32x32x1xf32>
    %rsqrt3A = math.rsqrt %add3A_42 : vector<32x32x1xf32>
    %sub3A_43 = vector.broadcast %div3A_31 : vector<32x32x1xf32> to vector<32x32x1024xf32>
    %sub3A_44 = arith.subf %add3A_26, %sub3A_43 : vector<32x32x1024xf32>
    %mul3A_45 = vector.broadcast %rsqrt3A : vector<32x32x1xf32> to vector<32x32x1024xf32>
    %mul3A_46 = arith.mulf %sub3A_44, %mul3A_45 : vector<32x32x1024xf32>
    %get3A_47 = arith.constant 0 : index
    %get3A_48 = arith.constant 0 : index
    %get3A_49 = vector.load %arg7[%get3A_47, %get3A_48] : memref<1x1024xf32, #tpu.memory_space<vmem>>, vector<1x1024xf32>
    %broadcast_in_dim3A_50 = vector.shape_cast %get3A_49 : vector<1x1024xf32> to vector<1x1x1024xf32>
    %mul3A_51 = vector.broadcast %broadcast_in_dim3A_50 : vector<1x1x1024xf32> to vector<32x32x1024xf32>
    %mul3A_52 = arith.mulf %mul3A_46, %mul3A_51 : vector<32x32x1024xf32>
    %get3A_53 = arith.constant 0 : index
    %get3A_54 = arith.constant 0 : index
    %get3A_55 = vector.load %arg8[%get3A_53, %get3A_54] : memref<1x1024xf32, #tpu.memory_space<vmem>>, vector<1x1024xf32>
    %broadcast_in_dim3A_56 = vector.shape_cast %get3A_55 : vector<1x1024xf32> to vector<1x1x1024xf32>
    %add3A_57 = vector.broadcast %broadcast_in_dim3A_56 : vector<1x1x1024xf32> to vector<32x32x1024xf32>
    %add3A_58 = arith.addf %mul3A_52, %add3A_57 : vector<32x32x1024xf32>
    %reshape3A_59 = vector.shape_cast %add3A_58 : vector<32x32x1024xf32> to vector<1024x1024xf32>
    %swap3A = arith.constant 0 : index
    %swap3A_60 = arith.constant 0 : index
    %swap3A_61 = vector.load %arg9[%swap3A, %swap3A_60] : memref<1024x1024xf32, #tpu.memory_space<vmem>>, vector<1024x1024xf32>
    tpu.vector_store %arg9[%swap3A, %swap3A_60], %reshape3A_59 {strides = array<i32>} : memref<1024x1024xf32, #tpu.memory_space<vmem>>, vector<1024x1024xf32>,
    return
  }
  func.func @transform_1(%arg0: i32) -> (i32, i32) {
    %c0_i32 = arith.constant 0 : i32
    %c0_i32_0 = arith.constant 0 : i32
    return %arg0, %c0_i32 : i32, i32
  }
  func.func @transform_2(%arg0: i32) -> (i32, i32) {
    %jit3A = arith.constant 1 : i32
    %eq3A = arith.constant 0 : i32
    %eq3A_0 = arith.cmpi eq, %jit3A, %eq3A : i32
    %jit3A_1 = arith.constant 1 : i32
    %select_n3A = arith.select %eq3A_0, %jit3A_1, %jit3A : i32
    %rem3A = arith.remsi %arg0, %select_n3A : i32
    %ne3A = arith.constant 0 : i32
    %ne3A_2 = arith.cmpi ne, %rem3A, %ne3A : i32
    %lt3A = arith.constant 0 : i32
    %lt3A_3 = arith.cmpi slt, %rem3A, %lt3A : i32
    %lt3A_4 = arith.constant 0 : i32
    %lt3A_5 = arith.cmpi slt, %select_n3A, %lt3A_4 : i32
    %ne3A_6 = arith.xori %lt3A_3, %lt3A_5 : i1
    %and3A = arith.andi %ne3A_6, %ne3A_2 : i1
    %add3A = arith.addi %rem3A, %select_n3A : i32
    %select_n3A_7 = arith.select %and3A, %add3A, %rem3A : i32
    %c0_i32 = arith.constant 0 : i32
    %c0_i32_8 = arith.constant 0 : i32
    return %select_n3A_7, %c0_i32 : i32, i32
  }
  func.func @transform_3(%arg0: i32) -> (i32, i32) {
    %c0_i32 = arith.constant 0 : i32
    %c0_i32_0 = arith.constant 0 : i32
    %c0_i32_1 = arith.constant 0 : i32
    return %c0_i32, %c0_i32_0 : i32, i32
  }
  func.func @transform_4(%arg0: i32) -> (i32, i32) {
    %c0_i32 = arith.constant 0 : i32
    %c0_i32_0 = arith.constant 0 : i32
    return %arg0, %c0_i32 : i32, i32
  }
  func.func @transform_5(%arg0: i32) -> (i32, i32) {
    %c0_i32 = arith.constant 0 : i32
    %c0_i32_0 = arith.constant 0 : i32
    %c0_i32_1 = arith.constant 0 : i32
    return %c0_i32, %c0_i32_0 : i32, i32
  }
  func.func @transform_6(%arg0: i32) -> (i32, i32) {
    %c0_i32 = arith.constant 0 : i32
    %c0_i32_0 = arith.constant 0 : i32
    %c0_i32_1 = arith.constant 0 : i32
    return %c0_i32, %c0_i32_0 : i32, i32
  }
  func.func @transform_7(%arg0: i32) -> (i32, i32) {
    %c0_i32 = arith.constant 0 : i32
    %c0_i32_0 = arith.constant 0 : i32
    %c0_i32_1 = arith.constant 0 : i32
    return %c0_i32, %c0_i32_0 : i32, i32
  }
  func.func @transform_8(%arg0: i32) -> (i32, i32) {
    %add3A = arith.constant 12 : i32
    %add3A_0 = arith.addi %add3A, %arg0 : i32
    %c0_i32 = arith.constant 0 : i32
    %c0_i32_1 = arith.constant 0 : i32
    return %add3A_0, %c0_i32 : i32, i32
  }
}

module attributes {stable_mosaic.version = 14 : i64} {
  func.func @body(%arg0: i32, %arg1: memref<16384x1024xf32, #tpu.memory_space<any>>, %arg2: memref<1024x1024xf32, #tpu.memory_space<vmem>>, %arg3: memref<32x1024xf32, #tpu.memory_space<vmem>>, %arg4: memref<32x1024xf32, #tpu.memory_space<vmem>>, %arg5: memref<1024x16xi32, #tpu.memory_space<vmem>>, %arg6: memref<1x1024xf32, #tpu.memory_space<vmem>>, %arg7: memref<1x1024xf32, #tpu.memory_space<vmem>>, %arg8: memref<1x1024xf32, #tpu.memory_space<vmem>>, %arg9: memref<1024x1024xf32, #tpu.memory_space<vmem>>) attributes {dimension_semantics = [#tpu.dimension_semantics<arbitrary>], iteration_bounds = array<i64: 4>, scalar_prefetch = 0 : i64, scratch_operands = 0 : i64, tpu.core_type = #tpu.core_type<tc>, window_params = [{}, {transform_indices = @transform_1, window_bounds = array<i64: 1024, 1024>}, {transform_indices = @transform_2, window_bounds = array<i64: 32, 1024>}, {pipeline_mode = #tpu.pipeline_mode<synchronous>, transform_indices = @transform_3, window_bounds = array<i64: 32, 1024>}, {transform_indices = @transform_4, window_bounds = array<i64: 1024, 16>}, {pipeline_mode = #tpu.pipeline_mode<synchronous>, transform_indices = @transform_5, window_bounds = array<i64: 1, 1024>}, {pipeline_mode = #tpu.pipeline_mode<synchronous>, transform_indices = @transform_6, window_bounds = array<i64: 1, 1024>}, {pipeline_mode = #tpu.pipeline_mode<synchronous>, transform_indices = @transform_7, window_bounds = array<i64: 1, 1024>}, {transform_indices = @transform_8, window_bounds = array<i64: 1024, 1024>}]} {
    %get3A = arith.constant 0 : index
    %get3A_0 = arith.constant 0 : index
    %get3A_1 = vector.load %arg2[%get3A, %get3A_0] : memref<1024x1024xf32, #tpu.memory_space<vmem>>, vector<1024x1024xf32>
    %reshape3A = vector.shape_cast %get3A_1 : vector<1024x1024xf32> to vector<32x32x1024xf32>
    %get3A_2 = arith.constant 0 : index
    %get3A_3 = arith.constant 0 : index
    %get3A_4 = vector.load %arg3[%get3A_2, %get3A_3] : memref<32x1024xf32, #tpu.memory_space<vmem>>, vector<32x1024xf32>
    %broadcast_in_dim3A = vector.shape_cast %get3A_4 : vector<32x1024xf32> to vector<32x1x1024xf32>
    %add3A = vector.broadcast %broadcast_in_dim3A : vector<32x1x1024xf32> to vector<32x32x1024xf32>
    %add3A_5 = arith.addf %reshape3A, %add3A : vector<32x32x1024xf32>
    %get3A_6 = arith.constant 0 : index
    %get3A_7 = arith.constant 0 : index
    %get3A_8 = vector.load %arg4[%get3A_6, %get3A_7] : memref<32x1024xf32, #tpu.memory_space<vmem>>, vector<32x1024xf32>
    %broadcast_in_dim3A_9 = vector.shape_cast %get3A_8 : vector<32x1024xf32> to vector<1x32x1024xf32>
    %add3A_10 = vector.broadcast %broadcast_in_dim3A_9 : vector<1x32x1024xf32> to vector<32x32x1024xf32>
    %add3A_11 = arith.addf %add3A_5, %add3A_10 : vector<32x32x1024xf32>
    %get3A_12 = arith.constant 0 : index
    %get3A_13 = arith.constant 0 : index
    %get3A_14 = vector.load %arg5[%get3A_12, %get3A_13] : memref<1024x16xi32, #tpu.memory_space<vmem>>, vector<1024x16xi32>
    %convert_element_type3A = arith.sitofp %get3A_14 : vector<1024x16xi32> to vector<1024x16xf32>
    %reduce_sum3A = arith.constant dense<0.000000e+00> : vector<1024xf32>
    %reduce_sum3A_15 = vector.multi_reduction <add>, %convert_element_type3A, %reduce_sum3A [1] : vector<1024x16xf32> to vector<1024xf32>
    %broadcast_in_dim3A_16 = vector.shape_cast %reduce_sum3A_15 : vector<1024xf32> to vector<1024x1xf32>
    %mul3A = arith.constant 6.250000e-02 : f32
    %mul3A_17 = vector.broadcast %mul3A : f32 to vector<1024x1xf32>
    %mul3A_18 = arith.mulf %broadcast_in_dim3A_16, %mul3A_17 : vector<1024x1xf32>
    %get3A_19 = arith.constant 0 : index
    %get3A_20 = arith.constant 0 : index
    %get3A_21 = vector.load %arg6[%get3A_19, %get3A_20] : memref<1x1024xf32, #tpu.memory_space<vmem>>, vector<1x1024xf32>
    %mul3A_22 = vector.broadcast %mul3A_18 : vector<1024x1xf32> to vector<1024x1024xf32>
    %mul3A_23 = vector.broadcast %get3A_21 : vector<1x1024xf32> to vector<1024x1024xf32>
    %mul3A_24 = arith.mulf %mul3A_22, %mul3A_23 : vector<1024x1024xf32>
    %reshape3A_25 = vector.shape_cast %mul3A_24 : vector<1024x1024xf32> to vector<32x32x1024xf32>
    %add3A_26 = arith.addf %add3A_11, %reshape3A_25 : vector<32x32x1024xf32>
    %reduce_sum3A_27 = arith.constant dense<0.000000e+00> : vector<32x32xf32>
    %reduce_sum3A_28 = vector.multi_reduction <add>, %add3A_26, %reduce_sum3A_27 [2] : vector<32x32x1024xf32> to vector<32x32xf32>
    %broadcast_in_dim3A_29 = vector.shape_cast %reduce_sum3A_28 : vector<32x32xf32> to vector<32x32x1xf32>
    %div3A = arith.constant 1.024000e+03 : f32
    %div3A_30 = vector.broadcast %div3A : f32 to vector<32x32x1xf32>
    %div3A_31 = arith.divf %broadcast_in_dim3A_29, %div3A_30 : vector<32x32x1xf32>
    %mul3A_32 = arith.mulf %add3A_26, %add3A_26 : vector<32x32x1024xf32>
    %reduce_sum3A_33 = arith.constant dense<0.000000e+00> : vector<32x32xf32>
    %reduce_sum3A_34 = vector.multi_reduction <add>, %mul3A_32, %reduce_sum3A_33 [2] : vector<32x32x1024xf32> to vector<32x32xf32>
    %broadcast_in_dim3A_35 = vector.shape_cast %reduce_sum3A_34 : vector<32x32xf32> to vector<32x32x1xf32>
    %div3A_36 = arith.constant 1.024000e+03 : f32
    %div3A_37 = vector.broadcast %div3A_36 : f32 to vector<32x32x1xf32>
    %div3A_38 = arith.divf %broadcast_in_dim3A_35, %div3A_37 : vector<32x32x1xf32>
    %mul3A_39 = arith.mulf %div3A_31, %div3A_31 : vector<32x32x1xf32>
    %sub3A = arith.subf %div3A_38, %mul3A_39 : vector<32x32x1xf32>
    %add3A_40 = arith.constant 9.99999996E-13 : f32
    %add3A_41 = vector.broadcast %add3A_40 : f32 to vector<32x32x1xf32>
    %add3A_42 = arith.addf %sub3A, %add3A_41 : vector<32x32x1xf32>
    %rsqrt3A = math.rsqrt %add3A_42 : vector<32x32x1xf32>
    %sub3A_43 = vector.broadcast %div3A_31 : vector<32x32x1xf32> to vector<32x32x1024xf32>
    %sub3A_44 = arith.subf %add3A_26, %sub3A_43 : vector<32x32x1024xf32>
    %mul3A_45 = vector.broadcast %rsqrt3A : vector<32x32x1xf32> to vector<32x32x1024xf32>
    %mul3A_46 = arith.mulf %sub3A_44, %mul3A_45 : vector<32x32x1024xf32>
    %get3A_47 = arith.constant 0 : index
    %get3A_48 = arith.constant 0 : index
    %get3A_49 = vector.load %arg7[%get3A_47, %get3A_48] : memref<1x1024xf32, #tpu.memory_space<vmem>>, vector<1x1024xf32>
    %broadcast_in_dim3A_50 = vector.shape_cast %get3A_49 : vector<1x1024xf32> to vector<1x1x1024xf32>
    %mul3A_51 = vector.broadcast %broadcast_in_dim3A_50 : vector<1x1x1024xf32> to vector<32x32x1024xf32>
    %mul3A_52 = arith.mulf %mul3A_46, %mul3A_51 : vector<32x32x1024xf32>
    %get3A_53 = arith.constant 0 : index
    %get3A_54 = arith.constant 0 : index
    %get3A_55 = vector.load %arg8[%get3A_53, %get3A_54] : memref<1x1024xf32, #tpu.memory_space<vmem>>, vector<1x1024xf32>
    %broadcast_in_dim3A_56 = vector.shape_cast %get3A_55 : vector<1x1024xf32> to vector<1x1x1024xf32>
    %add3A_57 = vector.broadcast %broadcast_in_dim3A_56 : vector<1x1x1024xf32> to vector<32x32x1024xf32>
    %add3A_58 = arith.addf %mul3A_52, %add3A_57 : vector<32x32x1024xf32>
    %reshape3A_59 = vector.shape_cast %add3A_58 : vector<32x32x1024xf32> to vector<1024x1024xf32>
    %swap3A = arith.constant 0 : index
    %swap3A_60 = arith.constant 0 : index
    %swap3A_61 = vector.load %arg9[%swap3A, %swap3A_60] : memref<1024x1024xf32, #tpu.memory_space<vmem>>, vector<1024x1024xf32>
    tpu.vector_store %arg9[%swap3A, %swap3A_60], %reshape3A_59 {strides = array<i32>} : memref<1024x1024xf32, #tpu.memory_space<vmem>>, vector<1024x1024xf32>,
    return
  }
  func.func @transform_1(%arg0: i32) -> (i32, i32) {
    %c0_i32 = arith.constant 0 : i32
    %c0_i32_0 = arith.constant 0 : i32
    return %arg0, %c0_i32 : i32, i32
  }
  func.func @transform_2(%arg0: i32) -> (i32, i32) {
    %jit3A = arith.constant 1 : i32
    %eq3A = arith.constant 0 : i32
    %eq3A_0 = arith.cmpi eq, %jit3A, %eq3A : i32
    %jit3A_1 = arith.constant 1 : i32
    %select_n3A = arith.select %eq3A_0, %jit3A_1, %jit3A : i32
    %rem3A = arith.remsi %arg0, %select_n3A : i32
    %ne3A = arith.constant 0 : i32
    %ne3A_2 = arith.cmpi ne, %rem3A, %ne3A : i32
    %lt3A = arith.constant 0 : i32
    %lt3A_3 = arith.cmpi slt, %rem3A, %lt3A : i32
    %lt3A_4 = arith.constant 0 : i32
    %lt3A_5 = arith.cmpi slt, %select_n3A, %lt3A_4 : i32
    %ne3A_6 = arith.xori %lt3A_3, %lt3A_5 : i1
    %and3A = arith.andi %ne3A_6, %ne3A_2 : i1
    %add3A = arith.addi %rem3A, %select_n3A : i32
    %select_n3A_7 = arith.select %and3A, %add3A, %rem3A : i32
    %c0_i32 = arith.constant 0 : i32
    %c0_i32_8 = arith.constant 0 : i32
    return %select_n3A_7, %c0_i32 : i32, i32
  }
  func.func @transform_3(%arg0: i32) -> (i32, i32) {
    %c0_i32 = arith.constant 0 : i32
    %c0_i32_0 = arith.constant 0 : i32
    %c0_i32_1 = arith.constant 0 : i32
    return %c0_i32, %c0_i32_0 : i32, i32
  }
  func.func @transform_4(%arg0: i32) -> (i32, i32) {
    %c0_i32 = arith.constant 0 : i32
    %c0_i32_0 = arith.constant 0 : i32
    return %arg0, %c0_i32 : i32, i32
  }
  func.func @transform_5(%arg0: i32) -> (i32, i32) {
    %c0_i32 = arith.constant 0 : i32
    %c0_i32_0 = arith.constant 0 : i32
    %c0_i32_1 = arith.constant 0 : i32
    return %c0_i32, %c0_i32_0 : i32, i32
  }
  func.func @transform_6(%arg0: i32) -> (i32, i32) {
    %c0_i32 = arith.constant 0 : i32
    %c0_i32_0 = arith.constant 0 : i32
    %c0_i32_1 = arith.constant 0 : i32
    return %c0_i32, %c0_i32_0 : i32, i32
  }
  func.func @transform_7(%arg0: i32) -> (i32, i32) {
    %c0_i32 = arith.constant 0 : i32
    %c0_i32_0 = arith.constant 0 : i32
    %c0_i32_1 = arith.constant 0 : i32
    return %c0_i32, %c0_i32_0 : i32, i32
  }
  func.func @transform_8(%arg0: i32) -> (i32, i32) {
    %add3A = arith.constant 8 : i32
    %add3A_0 = arith.addi %add3A, %arg0 : i32
    %c0_i32 = arith.constant 0 : i32
    %c0_i32_1 = arith.constant 0 : i32
    return %add3A_0, %c0_i32 : i32, i32
  }
}

module attributes {stable_mosaic.version = 14 : i64} {
  func.func @body(%arg0: i32, %arg1: memref<1024x1024xf32, #tpu.memory_space<vmem>>, %arg2: memref<32x1024xf32, #tpu.memory_space<vmem>>, %arg3: memref<32x1024xf32, #tpu.memory_space<vmem>>, %arg4: memref<1024x16xi32, #tpu.memory_space<vmem>>, %arg5: memref<1x1024xf32, #tpu.memory_space<vmem>>, %arg6: memref<1x1024xf32, #tpu.memory_space<vmem>>, %arg7: memref<1x1024xf32, #tpu.memory_space<vmem>>, %arg8: memref<1024x1024xf32, #tpu.memory_space<vmem>>) attributes {dimension_semantics = [#tpu.dimension_semantics<arbitrary>], iteration_bounds = array<i64: 4>, scalar_prefetch = 0 : i64, scratch_operands = 0 : i64, tpu.core_type = #tpu.core_type<tc>, window_params = [{transform_indices = @transform_0, window_bounds = array<i64: 1024, 1024>}, {transform_indices = @transform_1, window_bounds = array<i64: 32, 1024>}, {pipeline_mode = #tpu.pipeline_mode<synchronous>, transform_indices = @transform_2, window_bounds = array<i64: 32, 1024>}, {transform_indices = @transform_3, window_bounds = array<i64: 1024, 16>}, {pipeline_mode = #tpu.pipeline_mode<synchronous>, transform_indices = @transform_4, window_bounds = array<i64: 1, 1024>}, {pipeline_mode = #tpu.pipeline_mode<synchronous>, transform_indices = @transform_5, window_bounds = array<i64: 1, 1024>}, {pipeline_mode = #tpu.pipeline_mode<synchronous>, transform_indices = @transform_6, window_bounds = array<i64: 1, 1024>}, {transform_indices = @transform_7, window_bounds = array<i64: 1024, 1024>}]} {
    %get3A = arith.constant 0 : index
    %get3A_0 = arith.constant 0 : index
    %get3A_1 = vector.load %arg1[%get3A, %get3A_0] : memref<1024x1024xf32, #tpu.memory_space<vmem>>, vector<1024x1024xf32>
    %reshape3A = vector.shape_cast %get3A_1 : vector<1024x1024xf32> to vector<32x32x1024xf32>
    %get3A_2 = arith.constant 0 : index
    %get3A_3 = arith.constant 0 : index
    %get3A_4 = vector.load %arg2[%get3A_2, %get3A_3] : memref<32x1024xf32, #tpu.memory_space<vmem>>, vector<32x1024xf32>
    %broadcast_in_dim3A = vector.shape_cast %get3A_4 : vector<32x1024xf32> to vector<32x1x1024xf32>
    %add3A = vector.broadcast %broadcast_in_dim3A : vector<32x1x1024xf32> to vector<32x32x1024xf32>
    %add3A_5 = arith.addf %reshape3A, %add3A : vector<32x32x1024xf32>
    %get3A_6 = arith.constant 0 : index
    %get3A_7 = arith.constant 0 : index
    %get3A_8 = vector.load %arg3[%get3A_6, %get3A_7] : memref<32x1024xf32, #tpu.memory_space<vmem>>, vector<32x1024xf32>
    %broadcast_in_dim3A_9 = vector.shape_cast %get3A_8 : vector<32x1024xf32> to vector<1x32x1024xf32>
    %add3A_10 = vector.broadcast %broadcast_in_dim3A_9 : vector<1x32x1024xf32> to vector<32x32x1024xf32>
    %add3A_11 = arith.addf %add3A_5, %add3A_10 : vector<32x32x1024xf32>
    %get3A_12 = arith.constant 0 : index
    %get3A_13 = arith.constant 0 : index
    %get3A_14 = vector.load %arg4[%get3A_12, %get3A_13] : memref<1024x16xi32, #tpu.memory_space<vmem>>, vector<1024x16xi32>
    %convert_element_type3A = arith.sitofp %get3A_14 : vector<1024x16xi32> to vector<1024x16xf32>
    %reduce_sum3A = arith.constant dense<0.000000e+00> : vector<1024xf32>
    %reduce_sum3A_15 = vector.multi_reduction <add>, %convert_element_type3A, %reduce_sum3A [1] : vector<1024x16xf32> to vector<1024xf32>
    %broadcast_in_dim3A_16 = vector.shape_cast %reduce_sum3A_15 : vector<1024xf32> to vector<1024x1xf32>
    %mul3A = arith.constant 6.250000e-02 : f32
    %mul3A_17 = vector.broadcast %mul3A : f32 to vector<1024x1xf32>
    %mul3A_18 = arith.mulf %broadcast_in_dim3A_16, %mul3A_17 : vector<1024x1xf32>
    %get3A_19 = arith.constant 0 : index
    %get3A_20 = arith.constant 0 : index
    %get3A_21 = vector.load %arg5[%get3A_19, %get3A_20] : memref<1x1024xf32, #tpu.memory_space<vmem>>, vector<1x1024xf32>
    %mul3A_22 = vector.broadcast %mul3A_18 : vector<1024x1xf32> to vector<1024x1024xf32>
    %mul3A_23 = vector.broadcast %get3A_21 : vector<1x1024xf32> to vector<1024x1024xf32>
    %mul3A_24 = arith.mulf %mul3A_22, %mul3A_23 : vector<1024x1024xf32>
    %reshape3A_25 = vector.shape_cast %mul3A_24 : vector<1024x1024xf32> to vector<32x32x1024xf32>
    %add3A_26 = arith.addf %add3A_11, %reshape3A_25 : vector<32x32x1024xf32>
    %reduce_sum3A_27 = arith.constant dense<0.000000e+00> : vector<32x32xf32>
    %reduce_sum3A_28 = vector.multi_reduction <add>, %add3A_26, %reduce_sum3A_27 [2] : vector<32x32x1024xf32> to vector<32x32xf32>
    %broadcast_in_dim3A_29 = vector.shape_cast %reduce_sum3A_28 : vector<32x32xf32> to vector<32x32x1xf32>
    %div3A = arith.constant 1.024000e+03 : f32
    %div3A_30 = vector.broadcast %div3A : f32 to vector<32x32x1xf32>
    %div3A_31 = arith.divf %broadcast_in_dim3A_29, %div3A_30 : vector<32x32x1xf32>
    %mul3A_32 = arith.mulf %add3A_26, %add3A_26 : vector<32x32x1024xf32>
    %reduce_sum3A_33 = arith.constant dense<0.000000e+00> : vector<32x32xf32>
    %reduce_sum3A_34 = vector.multi_reduction <add>, %mul3A_32, %reduce_sum3A_33 [2] : vector<32x32x1024xf32> to vector<32x32xf32>
    %broadcast_in_dim3A_35 = vector.shape_cast %reduce_sum3A_34 : vector<32x32xf32> to vector<32x32x1xf32>
    %div3A_36 = arith.constant 1.024000e+03 : f32
    %div3A_37 = vector.broadcast %div3A_36 : f32 to vector<32x32x1xf32>
    %div3A_38 = arith.divf %broadcast_in_dim3A_35, %div3A_37 : vector<32x32x1xf32>
    %mul3A_39 = arith.mulf %div3A_31, %div3A_31 : vector<32x32x1xf32>
    %sub3A = arith.subf %div3A_38, %mul3A_39 : vector<32x32x1xf32>
    %add3A_40 = arith.constant 9.99999996E-13 : f32
    %add3A_41 = vector.broadcast %add3A_40 : f32 to vector<32x32x1xf32>
    %add3A_42 = arith.addf %sub3A, %add3A_41 : vector<32x32x1xf32>
    %rsqrt3A = math.rsqrt %add3A_42 : vector<32x32x1xf32>
    %sub3A_43 = vector.broadcast %div3A_31 : vector<32x32x1xf32> to vector<32x32x1024xf32>
    %sub3A_44 = arith.subf %add3A_26, %sub3A_43 : vector<32x32x1024xf32>
    %mul3A_45 = vector.broadcast %rsqrt3A : vector<32x32x1xf32> to vector<32x32x1024xf32>
    %mul3A_46 = arith.mulf %sub3A_44, %mul3A_45 : vector<32x32x1024xf32>
    %get3A_47 = arith.constant 0 : index
    %get3A_48 = arith.constant 0 : index
    %get3A_49 = vector.load %arg6[%get3A_47, %get3A_48] : memref<1x1024xf32, #tpu.memory_space<vmem>>, vector<1x1024xf32>
    %broadcast_in_dim3A_50 = vector.shape_cast %get3A_49 : vector<1x1024xf32> to vector<1x1x1024xf32>
    %mul3A_51 = vector.broadcast %broadcast_in_dim3A_50 : vector<1x1x1024xf32> to vector<32x32x1024xf32>
    %mul3A_52 = arith.mulf %mul3A_46, %mul3A_51 : vector<32x32x1024xf32>
    %get3A_53 = arith.constant 0 : index
    %get3A_54 = arith.constant 0 : index
    %get3A_55 = vector.load %arg7[%get3A_53, %get3A_54] : memref<1x1024xf32, #tpu.memory_space<vmem>>, vector<1x1024xf32>
    %broadcast_in_dim3A_56 = vector.shape_cast %get3A_55 : vector<1x1024xf32> to vector<1x1x1024xf32>
    %add3A_57 = vector.broadcast %broadcast_in_dim3A_56 : vector<1x1x1024xf32> to vector<32x32x1024xf32>
    %add3A_58 = arith.addf %mul3A_52, %add3A_57 : vector<32x32x1024xf32>
    %reshape3A_59 = vector.shape_cast %add3A_58 : vector<32x32x1024xf32> to vector<1024x1024xf32>
    %swap3A = arith.constant 0 : index
    %swap3A_60 = arith.constant 0 : index
    %swap3A_61 = vector.load %arg8[%swap3A, %swap3A_60] : memref<1024x1024xf32, #tpu.memory_space<vmem>>, vector<1024x1024xf32>
    tpu.vector_store %arg8[%swap3A, %swap3A_60], %reshape3A_59 {strides = array<i32>} : memref<1024x1024xf32, #tpu.memory_space<vmem>>, vector<1024x1024xf32>,
    return
  }
  func.func @transform_0(%arg0: i32) -> (i32, i32) {
    %c0_i32 = arith.constant 0 : i32
    %c0_i32_0 = arith.constant 0 : i32
    return %arg0, %c0_i32 : i32, i32
  }
  func.func @transform_1(%arg0: i32) -> (i32, i32) {
    %jit3A = arith.constant 1 : i32
    %eq3A = arith.constant 0 : i32
    %eq3A_0 = arith.cmpi eq, %jit3A, %eq3A : i32
    %jit3A_1 = arith.constant 1 : i32
    %select_n3A = arith.select %eq3A_0, %jit3A_1, %jit3A : i32
    %rem3A = arith.remsi %arg0, %select_n3A : i32
    %ne3A = arith.constant 0 : i32
    %ne3A_2 = arith.cmpi ne, %rem3A, %ne3A : i32
    %lt3A = arith.constant 0 : i32
    %lt3A_3 = arith.cmpi slt, %rem3A, %lt3A : i32
    %lt3A_4 = arith.constant 0 : i32
    %lt3A_5 = arith.cmpi slt, %select_n3A, %lt3A_4 : i32
    %ne3A_6 = arith.xori %lt3A_3, %lt3A_5 : i1
    %and3A = arith.andi %ne3A_6, %ne3A_2 : i1
    %add3A = arith.addi %rem3A, %select_n3A : i32
    %select_n3A_7 = arith.select %and3A, %add3A, %rem3A : i32
    %c0_i32 = arith.constant 0 : i32
    %c0_i32_8 = arith.constant 0 : i32
    return %select_n3A_7, %c0_i32 : i32, i32
  }
  func.func @transform_2(%arg0: i32) -> (i32, i32) {
    %c0_i32 = arith.constant 0 : i32
    %c0_i32_0 = arith.constant 0 : i32
    %c0_i32_1 = arith.constant 0 : i32
    return %c0_i32, %c0_i32_0 : i32, i32
  }
  func.func @transform_3(%arg0: i32) -> (i32, i32) {
    %c0_i32 = arith.constant 0 : i32
    %c0_i32_0 = arith.constant 0 : i32
    return %arg0, %c0_i32 : i32, i32
  }
  func.func @transform_4(%arg0: i32) -> (i32, i32) {
    %c0_i32 = arith.constant 0 : i32
    %c0_i32_0 = arith.constant 0 : i32
    %c0_i32_1 = arith.constant 0 : i32
    return %c0_i32, %c0_i32_0 : i32, i32
  }
  func.func @transform_5(%arg0: i32) -> (i32, i32) {
    %c0_i32 = arith.constant 0 : i32
    %c0_i32_0 = arith.constant 0 : i32
    %c0_i32_1 = arith.constant 0 : i32
    return %c0_i32, %c0_i32_0 : i32, i32
  }
  func.func @transform_6(%arg0: i32) -> (i32, i32) {
    %c0_i32 = arith.constant 0 : i32
    %c0_i32_0 = arith.constant 0 : i32
    %c0_i32_1 = arith.constant 0 : i32
    return %c0_i32, %c0_i32_0 : i32, i32
  }
  func.func @transform_7(%arg0: i32) -> (i32, i32) {
    %add3A = arith.constant 0 : i32
    %add3A_0 = arith.addi %add3A, %arg0 : i32
    %c0_i32 = arith.constant 0 : i32
    %c0_i32_1 = arith.constant 0 : i32
    return %add3A_0, %c0_i32 : i32, i32
  }
}

</mosaic_0001>

<sc_bundles>
// kernel: kernel.10.cloned.1.call-start
scs
__scs_entry_jumppad:
0x0: {  	(pc) =	sbr.rel $0x88, $3  }
0x1: {  	(tag) =	ssettag $0x0;
	lr =	simm.s32 $0x1  }
0x2: {  	[smem:$0x3F99] =	sst lr;
	_ =	strace $0xD0000000  }
0x3: {  	_ = 	snop  }
0x4: {  	_ = 	snop  }
0x5: {  	_ = 	snop  }
0x6: {  	_ = 	snop  }
0x7: {  	_ = 	snop  }
__scs_overlays_trampoline_lowered:
0x8: {  	[smem:$0x3FA8] =	sst s0  }
0x9: {  	[smem:$0x3FA9] =	sst s1  }
0xa: {  	[smem:$0x3FAA] =	sst s2  }
0xb: {  	[smem:$0x3FAB] =	sst s3  }
0xc: {  	[smem:$0x3FAC] =	sst s4  }
0xd: {  	[smem:$0x3FAD] =	sst s5  }
0xe: {  	[smem:$0x3FAE] =	sst s6  }
0xf: {  	[smem:$0x3FAF] =	sst s7  }
0x10: {  	[smem:$0x3FB0] =	sst s8  }
0x11: {  	[smem:$0x3FB1] =	sst s9;
	s0 =	simm.s32 @!p0 $0x0  }
0x12: {  	s1 =	sld [smem:$0x3F97];
	s0 =	simm.s32 @p0 $0x1  }
0x13: {  	[smem:$0x3FB2] =	sst s0;
	s0 =	simm.s32 @!p1 $0x0  }
0x14: {  	s2 =	sld [smem:$0x3F96];
	s0 =	simm.s32 @p1 $0x1  }
0x15: {  	[smem:$0x3FB3] =	sst s0;
	s0 =	simm.s32 @!p2 $0x0  }
0x16: {  	s3 =	sld [smem:$0x3FDB];
	s0 =	simm.s32 @p2 $0x1  }
0x17: {  	s4 =	simm.s32 $0x1BF5;
	[smem:$0x3FB5] =	sst s0  }
0x18: {  	s0 =	sld [smem:$0x3F98];
	_ =	swait.ge [sflag:s4], $0x0  }
0x19: {  	s7 =	sld [smem:$0x3F99]  }
0x1a: {  	s8 =	sadd.s32 $0xFFFFE003, lr  }
0x1b: {  	s9 =	sadd.s32 $0xFFFFFEF7, lr;
	s5 =	simm.s32 $0xFFFFFFFF;
	p2 =	slt.u32 s8, $0xFFFFF086  }
0x1c: {  	p1 =	slt.u32 s9, $0xF7A;
	s5 =	simm.s32 @!p2 $0x0  }
0x1d: {  	s5 =	simm.s32 @p1 $0x1;
	p0 =	seq.s32 s7, s2  }
0x1e: {  	s7 =	smul.u32 @!p0 $0xF7A, s2;
	p2 =	seq.s32 @!p0 s5, $0x0  }
0x1f: {  	s9 =	smul.u32 $0xF7A, s1;
	s8 =	simm.s32 @!p0 $0x1BF5;
	p2 =	por !p2, p0  }
0x20: {  	[sflag:s8] =	ssyncset.s32 @!p0 $0xFFFFF086;
	s6 =	sadd.s32 @!p0 s3, s7;
	s7 =	simm.s32 @!p0 $0x108  }
0x21: {  	s3 =	sadd.s32 s3, s9;
	s6 =	sadd.s32 @!p0 $0x88, s6;
	s7 =	simm.s32 @p2 $0x1082  }
0x22: {  	[simem:s7], [sflag:s8] =	dma.local @!p0 [hbm:s6], $0xF7A  }
0x23: {  	s9 =	sor.u32 $0xD0000000, s2;
	s6 =	simm.s32 $0x108;
	_ =	swait.ge @!p0 [sflag:s8], $0x0  }
0x24: {  	s3 =	sadd.s32 $0x88, s3;
	s6 =	simm.s32 @!p1 $0x1082;
	[sflag:s4] =	ssyncset.s32 $0xFFFFF086  }
0x25: {  	[simem:s6], [sflag:s4] =	dma.local [hbm:s3], $0xF7A  }
0x26: {  	[smem:$0x3F99] =	sst s1;
	(tag) =	ssettag s2;
	_ =	strace s9  }
0x27: {  	s1 =	sld [smem:$0x3FA9]  }
0x28: {  	s2 =	sld [smem:$0x3FAA]  }
0x29: {  	s4 =	sld [smem:$0x3FAC]  }
0x2a: {  	p0 =	seq.s32 s5, $0x0;
	s5 =	sld [smem:$0x3FAD]  }
0x2b: {  	s6 =	sld [smem:$0x3FAE]  }
0x2c: {  	s7 =	sld [smem:$0x3FAF]  }
0x2d: {  	s3 =	simm.s32 $0x108;
	s8 =	sld [smem:$0x3FB0]  }
0x2e: {  	s3 =	simm.s32 @!p0 $0x1082;
	s9 =	sld [smem:$0x3FB1]  }
0x2f: {  	lr =	sadd.s32 s0, s3;
	s0 =	sld [smem:$0x3FA8]  }
0x30: {  	s3 =	sld [smem:$0x3FAB]  }
0x31: {  	[smem:$0x3FB4] =	sst s10  }
0x32: {  	s10 =	sld [smem:$0x3FB2];
	_ =	sdelay $0x3  }
0x33: {  	p0 =	seq.s32 s10, $0x1;
	s10 =	sld [smem:$0x3FB4];
	_ =	sdelay $0x3  }
0x34: {  	[smem:$0x3FB4] =	sst s10  }
0x35: {  	s10 =	sld [smem:$0x3FB3];
	_ =	sdelay $0x3  }
0x36: {  	p1 =	seq.s32 s10, $0x1;
	s10 =	sld [smem:$0x3FB4];
	_ =	sdelay $0x3  }
0x37: {  	[smem:$0x3FB4] =	sst s10  }
0x38: {  	s10 =	sld [smem:$0x3FB5]  }
0x39: {  	_ = 	snop;
	(pc) =	sbr.ind lr, $3  }
0x3a: {  	_ = 	snop  }
0x3b: {  	_ = 	snop  }
0x3c: {  	p2 =	seq.s32 s10, $0x1;
	s10 =	sld [smem:$0x3FB4]  }
0x3d: {  	_ =	shalt  }
0x3e: {  	_ =	shalt  }
0x3f: {  	_ =	shalt  }
0x40: {  	_ =	shalt  }
0x41: {  	_ =	shalt  }
0x42: {  	_ =	shalt  }
0x43: {  	_ =	shalt  }
0x44: {  	_ =	shalt  }
0x45: {  	_ =	shalt  }
0x46: {  	_ =	shalt  }
0x47: {  	_ =	shalt  }
0x48: {  	_ =	shalt  }
0x49: {  	_ =	shalt  }
0x4a: {  	_ =	shalt  }
0x4b: {  	_ =	shalt  }
0x4c: {  	_ =	shalt  }
0x4d: {  	_ =	shalt  }
0x4e: {  	_ =	shalt  }
0x4f: {  	_ =	shalt  }
0x50: {  	_ =	shalt  }
0x51: {  	_ =	shalt  }
0x52: {  	_ =	shalt  }
0x53: {  	_ =	shalt  }
0x54: {  	_ =	shalt  }
0x55: {  	_ =	shalt  }
0x56: {  	_ =	shalt  }
0x57: {  	_ =	shalt  }
0x58: {  	_ =	shalt  }
0x59: {  	_ =	shalt  }
0x5a: {  	_ =	shalt  }
0x5b: {  	_ =	shalt  }
0x5c: {  	_ =	shalt  }
0x5d: {  	_ =	shalt  }
0x5e: {  	_ =	shalt  }
0x5f: {  	_ =	shalt  }
0x60: {  	_ =	shalt  }
0x61: {  	_ =	shalt  }
0x62: {  	_ =	shalt  }
0x63: {  	_ =	shalt  }
0x64: {  	_ =	shalt  }
0x65: {  	_ =	shalt  }
0x66: {  	_ =	shalt  }
0x67: {  	_ =	shalt  }
0x68: {  	_ =	shalt  }
0x69: {  	_ =	shalt  }
0x6a: {  	_ =	shalt  }
0x6b: {  	_ =	shalt  }
0x6c: {  	_ =	shalt  }
0x6d: {  	_ =	shalt  }
0x6e: {  	_ =	shalt  }
0x6f: {  	_ =	shalt  }
0x70: {  	_ =	shalt  }
0x71: {  	_ =	shalt  }
0x72: {  	_ =	shalt  }
0x73: {  	_ =	shalt  }
0x74: {  	_ =	shalt  }
0x75: {  	_ =	shalt  }
0x76: {  	_ =	shalt  }
0x77: {  	_ =	shalt  }
0x78: {  	_ =	shalt  }
0x79: {  	_ =	shalt  }
0x7a: {  	_ =	shalt  }
0x7b: {  	_ =	shalt  }
0x7c: {  	_ =	shalt  }
0x7d: {  	_ =	shalt  }
0x7e: {  	_ =	shalt  }
0x7f: {  	_ =	shalt  }
0x80: {  	_ =	shalt  }
0x81: {  	_ =	shalt  }
0x82: {  	_ =	shalt  }
0x83: {  	_ =	shalt  }
0x84: {  	_ =	shalt  }
0x85: {  	_ =	shalt  }
0x86: {  	_ =	shalt  }
0x87: {  	_ =	shalt  }
.Lfunc_end0:
.L_simem_size_0:
called_computation_lowered:
.L_overlay_start_0:
0x88: {  	s2 =	sld [smem:$0x3FD9]  }
0x89: {  	s3 =	sld [smem:$0x3FFE];
	_ =	sdelay $0x1  }
0x8a: {  	s1 =	srdreg.scid  }
0x8b: {  	s0 =	sand.u32 $0x1, s1  }
0x8c: {  	s17 =	sshll.u32 s0, $0xA;
	s2 =	sadd.s32 s3, s2  }
0x8d: {  	s2 =	sadd.s32 s2, s17  }
0x8e: {  	[smem:$0x3FC0] =	sst s2  }
0x8f: {  	_ = 	snop  }
0x90: {  	s2 =	sld [smem:$0x3FC7]  }
0x91: {  	s18 =	sld [smem:$0x3FD0];
	(tm) =	ssettm $0x1  }
0x92: {  	s4 =	sld [smem:$0x3FFB];
	_ =	sdelay $0x3  }
0x93: {  	_ =	strace s4  }
0x94: {  	s4 =	sld [smem:$0x3FFC];
	_ =	sdelay $0x3  }
0x95: {  	_ =	strace s4  }
0x96: {  	s4 =	sld [smem:$0x3FFD];
	_ =	sdelay $0x3  }
0x97: {  	_ =	strace s4  }
0x98: {  	_ =	strace $0x8FFFFFFF  }
0x99: {  	s19 =	sld [smem:$0x3FDB];
	_ =	sdelay $0x1  }
0x9a: {  	s5 =	simm.s32 $_scs_section_size  }
0x9b: {  	s6 =	simm.s32 $_size__tile_overlayer_lowered;
	s7 =	simm.s32 $_tile_overlayer_lowered  }
0x9c: {  	s22 =	simm.s32 $0x1BFF;
	s21 =	sshll.u32 s7, $0x1;
	s4 =	sadd.s32 s5, s19  }
0x9d: {  	s8 =	simm.s32 $0x0;
	s20 =	sshll.u32 s6, $0x1;
	s6 =	sadd.s32 s21, s4  }
0x9e: {  	[timem:s8], [sflag:s22] =	dma.local [hbm:s6], s20  }
0x9f: {  	_ =	swait.ge [sflag:s22], s20  }
0xa0: {  	s5 =	ssub.s32 $0x0, s20;
	[sflag:s22] =	ssyncset.done $0x0  }
0xa1: {  	[sflag:s22] =	ssyncadd.s32 s5;
	_ =	sdelay $0x1  }
0xa2: {  	s23 =	simm.s32 $0x1B8B  }
0xa3: {  	_ =	swait.ge [sflag:s23], $0x1  }
0xa4: {  	[sflag:s23] =	ssyncset.done $0x0  }
0xa5: {  	s25 =	simm.s32 $0x1B8E;
	s24 =	sld [smem:$0x3FFE];
	[sflag:s23] =	ssyncadd.s32 $0xFFFFFFFF  }
0xa6: {  	s26 =	simm.s32 $execute0_lowered;
	[smem:$0x3FD2] =	sst s25  }
0xa7: {  	s6 =	sshll.u32 s26, $0x1;
	_ =	strace $0x80000046;
	[dreg:$0x1] =	wrdreg $0xFFFFFFFF  }
0xa8: {  	s28 =	simm.s32 $_size_execute0_lowered;
	s4 =	sadd.s32 s4, s6;
	[dreg:$0x0] =	wrdreg $0x0  }
0xa9: {  	s6 =	sshll.u32 s28, $0x1;
	[dreg:$0x2] =	wrdreg s4  }
0xaa: {  	[dreg:$0x3] =	wrdreg s6  }
0xab: {  	[dreg:$0x4] =	wrdreg $0xC0  }
0xac: {  	_ =	task [dreg:s8], $0x5FFFF  }
0xad: {  	[dreg:$0x1] =	wrdreg $0xFFFFFFFF  }
0xae: {  	[dreg:$0x0] =	wrdreg $0x60  }
0xaf: {  	[dreg:$0x2] =	wrdreg s2  }
0xb0: {  	[dreg:$0x3] =	wrdreg s24  }
0xb1: {  	[dreg:$0x4] =	wrdreg s18  }
0xb2: {  	[dreg:$0x5] =	wrdreg $0x9  }
0xb3: {  	_ =	task.clear_ibuf [dreg:s8], $0x6FFFF;
	_ =	strace $0x90000046  }
0xb4: {  	s29 =	simm.s32 $0x9;
	_ =	strace $0x80000048  }
0xb5: {  	_ =	swait.ge [sflag:s29], $0x1  }
0xb6: {  	[sflag:s29] =	ssyncadd.s32 $0xFFFFFFFF  }
0xb7: {  	_ =	strace $0x90000048  }
0xb8: {  	_ =	sfence  }
0xb9: {  	s30 =	sld [smem:$0x0];
	_ =	sdelay $0x2  }
0xba: {  	s31 =	sshll.u32 s1, $0xD;
	s1 =	sshrl.u32 s1, $0x2  }
0xbb: {  	s3 =	sand.u32 $0x4000, s31;
	s1 =	sadd.s32 s1, s30  }
0xbc: {  	s0 =	sor.u32 s3, s0;
	s1 =	sshll.u32 s1, $0x11  }
0xbd: {  	s0 =	sor.u32 s1, s0  }
0xbe: {  	s0 =	sadd.s32 $0x8F2B, s0  }
0xbf: {  	[sflag:s0] =	ssyncadd.remote.s32 $0x1  }
0xc0: {  	_ =	sfence.sel $0xFFFF  }
0xc1: {  	[dreg:$0x0] =	wrdreg $0xFFFFFFFF;
	(pc) =	sbr.abs _section_cstart, $3  }
0xc2: {  	[dreg:$0x1] =	wrdreg $0xFFFFFFFF  }
0xc3: {  	_ =	task.clear_ibuf [dreg:s8], $0x2FFFF;
	_ =	strace $0x9FFFFFFF  }
0xc4: {  	(tm) =	ssettm $0x7FFFFFFF  }
0xc5: {  	_ =	shalt  }
tec
execute0_lowered:
.L_overlay_start_1:
0x0: {  	(tag) =	ssettag $0x1  }
0x1: {  	s18 =	rddreg [dreg:$0x0]  }
0x2: {  	s0 =	rddreg [dreg:$0x1];
	s2 =	srdreg.scid  }
0x3: {  	s3 =	stileid.u32;
	s4 =	rddreg [dreg:$0x2]  }
0x4: {  	s17 =	simm.s32 $0x4600;
	s11 =	simm.s32 $0x6E00;
	s12 =	simm.s32 $0x7600  }
0x5: {  	s13 =	simm.s32 $0x7E00;
	s19 =	simm.s32 $0x8600;
	s14 =	simm.s32 $0x8E00  }
0x6: {  	s20 =	simm.s32 $0x9600;
	s10 =	simm.s32 $0xBE00;
	s15 =	simm.s32 $0xC600  }
0x7: {  	s28 =	simm.s32 $0xE600;
	s29 =	simm.s32 $0xEE00;
	s30 =	simm.s32 $0xF600  }
0x8: {  	s31 =	simm.s32 $0xFE00;
	s2 =	sand.u32 $0x1, s2;
	s5 =	sshll.u32 s3, $0x1  }
0x9: {  	s3 =	simm.s32 $0x0;
	s9 =	sadd.s32 $0x300, s18;
	s5 =	sor.u32 s2, s5  }
0xa: {  	[smem:$0x7FF] =	sst s3;
	s2 =	ssub.s32 $0x2, s2;
	s6 =	sshll.u32 s5, $0x6  }
0xb: {  	_ =	strace $0x80000047;
	s7 =	sshll.u32 s5, $0x7;
	s8 =	sshll.u32 s5, $0xB  }
0xc: {  	s21 =	sshrl.u32 s2, $0x1;
	s23 =	sshll.u32 s5, $0xE;
	s6 =	sadd.s32 s6, s0  }
0xd: {  	s7 =	sadd.s32 s7, s0;
	s0 =	sadd.s32 s8, s0;
	s4 =	sadd.s32 s4, s23  }
0xe: {  	s2 =	ssub.s32 s2, s21;
	s6 =	sadd.s32 $0x5400, s6;
	[dreg:$0xb] =	wrdreg s4  }
0xf: {  	s8 =	sadd.s32 $0x200, s18;
	s22 =	sadd.s32 $0x4400, s7;
	[dreg:$0x4] =	wrdreg s6  }
0x10: {  	s21 =	simm.s32 $0x9E00;
	s0 =	sadd.s32 $0x5C00, s0;
	[dreg:$0x5] =	wrdreg s22  }
0x11: {  	s23 =	simm.s32 $0xAE00;
	s24 =	sadd.s32 $0x2000, s4;
	[dreg:$0x6] =	wrdreg s0  }
0x12: {  	s7 =	sadd.s32 $0x100, s18;
	s25 =	sadd.s32 $0x3000, s4;
	[dreg:$0x8] =	wrdreg s24  }
0x13: {  	v2 =	vlaneseq.u32;
	s26 =	smax.u32 s2, $0x1;
	s0 =	sadd.s32 $0x1000, s4;
	[dreg:$0x9] =	wrdreg s25  }
0x14: {  	vm0 =	vmmov $0xffff;
	v1 =	vshrl.u32 v2, $0x3;
	[dreg:$0xa] =	wrdreg s26;
	s22 =	simm.s32 $0xA600;
	s24 =	simm.s32 $0xB600  }
0x15: {  	v0 =	vand.u32 $0x7, v2;
	v2 =	vor.u32 $0x8, v2;
	v1 =	vmul.u32 $0x8, v1;
	s26 =	simm.s32 $0xCE00;
	[dreg:$0x7] =	wrdreg s0;
	s0 =	simm.s32 $0x0  }
.LBB2_1:
0x16: {  	s4 =	rddreg [dreg:$0x4];
	s2 =	simm.s32 $0x6  }
0x17: {  	[tilespmem:s3], [sflag:$0x6] =	stream.linear.gather [hbm4b:s4+s3], $0x200, $0x38;
	[tilespmem:$0x14600] =	vst v63  }
0x18: {  	_ =	swait.ge [sflag:s2], $0x200  }
0x19: {  	[sflag:s2] =	ssyncset.done $0x0  }
0x1a: {  	s5 =	simm.s32 $0x200;
	s16 =	rddreg [dreg:$0x5];
	[sflag:s2] =	ssyncadd.s32 $0xFFFFFE00  }
0x1b: {  	[tilespmem:s5], [sflag:$0x6] =	stream.linear.gather [hbm4b:s16+s3], $0x400, $0x38;
	[tilespmem:$0x14600] =	vst v63  }
0x1c: {  	_ =	swait.ge [sflag:s2], $0x400  }
0x1d: {  	[sflag:s2] =	ssyncset.done $0x0  }
0x1e: {  	s25 =	simm.s32 $0x0;
	[sflag:s2] =	ssyncadd.s32 $0xFFFFFC00  }
0x1f: {  	v3 =	vld [tilespmem:s25+$0x200];
	_ =	sdelay $0x4  }
0x20: {  	v4 =	vbroadcast v3, $0x0  }
0x21: {  	s16 =	simm.s32 $0xA00;
	v5 =	vbroadcast v3, $0x1  }
0x22: {  	v6 =	vbroadcast v3, $0x2;
	[tilespmem:s16+$0xFFFFFC00] =	vst v4  }
0x23: {  	v52 =	vbroadcast v3, $0x3;
	[tilespmem:s16+$0xFFFFFC80] =	vst v5  }
0x24: {  	v53 =	vbroadcast v3, $0x4;
	[tilespmem:s16+$0xFFFFFD00] =	vst v6  }
0x25: {  	v54 =	vbroadcast v3, $0x5;
	[tilespmem:s16+$0xFFFFFD80] =	vst v52  }
0x26: {  	v55 =	vbroadcast v3, $0x6;
	[tilespmem:s16+$0xFFFFFE00] =	vst v53  }
0x27: {  	v56 =	vbroadcast v3, $0x7;
	[tilespmem:s16+$0xFFFFFE80] =	vst v54  }
0x28: {  	v57 =	vbroadcast v3, $0x8;
	[tilespmem:s16+$0xFFFFFF00] =	vst v55  }
0x29: {  	v58 =	vbroadcast v3, $0x9;
	[tilespmem:s16+$0xFFFFFF80] =	vst v56  }
0x2a: {  	v59 =	vbroadcast v3, $0xA;
	[tilespmem:s16+$0x0] =	vst v57  }
0x2b: {  	v60 =	vbroadcast v3, $0xB;
	[tilespmem:s16+$0x80] =	vst v58  }
0x2c: {  	v61 =	vbroadcast v3, $0xC;
	[tilespmem:s16+$0x100] =	vst v59  }
0x2d: {  	v62 =	vbroadcast v3, $0xD;
	[tilespmem:s16+$0x180] =	vst v60  }
0x2e: {  	v63 =	vbroadcast v3, $0xE;
	[tilespmem:s16+$0x200] =	vst v61  }
0x2f: {  	v3 =	vbroadcast v3, $0xF;
	[tilespmem:s16+$0x280] =	vst v62  }
0x30: {  	[tilespmem:s16+$0x300] =	vst v63  }
0x31: {  	s4 =	simm.s32 $0x400;
	s5 =	simm.s32 $0x80;
	[tilespmem:s16+$0x380] =	vst v3  }
.LBB2_2:
0x32: {  	p0 =	sne.s32 s4, $0xE00;
	v3 =	vld [tilespmem:s5+$0x200];
	_ =	sdelay $0x4  }
0x33: {  	v4 =	vbroadcast v3, $0x0;
	v5 =	vbroadcast v3, $0x1  }
0x34: {  	s16 =	sadd.s32 $0x800, s16;
	v6 =	vbroadcast v3, $0x2;
	v7 =	vbroadcast v3, $0x3  }
0x35: {  	v8 =	vbroadcast v3, $0x5;
	[tilespmem:s16+$0xFFFFFC00] =	vst v4;
	v4 =	vbroadcast v3, $0x4  }
0x36: {  	v9 =	vbroadcast v3, $0x7;
	[tilespmem:s16+$0xFFFFFC80] =	vst v5;
	v5 =	vbroadcast v3, $0x6  }
0x37: {  	v10 =	vbroadcast v3, $0x9;
	[tilespmem:s16+$0xFFFFFD00] =	vst v6;
	v6 =	vbroadcast v3, $0x8  }
0x38: {  	v11 =	vbroadcast v3, $0xB;
	[tilespmem:s16+$0xFFFFFD80] =	vst v7;
	v7 =	vbroadcast v3, $0xA  }
0x39: {  	v12 =	vbroadcast v3, $0xD;
	[tilespmem:s16+$0xFFFFFE00] =	vst v4;
	v4 =	vbroadcast v3, $0xC  }
0x3a: {  	[tilespmem:s16+$0xFFFFFE80] =	vst v8;
	v8 =	vbroadcast v3, $0xE;
	v3 =	vbroadcast v3, $0xF  }
0x3b: {  	[tilespmem:s16+$0xFFFFFF00] =	vst v5  }
0x3c: {  	[tilespmem:s16+$0xFFFFFF80] =	vst v9  }
0x3d: {  	[tilespmem:s16+$0x0] =	vst v6  }
0x3e: {  	[tilespmem:s16+$0x80] =	vst v10  }
0x3f: {  	[tilespmem:s16+$0x100] =	vst v7  }
.Ltmp0:
0x40: {  	[tilespmem:s16+$0x180] =	vst v11;
	(pc) =	sbr.rel @p0 .LBB2_2-.Ltmp0, $4  }
0x41: {  	[tilespmem:s16+$0x200] =	vst v4  }
0x42: {  	[tilespmem:s16+$0x280] =	vst v12  }
0x43: {  	[tilespmem:s16+$0x300] =	vst v8  }
0x44: {  	s5 =	sshra.s32 s4, $0x2;
	s4 =	sadd.s32 $0x200, s4;
	[tilespmem:s16+$0x380] =	vst v3  }
0x45: {  	v3 =	vld [tilespmem:s5+$0x200];
	_ =	sdelay $0x4  }
0x46: {  	v4 =	vbroadcast v3, $0x0  }
0x47: {  	s4 =	sadd.s32 $0x800, s16;
	v5 =	vbroadcast v3, $0x1  }
0x48: {  	v6 =	vbroadcast v3, $0x2;
	[tilespmem:s4+$0xFFFFFC00] =	vst v4  }
0x49: {  	v44 =	vbroadcast v3, $0x3;
	[tilespmem:s4+$0xFFFFFC80] =	vst v5  }
0x4a: {  	v45 =	vbroadcast v3, $0x4;
	[tilespmem:s4+$0xFFFFFD00] =	vst v6  }
0x4b: {  	v46 =	vbroadcast v3, $0x5;
	[tilespmem:s4+$0xFFFFFD80] =	vst v44  }
0x4c: {  	v47 =	vbroadcast v3, $0x6;
	[tilespmem:s4+$0xFFFFFE00] =	vst v45  }
0x4d: {  	v48 =	vbroadcast v3, $0x7;
	[tilespmem:s4+$0xFFFFFE80] =	vst v46  }
0x4e: {  	v49 =	vbroadcast v3, $0x8;
	[tilespmem:s4+$0xFFFFFF00] =	vst v47  }
0x4f: {  	v50 =	vbroadcast v3, $0x9;
	[tilespmem:s4+$0xFFFFFF80] =	vst v48  }
0x50: {  	v51 =	vbroadcast v3, $0xA;
	[tilespmem:s4+$0x0] =	vst v49  }
0x51: {  	v52 =	vbroadcast v3, $0xB;
	[tilespmem:s4+$0x80] =	vst v50  }
0x52: {  	v53 =	vbroadcast v3, $0xC;
	[tilespmem:s4+$0x100] =	vst v51  }
0x53: {  	v54 =	vbroadcast v3, $0xD;
	[tilespmem:s4+$0x180] =	vst v52  }
0x54: {  	v55 =	vbroadcast v3, $0xE;
	[tilespmem:s4+$0x200] =	vst v53  }
0x55: {  	v3 =	vbroadcast v3, $0xF;
	[tilespmem:s4+$0x280] =	vst v54  }
0x56: {  	[tilespmem:s4+$0x300] =	vst v55  }
0x57: {  	s6 =	rddreg [dreg:$0x6];
	s16 =	simm.s32 $0x600;
	[tilespmem:s4+$0x380] =	vst v3  }
0x58: {  	[hbm4b:s6+s3] =	stream.linear.scatter [tilespmem:s16], [sflag:$0x5], $0x4000, $0x38;
	[tilespmem:$0x14600] =	vst v63  }
0x59: {  	v3 =	vld [tilespmem:$0x0];
	_ =	sdelay $0x4  }
0x5a: {  	v56 =	vshll.u32 v3, $0x3  }
0x5b: {  	v3 =	vand.u32 $0x7, v3;
	v4 =	vand.u32 $0xFFFFFFC0, v56  }
0x5c: {  	v3 =	vor.u32 v3, v4  }
0x5d: {  	v4 =	vperm.xlane v3, v0;
	_ =	sdelay $0x1  }
0x5e: {  	v4 =	vadd.s32 v1, v4;
	_ =	sdelay $0x4  }
0x5f: {  	[tilespmem:s17], [sflag:$0x1] =	stream.indirect_vreg.gather [hbm4b:s18+s3], $0x80, v4, vm0, $0xb8;
	[tilespmem:$0x14600] =	vst v63  }
0x60: {  	s4 =	simm.s32 $0x4E00;
	v3 =	vperm.xlane v3, v2  }
0x61: {  	[tilespmem:s4], [sflag:$0x1] =	stream.indirect_vreg.gather [hbm4b:s7+s3], $0x80, v4, vm0, $0xb8;
	[tilespmem:$0x14600] =	vst v63  }
0x62: {  	s5 =	simm.s32 $0x5600;
	v3 =	vadd.s32 v1, v3  }
0x63: {  	[tilespmem:s5], [sflag:$0x1] =	stream.indirect_vreg.gather [hbm4b:s8+s3], $0x80, v4, vm0, $0xb8;
	[tilespmem:$0x14600] =	vst v63  }
0x64: {  	s16 =	simm.s32 $0x5E00  }
0x65: {  	[tilespmem:s16], [sflag:$0x1] =	stream.indirect_vreg.gather [hbm4b:s9+s3], $0x80, v4, vm0, $0xb8;
	[tilespmem:$0x14600] =	vst v63  }
0x66: {  	s6 =	simm.s32 $0x6600  }
0x67: {  	[tilespmem:s6], [sflag:$0x1] =	stream.indirect_vreg.gather [hbm4b:s18+s3], $0x80, v3, vm0, $0xb8;
	[tilespmem:$0x14600] =	vst v63  }
0x68: {  	_ = 	snop  }
0x69: {  	[tilespmem:s11], [sflag:$0x1] =	stream.indirect_vreg.gather [hbm4b:s7+s3], $0x80, v3, vm0, $0xb8;
	[tilespmem:$0x14600] =	vst v63  }
0x6a: {  	_ = 	snop  }
0x6b: {  	[tilespmem:s12], [sflag:$0x1] =	stream.indirect_vreg.gather [hbm4b:s8+s3], $0x80, v3, vm0, $0xb8;
	[tilespmem:$0x14600] =	vst v63  }
0x6c: {  	_ = 	snop  }
0x6d: {  	[tilespmem:s13], [sflag:$0x1] =	stream.indirect_vreg.gather [hbm4b:s9+s3], $0x80, v3, vm0, $0xb8;
	[tilespmem:$0x14600] =	vst v63  }
0x6e: {  	v3 =	vld [tilespmem:$0x10];
	_ =	sdelay $0x4  }
0x6f: {  	v57 =	vshll.u32 v3, $0x3  }
0x70: {  	v3 =	vand.u32 $0x7, v3;
	v4 =	vand.u32 $0xFFFFFFC0, v57  }
0x71: {  	v3 =	vor.u32 v3, v4  }
0x72: {  	v4 =	vperm.xlane v3, v0;
	_ =	sdelay $0x1  }
0x73: {  	v4 =	vadd.s32 v1, v4;
	_ =	sdelay $0x4  }
0x74: {  	[tilespmem:s19], [sflag:$0x1] =	stream.indirect_vreg.gather [hbm4b:s18+s3], $0x80, v4, vm0, $0xb8;
	[tilespmem:$0x14600] =	vst v63  }
0x75: {  	v3 =	vperm.xlane v3, v2  }
0x76: {  	[tilespmem:s14], [sflag:$0x1] =	stream.indirect_vreg.gather [hbm4b:s7+s3], $0x80, v4, vm0, $0xb8;
	[tilespmem:$0x14600] =	vst v63  }
0x77: {  	v3 =	vadd.s32 v1, v3  }
0x78: {  	[tilespmem:s20], [sflag:$0x1] =	stream.indirect_vreg.gather [hbm4b:s8+s3], $0x80, v4, vm0, $0xb8;
	[tilespmem:$0x14600] =	vst v63  }
0x79: {  	_ = 	snop  }
0x7a: {  	[tilespmem:s21], [sflag:$0x1] =	stream.indirect_vreg.gather [hbm4b:s9+s3], $0x80, v4, vm0, $0xb8;
	[tilespmem:$0x14600] =	vst v63  }
0x7b: {  	_ = 	snop  }
0x7c: {  	[tilespmem:s22], [sflag:$0x1] =	stream.indirect_vreg.gather [hbm4b:s18+s3], $0x80, v3, vm0, $0xb8;
	[tilespmem:$0x14600] =	vst v63  }
0x7d: {  	_ = 	snop  }
0x7e: {  	[tilespmem:s23], [sflag:$0x1] =	stream.indirect_vreg.gather [hbm4b:s7+s3], $0x80, v3, vm0, $0xb8;
	[tilespmem:$0x14600] =	vst v63  }
0x7f: {  	_ = 	snop  }
0x80: {  	[tilespmem:s24], [sflag:$0x1] =	stream.indirect_vreg.gather [hbm4b:s8+s3], $0x80, v3, vm0, $0xb8;
	[tilespmem:$0x14600] =	vst v63  }
0x81: {  	_ = 	snop  }
0x82: {  	[tilespmem:s10], [sflag:$0x1] =	stream.indirect_vreg.gather [hbm4b:s9+s3], $0x80, v3, vm0, $0xb8;
	[tilespmem:$0x14600] =	vst v63  }
0x83: {  	v3 =	vld [tilespmem:$0x80];
	_ =	sdelay $0x4  }
0x84: {  	v58 =	vshll.u32 v3, $0x3  }
0x85: {  	v3 =	vand.u32 $0x7, v3;
	v4 =	vand.u32 $0xFFFFFFC0, v58  }
0x86: {  	v3 =	vor.u32 v3, v4  }
0x87: {  	v4 =	vperm.xlane v3, v0;
	_ =	sdelay $0x1  }
0x88: {  	v4 =	vadd.s32 v1, v4;
	_ =	sdelay $0x4  }
0x89: {  	[tilespmem:s15], [sflag:$0x2] =	stream.indirect_vreg.gather [hbm4b:s18+s3], $0x80, v4, vm0, $0xb8;
	[tilespmem:$0x14600] =	vst v63  }
0x8a: {  	v3 =	vperm.xlane v3, v2  }
0x8b: {  	[tilespmem:s26], [sflag:$0x2] =	stream.indirect_vreg.gather [hbm4b:s7+s3], $0x80, v4, vm0, $0xb8;
	[tilespmem:$0x14600] =	vst v63  }
0x8c: {  	s2 =	simm.s32 $0xD600;
	v3 =	vadd.s32 v1, v3  }
0x8d: {  	[tilespmem:s2], [sflag:$0x2] =	stream.indirect_vreg.gather [hbm4b:s8+s3], $0x80, v4, vm0, $0xb8;
	[tilespmem:$0x14600] =	vst v63  }
0x8e: {  	s1 =	simm.s32 $0xDE00  }
0x8f: {  	[tilespmem:s1], [sflag:$0x2] =	stream.indirect_vreg.gather [hbm4b:s9+s3], $0x80, v4, vm0, $0xb8;
	[tilespmem:$0x14600] =	vst v63  }
0x90: {  	_ = 	snop  }
0x91: {  	[tilespmem:s28], [sflag:$0x2] =	stream.indirect_vreg.gather [hbm4b:s18+s3], $0x80, v3, vm0, $0xb8;
	[tilespmem:$0x14600] =	vst v63  }
0x92: {  	_ = 	snop  }
0x93: {  	[tilespmem:s29], [sflag:$0x2] =	stream.indirect_vreg.gather [hbm4b:s7+s3], $0x80, v3, vm0, $0xb8;
	[tilespmem:$0x14600] =	vst v63  }
0x94: {  	_ = 	snop  }
0x95: {  	[tilespmem:s30], [sflag:$0x2] =	stream.indirect_vreg.gather [hbm4b:s8+s3], $0x80, v3, vm0, $0xb8;
	[tilespmem:$0x14600] =	vst v63  }
0x96: {  	_ = 	snop  }
0x97: {  	[tilespmem:s31], [sflag:$0x2] =	stream.indirect_vreg.gather [hbm4b:s9+s3], $0x80, v3, vm0, $0xb8;
	[tilespmem:$0x14600] =	vst v63  }
0x98: {  	v3 =	vld [tilespmem:$0x90];
	_ =	sdelay $0x4  }
0x99: {  	v59 =	vshll.u32 v3, $0x3  }
0x9a: {  	v3 =	vand.u32 $0x7, v3;
	v4 =	vand.u32 $0xFFFFFFC0, v59  }
0x9b: {  	v3 =	vor.u32 v3, v4  }
0x9c: {  	v4 =	vperm.xlane v3, v0;
	_ =	sdelay $0x1  }
0x9d: {  	v4 =	vadd.s32 v1, v4;
	_ =	sdelay $0x3  }
0x9e: {  	s25 =	simm.s32 $0x10600  }
0x9f: {  	[tilespmem:s25], [sflag:$0x2] =	stream.indirect_vreg.gather [hbm4b:s18+s3], $0x80, v4, vm0, $0xb8;
	[tilespmem:$0x14600] =	vst v63  }
0xa0: {  	v3 =	vperm.xlane v3, v2;
	s25 =	simm.s32 $0x10E00  }
0xa1: {  	[tilespmem:s25], [sflag:$0x2] =	stream.indirect_vreg.gather [hbm4b:s7+s3], $0x80, v4, vm0, $0xb8;
	[tilespmem:$0x14600] =	vst v63  }
0xa2: {  	v3 =	vadd.s32 v1, v3;
	s25 =	simm.s32 $0x11600  }
0xa3: {  	[tilespmem:s25], [sflag:$0x2] =	stream.indirect_vreg.gather [hbm4b:s8+s3], $0x80, v4, vm0, $0xb8;
	[tilespmem:$0x14600] =	vst v63  }
0xa4: {  	s25 =	simm.s32 $0x11E00  }
0xa5: {  	[tilespmem:s25], [sflag:$0x2] =	stream.indirect_vreg.gather [hbm4b:s9+s3], $0x80, v4, vm0, $0xb8;
	[tilespmem:$0x14600] =	vst v63  }
0xa6: {  	s25 =	simm.s32 $0x12600  }
0xa7: {  	[tilespmem:s25], [sflag:$0x2] =	stream.indirect_vreg.gather [hbm4b:s18+s3], $0x80, v3, vm0, $0xb8;
	[tilespmem:$0x14600] =	vst v63  }
0xa8: {  	s25 =	simm.s32 $0x12E00  }
0xa9: {  	[tilespmem:s25], [sflag:$0x2] =	stream.indirect_vreg.gather [hbm4b:s7+s3], $0x80, v3, vm0, $0xb8;
	[tilespmem:$0x14600] =	vst v63  }
0xaa: {  	s25 =	simm.s32 $0x13600  }
0xab: {  	[tilespmem:s25], [sflag:$0x2] =	stream.indirect_vreg.gather [hbm4b:s8+s3], $0x80, v3, vm0, $0xb8;
	[tilespmem:$0x14600] =	vst v63  }
0xac: {  	s1 =	simm.s32 $0x1;
	s25 =	simm.s32 $0x13E00  }
0xad: {  	[tilespmem:s25], [sflag:$0x2] =	stream.indirect_vreg.gather [hbm4b:s9+s3], $0x80, v3, vm0, $0xb8;
	[tilespmem:$0x14600] =	vst v63  }
0xae: {  	_ =	swait.ge [sflag:s1], $0x8000  }
0xaf: {  	[sflag:s1] =	ssyncset.done $0x0  }
0xb0: {  	s25 =	rddreg [dreg:$0xb];
	[sflag:s1] =	ssyncadd.s32 $0xFFFF8000  }
0xb1: {  	[hbm4b:s25+s3] =	stream.linear.scatter [tilespmem:s17], [sflag:$0x3], $0x8000, $0x38;
	[tilespmem:$0x14600] =	vst v63  }
0xb2: {  	s25 =	simm.s32 $0x3  }
0xb3: {  	_ =	swait.ge [sflag:s25], $0x8000  }
0xb4: {  	[sflag:s25] =	ssyncset.done $0x0  }
0xb5: {  	[sflag:s25] =	ssyncadd.s32 $0xFFFF8000  }
0xb6: {  	v3 =	vld [tilespmem:$0x100];
	_ =	sdelay $0x4  }
0xb7: {  	v60 =	vshll.u32 v3, $0x3  }
0xb8: {  	v3 =	vand.u32 $0x7, v3;
	v4 =	vand.u32 $0xFFFFFFC0, v60  }
0xb9: {  	v3 =	vor.u32 v3, v4  }
0xba: {  	v4 =	vperm.xlane v3, v0;
	_ =	sdelay $0x1  }
0xbb: {  	v4 =	vadd.s32 v1, v4;
	_ =	sdelay $0x4  }
0xbc: {  	[tilespmem:s17], [sflag:$0x1] =	stream.indirect_vreg.gather [hbm4b:s18+s3], $0x80, v4, vm0, $0xb8;
	[tilespmem:$0x14600] =	vst v63  }
0xbd: {  	v3 =	vperm.xlane v3, v2  }
0xbe: {  	[tilespmem:s4], [sflag:$0x1] =	stream.indirect_vreg.gather [hbm4b:s7+s3], $0x80, v4, vm0, $0xb8;
	[tilespmem:$0x14600] =	vst v63  }
0xbf: {  	v3 =	vadd.s32 v1, v3  }
0xc0: {  	[tilespmem:s5], [sflag:$0x1] =	stream.indirect_vreg.gather [hbm4b:s8+s3], $0x80, v4, vm0, $0xb8;
	[tilespmem:$0x14600] =	vst v63  }
0xc1: {  	_ = 	snop  }
0xc2: {  	[tilespmem:s16], [sflag:$0x1] =	stream.indirect_vreg.gather [hbm4b:s9+s3], $0x80, v4, vm0, $0xb8;
	[tilespmem:$0x14600] =	vst v63  }
0xc3: {  	_ = 	snop  }
0xc4: {  	[tilespmem:s6], [sflag:$0x1] =	stream.indirect_vreg.gather [hbm4b:s18+s3], $0x80, v3, vm0, $0xb8;
	[tilespmem:$0x14600] =	vst v63  }
0xc5: {  	_ = 	snop  }
0xc6: {  	[tilespmem:s11], [sflag:$0x1] =	stream.indirect_vreg.gather [hbm4b:s7+s3], $0x80, v3, vm0, $0xb8;
	[tilespmem:$0x14600] =	vst v63  }
0xc7: {  	_ = 	snop  }
0xc8: {  	[tilespmem:s12], [sflag:$0x1] =	stream.indirect_vreg.gather [hbm4b:s8+s3], $0x80, v3, vm0, $0xb8;
	[tilespmem:$0x14600] =	vst v63  }
0xc9: {  	_ = 	snop  }
0xca: {  	[tilespmem:s13], [sflag:$0x1] =	stream.indirect_vreg.gather [hbm4b:s9+s3], $0x80, v3, vm0, $0xb8;
	[tilespmem:$0x14600] =	vst v63  }
0xcb: {  	v3 =	vld [tilespmem:$0x110];
	_ =	sdelay $0x4  }
0xcc: {  	v61 =	vshll.u32 v3, $0x3  }
0xcd: {  	v3 =	vand.u32 $0x7, v3;
	v4 =	vand.u32 $0xFFFFFFC0, v61  }
0xce: {  	v3 =	vor.u32 v3, v4  }
0xcf: {  	v4 =	vperm.xlane v3, v0;
	_ =	sdelay $0x1  }
0xd0: {  	v4 =	vadd.s32 v1, v4;
	_ =	sdelay $0x4  }
0xd1: {  	[tilespmem:s19], [sflag:$0x1] =	stream.indirect_vreg.gather [hbm4b:s18+s3], $0x80, v4, vm0, $0xb8;
	[tilespmem:$0x14600] =	vst v63  }
0xd2: {  	v3 =	vperm.xlane v3, v2  }
0xd3: {  	[tilespmem:s14], [sflag:$0x1] =	stream.indirect_vreg.gather [hbm4b:s7+s3], $0x80, v4, vm0, $0xb8;
	[tilespmem:$0x14600] =	vst v63  }
0xd4: {  	v3 =	vadd.s32 v1, v3  }
0xd5: {  	[tilespmem:s20], [sflag:$0x1] =	stream.indirect_vreg.gather [hbm4b:s8+s3], $0x80, v4, vm0, $0xb8;
	[tilespmem:$0x14600] =	vst v63  }
0xd6: {  	_ = 	snop  }
0xd7: {  	[tilespmem:s21], [sflag:$0x1] =	stream.indirect_vreg.gather [hbm4b:s9+s3], $0x80, v4, vm0, $0xb8;
	[tilespmem:$0x14600] =	vst v63  }
0xd8: {  	_ = 	snop  }
0xd9: {  	[tilespmem:s22], [sflag:$0x1] =	stream.indirect_vreg.gather [hbm4b:s18+s3], $0x80, v3, vm0, $0xb8;
	[tilespmem:$0x14600] =	vst v63  }
0xda: {  	_ = 	snop  }
0xdb: {  	[tilespmem:s23], [sflag:$0x1] =	stream.indirect_vreg.gather [hbm4b:s7+s3], $0x80, v3, vm0, $0xb8;
	[tilespmem:$0x14600] =	vst v63  }
0xdc: {  	_ = 	snop  }
0xdd: {  	[tilespmem:s24], [sflag:$0x1] =	stream.indirect_vreg.gather [hbm4b:s8+s3], $0x80, v3, vm0, $0xb8;
	[tilespmem:$0x14600] =	vst v63  }
0xde: {  	s5 =	simm.s32 $0x2  }
0xdf: {  	[tilespmem:s10], [sflag:$0x1] =	stream.indirect_vreg.gather [hbm4b:s9+s3], $0x80, v3, vm0, $0xb8;
	[tilespmem:$0x14600] =	vst v63  }
0xe0: {  	_ =	swait.ge [sflag:s5], $0x8000  }
0xe1: {  	[sflag:s5] =	ssyncset.done $0x0  }
0xe2: {  	s6 =	rddreg [dreg:$0x7];
	[sflag:s5] =	ssyncadd.s32 $0xFFFF8000  }
0xe3: {  	[hbm4b:s6+s3] =	stream.linear.scatter [tilespmem:s15], [sflag:$0x4], $0x8000, $0x38;
	[tilespmem:$0x14600] =	vst v63  }
0xe4: {  	s6 =	simm.s32 $0x4  }
0xe5: {  	_ =	swait.ge [sflag:s6], $0x8000  }
0xe6: {  	[sflag:s6] =	ssyncset.done $0x0  }
0xe7: {  	[sflag:s6] =	ssyncadd.s32 $0xFFFF8000  }
0xe8: {  	v3 =	vld [tilespmem:$0x180];
	_ =	sdelay $0x4  }
0xe9: {  	v62 =	vshll.u32 v3, $0x3  }
0xea: {  	v3 =	vand.u32 $0x7, v3;
	v4 =	vand.u32 $0xFFFFFFC0, v62  }
0xeb: {  	v3 =	vor.u32 v3, v4  }
0xec: {  	v4 =	vperm.xlane v3, v0;
	_ =	sdelay $0x1  }
0xed: {  	v4 =	vadd.s32 v1, v4;
	_ =	sdelay $0x4  }
0xee: {  	[tilespmem:s15], [sflag:$0x2] =	stream.indirect_vreg.gather [hbm4b:s18+s3], $0x80, v4, vm0, $0xb8;
	[tilespmem:$0x14600] =	vst v63  }
0xef: {  	v3 =	vperm.xlane v3, v2  }
0xf0: {  	[tilespmem:s26], [sflag:$0x2] =	stream.indirect_vreg.gather [hbm4b:s7+s3], $0x80, v4, vm0, $0xb8;
	[tilespmem:$0x14600] =	vst v63  }
0xf1: {  	v3 =	vadd.s32 v1, v3  }
0xf2: {  	[tilespmem:s2], [sflag:$0x2] =	stream.indirect_vreg.gather [hbm4b:s8+s3], $0x80, v4, vm0, $0xb8;
	[tilespmem:$0x14600] =	vst v63  }
0xf3: {  	s16 =	simm.s32 $0xDE00  }
0xf4: {  	[tilespmem:s16], [sflag:$0x2] =	stream.indirect_vreg.gather [hbm4b:s9+s3], $0x80, v4, vm0, $0xb8;
	[tilespmem:$0x14600] =	vst v63  }
0xf5: {  	_ = 	snop  }
0xf6: {  	[tilespmem:s28], [sflag:$0x2] =	stream.indirect_vreg.gather [hbm4b:s18+s3], $0x80, v3, vm0, $0xb8;
	[tilespmem:$0x14600] =	vst v63  }
0xf7: {  	_ = 	snop  }
0xf8: {  	[tilespmem:s29], [sflag:$0x2] =	stream.indirect_vreg.gather [hbm4b:s7+s3], $0x80, v3, vm0, $0xb8;
	[tilespmem:$0x14600] =	vst v63  }
0xf9: {  	_ = 	snop  }
0xfa: {  	[tilespmem:s30], [sflag:$0x2] =	stream.indirect_vreg.gather [hbm4b:s8+s3], $0x80, v3, vm0, $0xb8;
	[tilespmem:$0x14600] =	vst v63  }
0xfb: {  	_ = 	snop  }
0xfc: {  	[tilespmem:s31], [sflag:$0x2] =	stream.indirect_vreg.gather [hbm4b:s9+s3], $0x80, v3, vm0, $0xb8;
	[tilespmem:$0x14600] =	vst v63  }
0xfd: {  	v3 =	vld [tilespmem:$0x190];
	_ =	sdelay $0x4  }
0xfe: {  	v63 =	vshll.u32 v3, $0x3  }
0xff: {  	v3 =	vand.u32 $0x7, v3;
	v4 =	vand.u32 $0xFFFFFFC0, v63  }
0x100: {  	v3 =	vor.u32 v3, v4  }
0x101: {  	v4 =	vperm.xlane v3, v0;
	_ =	sdelay $0x1  }
0x102: {  	v4 =	vadd.s32 v1, v4;
	_ =	sdelay $0x3  }
0x103: {  	s4 =	simm.s32 $0x10600  }
0x104: {  	[tilespmem:s4], [sflag:$0x2] =	stream.indirect_vreg.gather [hbm4b:s18+s3], $0x80, v4, vm0, $0xb8;
	[tilespmem:$0x14600] =	vst v63  }
0x105: {  	s16 =	simm.s32 $0x10E00;
	v3 =	vperm.xlane v3, v2  }
0x106: {  	[tilespmem:s16], [sflag:$0x2] =	stream.indirect_vreg.gather [hbm4b:s7+s3], $0x80, v4, vm0, $0xb8;
	[tilespmem:$0x14600] =	vst v63  }
0x107: {  	v3 =	vadd.s32 v1, v3;
	s4 =	simm.s32 $0x11600  }
0x108: {  	[tilespmem:s4], [sflag:$0x2] =	stream.indirect_vreg.gather [hbm4b:s8+s3], $0x80, v4, vm0, $0xb8;
	[tilespmem:$0x14600] =	vst v63  }
0x109: {  	s16 =	simm.s32 $0x11E00  }
0x10a: {  	[tilespmem:s16], [sflag:$0x2] =	stream.indirect_vreg.gather [hbm4b:s9+s3], $0x80, v4, vm0, $0xb8;
	[tilespmem:$0x14600] =	vst v63  }
0x10b: {  	s4 =	simm.s32 $0x12600  }
0x10c: {  	[tilespmem:s4], [sflag:$0x2] =	stream.indirect_vreg.gather [hbm4b:s18+s3], $0x80, v3, vm0, $0xb8;
	[tilespmem:$0x14600] =	vst v63  }
0x10d: {  	s16 =	simm.s32 $0x12E00  }
0x10e: {  	[tilespmem:s16], [sflag:$0x2] =	stream.indirect_vreg.gather [hbm4b:s7+s3], $0x80, v3, vm0, $0xb8;
	[tilespmem:$0x14600] =	vst v63  }
0x10f: {  	s4 =	simm.s32 $0x13600  }
0x110: {  	[tilespmem:s4], [sflag:$0x2] =	stream.indirect_vreg.gather [hbm4b:s8+s3], $0x80, v3, vm0, $0xb8;
	[tilespmem:$0x14600] =	vst v63  }
0x111: {  	s16 =	simm.s32 $0x13E00  }
0x112: {  	[tilespmem:s16], [sflag:$0x2] =	stream.indirect_vreg.gather [hbm4b:s9+s3], $0x80, v3, vm0, $0xb8;
	[tilespmem:$0x14600] =	vst v63  }
0x113: {  	_ =	swait.ge [sflag:s1], $0x8000  }
0x114: {  	[sflag:s1] =	ssyncset.done $0x0  }
0x115: {  	s2 =	rddreg [dreg:$0x8];
	[sflag:s1] =	ssyncadd.s32 $0xFFFF8000  }
0x116: {  	[hbm4b:s2+s3] =	stream.linear.scatter [tilespmem:s17], [sflag:$0x3], $0x8000, $0x38;
	[tilespmem:$0x14600] =	vst v63  }
0x117: {  	_ =	swait.ge [sflag:s5], $0x8000  }
0x118: {  	[sflag:s5] =	ssyncset.done $0x0  }
0x119: {  	[sflag:s5] =	ssyncadd.s32 $0xFFFF8000;
	s5 =	rddreg [dreg:$0x9]  }
0x11a: {  	[hbm4b:s5+s3] =	stream.linear.scatter [tilespmem:s15], [sflag:$0x4], $0x8000, $0x38;
	[tilespmem:$0x14600] =	vst v63  }
0x11b: {  	_ =	swait.ge [sflag:s25], $0x8000  }
0x11c: {  	[sflag:s25] =	ssyncset.done $0x0  }
0x11d: {  	[sflag:s25] =	ssyncadd.s32 $0xFFFF8000  }
0x11e: {  	_ =	swait.ge [sflag:s6], $0x8000  }
0x11f: {  	[sflag:s6] =	ssyncset.done $0x0  }
0x120: {  	s16 =	simm.s32 $0x5;
	[sflag:s6] =	ssyncadd.s32 $0xFFFF8000  }
0x121: {  	_ =	swait.ge [sflag:s16], $0x4000  }
0x122: {  	s0 =	sadd.s32 $0x1, s0;
	s25 =	rddreg [dreg:$0xa]  }
0x123: {  	p0 =	sne.s32 s0, s25  }
.Ltmp1:
0x124: {  	_ = 	snop;
	(pc) =	sbr.rel @p0 .LBB2_1-.Ltmp1, $3  }
0x125: {  	_ =	sdelay $0x1  }
0x126: {  	[sflag:s16] =	ssyncset.done $0x0  }
0x127: {  	[sflag:s16] =	ssyncadd.s32 $0xFFFFC000  }
0x128: {  	_ =	sfence.sel $0x180000  }
0x129: {  	[bflag:$0x0] =	sbarrier.arrive $0xFFFF  }
0x12a: {  	_ =	strace $0x90000047  }
0x12b: {  	s0 =	stileid.u32;
	[bflag:$0x2] =	sbarrier.arrive $0xFFFF  }
0x12c: {  	p0 =	sne.s32 s0, $0x0;
	s0 =	rddreg [dreg:$0x3]  }
0x12d: {  	s0 =	sadd.s32 @!p0 $0x100000, s0  }
0x12e: {  	[sflag:s0] =	ssyncadd.tile.s32 @!p0 $0x1;
	_ =	shalt  }
.Lfunc_end2:
_tile_overlayer_lowered:
.L_overlay_start_2:
0x12f: {  	(tag) =	ssettag $0x2  }
0x130: {  	s0 =	rddreg [dreg:$0x0];
	s2 =	stileid.u32  }
0x131: {  	s1 =	rddreg [dreg:$0x1];
	p0 =	sne.s32 s2, $0x0  }
0x132: {  	s3 =	rddreg [dreg:$0x2];
	[bflag:$0x3] =	sbarrier.arrive $0xFFFF;
	s2 =	simm.s32 @!p0 $0x1C06  }
0x133: {  	[timem:s3], [sflag:s2] =	dma.local @!p0 [hbm:s0], s1  }
0x134: {  	s0 =	simm.s32 @!p0 $0x6  }
0x135: {  	_ =	swait.ge @!p0 [sflag:s0], s1  }
0x136: {  	s1 =	ssub.s32 @!p0 $0x0, s1;
	[sflag:s0] =	ssyncset.done @!p0 $0x0  }
0x137: {  	[sflag:s0] =	ssyncadd.s32 @!p0 s1  }
0x138: {  	[bflag:$0x3] =	sbarrier.arrive $0xFFFF  }
0x139: {  	_ =	shalt  }

// kernel: kernel.13.cloned.1.call-start
scs
__scs_entry_jumppad:
0x0: {  	(pc) =	sbr.rel $0x88, $3  }
0x1: {  	(tag) =	ssettag $0x0;
	lr =	simm.s32 $0x1  }
0x2: {  	[smem:$0x3F99] =	sst lr;
	_ =	strace $0xD0000000  }
0x3: {  	_ = 	snop  }
0x4: {  	_ = 	snop  }
0x5: {  	_ = 	snop  }
0x6: {  	_ = 	snop  }
0x7: {  	_ = 	snop  }
__scs_overlays_trampoline_lowered:
0x8: {  	[smem:$0x3FA8] =	sst s0  }
0x9: {  	[smem:$0x3FA9] =	sst s1  }
0xa: {  	[smem:$0x3FAA] =	sst s2  }
0xb: {  	[smem:$0x3FAB] =	sst s3  }
0xc: {  	[smem:$0x3FAC] =	sst s4  }
0xd: {  	[smem:$0x3FAD] =	sst s5  }
0xe: {  	[smem:$0x3FAE] =	sst s6  }
0xf: {  	[smem:$0x3FAF] =	sst s7  }
0x10: {  	[smem:$0x3FB0] =	sst s8  }
0x11: {  	[smem:$0x3FB1] =	sst s9;
	s0 =	simm.s32 @!p0 $0x0  }
0x12: {  	s1 =	sld [smem:$0x3F97];
	s0 =	simm.s32 @p0 $0x1  }
0x13: {  	[smem:$0x3FB2] =	sst s0;
	s0 =	simm.s32 @!p1 $0x0  }
0x14: {  	s2 =	sld [smem:$0x3F96];
	s0 =	simm.s32 @p1 $0x1  }
0x15: {  	[smem:$0x3FB3] =	sst s0;
	s0 =	simm.s32 @!p2 $0x0  }
0x16: {  	s3 =	sld [smem:$0x3FDB];
	s0 =	simm.s32 @p2 $0x1  }
0x17: {  	s4 =	simm.s32 $0x1BF5;
	[smem:$0x3FB5] =	sst s0  }
0x18: {  	s0 =	sld [smem:$0x3F98];
	_ =	swait.ge [sflag:s4], $0x0  }
0x19: {  	s7 =	sld [smem:$0x3F99]  }
0x1a: {  	s8 =	sadd.s32 $0xFFFFE003, lr  }
0x1b: {  	s9 =	sadd.s32 $0xFFFFFEF7, lr;
	s5 =	simm.s32 $0xFFFFFFFF;
	p2 =	slt.u32 s8, $0xFFFFF086  }
0x1c: {  	p1 =	slt.u32 s9, $0xF7A;
	s5 =	simm.s32 @!p2 $0x0  }
0x1d: {  	s5 =	simm.s32 @p1 $0x1;
	p0 =	seq.s32 s7, s2  }
0x1e: {  	s7 =	smul.u32 @!p0 $0xF7A, s2;
	p2 =	seq.s32 @!p0 s5, $0x0  }
0x1f: {  	s9 =	smul.u32 $0xF7A, s1;
	s8 =	simm.s32 @!p0 $0x1BF5;
	p2 =	por !p2, p0  }
0x20: {  	[sflag:s8] =	ssyncset.s32 @!p0 $0xFFFFF086;
	s6 =	sadd.s32 @!p0 s3, s7;
	s7 =	simm.s32 @!p0 $0x108  }
0x21: {  	s3 =	sadd.s32 s3, s9;
	s6 =	sadd.s32 @!p0 $0x88, s6;
	s7 =	simm.s32 @p2 $0x1082  }
0x22: {  	[simem:s7], [sflag:s8] =	dma.local @!p0 [hbm:s6], $0xF7A  }
0x23: {  	s9 =	sor.u32 $0xD0000000, s2;
	s6 =	simm.s32 $0x108;
	_ =	swait.ge @!p0 [sflag:s8], $0x0  }
0x24: {  	s3 =	sadd.s32 $0x88, s3;
	s6 =	simm.s32 @!p1 $0x1082;
	[sflag:s4] =	ssyncset.s32 $0xFFFFF086  }
0x25: {  	[simem:s6], [sflag:s4] =	dma.local [hbm:s3], $0xF7A  }
0x26: {  	[smem:$0x3F99] =	sst s1;
	(tag) =	ssettag s2;
	_ =	strace s9  }
0x27: {  	s1 =	sld [smem:$0x3FA9]  }
0x28: {  	s2 =	sld [smem:$0x3FAA]  }
0x29: {  	s4 =	sld [smem:$0x3FAC]  }
0x2a: {  	p0 =	seq.s32 s5, $0x0;
	s5 =	sld [smem:$0x3FAD]  }
0x2b: {  	s6 =	sld [smem:$0x3FAE]  }
0x2c: {  	s7 =	sld [smem:$0x3FAF]  }
0x2d: {  	s3 =	simm.s32 $0x108;
	s8 =	sld [smem:$0x3FB0]  }
0x2e: {  	s3 =	simm.s32 @!p0 $0x1082;
	s9 =	sld [smem:$0x3FB1]  }
0x2f: {  	lr =	sadd.s32 s0, s3;
	s0 =	sld [smem:$0x3FA8]  }
0x30: {  	s3 =	sld [smem:$0x3FAB]  }
0x31: {  	[smem:$0x3FB4] =	sst s10  }
0x32: {  	s10 =	sld [smem:$0x3FB2];
	_ =	sdelay $0x3  }
0x33: {  	p0 =	seq.s32 s10, $0x1;
	s10 =	sld [smem:$0x3FB4];
	_ =	sdelay $0x3  }
0x34: {  	[smem:$0x3FB4] =	sst s10  }
0x35: {  	s10 =	sld [smem:$0x3FB3];
	_ =	sdelay $0x3  }
0x36: {  	p1 =	seq.s32 s10, $0x1;
	s10 =	sld [smem:$0x3FB4];
	_ =	sdelay $0x3  }
0x37: {  	[smem:$0x3FB4] =	sst s10  }
0x38: {  	s10 =	sld [smem:$0x3FB5]  }
0x39: {  	_ = 	snop;
	(pc) =	sbr.ind lr, $3  }
0x3a: {  	_ = 	snop  }
0x3b: {  	_ = 	snop  }
0x3c: {  	p2 =	seq.s32 s10, $0x1;
	s10 =	sld [smem:$0x3FB4]  }
0x3d: {  	_ =	shalt  }
0x3e: {  	_ =	shalt  }
0x3f: {  	_ =	shalt  }
0x40: {  	_ =	shalt  }
0x41: {  	_ =	shalt  }
0x42: {  	_ =	shalt  }
0x43: {  	_ =	shalt  }
0x44: {  	_ =	shalt  }
0x45: {  	_ =	shalt  }
0x46: {  	_ =	shalt  }
0x47: {  	_ =	shalt  }
0x48: {  	_ =	shalt  }
0x49: {  	_ =	shalt  }
0x4a: {  	_ =	shalt  }
0x4b: {  	_ =	shalt  }
0x4c: {  	_ =	shalt  }
0x4d: {  	_ =	shalt  }
0x4e: {  	_ =	shalt  }
0x4f: {  	_ =	shalt  }
0x50: {  	_ =	shalt  }
0x51: {  	_ =	shalt  }
0x52: {  	_ =	shalt  }
0x53: {  	_ =	shalt  }
0x54: {  	_ =	shalt  }
0x55: {  	_ =	shalt  }
0x56: {  	_ =	shalt  }
0x57: {  	_ =	shalt  }
0x58: {  	_ =	shalt  }
0x59: {  	_ =	shalt  }
0x5a: {  	_ =	shalt  }
0x5b: {  	_ =	shalt  }
0x5c: {  	_ =	shalt  }
0x5d: {  	_ =	shalt  }
0x5e: {  	_ =	shalt  }
0x5f: {  	_ =	shalt  }
0x60: {  	_ =	shalt  }
0x61: {  	_ =	shalt  }
0x62: {  	_ =	shalt  }
0x63: {  	_ =	shalt  }
0x64: {  	_ =	shalt  }
0x65: {  	_ =	shalt  }
0x66: {  	_ =	shalt  }
0x67: {  	_ =	shalt  }
0x68: {  	_ =	shalt  }
0x69: {  	_ =	shalt  }
0x6a: {  	_ =	shalt  }
0x6b: {  	_ =	shalt  }
0x6c: {  	_ =	shalt  }
0x6d: {  	_ =	shalt  }
0x6e: {  	_ =	shalt  }
0x6f: {  	_ =	shalt  }
0x70: {  	_ =	shalt  }
0x71: {  	_ =	shalt  }
0x72: {  	_ =	shalt  }
0x73: {  	_ =	shalt  }
0x74: {  	_ =	shalt  }
0x75: {  	_ =	shalt  }
0x76: {  	_ =	shalt  }
0x77: {  	_ =	shalt  }
0x78: {  	_ =	shalt  }
0x79: {  	_ =	shalt  }
0x7a: {  	_ =	shalt  }
0x7b: {  	_ =	shalt  }
0x7c: {  	_ =	shalt  }
0x7d: {  	_ =	shalt  }
0x7e: {  	_ =	shalt  }
0x7f: {  	_ =	shalt  }
0x80: {  	_ =	shalt  }
0x81: {  	_ =	shalt  }
0x82: {  	_ =	shalt  }
0x83: {  	_ =	shalt  }
0x84: {  	_ =	shalt  }
0x85: {  	_ =	shalt  }
0x86: {  	_ =	shalt  }
0x87: {  	_ =	shalt  }
.Lfunc_end0:
.L_simem_size_0:
called_computation.1_lowered:
.L_overlay_start_0:
0x88: {  	s2 =	sld [smem:$0x3FD9]  }
0x89: {  	s3 =	sld [smem:$0x3FFE];
	_ =	sdelay $0x1  }
0x8a: {  	s1 =	srdreg.scid  }
0x8b: {  	s0 =	sand.u32 $0x1, s1  }
0x8c: {  	s17 =	sshll.u32 s0, $0xA;
	s2 =	sadd.s32 s3, s2  }
0x8d: {  	s2 =	sadd.s32 s2, s17  }
0x8e: {  	[smem:$0x3FC0] =	sst s2  }
0x8f: {  	_ = 	snop  }
0x90: {  	s18 =	sld [smem:$0x3FC7];
	(tm) =	ssettm $0x1  }
0x91: {  	s19 =	sld [smem:$0x3FFB];
	_ =	sdelay $0x3  }
0x92: {  	_ =	strace s19  }
0x93: {  	s2 =	sld [smem:$0x3FFC];
	_ =	sdelay $0x3  }
0x94: {  	_ =	strace s2  }
0x95: {  	s2 =	sld [smem:$0x3FFD];
	_ =	sdelay $0x3  }
0x96: {  	_ =	strace s2  }
0x97: {  	_ =	strace $0x8FFFFFFF  }
0x98: {  	s20 =	sld [smem:$0x3FDB];
	_ =	sdelay $0x1  }
0x99: {  	s4 =	simm.s32 $_scs_section_size  }
0x9a: {  	s5 =	simm.s32 $_size__tile_overlayer_lowered;
	s6 =	simm.s32 $_tile_overlayer_lowered  }
0x9b: {  	s7 =	simm.s32 $0x1BFF;
	s21 =	sshll.u32 s6, $0x1;
	s4 =	sadd.s32 s4, s20  }
0x9c: {  	s22 =	simm.s32 $0x0;
	s5 =	sshll.u32 s5, $0x1;
	s6 =	sadd.s32 s21, s4  }
0x9d: {  	[timem:s22], [sflag:s7] =	dma.local [hbm:s6], s5  }
0x9e: {  	_ =	swait.ge [sflag:s7], s5  }
0x9f: {  	s5 =	ssub.s32 $0x0, s5;
	[sflag:s7] =	ssyncset.done $0x0  }
0xa0: {  	[sflag:s7] =	ssyncadd.s32 s5;
	_ =	sdelay $0x1  }
0xa1: {  	s23 =	simm.s32 $0x1B8B  }
0xa2: {  	_ =	swait.ge [sflag:s23], $0x1  }
0xa3: {  	[sflag:s23] =	ssyncset.done $0x0  }
0xa4: {  	[sflag:s23] =	ssyncadd.s32 $0xFFFFFFFF  }
0xa5: {  	s5 =	sld [smem:$0x0]  }
0xa6: {  	s6 =	sand.u32 $0xFFFFFFFE, s1  }
0xa7: {  	p0 =	sne.s32 s1, s6  }
0xa8: {  	s6 =	sshll.u32 @p0 s6, $0xE  }
0xa9: {  	s6 =	sadd.s32 @p0 $0x11B8D, s6;
	s7 =	sshll.u32 @p0 s5, $0x11  }
0xaa: {  	s6 =	sor.u32 @p0 s7, s6  }
0xab: {  	[sflag:s6] =	ssyncadd.remote.s32 @p0 $0x1;
	_ =	sdelay $0x1  }
0xac: {  	s6 =	simm.s32 @p0 $0x1B8D  }
0xad: {  	_ =	swait.eq @p0 [sflag:s6], $0x1  }
0xae: {  	[sflag:s6] =	ssyncadd.s32 @p0 $0xFFFFFFFF  }
0xaf: {  	s7 =	sshll.u32 @!p0 s1, $0xE  }
0xb0: {  	s7 =	sor.u32 @!p0 $0x4000, s7;
	s6 =	simm.s32 @!p0 $0x1B8D  }
0xb1: {  	s5 =	sshll.u32 @!p0 s5, $0x11;
	s7 =	sadd.s32 @!p0 $0x11B8D, s7;
	_ =	swait.eq @!p0 [sflag:s6], $0x1  }
0xb2: {  	s5 =	sor.u32 @!p0 s5, s7;
	[sflag:s6] =	ssyncadd.s32 @!p0 $0xFFFFFFFF  }
0xb3: {  	s25 =	simm.s32 $0x1B8E;
	s24 =	sld [smem:$0x3FFE];
	[sflag:s5] =	ssyncadd.remote.s32 @!p0 $0x1  }
0xb4: {  	s26 =	simm.s32 $execute0_lowered;
	[smem:$0x3FD2] =	sst s25  }
0xb5: {  	s6 =	sshll.u32 s26, $0x1;
	_ =	strace $0x80000049;
	[dreg:$0x1] =	wrdreg $0xFFFFFFFF  }
0xb6: {  	s28 =	simm.s32 $_size_execute0_lowered;
	s4 =	sadd.s32 s4, s6;
	[dreg:$0x0] =	wrdreg $0x0  }
0xb7: {  	s6 =	sshll.u32 s28, $0x1;
	[dreg:$0x2] =	wrdreg s4  }
0xb8: {  	[dreg:$0x3] =	wrdreg s6  }
0xb9: {  	[dreg:$0x4] =	wrdreg $0xC0  }
0xba: {  	_ =	task [dreg:s22], $0x5FFFF  }
0xbb: {  	[dreg:$0x1] =	wrdreg $0xFFFFFFFF  }
0xbc: {  	[dreg:$0x0] =	wrdreg $0x60  }
0xbd: {  	[dreg:$0x2] =	wrdreg s18  }
0xbe: {  	[dreg:$0x3] =	wrdreg s24  }
0xbf: {  	[dreg:$0x4] =	wrdreg $0xA  }
0xc0: {  	_ =	task.clear_ibuf [dreg:s22], $0x5FFFF;
	_ =	strace $0x90000049  }
0xc1: {  	s29 =	simm.s32 $0xA;
	_ =	strace $0x8000004B  }
0xc2: {  	_ =	swait.ge [sflag:s29], $0x1  }
0xc3: {  	[sflag:s29] =	ssyncadd.s32 $0xFFFFFFFF  }
0xc4: {  	_ =	strace $0x9000004B  }
0xc5: {  	_ =	sfence  }
0xc6: {  	s30 =	sld [smem:$0x0];
	_ =	sdelay $0x2  }
0xc7: {  	s31 =	sshll.u32 s1, $0xD;
	s1 =	sshrl.u32 s1, $0x2  }
0xc8: {  	s4 =	sand.u32 $0x4000, s31;
	s1 =	sadd.s32 s1, s30  }
0xc9: {  	s0 =	sor.u32 s4, s0;
	s1 =	sshll.u32 s1, $0x11  }
0xca: {  	s0 =	sor.u32 s1, s0  }
0xcb: {  	s0 =	sadd.s32 $0x8F2B, s0  }
0xcc: {  	[sflag:s0] =	ssyncadd.remote.s32 $0x1  }
0xcd: {  	_ =	sfence.sel $0xFFFF  }
0xce: {  	[dreg:$0x0] =	wrdreg $0xFFFFFFFF;
	(pc) =	sbr.abs _section_cstart, $3  }
0xcf: {  	[dreg:$0x1] =	wrdreg $0xFFFFFFFF  }
0xd0: {  	_ =	task.clear_ibuf [dreg:s22], $0x2FFFF;
	_ =	strace $0x9FFFFFFF  }
0xd1: {  	(tm) =	ssettm $0x7FFFFFFF  }
tec
execute0_lowered:
.L_overlay_start_1:
0x0: {  	(tag) =	ssettag $0x1  }
0x1: {  	s25 =	rddreg [dreg:$0x0];
	s0 =	srdreg.scid  }
0x2: {  	s3 =	stileid.u32;
	s1 =	rddreg [dreg:$0x1]  }
0x3: {  	s17 =	simm.s32 $0x4600;
	s11 =	simm.s32 $0x7600;
	s12 =	simm.s32 $0x7E00  }
0x4: {  	s13 =	simm.s32 $0x8600;
	s14 =	simm.s32 $0x9600;
	s15 =	simm.s32 $0xC600  }
0x5: {  	s31 =	simm.s32 $0xD600;
	s28 =	simm.s32 $0xEE00;
	s29 =	simm.s32 $0xF600  }
0x6: {  	s30 =	simm.s32 $0xFE00;
	s18 =	simm.s32 $0x3;
	s0 =	sand.u32 $0x1, s0  }
0x7: {  	s4 =	sshll.u32 s3, $0x1;
	s3 =	simm.s32 $0x0;
	s8 =	sadd.s32 $0x200, s25  }
0x8: {  	s9 =	sadd.s32 $0x300, s25;
	s4 =	sor.u32 s0, s4;
	[smem:$0x7FF] =	sst s3  }
0x9: {  	s5 =	sshll.u32 s4, $0x6;
	_ =	strace $0x8000004A;
	s6 =	sshll.u32 s4, $0x7  }
0xa: {  	s7 =	sshll.u32 s4, $0xE;
	s4 =	sshll.u32 s4, $0xB;
	s5 =	sadd.s32 s5, s1  }
0xb: {  	s6 =	sadd.s32 s6, s1;
	s10 =	sadd.s32 s7, s1;
	s20 =	sadd.s32 $0x15C00, s5  }
0xc: {  	s1 =	sadd.s32 s4, s1;
	s21 =	sadd.s32 $0x17400, s6;
	[dreg:$0x3] =	wrdreg s20  }
0xd: {  	s0 =	ssub.s32 $0x2, s0;
	s1 =	sadd.s32 $0x9A400, s1;
	[dreg:$0x4] =	wrdreg s21  }
0xe: {  	s19 =	sshrl.u32 s0, $0x1;
	s22 =	sadd.s32 $0x1A400, s10;
	[dreg:$0x5] =	wrdreg s1  }
0xf: {  	s0 =	ssub.s32 s0, s19;
	s23 =	sadd.s32 $0x1B400, s10;
	[dreg:$0x6] =	wrdreg s22  }
0x10: {  	s7 =	sadd.s32 $0x100, s25;
	s24 =	sadd.s32 $0x1C400, s10;
	[dreg:$0x7] =	wrdreg s23  }
0x11: {  	s19 =	simm.s32 $0x8E00;
	s26 =	sadd.s32 $0x1D400, s10;
	[dreg:$0x8] =	wrdreg s24  }
0x12: {  	s0 =	smax.u32 s0, $0x1;
	s6 =	simm.s32 $0x6600;
	[dreg:$0x9] =	wrdreg s26  }
0x13: {  	v2 =	vlaneseq.u32;
	s10 =	simm.s32 $0x6E00;
	[dreg:$0xa] =	wrdreg s0;
	s1 =	simm.s32 $0x0  }
0x14: {  	vm0 =	vmmov $0xffff;
	v1 =	vshrl.u32 v2, $0x3;
	s20 =	simm.s32 $0x9E00;
	s21 =	simm.s32 $0xA600;
	s22 =	simm.s32 $0xAE00  }
0x15: {  	v0 =	vand.u32 $0x7, v2;
	v2 =	vor.u32 $0x8, v2;
	v1 =	vmul.u32 $0x8, v1;
	s23 =	simm.s32 $0xB600;
	s24 =	simm.s32 $0xBE00;
	s26 =	simm.s32 $0xE600  }
.LBB2_1:
0x16: {  	s0 =	rddreg [dreg:$0x3];
	s5 =	simm.s32 $0x6  }
0x17: {  	[tilespmem:s3], [sflag:$0x6] =	stream.linear.gather [hbm4b:s0+s3], $0x200, $0x38;
	[tilespmem:$0x14600] =	vst v63  }
0x18: {  	_ =	swait.ge [sflag:s5], $0x200  }
0x19: {  	[sflag:s5] =	ssyncset.done $0x0  }
0x1a: {  	s4 =	simm.s32 $0x200;
	s2 =	rddreg [dreg:$0x4];
	[sflag:s5] =	ssyncadd.s32 $0xFFFFFE00  }
0x1b: {  	[tilespmem:s4], [sflag:$0x6] =	stream.linear.gather [hbm4b:s2+s3], $0x400, $0x38;
	[tilespmem:$0x14600] =	vst v63  }
0x1c: {  	_ =	swait.ge [sflag:s5], $0x400  }
0x1d: {  	[sflag:s5] =	ssyncset.done $0x0  }
0x1e: {  	s16 =	simm.s32 $0x0;
	[sflag:s5] =	ssyncadd.s32 $0xFFFFFC00  }
0x1f: {  	v3 =	vld [tilespmem:s16+$0x200];
	_ =	sdelay $0x4  }
0x20: {  	v4 =	vbroadcast v3, $0x0  }
0x21: {  	s0 =	simm.s32 $0xA00;
	v5 =	vbroadcast v3, $0x1  }
0x22: {  	v6 =	vbroadcast v3, $0x2;
	[tilespmem:s0+$0xFFFFFC00] =	vst v4  }
0x23: {  	v52 =	vbroadcast v3, $0x3;
	[tilespmem:s0+$0xFFFFFC80] =	vst v5  }
0x24: {  	v53 =	vbroadcast v3, $0x4;
	[tilespmem:s0+$0xFFFFFD00] =	vst v6  }
0x25: {  	v54 =	vbroadcast v3, $0x5;
	[tilespmem:s0+$0xFFFFFD80] =	vst v52  }
0x26: {  	v55 =	vbroadcast v3, $0x6;
	[tilespmem:s0+$0xFFFFFE00] =	vst v53  }
0x27: {  	v56 =	vbroadcast v3, $0x7;
	[tilespmem:s0+$0xFFFFFE80] =	vst v54  }
0x28: {  	v57 =	vbroadcast v3, $0x8;
	[tilespmem:s0+$0xFFFFFF00] =	vst v55  }
0x29: {  	v58 =	vbroadcast v3, $0x9;
	[tilespmem:s0+$0xFFFFFF80] =	vst v56  }
0x2a: {  	v59 =	vbroadcast v3, $0xA;
	[tilespmem:s0+$0x0] =	vst v57  }
0x2b: {  	v60 =	vbroadcast v3, $0xB;
	[tilespmem:s0+$0x80] =	vst v58  }
0x2c: {  	v61 =	vbroadcast v3, $0xC;
	[tilespmem:s0+$0x100] =	vst v59  }
0x2d: {  	v62 =	vbroadcast v3, $0xD;
	[tilespmem:s0+$0x180] =	vst v60  }
0x2e: {  	v63 =	vbroadcast v3, $0xE;
	[tilespmem:s0+$0x200] =	vst v61  }
0x2f: {  	v3 =	vbroadcast v3, $0xF;
	[tilespmem:s0+$0x280] =	vst v62  }
0x30: {  	[tilespmem:s0+$0x300] =	vst v63  }
0x31: {  	s4 =	simm.s32 $0x80;
	s16 =	simm.s32 $0x400;
	[tilespmem:s0+$0x380] =	vst v3  }
.LBB2_2:
0x32: {  	p0 =	sne.s32 s16, $0xE00;
	v3 =	vld [tilespmem:s4+$0x200];
	_ =	sdelay $0x4  }
0x33: {  	v4 =	vbroadcast v3, $0x0;
	v5 =	vbroadcast v3, $0x1  }
0x34: {  	s0 =	sadd.s32 $0x800, s0;
	v6 =	vbroadcast v3, $0x2;
	v7 =	vbroadcast v3, $0x3  }
0x35: {  	v8 =	vbroadcast v3, $0x5;
	[tilespmem:s0+$0xFFFFFC00] =	vst v4;
	v4 =	vbroadcast v3, $0x4  }
0x36: {  	v9 =	vbroadcast v3, $0x7;
	[tilespmem:s0+$0xFFFFFC80] =	vst v5;
	v5 =	vbroadcast v3, $0x6  }
0x37: {  	v10 =	vbroadcast v3, $0x9;
	[tilespmem:s0+$0xFFFFFD00] =	vst v6;
	v6 =	vbroadcast v3, $0x8  }
0x38: {  	v11 =	vbroadcast v3, $0xB;
	[tilespmem:s0+$0xFFFFFD80] =	vst v7;
	v7 =	vbroadcast v3, $0xA  }
0x39: {  	v12 =	vbroadcast v3, $0xD;
	[tilespmem:s0+$0xFFFFFE00] =	vst v4;
	v4 =	vbroadcast v3, $0xC  }
0x3a: {  	[tilespmem:s0+$0xFFFFFE80] =	vst v8;
	v8 =	vbroadcast v3, $0xE;
	v3 =	vbroadcast v3, $0xF  }
0x3b: {  	[tilespmem:s0+$0xFFFFFF00] =	vst v5  }
0x3c: {  	[tilespmem:s0+$0xFFFFFF80] =	vst v9  }
0x3d: {  	[tilespmem:s0+$0x0] =	vst v6  }
0x3e: {  	[tilespmem:s0+$0x80] =	vst v10  }
0x3f: {  	[tilespmem:s0+$0x100] =	vst v7  }
.Ltmp0:
0x40: {  	[tilespmem:s0+$0x180] =	vst v11;
	(pc) =	sbr.rel @p0 .LBB2_2-.Ltmp0, $4  }
0x41: {  	[tilespmem:s0+$0x200] =	vst v4  }
0x42: {  	[tilespmem:s0+$0x280] =	vst v12  }
0x43: {  	[tilespmem:s0+$0x300] =	vst v8  }
0x44: {  	s4 =	sshra.s32 s16, $0x2;
	s16 =	sadd.s32 $0x200, s16;
	[tilespmem:s0+$0x380] =	vst v3  }
0x45: {  	v3 =	vld [tilespmem:s4+$0x200];
	_ =	sdelay $0x4  }
0x46: {  	v4 =	vbroadcast v3, $0x0  }
0x47: {  	s0 =	sadd.s32 $0x800, s0;
	v5 =	vbroadcast v3, $0x1  }
0x48: {  	v6 =	vbroadcast v3, $0x2;
	[tilespmem:s0+$0xFFFFFC00] =	vst v4  }
0x49: {  	v44 =	vbroadcast v3, $0x3;
	[tilespmem:s0+$0xFFFFFC80] =	vst v5  }
0x4a: {  	v45 =	vbroadcast v3, $0x4;
	[tilespmem:s0+$0xFFFFFD00] =	vst v6  }
0x4b: {  	v46 =	vbroadcast v3, $0x5;
	[tilespmem:s0+$0xFFFFFD80] =	vst v44  }
0x4c: {  	v47 =	vbroadcast v3, $0x6;
	[tilespmem:s0+$0xFFFFFE00] =	vst v45  }
0x4d: {  	v48 =	vbroadcast v3, $0x7;
	[tilespmem:s0+$0xFFFFFE80] =	vst v46  }
0x4e: {  	v49 =	vbroadcast v3, $0x8;
	[tilespmem:s0+$0xFFFFFF00] =	vst v47  }
0x4f: {  	v50 =	vbroadcast v3, $0x9;
	[tilespmem:s0+$0xFFFFFF80] =	vst v48  }
0x50: {  	v51 =	vbroadcast v3, $0xA;
	[tilespmem:s0+$0x0] =	vst v49  }
0x51: {  	v52 =	vbroadcast v3, $0xB;
	[tilespmem:s0+$0x80] =	vst v50  }
0x52: {  	v53 =	vbroadcast v3, $0xC;
	[tilespmem:s0+$0x100] =	vst v51  }
0x53: {  	v54 =	vbroadcast v3, $0xD;
	[tilespmem:s0+$0x180] =	vst v52  }
0x54: {  	v55 =	vbroadcast v3, $0xE;
	[tilespmem:s0+$0x200] =	vst v53  }
0x55: {  	v3 =	vbroadcast v3, $0xF;
	[tilespmem:s0+$0x280] =	vst v54  }
0x56: {  	[tilespmem:s0+$0x300] =	vst v55  }
0x57: {  	s5 =	rddreg [dreg:$0x5];
	s16 =	simm.s32 $0x600;
	[tilespmem:s0+$0x380] =	vst v3  }
0x58: {  	[hbm4b:s5+s3] =	stream.linear.scatter [tilespmem:s16], [sflag:$0x5], $0x4000, $0x38;
	[tilespmem:$0x14600] =	vst v63  }
0x59: {  	v3 =	vld [tilespmem:$0x0];
	_ =	sdelay $0x4  }
0x5a: {  	v56 =	vshll.u32 v3, $0x3  }
0x5b: {  	v3 =	vand.u32 $0x7, v3;
	v4 =	vand.u32 $0xFFFFFFC0, v56  }
0x5c: {  	v3 =	vor.u32 v3, v4  }
0x5d: {  	v4 =	vperm.xlane v3, v0;
	_ =	sdelay $0x1  }
0x5e: {  	v4 =	vadd.s32 v1, v4;
	_ =	sdelay $0x4  }
0x5f: {  	[tilespmem:s17], [sflag:$0x1] =	stream.indirect_vreg.gather [hbm4b:s25+s3], $0x80, v4, vm0, $0xb8;
	[tilespmem:$0x14600] =	vst v63  }
0x60: {  	s4 =	simm.s32 $0x4E00;
	v3 =	vperm.xlane v3, v2  }
0x61: {  	[tilespmem:s4], [sflag:$0x1] =	stream.indirect_vreg.gather [hbm4b:s7+s3], $0x80, v4, vm0, $0xb8;
	[tilespmem:$0x14600] =	vst v63  }
0x62: {  	s16 =	simm.s32 $0x5600;
	v3 =	vadd.s32 v1, v3  }
0x63: {  	[tilespmem:s16], [sflag:$0x1] =	stream.indirect_vreg.gather [hbm4b:s8+s3], $0x80, v4, vm0, $0xb8;
	[tilespmem:$0x14600] =	vst v63  }
0x64: {  	s5 =	simm.s32 $0x5E00  }
0x65: {  	[tilespmem:s5], [sflag:$0x1] =	stream.indirect_vreg.gather [hbm4b:s9+s3], $0x80, v4, vm0, $0xb8;
	[tilespmem:$0x14600] =	vst v63  }
0x66: {  	_ = 	snop  }
0x67: {  	[tilespmem:s6], [sflag:$0x1] =	stream.indirect_vreg.gather [hbm4b:s25+s3], $0x80, v3, vm0, $0xb8;
	[tilespmem:$0x14600] =	vst v63  }
0x68: {  	_ = 	snop  }
0x69: {  	[tilespmem:s10], [sflag:$0x1] =	stream.indirect_vreg.gather [hbm4b:s7+s3], $0x80, v3, vm0, $0xb8;
	[tilespmem:$0x14600] =	vst v63  }
0x6a: {  	_ = 	snop  }
0x6b: {  	[tilespmem:s11], [sflag:$0x1] =	stream.indirect_vreg.gather [hbm4b:s8+s3], $0x80, v3, vm0, $0xb8;
	[tilespmem:$0x14600] =	vst v63  }
0x6c: {  	_ = 	snop  }
0x6d: {  	[tilespmem:s12], [sflag:$0x1] =	stream.indirect_vreg.gather [hbm4b:s9+s3], $0x80, v3, vm0, $0xb8;
	[tilespmem:$0x14600] =	vst v63  }
0x6e: {  	v3 =	vld [tilespmem:$0x10];
	_ =	sdelay $0x4  }
0x6f: {  	v57 =	vshll.u32 v3, $0x3  }
0x70: {  	v3 =	vand.u32 $0x7, v3;
	v4 =	vand.u32 $0xFFFFFFC0, v57  }
0x71: {  	v3 =	vor.u32 v3, v4  }
0x72: {  	v4 =	vperm.xlane v3, v0;
	_ =	sdelay $0x1  }
0x73: {  	v4 =	vadd.s32 v1, v4;
	_ =	sdelay $0x4  }
0x74: {  	[tilespmem:s13], [sflag:$0x1] =	stream.indirect_vreg.gather [hbm4b:s25+s3], $0x80, v4, vm0, $0xb8;
	[tilespmem:$0x14600] =	vst v63  }
0x75: {  	v3 =	vperm.xlane v3, v2  }
0x76: {  	[tilespmem:s19], [sflag:$0x1] =	stream.indirect_vreg.gather [hbm4b:s7+s3], $0x80, v4, vm0, $0xb8;
	[tilespmem:$0x14600] =	vst v63  }
0x77: {  	v3 =	vadd.s32 v1, v3  }
0x78: {  	[tilespmem:s14], [sflag:$0x1] =	stream.indirect_vreg.gather [hbm4b:s8+s3], $0x80, v4, vm0, $0xb8;
	[tilespmem:$0x14600] =	vst v63  }
0x79: {  	_ = 	snop  }
0x7a: {  	[tilespmem:s20], [sflag:$0x1] =	stream.indirect_vreg.gather [hbm4b:s9+s3], $0x80, v4, vm0, $0xb8;
	[tilespmem:$0x14600] =	vst v63  }
0x7b: {  	_ = 	snop  }
0x7c: {  	[tilespmem:s21], [sflag:$0x1] =	stream.indirect_vreg.gather [hbm4b:s25+s3], $0x80, v3, vm0, $0xb8;
	[tilespmem:$0x14600] =	vst v63  }
0x7d: {  	_ = 	snop  }
0x7e: {  	[tilespmem:s22], [sflag:$0x1] =	stream.indirect_vreg.gather [hbm4b:s7+s3], $0x80, v3, vm0, $0xb8;
	[tilespmem:$0x14600] =	vst v63  }
0x7f: {  	_ = 	snop  }
0x80: {  	[tilespmem:s23], [sflag:$0x1] =	stream.indirect_vreg.gather [hbm4b:s8+s3], $0x80, v3, vm0, $0xb8;
	[tilespmem:$0x14600] =	vst v63  }
0x81: {  	_ = 	snop  }
0x82: {  	[tilespmem:s24], [sflag:$0x1] =	stream.indirect_vreg.gather [hbm4b:s9+s3], $0x80, v3, vm0, $0xb8;
	[tilespmem:$0x14600] =	vst v63  }
0x83: {  	v3 =	vld [tilespmem:$0x80];
	_ =	sdelay $0x4  }
0x84: {  	v58 =	vshll.u32 v3, $0x3  }
0x85: {  	v3 =	vand.u32 $0x7, v3;
	v4 =	vand.u32 $0xFFFFFFC0, v58  }
0x86: {  	v3 =	vor.u32 v3, v4  }
0x87: {  	v4 =	vperm.xlane v3, v0;
	_ =	sdelay $0x1  }
0x88: {  	v4 =	vadd.s32 v1, v4;
	_ =	sdelay $0x4  }
0x89: {  	[tilespmem:s15], [sflag:$0x2] =	stream.indirect_vreg.gather [hbm4b:s25+s3], $0x80, v4, vm0, $0xb8;
	[tilespmem:$0x14600] =	vst v63  }
0x8a: {  	s2 =	simm.s32 $0xCE00;
	v3 =	vperm.xlane v3, v2  }
0x8b: {  	[tilespmem:s2], [sflag:$0x2] =	stream.indirect_vreg.gather [hbm4b:s7+s3], $0x80, v4, vm0, $0xb8;
	[tilespmem:$0x14600] =	vst v63  }
0x8c: {  	v3 =	vadd.s32 v1, v3  }
0x8d: {  	[tilespmem:s31], [sflag:$0x2] =	stream.indirect_vreg.gather [hbm4b:s8+s3], $0x80, v4, vm0, $0xb8;
	[tilespmem:$0x14600] =	vst v63  }
0x8e: {  	s2 =	simm.s32 $0xDE00  }
0x8f: {  	[tilespmem:s2], [sflag:$0x2] =	stream.indirect_vreg.gather [hbm4b:s9+s3], $0x80, v4, vm0, $0xb8;
	[tilespmem:$0x14600] =	vst v63  }
0x90: {  	_ = 	snop  }
0x91: {  	[tilespmem:s26], [sflag:$0x2] =	stream.indirect_vreg.gather [hbm4b:s25+s3], $0x80, v3, vm0, $0xb8;
	[tilespmem:$0x14600] =	vst v63  }
0x92: {  	_ = 	snop  }
0x93: {  	[tilespmem:s28], [sflag:$0x2] =	stream.indirect_vreg.gather [hbm4b:s7+s3], $0x80, v3, vm0, $0xb8;
	[tilespmem:$0x14600] =	vst v63  }
0x94: {  	_ = 	snop  }
0x95: {  	[tilespmem:s29], [sflag:$0x2] =	stream.indirect_vreg.gather [hbm4b:s8+s3], $0x80, v3, vm0, $0xb8;
	[tilespmem:$0x14600] =	vst v63  }
0x96: {  	_ = 	snop  }
0x97: {  	[tilespmem:s30], [sflag:$0x2] =	stream.indirect_vreg.gather [hbm4b:s9+s3], $0x80, v3, vm0, $0xb8;
	[tilespmem:$0x14600] =	vst v63  }
0x98: {  	v3 =	vld [tilespmem:$0x90];
	_ =	sdelay $0x4  }
0x99: {  	v59 =	vshll.u32 v3, $0x3  }
0x9a: {  	v3 =	vand.u32 $0x7, v3;
	v4 =	vand.u32 $0xFFFFFFC0, v59  }
0x9b: {  	v3 =	vor.u32 v3, v4  }
0x9c: {  	v4 =	vperm.xlane v3, v0;
	_ =	sdelay $0x1  }
0x9d: {  	v4 =	vadd.s32 v1, v4;
	_ =	sdelay $0x3  }
0x9e: {  	s2 =	simm.s32 $0x10600  }
0x9f: {  	[tilespmem:s2], [sflag:$0x2] =	stream.indirect_vreg.gather [hbm4b:s25+s3], $0x80, v4, vm0, $0xb8;
	[tilespmem:$0x14600] =	vst v63  }
0xa0: {  	v3 =	vperm.xlane v3, v2;
	s2 =	simm.s32 $0x10E00  }
0xa1: {  	[tilespmem:s2], [sflag:$0x2] =	stream.indirect_vreg.gather [hbm4b:s7+s3], $0x80, v4, vm0, $0xb8;
	[tilespmem:$0x14600] =	vst v63  }
0xa2: {  	v3 =	vadd.s32 v1, v3;
	s2 =	simm.s32 $0x11600  }
0xa3: {  	[tilespmem:s2], [sflag:$0x2] =	stream.indirect_vreg.gather [hbm4b:s8+s3], $0x80, v4, vm0, $0xb8;
	[tilespmem:$0x14600] =	vst v63  }
0xa4: {  	s2 =	simm.s32 $0x11E00  }
0xa5: {  	[tilespmem:s2], [sflag:$0x2] =	stream.indirect_vreg.gather [hbm4b:s9+s3], $0x80, v4, vm0, $0xb8;
	[tilespmem:$0x14600] =	vst v63  }
0xa6: {  	s2 =	simm.s32 $0x12600  }
0xa7: {  	[tilespmem:s2], [sflag:$0x2] =	stream.indirect_vreg.gather [hbm4b:s25+s3], $0x80, v3, vm0, $0xb8;
	[tilespmem:$0x14600] =	vst v63  }
0xa8: {  	s2 =	simm.s32 $0x12E00  }
0xa9: {  	[tilespmem:s2], [sflag:$0x2] =	stream.indirect_vreg.gather [hbm4b:s7+s3], $0x80, v3, vm0, $0xb8;
	[tilespmem:$0x14600] =	vst v63  }
0xaa: {  	s2 =	simm.s32 $0x13600  }
0xab: {  	[tilespmem:s2], [sflag:$0x2] =	stream.indirect_vreg.gather [hbm4b:s8+s3], $0x80, v3, vm0, $0xb8;
	[tilespmem:$0x14600] =	vst v63  }
0xac: {  	s2 =	simm.s32 $0x13E00  }
0xad: {  	[tilespmem:s2], [sflag:$0x2] =	stream.indirect_vreg.gather [hbm4b:s9+s3], $0x80, v3, vm0, $0xb8;
	[tilespmem:$0x14600] =	vst v63  }
0xae: {  	s2 =	simm.s32 $0x1  }
0xaf: {  	_ =	swait.ge [sflag:s2], $0x8000  }
0xb0: {  	[sflag:s2] =	ssyncset.done $0x0  }
0xb1: {  	s0 =	rddreg [dreg:$0x6];
	[sflag:s2] =	ssyncadd.s32 $0xFFFF8000  }
0xb2: {  	[hbm4b:s0+s3] =	stream.linear.scatter [tilespmem:s17], [sflag:$0x3], $0x8000, $0x38;
	[tilespmem:$0x14600] =	vst v63  }
0xb3: {  	_ =	swait.ge [sflag:s18], $0x8000  }
0xb4: {  	[sflag:s18] =	ssyncset.done $0x0  }
0xb5: {  	[sflag:s18] =	ssyncadd.s32 $0xFFFF8000  }
0xb6: {  	v3 =	vld [tilespmem:$0x100];
	_ =	sdelay $0x4  }
0xb7: {  	v60 =	vshll.u32 v3, $0x3  }
0xb8: {  	v3 =	vand.u32 $0x7, v3;
	v4 =	vand.u32 $0xFFFFFFC0, v60  }
0xb9: {  	v3 =	vor.u32 v3, v4  }
0xba: {  	v4 =	vperm.xlane v3, v0;
	_ =	sdelay $0x1  }
0xbb: {  	v4 =	vadd.s32 v1, v4;
	_ =	sdelay $0x4  }
0xbc: {  	[tilespmem:s17], [sflag:$0x1] =	stream.indirect_vreg.gather [hbm4b:s25+s3], $0x80, v4, vm0, $0xb8;
	[tilespmem:$0x14600] =	vst v63  }
0xbd: {  	v3 =	vperm.xlane v3, v2  }
0xbe: {  	[tilespmem:s4], [sflag:$0x1] =	stream.indirect_vreg.gather [hbm4b:s7+s3], $0x80, v4, vm0, $0xb8;
	[tilespmem:$0x14600] =	vst v63  }
0xbf: {  	v3 =	vadd.s32 v1, v3  }
0xc0: {  	[tilespmem:s16], [sflag:$0x1] =	stream.indirect_vreg.gather [hbm4b:s8+s3], $0x80, v4, vm0, $0xb8;
	[tilespmem:$0x14600] =	vst v63  }
0xc1: {  	_ = 	snop  }
0xc2: {  	[tilespmem:s5], [sflag:$0x1] =	stream.indirect_vreg.gather [hbm4b:s9+s3], $0x80, v4, vm0, $0xb8;
	[tilespmem:$0x14600] =	vst v63  }
0xc3: {  	_ = 	snop  }
0xc4: {  	[tilespmem:s6], [sflag:$0x1] =	stream.indirect_vreg.gather [hbm4b:s25+s3], $0x80, v3, vm0, $0xb8;
	[tilespmem:$0x14600] =	vst v63  }
0xc5: {  	_ = 	snop  }
0xc6: {  	[tilespmem:s10], [sflag:$0x1] =	stream.indirect_vreg.gather [hbm4b:s7+s3], $0x80, v3, vm0, $0xb8;
	[tilespmem:$0x14600] =	vst v63  }
0xc7: {  	_ = 	snop  }
0xc8: {  	[tilespmem:s11], [sflag:$0x1] =	stream.indirect_vreg.gather [hbm4b:s8+s3], $0x80, v3, vm0, $0xb8;
	[tilespmem:$0x14600] =	vst v63  }
0xc9: {  	_ = 	snop  }
0xca: {  	[tilespmem:s12], [sflag:$0x1] =	stream.indirect_vreg.gather [hbm4b:s9+s3], $0x80, v3, vm0, $0xb8;
	[tilespmem:$0x14600] =	vst v63  }
0xcb: {  	v3 =	vld [tilespmem:$0x110];
	_ =	sdelay $0x4  }
0xcc: {  	v61 =	vshll.u32 v3, $0x3  }
0xcd: {  	v3 =	vand.u32 $0x7, v3;
	v4 =	vand.u32 $0xFFFFFFC0, v61  }
0xce: {  	v3 =	vor.u32 v3, v4  }
0xcf: {  	v4 =	vperm.xlane v3, v0;
	_ =	sdelay $0x1  }
0xd0: {  	v4 =	vadd.s32 v1, v4;
	_ =	sdelay $0x4  }
0xd1: {  	[tilespmem:s13], [sflag:$0x1] =	stream.indirect_vreg.gather [hbm4b:s25+s3], $0x80, v4, vm0, $0xb8;
	[tilespmem:$0x14600] =	vst v63  }
0xd2: {  	v3 =	vperm.xlane v3, v2  }
0xd3: {  	[tilespmem:s19], [sflag:$0x1] =	stream.indirect_vreg.gather [hbm4b:s7+s3], $0x80, v4, vm0, $0xb8;
	[tilespmem:$0x14600] =	vst v63  }
0xd4: {  	v3 =	vadd.s32 v1, v3  }
0xd5: {  	[tilespmem:s14], [sflag:$0x1] =	stream.indirect_vreg.gather [hbm4b:s8+s3], $0x80, v4, vm0, $0xb8;
	[tilespmem:$0x14600] =	vst v63  }
0xd6: {  	_ = 	snop  }
0xd7: {  	[tilespmem:s20], [sflag:$0x1] =	stream.indirect_vreg.gather [hbm4b:s9+s3], $0x80, v4, vm0, $0xb8;
	[tilespmem:$0x14600] =	vst v63  }
0xd8: {  	_ = 	snop  }
0xd9: {  	[tilespmem:s21], [sflag:$0x1] =	stream.indirect_vreg.gather [hbm4b:s25+s3], $0x80, v3, vm0, $0xb8;
	[tilespmem:$0x14600] =	vst v63  }
0xda: {  	_ = 	snop  }
0xdb: {  	[tilespmem:s22], [sflag:$0x1] =	stream.indirect_vreg.gather [hbm4b:s7+s3], $0x80, v3, vm0, $0xb8;
	[tilespmem:$0x14600] =	vst v63  }
0xdc: {  	_ = 	snop  }
0xdd: {  	[tilespmem:s23], [sflag:$0x1] =	stream.indirect_vreg.gather [hbm4b:s8+s3], $0x80, v3, vm0, $0xb8;
	[tilespmem:$0x14600] =	vst v63  }
0xde: {  	s4 =	simm.s32 $0x2  }
0xdf: {  	[tilespmem:s24], [sflag:$0x1] =	stream.indirect_vreg.gather [hbm4b:s9+s3], $0x80, v3, vm0, $0xb8;
	[tilespmem:$0x14600] =	vst v63  }
0xe0: {  	_ =	swait.ge [sflag:s4], $0x8000  }
0xe1: {  	[sflag:s4] =	ssyncset.done $0x0  }
0xe2: {  	s5 =	rddreg [dreg:$0x7];
	[sflag:s4] =	ssyncadd.s32 $0xFFFF8000  }
0xe3: {  	[hbm4b:s5+s3] =	stream.linear.scatter [tilespmem:s15], [sflag:$0x4], $0x8000, $0x38;
	[tilespmem:$0x14600] =	vst v63  }
0xe4: {  	s5 =	simm.s32 $0x4  }
0xe5: {  	_ =	swait.ge [sflag:s5], $0x8000  }
0xe6: {  	[sflag:s5] =	ssyncset.done $0x0  }
0xe7: {  	[sflag:s5] =	ssyncadd.s32 $0xFFFF8000  }
0xe8: {  	v3 =	vld [tilespmem:$0x180];
	_ =	sdelay $0x4  }
0xe9: {  	v62 =	vshll.u32 v3, $0x3  }
0xea: {  	v3 =	vand.u32 $0x7, v3;
	v4 =	vand.u32 $0xFFFFFFC0, v62  }
0xeb: {  	v3 =	vor.u32 v3, v4  }
0xec: {  	v4 =	vperm.xlane v3, v0;
	_ =	sdelay $0x1  }
0xed: {  	v4 =	vadd.s32 v1, v4;
	_ =	sdelay $0x4  }
0xee: {  	[tilespmem:s15], [sflag:$0x2] =	stream.indirect_vreg.gather [hbm4b:s25+s3], $0x80, v4, vm0, $0xb8;
	[tilespmem:$0x14600] =	vst v63  }
0xef: {  	s16 =	simm.s32 $0xCE00;
	v3 =	vperm.xlane v3, v2  }
0xf0: {  	[tilespmem:s16], [sflag:$0x2] =	stream.indirect_vreg.gather [hbm4b:s7+s3], $0x80, v4, vm0, $0xb8;
	[tilespmem:$0x14600] =	vst v63  }
0xf1: {  	v3 =	vadd.s32 v1, v3  }
0xf2: {  	[tilespmem:s31], [sflag:$0x2] =	stream.indirect_vreg.gather [hbm4b:s8+s3], $0x80, v4, vm0, $0xb8;
	[tilespmem:$0x14600] =	vst v63  }
0xf3: {  	s16 =	simm.s32 $0xDE00  }
0xf4: {  	[tilespmem:s16], [sflag:$0x2] =	stream.indirect_vreg.gather [hbm4b:s9+s3], $0x80, v4, vm0, $0xb8;
	[tilespmem:$0x14600] =	vst v63  }
0xf5: {  	_ = 	snop  }
0xf6: {  	[tilespmem:s26], [sflag:$0x2] =	stream.indirect_vreg.gather [hbm4b:s25+s3], $0x80, v3, vm0, $0xb8;
	[tilespmem:$0x14600] =	vst v63  }
0xf7: {  	_ = 	snop  }
0xf8: {  	[tilespmem:s28], [sflag:$0x2] =	stream.indirect_vreg.gather [hbm4b:s7+s3], $0x80, v3, vm0, $0xb8;
	[tilespmem:$0x14600] =	vst v63  }
0xf9: {  	_ = 	snop  }
0xfa: {  	[tilespmem:s29], [sflag:$0x2] =	stream.indirect_vreg.gather [hbm4b:s8+s3], $0x80, v3, vm0, $0xb8;
	[tilespmem:$0x14600] =	vst v63  }
0xfb: {  	_ = 	snop  }
0xfc: {  	[tilespmem:s30], [sflag:$0x2] =	stream.indirect_vreg.gather [hbm4b:s9+s3], $0x80, v3, vm0, $0xb8;
	[tilespmem:$0x14600] =	vst v63  }
0xfd: {  	v3 =	vld [tilespmem:$0x190];
	_ =	sdelay $0x4  }
0xfe: {  	v63 =	vshll.u32 v3, $0x3  }
0xff: {  	v3 =	vand.u32 $0x7, v3;
	v4 =	vand.u32 $0xFFFFFFC0, v63  }
0x100: {  	v3 =	vor.u32 v3, v4  }
0x101: {  	v4 =	vperm.xlane v3, v0;
	_ =	sdelay $0x1  }
0x102: {  	v4 =	vadd.s32 v1, v4;
	_ =	sdelay $0x3  }
0x103: {  	s16 =	simm.s32 $0x10600  }
0x104: {  	[tilespmem:s16], [sflag:$0x2] =	stream.indirect_vreg.gather [hbm4b:s25+s3], $0x80, v4, vm0, $0xb8;
	[tilespmem:$0x14600] =	vst v63  }
0x105: {  	v3 =	vperm.xlane v3, v2;
	s16 =	simm.s32 $0x10E00  }
0x106: {  	[tilespmem:s16], [sflag:$0x2] =	stream.indirect_vreg.gather [hbm4b:s7+s3], $0x80, v4, vm0, $0xb8;
	[tilespmem:$0x14600] =	vst v63  }
0x107: {  	v3 =	vadd.s32 v1, v3;
	s16 =	simm.s32 $0x11600  }
0x108: {  	[tilespmem:s16], [sflag:$0x2] =	stream.indirect_vreg.gather [hbm4b:s8+s3], $0x80, v4, vm0, $0xb8;
	[tilespmem:$0x14600] =	vst v63  }
0x109: {  	s16 =	simm.s32 $0x11E00  }
0x10a: {  	[tilespmem:s16], [sflag:$0x2] =	stream.indirect_vreg.gather [hbm4b:s9+s3], $0x80, v4, vm0, $0xb8;
	[tilespmem:$0x14600] =	vst v63  }
0x10b: {  	s16 =	simm.s32 $0x12600  }
0x10c: {  	[tilespmem:s16], [sflag:$0x2] =	stream.indirect_vreg.gather [hbm4b:s25+s3], $0x80, v3, vm0, $0xb8;
	[tilespmem:$0x14600] =	vst v63  }
0x10d: {  	s16 =	simm.s32 $0x12E00  }
0x10e: {  	[tilespmem:s16], [sflag:$0x2] =	stream.indirect_vreg.gather [hbm4b:s7+s3], $0x80, v3, vm0, $0xb8;
	[tilespmem:$0x14600] =	vst v63  }
0x10f: {  	s16 =	simm.s32 $0x13600  }
0x110: {  	[tilespmem:s16], [sflag:$0x2] =	stream.indirect_vreg.gather [hbm4b:s8+s3], $0x80, v3, vm0, $0xb8;
	[tilespmem:$0x14600] =	vst v63  }
0x111: {  	s16 =	simm.s32 $0x13E00  }
0x112: {  	[tilespmem:s16], [sflag:$0x2] =	stream.indirect_vreg.gather [hbm4b:s9+s3], $0x80, v3, vm0, $0xb8;
	[tilespmem:$0x14600] =	vst v63  }
0x113: {  	_ =	swait.ge [sflag:s2], $0x8000  }
0x114: {  	[sflag:s2] =	ssyncset.done $0x0  }
0x115: {  	[sflag:s2] =	ssyncadd.s32 $0xFFFF8000;
	s2 =	rddreg [dreg:$0x8]  }
0x116: {  	[hbm4b:s2+s3] =	stream.linear.scatter [tilespmem:s17], [sflag:$0x3], $0x8000, $0x38;
	[tilespmem:$0x14600] =	vst v63  }
0x117: {  	_ =	swait.ge [sflag:s4], $0x8000  }
0x118: {  	[sflag:s4] =	ssyncset.done $0x0  }
0x119: {  	[sflag:s4] =	ssyncadd.s32 $0xFFFF8000;
	s4 =	rddreg [dreg:$0x9]  }
0x11a: {  	[hbm4b:s4+s3] =	stream.linear.scatter [tilespmem:s15], [sflag:$0x4], $0x8000, $0x38;
	[tilespmem:$0x14600] =	vst v63  }
0x11b: {  	_ =	swait.ge [sflag:s18], $0x8000  }
0x11c: {  	[sflag:s18] =	ssyncset.done $0x0  }
0x11d: {  	[sflag:s18] =	ssyncadd.s32 $0xFFFF8000  }
0x11e: {  	_ =	swait.ge [sflag:s5], $0x8000  }
0x11f: {  	[sflag:s5] =	ssyncset.done $0x0  }
0x120: {  	[sflag:s5] =	ssyncadd.s32 $0xFFFF8000;
	s5 =	simm.s32 $0x5  }
0x121: {  	_ =	swait.ge [sflag:s5], $0x4000  }
0x122: {  	s1 =	sadd.s32 $0x1, s1;
	s16 =	rddreg [dreg:$0xa]  }
0x123: {  	p0 =	sne.s32 s1, s16  }
.Ltmp1:
0x124: {  	_ = 	snop;
	(pc) =	sbr.rel @p0 .LBB2_1-.Ltmp1, $3  }
0x125: {  	_ =	sdelay $0x1  }
0x126: {  	[sflag:s5] =	ssyncset.done $0x0  }
0x127: {  	[sflag:s5] =	ssyncadd.s32 $0xFFFFC000  }
0x128: {  	_ =	sfence.sel $0x180000  }
0x129: {  	[bflag:$0x0] =	sbarrier.arrive $0xFFFF  }
0x12a: {  	_ =	strace $0x9000004A  }
0x12b: {  	s0 =	stileid.u32;
	[bflag:$0x2] =	sbarrier.arrive $0xFFFF  }
0x12c: {  	p0 =	sne.s32 s0, $0x0;
	s0 =	rddreg [dreg:$0x2]  }
0x12d: {  	s0 =	sadd.s32 @!p0 $0x100000, s0  }
0x12e: {  	[sflag:s0] =	ssyncadd.tile.s32 @!p0 $0x1;
	_ =	shalt  }
.Lfunc_end2:
_tile_overlayer_lowered:
.L_overlay_start_2:
0x12f: {  	(tag) =	ssettag $0x2  }
0x130: {  	s0 =	rddreg [dreg:$0x0];
	s2 =	stileid.u32  }
0x131: {  	s1 =	rddreg [dreg:$0x1];
	p0 =	sne.s32 s2, $0x0  }
0x132: {  	s3 =	rddreg [dreg:$0x2];
	[bflag:$0x3] =	sbarrier.arrive $0xFFFF;
	s2 =	simm.s32 @!p0 $0x1C06  }
0x133: {  	[timem:s3], [sflag:s2] =	dma.local @!p0 [hbm:s0], s1  }
0x134: {  	s0 =	simm.s32 @!p0 $0x6  }
0x135: {  	_ =	swait.ge @!p0 [sflag:s0], s1  }
0x136: {  	s1 =	ssub.s32 @!p0 $0x0, s1;
	[sflag:s0] =	ssyncset.done @!p0 $0x0  }
0x137: {  	[sflag:s0] =	ssyncadd.s32 @!p0 s1  }
0x138: {  	[bflag:$0x3] =	sbarrier.arrive $0xFFFF  }
0x139: {  	_ =	shalt  }

// kernel: kernel.16.cloned.1.call-start
scs
__scs_entry_jumppad:
0x0: {  	(pc) =	sbr.rel $0x88, $3  }
0x1: {  	(tag) =	ssettag $0x0;
	lr =	simm.s32 $0x1  }
0x2: {  	[smem:$0x3F99] =	sst lr;
	_ =	strace $0xD0000000  }
0x3: {  	_ = 	snop  }
0x4: {  	_ = 	snop  }
0x5: {  	_ = 	snop  }
0x6: {  	_ = 	snop  }
0x7: {  	_ = 	snop  }
__scs_overlays_trampoline_lowered:
0x8: {  	[smem:$0x3FA8] =	sst s0  }
0x9: {  	[smem:$0x3FA9] =	sst s1  }
0xa: {  	[smem:$0x3FAA] =	sst s2  }
0xb: {  	[smem:$0x3FAB] =	sst s3  }
0xc: {  	[smem:$0x3FAC] =	sst s4  }
0xd: {  	[smem:$0x3FAD] =	sst s5  }
0xe: {  	[smem:$0x3FAE] =	sst s6  }
0xf: {  	[smem:$0x3FAF] =	sst s7  }
0x10: {  	[smem:$0x3FB0] =	sst s8  }
0x11: {  	[smem:$0x3FB1] =	sst s9;
	s0 =	simm.s32 @!p0 $0x0  }
0x12: {  	s1 =	sld [smem:$0x3F97];
	s0 =	simm.s32 @p0 $0x1  }
0x13: {  	[smem:$0x3FB2] =	sst s0;
	s0 =	simm.s32 @!p1 $0x0  }
0x14: {  	s2 =	sld [smem:$0x3F96];
	s0 =	simm.s32 @p1 $0x1  }
0x15: {  	[smem:$0x3FB3] =	sst s0;
	s0 =	simm.s32 @!p2 $0x0  }
0x16: {  	s3 =	sld [smem:$0x3FDB];
	s0 =	simm.s32 @p2 $0x1  }
0x17: {  	s4 =	simm.s32 $0x1BF5;
	[smem:$0x3FB5] =	sst s0  }
0x18: {  	s0 =	sld [smem:$0x3F98];
	_ =	swait.ge [sflag:s4], $0x0  }
0x19: {  	s7 =	sld [smem:$0x3F99]  }
0x1a: {  	s8 =	sadd.s32 $0xFFFFE003, lr  }
0x1b: {  	s9 =	sadd.s32 $0xFFFFFEF7, lr;
	s5 =	simm.s32 $0xFFFFFFFF;
	p2 =	slt.u32 s8, $0xFFFFF086  }
0x1c: {  	p1 =	slt.u32 s9, $0xF7A;
	s5 =	simm.s32 @!p2 $0x0  }
0x1d: {  	s5 =	simm.s32 @p1 $0x1;
	p0 =	seq.s32 s7, s2  }
0x1e: {  	s7 =	smul.u32 @!p0 $0xF7A, s2;
	p2 =	seq.s32 @!p0 s5, $0x0  }
0x1f: {  	s9 =	smul.u32 $0xF7A, s1;
	s8 =	simm.s32 @!p0 $0x1BF5;
	p2 =	por !p2, p0  }
0x20: {  	[sflag:s8] =	ssyncset.s32 @!p0 $0xFFFFF086;
	s6 =	sadd.s32 @!p0 s3, s7;
	s7 =	simm.s32 @!p0 $0x108  }
0x21: {  	s3 =	sadd.s32 s3, s9;
	s6 =	sadd.s32 @!p0 $0x88, s6;
	s7 =	simm.s32 @p2 $0x1082  }
0x22: {  	[simem:s7], [sflag:s8] =	dma.local @!p0 [hbm:s6], $0xF7A  }
0x23: {  	s9 =	sor.u32 $0xD0000000, s2;
	s6 =	simm.s32 $0x108;
	_ =	swait.ge @!p0 [sflag:s8], $0x0  }
0x24: {  	s3 =	sadd.s32 $0x88, s3;
	s6 =	simm.s32 @!p1 $0x1082;
	[sflag:s4] =	ssyncset.s32 $0xFFFFF086  }
0x25: {  	[simem:s6], [sflag:s4] =	dma.local [hbm:s3], $0xF7A  }
0x26: {  	[smem:$0x3F99] =	sst s1;
	(tag) =	ssettag s2;
	_ =	strace s9  }
0x27: {  	s1 =	sld [smem:$0x3FA9]  }
0x28: {  	s2 =	sld [smem:$0x3FAA]  }
0x29: {  	s4 =	sld [smem:$0x3FAC]  }
0x2a: {  	p0 =	seq.s32 s5, $0x0;
	s5 =	sld [smem:$0x3FAD]  }
0x2b: {  	s6 =	sld [smem:$0x3FAE]  }
0x2c: {  	s7 =	sld [smem:$0x3FAF]  }
0x2d: {  	s3 =	simm.s32 $0x108;
	s8 =	sld [smem:$0x3FB0]  }
0x2e: {  	s3 =	simm.s32 @!p0 $0x1082;
	s9 =	sld [smem:$0x3FB1]  }
0x2f: {  	lr =	sadd.s32 s0, s3;
	s0 =	sld [smem:$0x3FA8]  }
0x30: {  	s3 =	sld [smem:$0x3FAB]  }
0x31: {  	[smem:$0x3FB4] =	sst s10  }
0x32: {  	s10 =	sld [smem:$0x3FB2];
	_ =	sdelay $0x3  }
0x33: {  	p0 =	seq.s32 s10, $0x1;
	s10 =	sld [smem:$0x3FB4];
	_ =	sdelay $0x3  }
0x34: {  	[smem:$0x3FB4] =	sst s10  }
0x35: {  	s10 =	sld [smem:$0x3FB3];
	_ =	sdelay $0x3  }
0x36: {  	p1 =	seq.s32 s10, $0x1;
	s10 =	sld [smem:$0x3FB4];
	_ =	sdelay $0x3  }
0x37: {  	[smem:$0x3FB4] =	sst s10  }
0x38: {  	s10 =	sld [smem:$0x3FB5]  }
0x39: {  	_ = 	snop;
	(pc) =	sbr.ind lr, $3  }
0x3a: {  	_ = 	snop  }
0x3b: {  	_ = 	snop  }
0x3c: {  	p2 =	seq.s32 s10, $0x1;
	s10 =	sld [smem:$0x3FB4]  }
0x3d: {  	_ =	shalt  }
0x3e: {  	_ =	shalt  }
0x3f: {  	_ =	shalt  }
0x40: {  	_ =	shalt  }
0x41: {  	_ =	shalt  }
0x42: {  	_ =	shalt  }
0x43: {  	_ =	shalt  }
0x44: {  	_ =	shalt  }
0x45: {  	_ =	shalt  }
0x46: {  	_ =	shalt  }
0x47: {  	_ =	shalt  }
0x48: {  	_ =	shalt  }
0x49: {  	_ =	shalt  }
0x4a: {  	_ =	shalt  }
0x4b: {  	_ =	shalt  }
0x4c: {  	_ =	shalt  }
0x4d: {  	_ =	shalt  }
0x4e: {  	_ =	shalt  }
0x4f: {  	_ =	shalt  }
0x50: {  	_ =	shalt  }
0x51: {  	_ =	shalt  }
0x52: {  	_ =	shalt  }
0x53: {  	_ =	shalt  }
0x54: {  	_ =	shalt  }
0x55: {  	_ =	shalt  }
0x56: {  	_ =	shalt  }
0x57: {  	_ =	shalt  }
0x58: {  	_ =	shalt  }
0x59: {  	_ =	shalt  }
0x5a: {  	_ =	shalt  }
0x5b: {  	_ =	shalt  }
0x5c: {  	_ =	shalt  }
0x5d: {  	_ =	shalt  }
0x5e: {  	_ =	shalt  }
0x5f: {  	_ =	shalt  }
0x60: {  	_ =	shalt  }
0x61: {  	_ =	shalt  }
0x62: {  	_ =	shalt  }
0x63: {  	_ =	shalt  }
0x64: {  	_ =	shalt  }
0x65: {  	_ =	shalt  }
0x66: {  	_ =	shalt  }
0x67: {  	_ =	shalt  }
0x68: {  	_ =	shalt  }
0x69: {  	_ =	shalt  }
0x6a: {  	_ =	shalt  }
0x6b: {  	_ =	shalt  }
0x6c: {  	_ =	shalt  }
0x6d: {  	_ =	shalt  }
0x6e: {  	_ =	shalt  }
0x6f: {  	_ =	shalt  }
0x70: {  	_ =	shalt  }
0x71: {  	_ =	shalt  }
0x72: {  	_ =	shalt  }
0x73: {  	_ =	shalt  }
0x74: {  	_ =	shalt  }
0x75: {  	_ =	shalt  }
0x76: {  	_ =	shalt  }
0x77: {  	_ =	shalt  }
0x78: {  	_ =	shalt  }
0x79: {  	_ =	shalt  }
0x7a: {  	_ =	shalt  }
0x7b: {  	_ =	shalt  }
0x7c: {  	_ =	shalt  }
0x7d: {  	_ =	shalt  }
0x7e: {  	_ =	shalt  }
0x7f: {  	_ =	shalt  }
0x80: {  	_ =	shalt  }
0x81: {  	_ =	shalt  }
0x82: {  	_ =	shalt  }
0x83: {  	_ =	shalt  }
0x84: {  	_ =	shalt  }
0x85: {  	_ =	shalt  }
0x86: {  	_ =	shalt  }
0x87: {  	_ =	shalt  }
.Lfunc_end0:
.L_simem_size_0:
called_computation.2_lowered:
.L_overlay_start_0:
0x88: {  	s2 =	sld [smem:$0x3FD9]  }
0x89: {  	s3 =	sld [smem:$0x3FFE];
	_ =	sdelay $0x1  }
0x8a: {  	s1 =	srdreg.scid  }
0x8b: {  	s0 =	sand.u32 $0x1, s1  }
0x8c: {  	s17 =	sshll.u32 s0, $0xA;
	s2 =	sadd.s32 s3, s2  }
0x8d: {  	s2 =	sadd.s32 s2, s17  }
0x8e: {  	[smem:$0x3FC0] =	sst s2  }
0x8f: {  	_ = 	snop  }
0x90: {  	s18 =	sld [smem:$0x3FC7];
	(tm) =	ssettm $0x1  }
0x91: {  	s19 =	sld [smem:$0x3FFB];
	_ =	sdelay $0x3  }
0x92: {  	_ =	strace s19  }
0x93: {  	s2 =	sld [smem:$0x3FFC];
	_ =	sdelay $0x3  }
0x94: {  	_ =	strace s2  }
0x95: {  	s2 =	sld [smem:$0x3FFD];
	_ =	sdelay $0x3  }
0x96: {  	_ =	strace s2  }
0x97: {  	_ =	strace $0x8FFFFFFF  }
0x98: {  	s20 =	sld [smem:$0x3FDB];
	_ =	sdelay $0x1  }
0x99: {  	s4 =	simm.s32 $_scs_section_size  }
0x9a: {  	s5 =	simm.s32 $_size__tile_overlayer_lowered;
	s6 =	simm.s32 $_tile_overlayer_lowered  }
0x9b: {  	s7 =	simm.s32 $0x1BFF;
	s21 =	sshll.u32 s6, $0x1;
	s4 =	sadd.s32 s4, s20  }
0x9c: {  	s22 =	simm.s32 $0x0;
	s5 =	sshll.u32 s5, $0x1;
	s6 =	sadd.s32 s21, s4  }
0x9d: {  	[timem:s22], [sflag:s7] =	dma.local [hbm:s6], s5  }
0x9e: {  	_ =	swait.ge [sflag:s7], s5  }
0x9f: {  	s5 =	ssub.s32 $0x0, s5;
	[sflag:s7] =	ssyncset.done $0x0  }
0xa0: {  	[sflag:s7] =	ssyncadd.s32 s5;
	_ =	sdelay $0x1  }
0xa1: {  	s23 =	simm.s32 $0x1B8B  }
0xa2: {  	_ =	swait.ge [sflag:s23], $0x1  }
0xa3: {  	[sflag:s23] =	ssyncset.done $0x0  }
0xa4: {  	[sflag:s23] =	ssyncadd.s32 $0xFFFFFFFF  }
0xa5: {  	s5 =	sld [smem:$0x0]  }
0xa6: {  	s6 =	sand.u32 $0xFFFFFFFE, s1  }
0xa7: {  	p0 =	sne.s32 s1, s6  }
0xa8: {  	s6 =	sshll.u32 @p0 s6, $0xE  }
0xa9: {  	s6 =	sadd.s32 @p0 $0x11B8D, s6;
	s7 =	sshll.u32 @p0 s5, $0x11  }
0xaa: {  	s6 =	sor.u32 @p0 s7, s6  }
0xab: {  	[sflag:s6] =	ssyncadd.remote.s32 @p0 $0x1;
	_ =	sdelay $0x1  }
0xac: {  	s6 =	simm.s32 @p0 $0x1B8D  }
0xad: {  	_ =	swait.eq @p0 [sflag:s6], $0x1  }
0xae: {  	[sflag:s6] =	ssyncadd.s32 @p0 $0xFFFFFFFF  }
0xaf: {  	s7 =	sshll.u32 @!p0 s1, $0xE  }
0xb0: {  	s7 =	sor.u32 @!p0 $0x4000, s7;
	s6 =	simm.s32 @!p0 $0x1B8D  }
0xb1: {  	s5 =	sshll.u32 @!p0 s5, $0x11;
	s7 =	sadd.s32 @!p0 $0x11B8D, s7;
	_ =	swait.eq @!p0 [sflag:s6], $0x1  }
0xb2: {  	s5 =	sor.u32 @!p0 s5, s7;
	[sflag:s6] =	ssyncadd.s32 @!p0 $0xFFFFFFFF  }
0xb3: {  	s25 =	simm.s32 $0x1B8E;
	s24 =	sld [smem:$0x3FFE];
	[sflag:s5] =	ssyncadd.remote.s32 @!p0 $0x1  }
0xb4: {  	s26 =	simm.s32 $execute0_lowered;
	[smem:$0x3FD2] =	sst s25  }
0xb5: {  	s6 =	sshll.u32 s26, $0x1;
	_ =	strace $0x8000004C;
	[dreg:$0x1] =	wrdreg $0xFFFFFFFF  }
0xb6: {  	s28 =	simm.s32 $_size_execute0_lowered;
	s4 =	sadd.s32 s4, s6;
	[dreg:$0x0] =	wrdreg $0x0  }
0xb7: {  	s6 =	sshll.u32 s28, $0x1;
	[dreg:$0x2] =	wrdreg s4  }
0xb8: {  	[dreg:$0x3] =	wrdreg s6  }
0xb9: {  	[dreg:$0x4] =	wrdreg $0xC0  }
0xba: {  	_ =	task [dreg:s22], $0x5FFFF  }
0xbb: {  	[dreg:$0x1] =	wrdreg $0xFFFFFFFF  }
0xbc: {  	[dreg:$0x0] =	wrdreg $0x60  }
0xbd: {  	[dreg:$0x2] =	wrdreg s18  }
0xbe: {  	[dreg:$0x3] =	wrdreg s24  }
0xbf: {  	[dreg:$0x4] =	wrdreg $0xB  }
0xc0: {  	_ =	task.clear_ibuf [dreg:s22], $0x5FFFF;
	_ =	strace $0x9000004C  }
0xc1: {  	s29 =	simm.s32 $0xB;
	_ =	strace $0x8000004E  }
0xc2: {  	_ =	swait.ge [sflag:s29], $0x1  }
0xc3: {  	[sflag:s29] =	ssyncadd.s32 $0xFFFFFFFF  }
0xc4: {  	_ =	strace $0x9000004E  }
0xc5: {  	_ =	sfence  }
0xc6: {  	s30 =	sld [smem:$0x0];
	_ =	sdelay $0x2  }
0xc7: {  	s31 =	sshll.u32 s1, $0xD;
	s1 =	sshrl.u32 s1, $0x2  }
0xc8: {  	s4 =	sand.u32 $0x4000, s31;
	s1 =	sadd.s32 s1, s30  }
0xc9: {  	s0 =	sor.u32 s4, s0;
	s1 =	sshll.u32 s1, $0x11  }
0xca: {  	s0 =	sor.u32 s1, s0  }
0xcb: {  	s0 =	sadd.s32 $0x8F2B, s0  }
0xcc: {  	[sflag:s0] =	ssyncadd.remote.s32 $0x1  }
0xcd: {  	_ =	sfence.sel $0xFFFF  }
0xce: {  	[dreg:$0x0] =	wrdreg $0xFFFFFFFF;
	(pc) =	sbr.abs _section_cstart, $3  }
0xcf: {  	[dreg:$0x1] =	wrdreg $0xFFFFFFFF  }
0xd0: {  	_ =	task.clear_ibuf [dreg:s22], $0x2FFFF;
	_ =	strace $0x9FFFFFFF  }
0xd1: {  	(tm) =	ssettm $0x7FFFFFFF  }
tec
execute0_lowered:
.L_overlay_start_1:
0x0: {  	(tag) =	ssettag $0x1  }
0x1: {  	s25 =	rddreg [dreg:$0x0];
	s0 =	srdreg.scid  }
0x2: {  	s3 =	stileid.u32;
	s1 =	rddreg [dreg:$0x1]  }
0x3: {  	s17 =	simm.s32 $0x4600;
	s11 =	simm.s32 $0x7600;
	s12 =	simm.s32 $0x7E00  }
0x4: {  	s13 =	simm.s32 $0x8600;
	s14 =	simm.s32 $0x9600;
	s15 =	simm.s32 $0xC600  }
0x5: {  	s31 =	simm.s32 $0xD600;
	s28 =	simm.s32 $0xEE00;
	s29 =	simm.s32 $0xF600  }
0x6: {  	s30 =	simm.s32 $0xFE00;
	s18 =	simm.s32 $0x3;
	s0 =	sand.u32 $0x1, s0  }
0x7: {  	s4 =	sshll.u32 s3, $0x1;
	s3 =	simm.s32 $0x0;
	s8 =	sadd.s32 $0x200, s25  }
0x8: {  	s9 =	sadd.s32 $0x300, s25;
	s4 =	sor.u32 s0, s4;
	[smem:$0x7FF] =	sst s3  }
0x9: {  	s5 =	sshll.u32 s4, $0x6;
	_ =	strace $0x8000004D;
	s6 =	sshll.u32 s4, $0x7  }
0xa: {  	s7 =	sshll.u32 s4, $0xE;
	s4 =	sshll.u32 s4, $0xB;
	s5 =	sadd.s32 s5, s1  }
0xb: {  	s6 =	sadd.s32 s6, s1;
	s10 =	sadd.s32 s7, s1;
	s20 =	sadd.s32 $0x16400, s5  }
0xc: {  	s1 =	sadd.s32 s4, s1;
	s21 =	sadd.s32 $0x18400, s6;
	[dreg:$0x3] =	wrdreg s20  }
0xd: {  	s0 =	ssub.s32 $0x2, s0;
	s1 =	sadd.s32 $0x12A400, s1;
	[dreg:$0x4] =	wrdreg s21  }
0xe: {  	s19 =	sshrl.u32 s0, $0x1;
	s22 =	sadd.s32 $0xAA400, s10;
	[dreg:$0x5] =	wrdreg s1  }
0xf: {  	s0 =	ssub.s32 s0, s19;
	s23 =	sadd.s32 $0xAB400, s10;
	[dreg:$0x6] =	wrdreg s22  }
0x10: {  	s7 =	sadd.s32 $0x100, s25;
	s24 =	sadd.s32 $0xAC400, s10;
	[dreg:$0x7] =	wrdreg s23  }
0x11: {  	s19 =	simm.s32 $0x8E00;
	s26 =	sadd.s32 $0xAD400, s10;
	[dreg:$0x8] =	wrdreg s24  }
0x12: {  	s0 =	smax.u32 s0, $0x1;
	s6 =	simm.s32 $0x6600;
	[dreg:$0x9] =	wrdreg s26  }
0x13: {  	v2 =	vlaneseq.u32;
	s10 =	simm.s32 $0x6E00;
	[dreg:$0xa] =	wrdreg s0;
	s1 =	simm.s32 $0x0  }
0x14: {  	vm0 =	vmmov $0xffff;
	v1 =	vshrl.u32 v2, $0x3;
	s20 =	simm.s32 $0x9E00;
	s21 =	simm.s32 $0xA600;
	s22 =	simm.s32 $0xAE00  }
0x15: {  	v0 =	vand.u32 $0x7, v2;
	v2 =	vor.u32 $0x8, v2;
	v1 =	vmul.u32 $0x8, v1;
	s23 =	simm.s32 $0xB600;
	s24 =	simm.s32 $0xBE00;
	s26 =	simm.s32 $0xE600  }
.LBB2_1:
0x16: {  	s0 =	rddreg [dreg:$0x3];
	s5 =	simm.s32 $0x6  }
0x17: {  	[tilespmem:s3], [sflag:$0x6] =	stream.linear.gather [hbm4b:s0+s3], $0x200, $0x38;
	[tilespmem:$0x14600] =	vst v63  }
0x18: {  	_ =	swait.ge [sflag:s5], $0x200  }
0x19: {  	[sflag:s5] =	ssyncset.done $0x0  }
0x1a: {  	s4 =	simm.s32 $0x200;
	s2 =	rddreg [dreg:$0x4];
	[sflag:s5] =	ssyncadd.s32 $0xFFFFFE00  }
0x1b: {  	[tilespmem:s4], [sflag:$0x6] =	stream.linear.gather [hbm4b:s2+s3], $0x400, $0x38;
	[tilespmem:$0x14600] =	vst v63  }
0x1c: {  	_ =	swait.ge [sflag:s5], $0x400  }
0x1d: {  	[sflag:s5] =	ssyncset.done $0x0  }
0x1e: {  	s16 =	simm.s32 $0x0;
	[sflag:s5] =	ssyncadd.s32 $0xFFFFFC00  }
0x1f: {  	v3 =	vld [tilespmem:s16+$0x200];
	_ =	sdelay $0x4  }
0x20: {  	v4 =	vbroadcast v3, $0x0  }
0x21: {  	s0 =	simm.s32 $0xA00;
	v5 =	vbroadcast v3, $0x1  }
0x22: {  	v6 =	vbroadcast v3, $0x2;
	[tilespmem:s0+$0xFFFFFC00] =	vst v4  }
0x23: {  	v52 =	vbroadcast v3, $0x3;
	[tilespmem:s0+$0xFFFFFC80] =	vst v5  }
0x24: {  	v53 =	vbroadcast v3, $0x4;
	[tilespmem:s0+$0xFFFFFD00] =	vst v6  }
0x25: {  	v54 =	vbroadcast v3, $0x5;
	[tilespmem:s0+$0xFFFFFD80] =	vst v52  }
0x26: {  	v55 =	vbroadcast v3, $0x6;
	[tilespmem:s0+$0xFFFFFE00] =	vst v53  }
0x27: {  	v56 =	vbroadcast v3, $0x7;
	[tilespmem:s0+$0xFFFFFE80] =	vst v54  }
0x28: {  	v57 =	vbroadcast v3, $0x8;
	[tilespmem:s0+$0xFFFFFF00] =	vst v55  }
0x29: {  	v58 =	vbroadcast v3, $0x9;
	[tilespmem:s0+$0xFFFFFF80] =	vst v56  }
0x2a: {  	v59 =	vbroadcast v3, $0xA;
	[tilespmem:s0+$0x0] =	vst v57  }
0x2b: {  	v60 =	vbroadcast v3, $0xB;
	[tilespmem:s0+$0x80] =	vst v58  }
0x2c: {  	v61 =	vbroadcast v3, $0xC;
	[tilespmem:s0+$0x100] =	vst v59  }
0x2d: {  	v62 =	vbroadcast v3, $0xD;
	[tilespmem:s0+$0x180] =	vst v60  }
0x2e: {  	v63 =	vbroadcast v3, $0xE;
	[tilespmem:s0+$0x200] =	vst v61  }
0x2f: {  	v3 =	vbroadcast v3, $0xF;
	[tilespmem:s0+$0x280] =	vst v62  }
0x30: {  	[tilespmem:s0+$0x300] =	vst v63  }
0x31: {  	s4 =	simm.s32 $0x80;
	s16 =	simm.s32 $0x400;
	[tilespmem:s0+$0x380] =	vst v3  }
.LBB2_2:
0x32: {  	p0 =	sne.s32 s16, $0xE00;
	v3 =	vld [tilespmem:s4+$0x200];
	_ =	sdelay $0x4  }
0x33: {  	v4 =	vbroadcast v3, $0x0;
	v5 =	vbroadcast v3, $0x1  }
0x34: {  	s0 =	sadd.s32 $0x800, s0;
	v6 =	vbroadcast v3, $0x2;
	v7 =	vbroadcast v3, $0x3  }
0x35: {  	v8 =	vbroadcast v3, $0x5;
	[tilespmem:s0+$0xFFFFFC00] =	vst v4;
	v4 =	vbroadcast v3, $0x4  }
0x36: {  	v9 =	vbroadcast v3, $0x7;
	[tilespmem:s0+$0xFFFFFC80] =	vst v5;
	v5 =	vbroadcast v3, $0x6  }
0x37: {  	v10 =	vbroadcast v3, $0x9;
	[tilespmem:s0+$0xFFFFFD00] =	vst v6;
	v6 =	vbroadcast v3, $0x8  }
0x38: {  	v11 =	vbroadcast v3, $0xB;
	[tilespmem:s0+$0xFFFFFD80] =	vst v7;
	v7 =	vbroadcast v3, $0xA  }
0x39: {  	v12 =	vbroadcast v3, $0xD;
	[tilespmem:s0+$0xFFFFFE00] =	vst v4;
	v4 =	vbroadcast v3, $0xC  }
0x3a: {  	[tilespmem:s0+$0xFFFFFE80] =	vst v8;
	v8 =	vbroadcast v3, $0xE;
	v3 =	vbroadcast v3, $0xF  }
0x3b: {  	[tilespmem:s0+$0xFFFFFF00] =	vst v5  }
0x3c: {  	[tilespmem:s0+$0xFFFFFF80] =	vst v9  }
0x3d: {  	[tilespmem:s0+$0x0] =	vst v6  }
0x3e: {  	[tilespmem:s0+$0x80] =	vst v10  }
0x3f: {  	[tilespmem:s0+$0x100] =	vst v7  }
.Ltmp0:
0x40: {  	[tilespmem:s0+$0x180] =	vst v11;
	(pc) =	sbr.rel @p0 .LBB2_2-.Ltmp0, $4  }
0x41: {  	[tilespmem:s0+$0x200] =	vst v4  }
0x42: {  	[tilespmem:s0+$0x280] =	vst v12  }
0x43: {  	[tilespmem:s0+$0x300] =	vst v8  }
0x44: {  	s4 =	sshra.s32 s16, $0x2;
	s16 =	sadd.s32 $0x200, s16;
	[tilespmem:s0+$0x380] =	vst v3  }
0x45: {  	v3 =	vld [tilespmem:s4+$0x200];
	_ =	sdelay $0x4  }
0x46: {  	v4 =	vbroadcast v3, $0x0  }
0x47: {  	s0 =	sadd.s32 $0x800, s0;
	v5 =	vbroadcast v3, $0x1  }
0x48: {  	v6 =	vbroadcast v3, $0x2;
	[tilespmem:s0+$0xFFFFFC00] =	vst v4  }
0x49: {  	v44 =	vbroadcast v3, $0x3;
	[tilespmem:s0+$0xFFFFFC80] =	vst v5  }
0x4a: {  	v45 =	vbroadcast v3, $0x4;
	[tilespmem:s0+$0xFFFFFD00] =	vst v6  }
0x4b: {  	v46 =	vbroadcast v3, $0x5;
	[tilespmem:s0+$0xFFFFFD80] =	vst v44  }
0x4c: {  	v47 =	vbroadcast v3, $0x6;
	[tilespmem:s0+$0xFFFFFE00] =	vst v45  }
0x4d: {  	v48 =	vbroadcast v3, $0x7;
	[tilespmem:s0+$0xFFFFFE80] =	vst v46  }
0x4e: {  	v49 =	vbroadcast v3, $0x8;
	[tilespmem:s0+$0xFFFFFF00] =	vst v47  }
0x4f: {  	v50 =	vbroadcast v3, $0x9;
	[tilespmem:s0+$0xFFFFFF80] =	vst v48  }
0x50: {  	v51 =	vbroadcast v3, $0xA;
	[tilespmem:s0+$0x0] =	vst v49  }
0x51: {  	v52 =	vbroadcast v3, $0xB;
	[tilespmem:s0+$0x80] =	vst v50  }
0x52: {  	v53 =	vbroadcast v3, $0xC;
	[tilespmem:s0+$0x100] =	vst v51  }
0x53: {  	v54 =	vbroadcast v3, $0xD;
	[tilespmem:s0+$0x180] =	vst v52  }
0x54: {  	v55 =	vbroadcast v3, $0xE;
	[tilespmem:s0+$0x200] =	vst v53  }
0x55: {  	v3 =	vbroadcast v3, $0xF;
	[tilespmem:s0+$0x280] =	vst v54  }
0x56: {  	[tilespmem:s0+$0x300] =	vst v55  }
0x57: {  	s5 =	rddreg [dreg:$0x5];
	s16 =	simm.s32 $0x600;
	[tilespmem:s0+$0x380] =	vst v3  }
0x58: {  	[hbm4b:s5+s3] =	stream.linear.scatter [tilespmem:s16], [sflag:$0x5], $0x4000, $0x38;
	[tilespmem:$0x14600] =	vst v63  }
0x59: {  	v3 =	vld [tilespmem:$0x0];
	_ =	sdelay $0x4  }
0x5a: {  	v56 =	vshll.u32 v3, $0x3  }
0x5b: {  	v3 =	vand.u32 $0x7, v3;
	v4 =	vand.u32 $0xFFFFFFC0, v56  }
0x5c: {  	v3 =	vor.u32 v3, v4  }
0x5d: {  	v4 =	vperm.xlane v3, v0;
	_ =	sdelay $0x1  }
0x5e: {  	v4 =	vadd.s32 v1, v4;
	_ =	sdelay $0x4  }
0x5f: {  	[tilespmem:s17], [sflag:$0x1] =	stream.indirect_vreg.gather [hbm4b:s25+s3], $0x80, v4, vm0, $0xb8;
	[tilespmem:$0x14600] =	vst v63  }
0x60: {  	s4 =	simm.s32 $0x4E00;
	v3 =	vperm.xlane v3, v2  }
0x61: {  	[tilespmem:s4], [sflag:$0x1] =	stream.indirect_vreg.gather [hbm4b:s7+s3], $0x80, v4, vm0, $0xb8;
	[tilespmem:$0x14600] =	vst v63  }
0x62: {  	s16 =	simm.s32 $0x5600;
	v3 =	vadd.s32 v1, v3  }
0x63: {  	[tilespmem:s16], [sflag:$0x1] =	stream.indirect_vreg.gather [hbm4b:s8+s3], $0x80, v4, vm0, $0xb8;
	[tilespmem:$0x14600] =	vst v63  }
0x64: {  	s5 =	simm.s32 $0x5E00  }
0x65: {  	[tilespmem:s5], [sflag:$0x1] =	stream.indirect_vreg.gather [hbm4b:s9+s3], $0x80, v4, vm0, $0xb8;
	[tilespmem:$0x14600] =	vst v63  }
0x66: {  	_ = 	snop  }
0x67: {  	[tilespmem:s6], [sflag:$0x1] =	stream.indirect_vreg.gather [hbm4b:s25+s3], $0x80, v3, vm0, $0xb8;
	[tilespmem:$0x14600] =	vst v63  }
0x68: {  	_ = 	snop  }
0x69: {  	[tilespmem:s10], [sflag:$0x1] =	stream.indirect_vreg.gather [hbm4b:s7+s3], $0x80, v3, vm0, $0xb8;
	[tilespmem:$0x14600] =	vst v63  }
0x6a: {  	_ = 	snop  }
0x6b: {  	[tilespmem:s11], [sflag:$0x1] =	stream.indirect_vreg.gather [hbm4b:s8+s3], $0x80, v3, vm0, $0xb8;
	[tilespmem:$0x14600] =	vst v63  }
0x6c: {  	_ = 	snop  }
0x6d: {  	[tilespmem:s12], [sflag:$0x1] =	stream.indirect_vreg.gather [hbm4b:s9+s3], $0x80, v3, vm0, $0xb8;
	[tilespmem:$0x14600] =	vst v63  }
0x6e: {  	v3 =	vld [tilespmem:$0x10];
	_ =	sdelay $0x4  }
0x6f: {  	v57 =	vshll.u32 v3, $0x3  }
0x70: {  	v3 =	vand.u32 $0x7, v3;
	v4 =	vand.u32 $0xFFFFFFC0, v57  }
0x71: {  	v3 =	vor.u32 v3, v4  }
0x72: {  	v4 =	vperm.xlane v3, v0;
	_ =	sdelay $0x1  }
0x73: {  	v4 =	vadd.s32 v1, v4;
	_ =	sdelay $0x4  }
0x74: {  	[tilespmem:s13], [sflag:$0x1] =	stream.indirect_vreg.gather [hbm4b:s25+s3], $0x80, v4, vm0, $0xb8;
	[tilespmem:$0x14600] =	vst v63  }
0x75: {  	v3 =	vperm.xlane v3, v2  }
0x76: {  	[tilespmem:s19], [sflag:$0x1] =	stream.indirect_vreg.gather [hbm4b:s7+s3], $0x80, v4, vm0, $0xb8;
	[tilespmem:$0x14600] =	vst v63  }
0x77: {  	v3 =	vadd.s32 v1, v3  }
0x78: {  	[tilespmem:s14], [sflag:$0x1] =	stream.indirect_vreg.gather [hbm4b:s8+s3], $0x80, v4, vm0, $0xb8;
	[tilespmem:$0x14600] =	vst v63  }
0x79: {  	_ = 	snop  }
0x7a: {  	[tilespmem:s20], [sflag:$0x1] =	stream.indirect_vreg.gather [hbm4b:s9+s3], $0x80, v4, vm0, $0xb8;
	[tilespmem:$0x14600] =	vst v63  }
0x7b: {  	_ = 	snop  }
0x7c: {  	[tilespmem:s21], [sflag:$0x1] =	stream.indirect_vreg.gather [hbm4b:s25+s3], $0x80, v3, vm0, $0xb8;
	[tilespmem:$0x14600] =	vst v63  }
0x7d: {  	_ = 	snop  }
0x7e: {  	[tilespmem:s22], [sflag:$0x1] =	stream.indirect_vreg.gather [hbm4b:s7+s3], $0x80, v3, vm0, $0xb8;
	[tilespmem:$0x14600] =	vst v63  }
0x7f: {  	_ = 	snop  }
0x80: {  	[tilespmem:s23], [sflag:$0x1] =	stream.indirect_vreg.gather [hbm4b:s8+s3], $0x80, v3, vm0, $0xb8;
	[tilespmem:$0x14600] =	vst v63  }
0x81: {  	_ = 	snop  }
0x82: {  	[tilespmem:s24], [sflag:$0x1] =	stream.indirect_vreg.gather [hbm4b:s9+s3], $0x80, v3, vm0, $0xb8;
	[tilespmem:$0x14600] =	vst v63  }
0x83: {  	v3 =	vld [tilespmem:$0x80];
	_ =	sdelay $0x4  }
0x84: {  	v58 =	vshll.u32 v3, $0x3  }
0x85: {  	v3 =	vand.u32 $0x7, v3;
	v4 =	vand.u32 $0xFFFFFFC0, v58  }
0x86: {  	v3 =	vor.u32 v3, v4  }
0x87: {  	v4 =	vperm.xlane v3, v0;
	_ =	sdelay $0x1  }
0x88: {  	v4 =	vadd.s32 v1, v4;
	_ =	sdelay $0x4  }
0x89: {  	[tilespmem:s15], [sflag:$0x2] =	stream.indirect_vreg.gather [hbm4b:s25+s3], $0x80, v4, vm0, $0xb8;
	[tilespmem:$0x14600] =	vst v63  }
0x8a: {  	s2 =	simm.s32 $0xCE00;
	v3 =	vperm.xlane v3, v2  }
0x8b: {  	[tilespmem:s2], [sflag:$0x2] =	stream.indirect_vreg.gather [hbm4b:s7+s3], $0x80, v4, vm0, $0xb8;
	[tilespmem:$0x14600] =	vst v63  }
0x8c: {  	v3 =	vadd.s32 v1, v3  }
0x8d: {  	[tilespmem:s31], [sflag:$0x2] =	stream.indirect_vreg.gather [hbm4b:s8+s3], $0x80, v4, vm0, $0xb8;
	[tilespmem:$0x14600] =	vst v63  }
0x8e: {  	s2 =	simm.s32 $0xDE00  }
0x8f: {  	[tilespmem:s2], [sflag:$0x2] =	stream.indirect_vreg.gather [hbm4b:s9+s3], $0x80, v4, vm0, $0xb8;
	[tilespmem:$0x14600] =	vst v63  }
0x90: {  	_ = 	snop  }
0x91: {  	[tilespmem:s26], [sflag:$0x2] =	stream.indirect_vreg.gather [hbm4b:s25+s3], $0x80, v3, vm0, $0xb8;
	[tilespmem:$0x14600] =	vst v63  }
0x92: {  	_ = 	snop  }
0x93: {  	[tilespmem:s28], [sflag:$0x2] =	stream.indirect_vreg.gather [hbm4b:s7+s3], $0x80, v3, vm0, $0xb8;
	[tilespmem:$0x14600] =	vst v63  }
0x94: {  	_ = 	snop  }
0x95: {  	[tilespmem:s29], [sflag:$0x2] =	stream.indirect_vreg.gather [hbm4b:s8+s3], $0x80, v3, vm0, $0xb8;
	[tilespmem:$0x14600] =	vst v63  }
0x96: {  	_ = 	snop  }
0x97: {  	[tilespmem:s30], [sflag:$0x2] =	stream.indirect_vreg.gather [hbm4b:s9+s3], $0x80, v3, vm0, $0xb8;
	[tilespmem:$0x14600] =	vst v63  }
0x98: {  	v3 =	vld [tilespmem:$0x90];
	_ =	sdelay $0x4  }
0x99: {  	v59 =	vshll.u32 v3, $0x3  }
0x9a: {  	v3 =	vand.u32 $0x7, v3;
	v4 =	vand.u32 $0xFFFFFFC0, v59  }
0x9b: {  	v3 =	vor.u32 v3, v4  }
0x9c: {  	v4 =	vperm.xlane v3, v0;
	_ =	sdelay $0x1  }
0x9d: {  	v4 =	vadd.s32 v1, v4;
	_ =	sdelay $0x3  }
0x9e: {  	s2 =	simm.s32 $0x10600  }
0x9f: {  	[tilespmem:s2], [sflag:$0x2] =	stream.indirect_vreg.gather [hbm4b:s25+s3], $0x80, v4, vm0, $0xb8;
	[tilespmem:$0x14600] =	vst v63  }
0xa0: {  	v3 =	vperm.xlane v3, v2;
	s2 =	simm.s32 $0x10E00  }
0xa1: {  	[tilespmem:s2], [sflag:$0x2] =	stream.indirect_vreg.gather [hbm4b:s7+s3], $0x80, v4, vm0, $0xb8;
	[tilespmem:$0x14600] =	vst v63  }
0xa2: {  	v3 =	vadd.s32 v1, v3;
	s2 =	simm.s32 $0x11600  }
0xa3: {  	[tilespmem:s2], [sflag:$0x2] =	stream.indirect_vreg.gather [hbm4b:s8+s3], $0x80, v4, vm0, $0xb8;
	[tilespmem:$0x14600] =	vst v63  }
0xa4: {  	s2 =	simm.s32 $0x11E00  }
0xa5: {  	[tilespmem:s2], [sflag:$0x2] =	stream.indirect_vreg.gather [hbm4b:s9+s3], $0x80, v4, vm0, $0xb8;
	[tilespmem:$0x14600] =	vst v63  }
0xa6: {  	s2 =	simm.s32 $0x12600  }
0xa7: {  	[tilespmem:s2], [sflag:$0x2] =	stream.indirect_vreg.gather [hbm4b:s25+s3], $0x80, v3, vm0, $0xb8;
	[tilespmem:$0x14600] =	vst v63  }
0xa8: {  	s2 =	simm.s32 $0x12E00  }
0xa9: {  	[tilespmem:s2], [sflag:$0x2] =	stream.indirect_vreg.gather [hbm4b:s7+s3], $0x80, v3, vm0, $0xb8;
	[tilespmem:$0x14600] =	vst v63  }
0xaa: {  	s2 =	simm.s32 $0x13600  }
0xab: {  	[tilespmem:s2], [sflag:$0x2] =	stream.indirect_vreg.gather [hbm4b:s8+s3], $0x80, v3, vm0, $0xb8;
	[tilespmem:$0x14600] =	vst v63  }
0xac: {  	s2 =	simm.s32 $0x13E00  }
0xad: {  	[tilespmem:s2], [sflag:$0x2] =	stream.indirect_vreg.gather [hbm4b:s9+s3], $0x80, v3, vm0, $0xb8;
	[tilespmem:$0x14600] =	vst v63  }
0xae: {  	s2 =	simm.s32 $0x1  }
0xaf: {  	_ =	swait.ge [sflag:s2], $0x8000  }
0xb0: {  	[sflag:s2] =	ssyncset.done $0x0  }
0xb1: {  	s0 =	rddreg [dreg:$0x6];
	[sflag:s2] =	ssyncadd.s32 $0xFFFF8000  }
0xb2: {  	[hbm4b:s0+s3] =	stream.linear.scatter [tilespmem:s17], [sflag:$0x3], $0x8000, $0x38;
	[tilespmem:$0x14600] =	vst v63  }
0xb3: {  	_ =	swait.ge [sflag:s18], $0x8000  }
0xb4: {  	[sflag:s18] =	ssyncset.done $0x0  }
0xb5: {  	[sflag:s18] =	ssyncadd.s32 $0xFFFF8000  }
0xb6: {  	v3 =	vld [tilespmem:$0x100];
	_ =	sdelay $0x4  }
0xb7: {  	v60 =	vshll.u32 v3, $0x3  }
0xb8: {  	v3 =	vand.u32 $0x7, v3;
	v4 =	vand.u32 $0xFFFFFFC0, v60  }
0xb9: {  	v3 =	vor.u32 v3, v4  }
0xba: {  	v4 =	vperm.xlane v3, v0;
	_ =	sdelay $0x1  }
0xbb: {  	v4 =	vadd.s32 v1, v4;
	_ =	sdelay $0x4  }
0xbc: {  	[tilespmem:s17], [sflag:$0x1] =	stream.indirect_vreg.gather [hbm4b:s25+s3], $0x80, v4, vm0, $0xb8;
	[tilespmem:$0x14600] =	vst v63  }
0xbd: {  	v3 =	vperm.xlane v3, v2  }
0xbe: {  	[tilespmem:s4], [sflag:$0x1] =	stream.indirect_vreg.gather [hbm4b:s7+s3], $0x80, v4, vm0, $0xb8;
	[tilespmem:$0x14600] =	vst v63  }
0xbf: {  	v3 =	vadd.s32 v1, v3  }
0xc0: {  	[tilespmem:s16], [sflag:$0x1] =	stream.indirect_vreg.gather [hbm4b:s8+s3], $0x80, v4, vm0, $0xb8;
	[tilespmem:$0x14600] =	vst v63  }
0xc1: {  	_ = 	snop  }
0xc2: {  	[tilespmem:s5], [sflag:$0x1] =	stream.indirect_vreg.gather [hbm4b:s9+s3], $0x80, v4, vm0, $0xb8;
	[tilespmem:$0x14600] =	vst v63  }
0xc3: {  	_ = 	snop  }
0xc4: {  	[tilespmem:s6], [sflag:$0x1] =	stream.indirect_vreg.gather [hbm4b:s25+s3], $0x80, v3, vm0, $0xb8;
	[tilespmem:$0x14600] =	vst v63  }
0xc5: {  	_ = 	snop  }
0xc6: {  	[tilespmem:s10], [sflag:$0x1] =	stream.indirect_vreg.gather [hbm4b:s7+s3], $0x80, v3, vm0, $0xb8;
	[tilespmem:$0x14600] =	vst v63  }
0xc7: {  	_ = 	snop  }
0xc8: {  	[tilespmem:s11], [sflag:$0x1] =	stream.indirect_vreg.gather [hbm4b:s8+s3], $0x80, v3, vm0, $0xb8;
	[tilespmem:$0x14600] =	vst v63  }
0xc9: {  	_ = 	snop  }
0xca: {  	[tilespmem:s12], [sflag:$0x1] =	stream.indirect_vreg.gather [hbm4b:s9+s3], $0x80, v3, vm0, $0xb8;
	[tilespmem:$0x14600] =	vst v63  }
0xcb: {  	v3 =	vld [tilespmem:$0x110];
	_ =	sdelay $0x4  }
0xcc: {  	v61 =	vshll.u32 v3, $0x3  }
0xcd: {  	v3 =	vand.u32 $0x7, v3;
	v4 =	vand.u32 $0xFFFFFFC0, v61  }
0xce: {  	v3 =	vor.u32 v3, v4  }
0xcf: {  	v4 =	vperm.xlane v3, v0;
	_ =	sdelay $0x1  }
0xd0: {  	v4 =	vadd.s32 v1, v4;
	_ =	sdelay $0x4  }
0xd1: {  	[tilespmem:s13], [sflag:$0x1] =	stream.indirect_vreg.gather [hbm4b:s25+s3], $0x80, v4, vm0, $0xb8;
	[tilespmem:$0x14600] =	vst v63  }
0xd2: {  	v3 =	vperm.xlane v3, v2  }
0xd3: {  	[tilespmem:s19], [sflag:$0x1] =	stream.indirect_vreg.gather [hbm4b:s7+s3], $0x80, v4, vm0, $0xb8;
	[tilespmem:$0x14600] =	vst v63  }
0xd4: {  	v3 =	vadd.s32 v1, v3  }
0xd5: {  	[tilespmem:s14], [sflag:$0x1] =	stream.indirect_vreg.gather [hbm4b:s8+s3], $0x80, v4, vm0, $0xb8;
	[tilespmem:$0x14600] =	vst v63  }
0xd6: {  	_ = 	snop  }
0xd7: {  	[tilespmem:s20], [sflag:$0x1] =	stream.indirect_vreg.gather [hbm4b:s9+s3], $0x80, v4, vm0, $0xb8;
	[tilespmem:$0x14600] =	vst v63  }
0xd8: {  	_ = 	snop  }
0xd9: {  	[tilespmem:s21], [sflag:$0x1] =	stream.indirect_vreg.gather [hbm4b:s25+s3], $0x80, v3, vm0, $0xb8;
	[tilespmem:$0x14600] =	vst v63  }
0xda: {  	_ = 	snop  }
0xdb: {  	[tilespmem:s22], [sflag:$0x1] =	stream.indirect_vreg.gather [hbm4b:s7+s3], $0x80, v3, vm0, $0xb8;
	[tilespmem:$0x14600] =	vst v63  }
0xdc: {  	_ = 	snop  }
0xdd: {  	[tilespmem:s23], [sflag:$0x1] =	stream.indirect_vreg.gather [hbm4b:s8+s3], $0x80, v3, vm0, $0xb8;
	[tilespmem:$0x14600] =	vst v63  }
0xde: {  	s4 =	simm.s32 $0x2  }
0xdf: {  	[tilespmem:s24], [sflag:$0x1] =	stream.indirect_vreg.gather [hbm4b:s9+s3], $0x80, v3, vm0, $0xb8;
	[tilespmem:$0x14600] =	vst v63  }
0xe0: {  	_ =	swait.ge [sflag:s4], $0x8000  }
0xe1: {  	[sflag:s4] =	ssyncset.done $0x0  }
0xe2: {  	s5 =	rddreg [dreg:$0x7];
	[sflag:s4] =	ssyncadd.s32 $0xFFFF8000  }
0xe3: {  	[hbm4b:s5+s3] =	stream.linear.scatter [tilespmem:s15], [sflag:$0x4], $0x8000, $0x38;
	[tilespmem:$0x14600] =	vst v63  }
0xe4: {  	s5 =	simm.s32 $0x4  }
0xe5: {  	_ =	swait.ge [sflag:s5], $0x8000  }
0xe6: {  	[sflag:s5] =	ssyncset.done $0x0  }
0xe7: {  	[sflag:s5] =	ssyncadd.s32 $0xFFFF8000  }
0xe8: {  	v3 =	vld [tilespmem:$0x180];
	_ =	sdelay $0x4  }
0xe9: {  	v62 =	vshll.u32 v3, $0x3  }
0xea: {  	v3 =	vand.u32 $0x7, v3;
	v4 =	vand.u32 $0xFFFFFFC0, v62  }
0xeb: {  	v3 =	vor.u32 v3, v4  }
0xec: {  	v4 =	vperm.xlane v3, v0;
	_ =	sdelay $0x1  }
0xed: {  	v4 =	vadd.s32 v1, v4;
	_ =	sdelay $0x4  }
0xee: {  	[tilespmem:s15], [sflag:$0x2] =	stream.indirect_vreg.gather [hbm4b:s25+s3], $0x80, v4, vm0, $0xb8;
	[tilespmem:$0x14600] =	vst v63  }
0xef: {  	s16 =	simm.s32 $0xCE00;
	v3 =	vperm.xlane v3, v2  }
0xf0: {  	[tilespmem:s16], [sflag:$0x2] =	stream.indirect_vreg.gather [hbm4b:s7+s3], $0x80, v4, vm0, $0xb8;
	[tilespmem:$0x14600] =	vst v63  }
0xf1: {  	v3 =	vadd.s32 v1, v3  }
0xf2: {  	[tilespmem:s31], [sflag:$0x2] =	stream.indirect_vreg.gather [hbm4b:s8+s3], $0x80, v4, vm0, $0xb8;
	[tilespmem:$0x14600] =	vst v63  }
0xf3: {  	s16 =	simm.s32 $0xDE00  }
0xf4: {  	[tilespmem:s16], [sflag:$0x2] =	stream.indirect_vreg.gather [hbm4b:s9+s3], $0x80, v4, vm0, $0xb8;
	[tilespmem:$0x14600] =	vst v63  }
0xf5: {  	_ = 	snop  }
0xf6: {  	[tilespmem:s26], [sflag:$0x2] =	stream.indirect_vreg.gather [hbm4b:s25+s3], $0x80, v3, vm0, $0xb8;
	[tilespmem:$0x14600] =	vst v63  }
0xf7: {  	_ = 	snop  }
0xf8: {  	[tilespmem:s28], [sflag:$0x2] =	stream.indirect_vreg.gather [hbm4b:s7+s3], $0x80, v3, vm0, $0xb8;
	[tilespmem:$0x14600] =	vst v63  }
0xf9: {  	_ = 	snop  }
0xfa: {  	[tilespmem:s29], [sflag:$0x2] =	stream.indirect_vreg.gather [hbm4b:s8+s3], $0x80, v3, vm0, $0xb8;
	[tilespmem:$0x14600] =	vst v63  }
0xfb: {  	_ = 	snop  }
0xfc: {  	[tilespmem:s30], [sflag:$0x2] =	stream.indirect_vreg.gather [hbm4b:s9+s3], $0x80, v3, vm0, $0xb8;
	[tilespmem:$0x14600] =	vst v63  }
0xfd: {  	v3 =	vld [tilespmem:$0x190];
	_ =	sdelay $0x4  }
0xfe: {  	v63 =	vshll.u32 v3, $0x3  }
0xff: {  	v3 =	vand.u32 $0x7, v3;
	v4 =	vand.u32 $0xFFFFFFC0, v63  }
0x100: {  	v3 =	vor.u32 v3, v4  }
0x101: {  	v4 =	vperm.xlane v3, v0;
	_ =	sdelay $0x1  }
0x102: {  	v4 =	vadd.s32 v1, v4;
	_ =	sdelay $0x3  }
0x103: {  	s16 =	simm.s32 $0x10600  }
0x104: {  	[tilespmem:s16], [sflag:$0x2] =	stream.indirect_vreg.gather [hbm4b:s25+s3], $0x80, v4, vm0, $0xb8;
	[tilespmem:$0x14600] =	vst v63  }
0x105: {  	v3 =	vperm.xlane v3, v2;
	s16 =	simm.s32 $0x10E00  }
0x106: {  	[tilespmem:s16], [sflag:$0x2] =	stream.indirect_vreg.gather [hbm4b:s7+s3], $0x80, v4, vm0, $0xb8;
	[tilespmem:$0x14600] =	vst v63  }
0x107: {  	v3 =	vadd.s32 v1, v3;
	s16 =	simm.s32 $0x11600  }
0x108: {  	[tilespmem:s16], [sflag:$0x2] =	stream.indirect_vreg.gather [hbm4b:s8+s3], $0x80, v4, vm0, $0xb8;
	[tilespmem:$0x14600] =	vst v63  }
0x109: {  	s16 =	simm.s32 $0x11E00  }
0x10a: {  	[tilespmem:s16], [sflag:$0x2] =	stream.indirect_vreg.gather [hbm4b:s9+s3], $0x80, v4, vm0, $0xb8;
	[tilespmem:$0x14600] =	vst v63  }
0x10b: {  	s16 =	simm.s32 $0x12600  }
0x10c: {  	[tilespmem:s16], [sflag:$0x2] =	stream.indirect_vreg.gather [hbm4b:s25+s3], $0x80, v3, vm0, $0xb8;
	[tilespmem:$0x14600] =	vst v63  }
0x10d: {  	s16 =	simm.s32 $0x12E00  }
0x10e: {  	[tilespmem:s16], [sflag:$0x2] =	stream.indirect_vreg.gather [hbm4b:s7+s3], $0x80, v3, vm0, $0xb8;
	[tilespmem:$0x14600] =	vst v63  }
0x10f: {  	s16 =	simm.s32 $0x13600  }
0x110: {  	[tilespmem:s16], [sflag:$0x2] =	stream.indirect_vreg.gather [hbm4b:s8+s3], $0x80, v3, vm0, $0xb8;
	[tilespmem:$0x14600] =	vst v63  }
0x111: {  	s16 =	simm.s32 $0x13E00  }
0x112: {  	[tilespmem:s16], [sflag:$0x2] =	stream.indirect_vreg.gather [hbm4b:s9+s3], $0x80, v3, vm0, $0xb8;
	[tilespmem:$0x14600] =	vst v63  }
0x113: {  	_ =	swait.ge [sflag:s2], $0x8000  }
0x114: {  	[sflag:s2] =	ssyncset.done $0x0  }
0x115: {  	[sflag:s2] =	ssyncadd.s32 $0xFFFF8000;
	s2 =	rddreg [dreg:$0x8]  }
0x116: {  	[hbm4b:s2+s3] =	stream.linear.scatter [tilespmem:s17], [sflag:$0x3], $0x8000, $0x38;
	[tilespmem:$0x14600] =	vst v63  }
0x117: {  	_ =	swait.ge [sflag:s4], $0x8000  }
0x118: {  	[sflag:s4] =	ssyncset.done $0x0  }
0x119: {  	[sflag:s4] =	ssyncadd.s32 $0xFFFF8000;
	s4 =	rddreg [dreg:$0x9]  }
0x11a: {  	[hbm4b:s4+s3] =	stream.linear.scatter [tilespmem:s15], [sflag:$0x4], $0x8000, $0x38;
	[tilespmem:$0x14600] =	vst v63  }
0x11b: {  	_ =	swait.ge [sflag:s18], $0x8000  }
0x11c: {  	[sflag:s18] =	ssyncset.done $0x0  }
0x11d: {  	[sflag:s18] =	ssyncadd.s32 $0xFFFF8000  }
0x11e: {  	_ =	swait.ge [sflag:s5], $0x8000  }
0x11f: {  	[sflag:s5] =	ssyncset.done $0x0  }
0x120: {  	[sflag:s5] =	ssyncadd.s32 $0xFFFF8000;
	s5 =	simm.s32 $0x5  }
0x121: {  	_ =	swait.ge [sflag:s5], $0x4000  }
0x122: {  	s1 =	sadd.s32 $0x1, s1;
	s16 =	rddreg [dreg:$0xa]  }
0x123: {  	p0 =	sne.s32 s1, s16  }
.Ltmp1:
0x124: {  	_ = 	snop;
	(pc) =	sbr.rel @p0 .LBB2_1-.Ltmp1, $3  }
0x125: {  	_ =	sdelay $0x1  }
0x126: {  	[sflag:s5] =	ssyncset.done $0x0  }
0x127: {  	[sflag:s5] =	ssyncadd.s32 $0xFFFFC000  }
0x128: {  	_ =	sfence.sel $0x180000  }
0x129: {  	[bflag:$0x0] =	sbarrier.arrive $0xFFFF  }
0x12a: {  	_ =	strace $0x9000004D  }
0x12b: {  	s0 =	stileid.u32;
	[bflag:$0x2] =	sbarrier.arrive $0xFFFF  }
0x12c: {  	p0 =	sne.s32 s0, $0x0;
	s0 =	rddreg [dreg:$0x2]  }
0x12d: {  	s0 =	sadd.s32 @!p0 $0x100000, s0  }
0x12e: {  	[sflag:s0] =	ssyncadd.tile.s32 @!p0 $0x1;
	_ =	shalt  }
.Lfunc_end2:
_tile_overlayer_lowered:
.L_overlay_start_2:
0x12f: {  	(tag) =	ssettag $0x2  }
0x130: {  	s0 =	rddreg [dreg:$0x0];
	s2 =	stileid.u32  }
0x131: {  	s1 =	rddreg [dreg:$0x1];
	p0 =	sne.s32 s2, $0x0  }
0x132: {  	s3 =	rddreg [dreg:$0x2];
	[bflag:$0x3] =	sbarrier.arrive $0xFFFF;
	s2 =	simm.s32 @!p0 $0x1C06  }
0x133: {  	[timem:s3], [sflag:s2] =	dma.local @!p0 [hbm:s0], s1  }
0x134: {  	s0 =	simm.s32 @!p0 $0x6  }
0x135: {  	_ =	swait.ge @!p0 [sflag:s0], s1  }
0x136: {  	s1 =	ssub.s32 @!p0 $0x0, s1;
	[sflag:s0] =	ssyncset.done @!p0 $0x0  }
0x137: {  	[sflag:s0] =	ssyncadd.s32 @!p0 s1  }
0x138: {  	[bflag:$0x3] =	sbarrier.arrive $0xFFFF  }
0x139: {  	_ =	shalt  }

// kernel: kernel.19.cloned.1.call-start
scs
__scs_entry_jumppad:
0x0: {  	(pc) =	sbr.rel $0x88, $3  }
0x1: {  	(tag) =	ssettag $0x0;
	lr =	simm.s32 $0x1  }
0x2: {  	[smem:$0x3F99] =	sst lr;
	_ =	strace $0xD0000000  }
0x3: {  	_ = 	snop  }
0x4: {  	_ = 	snop  }
0x5: {  	_ = 	snop  }
0x6: {  	_ = 	snop  }
0x7: {  	_ = 	snop  }
__scs_overlays_trampoline_lowered:
0x8: {  	[smem:$0x3FA8] =	sst s0  }
0x9: {  	[smem:$0x3FA9] =	sst s1  }
0xa: {  	[smem:$0x3FAA] =	sst s2  }
0xb: {  	[smem:$0x3FAB] =	sst s3  }
0xc: {  	[smem:$0x3FAC] =	sst s4  }
0xd: {  	[smem:$0x3FAD] =	sst s5  }
0xe: {  	[smem:$0x3FAE] =	sst s6  }
0xf: {  	[smem:$0x3FAF] =	sst s7  }
0x10: {  	[smem:$0x3FB0] =	sst s8  }
0x11: {  	[smem:$0x3FB1] =	sst s9;
	s0 =	simm.s32 @!p0 $0x0  }
0x12: {  	s1 =	sld [smem:$0x3F97];
	s0 =	simm.s32 @p0 $0x1  }
0x13: {  	[smem:$0x3FB2] =	sst s0;
	s0 =	simm.s32 @!p1 $0x0  }
0x14: {  	s2 =	sld [smem:$0x3F96];
	s0 =	simm.s32 @p1 $0x1  }
0x15: {  	[smem:$0x3FB3] =	sst s0;
	s0 =	simm.s32 @!p2 $0x0  }
0x16: {  	s3 =	sld [smem:$0x3FDB];
	s0 =	simm.s32 @p2 $0x1  }
0x17: {  	s4 =	simm.s32 $0x1BF5;
	[smem:$0x3FB5] =	sst s0  }
0x18: {  	s0 =	sld [smem:$0x3F98];
	_ =	swait.ge [sflag:s4], $0x0  }
0x19: {  	s7 =	sld [smem:$0x3F99]  }
0x1a: {  	s8 =	sadd.s32 $0xFFFFE003, lr  }
0x1b: {  	s9 =	sadd.s32 $0xFFFFFEF7, lr;
	s5 =	simm.s32 $0xFFFFFFFF;
	p2 =	slt.u32 s8, $0xFFFFF086  }
0x1c: {  	p1 =	slt.u32 s9, $0xF7A;
	s5 =	simm.s32 @!p2 $0x0  }
0x1d: {  	s5 =	simm.s32 @p1 $0x1;
	p0 =	seq.s32 s7, s2  }
0x1e: {  	s7 =	smul.u32 @!p0 $0xF7A, s2;
	p2 =	seq.s32 @!p0 s5, $0x0  }
0x1f: {  	s9 =	smul.u32 $0xF7A, s1;
	s8 =	simm.s32 @!p0 $0x1BF5;
	p2 =	por !p2, p0  }
0x20: {  	[sflag:s8] =	ssyncset.s32 @!p0 $0xFFFFF086;
	s6 =	sadd.s32 @!p0 s3, s7;
	s7 =	simm.s32 @!p0 $0x108  }
0x21: {  	s3 =	sadd.s32 s3, s9;
	s6 =	sadd.s32 @!p0 $0x88, s6;
	s7 =	simm.s32 @p2 $0x1082  }
0x22: {  	[simem:s7], [sflag:s8] =	dma.local @!p0 [hbm:s6], $0xF7A  }
0x23: {  	s9 =	sor.u32 $0xD0000000, s2;
	s6 =	simm.s32 $0x108;
	_ =	swait.ge @!p0 [sflag:s8], $0x0  }
0x24: {  	s3 =	sadd.s32 $0x88, s3;
	s6 =	simm.s32 @!p1 $0x1082;
	[sflag:s4] =	ssyncset.s32 $0xFFFFF086  }
0x25: {  	[simem:s6], [sflag:s4] =	dma.local [hbm:s3], $0xF7A  }
0x26: {  	[smem:$0x3F99] =	sst s1;
	(tag) =	ssettag s2;
	_ =	strace s9  }
0x27: {  	s1 =	sld [smem:$0x3FA9]  }
0x28: {  	s2 =	sld [smem:$0x3FAA]  }
0x29: {  	s4 =	sld [smem:$0x3FAC]  }
0x2a: {  	p0 =	seq.s32 s5, $0x0;
	s5 =	sld [smem:$0x3FAD]  }
0x2b: {  	s6 =	sld [smem:$0x3FAE]  }
0x2c: {  	s7 =	sld [smem:$0x3FAF]  }
0x2d: {  	s3 =	simm.s32 $0x108;
	s8 =	sld [smem:$0x3FB0]  }
0x2e: {  	s3 =	simm.s32 @!p0 $0x1082;
	s9 =	sld [smem:$0x3FB1]  }
0x2f: {  	lr =	sadd.s32 s0, s3;
	s0 =	sld [smem:$0x3FA8]  }
0x30: {  	s3 =	sld [smem:$0x3FAB]  }
0x31: {  	[smem:$0x3FB4] =	sst s10  }
0x32: {  	s10 =	sld [smem:$0x3FB2];
	_ =	sdelay $0x3  }
0x33: {  	p0 =	seq.s32 s10, $0x1;
	s10 =	sld [smem:$0x3FB4];
	_ =	sdelay $0x3  }
0x34: {  	[smem:$0x3FB4] =	sst s10  }
0x35: {  	s10 =	sld [smem:$0x3FB3];
	_ =	sdelay $0x3  }
0x36: {  	p1 =	seq.s32 s10, $0x1;
	s10 =	sld [smem:$0x3FB4];
	_ =	sdelay $0x3  }
0x37: {  	[smem:$0x3FB4] =	sst s10  }
0x38: {  	s10 =	sld [smem:$0x3FB5]  }
0x39: {  	_ = 	snop;
	(pc) =	sbr.ind lr, $3  }
0x3a: {  	_ = 	snop  }
0x3b: {  	_ = 	snop  }
0x3c: {  	p2 =	seq.s32 s10, $0x1;
	s10 =	sld [smem:$0x3FB4]  }
0x3d: {  	_ =	shalt  }
0x3e: {  	_ =	shalt  }
0x3f: {  	_ =	shalt  }
0x40: {  	_ =	shalt  }
0x41: {  	_ =	shalt  }
0x42: {  	_ =	shalt  }
0x43: {  	_ =	shalt  }
0x44: {  	_ =	shalt  }
0x45: {  	_ =	shalt  }
0x46: {  	_ =	shalt  }
0x47: {  	_ =	shalt  }
0x48: {  	_ =	shalt  }
0x49: {  	_ =	shalt  }
0x4a: {  	_ =	shalt  }
0x4b: {  	_ =	shalt  }
0x4c: {  	_ =	shalt  }
0x4d: {  	_ =	shalt  }
0x4e: {  	_ =	shalt  }
0x4f: {  	_ =	shalt  }
0x50: {  	_ =	shalt  }
0x51: {  	_ =	shalt  }
0x52: {  	_ =	shalt  }
0x53: {  	_ =	shalt  }
0x54: {  	_ =	shalt  }
0x55: {  	_ =	shalt  }
0x56: {  	_ =	shalt  }
0x57: {  	_ =	shalt  }
0x58: {  	_ =	shalt  }
0x59: {  	_ =	shalt  }
0x5a: {  	_ =	shalt  }
0x5b: {  	_ =	shalt  }
0x5c: {  	_ =	shalt  }
0x5d: {  	_ =	shalt  }
0x5e: {  	_ =	shalt  }
0x5f: {  	_ =	shalt  }
0x60: {  	_ =	shalt  }
0x61: {  	_ =	shalt  }
0x62: {  	_ =	shalt  }
0x63: {  	_ =	shalt  }
0x64: {  	_ =	shalt  }
0x65: {  	_ =	shalt  }
0x66: {  	_ =	shalt  }
0x67: {  	_ =	shalt  }
0x68: {  	_ =	shalt  }
0x69: {  	_ =	shalt  }
0x6a: {  	_ =	shalt  }
0x6b: {  	_ =	shalt  }
0x6c: {  	_ =	shalt  }
0x6d: {  	_ =	shalt  }
0x6e: {  	_ =	shalt  }
0x6f: {  	_ =	shalt  }
0x70: {  	_ =	shalt  }
0x71: {  	_ =	shalt  }
0x72: {  	_ =	shalt  }
0x73: {  	_ =	shalt  }
0x74: {  	_ =	shalt  }
0x75: {  	_ =	shalt  }
0x76: {  	_ =	shalt  }
0x77: {  	_ =	shalt  }
0x78: {  	_ =	shalt  }
0x79: {  	_ =	shalt  }
0x7a: {  	_ =	shalt  }
0x7b: {  	_ =	shalt  }
0x7c: {  	_ =	shalt  }
0x7d: {  	_ =	shalt  }
0x7e: {  	_ =	shalt  }
0x7f: {  	_ =	shalt  }
0x80: {  	_ =	shalt  }
0x81: {  	_ =	shalt  }
0x82: {  	_ =	shalt  }
0x83: {  	_ =	shalt  }
0x84: {  	_ =	shalt  }
0x85: {  	_ =	shalt  }
0x86: {  	_ =	shalt  }
0x87: {  	_ =	shalt  }
.Lfunc_end0:
.L_simem_size_0:
called_computation.3_lowered:
.L_overlay_start_0:
0x88: {  	s2 =	sld [smem:$0x3FD9]  }
0x89: {  	s3 =	sld [smem:$0x3FFE];
	_ =	sdelay $0x1  }
0x8a: {  	s1 =	srdreg.scid  }
0x8b: {  	s0 =	sand.u32 $0x1, s1  }
0x8c: {  	s17 =	sshll.u32 s0, $0xA;
	s2 =	sadd.s32 s3, s2  }
0x8d: {  	s2 =	sadd.s32 s2, s17  }
0x8e: {  	[smem:$0x3FC0] =	sst s2  }
0x8f: {  	_ = 	snop  }
0x90: {  	s18 =	sld [smem:$0x3FC7];
	(tm) =	ssettm $0x1  }
0x91: {  	s19 =	sld [smem:$0x3FFB];
	_ =	sdelay $0x3  }
0x92: {  	_ =	strace s19  }
0x93: {  	s2 =	sld [smem:$0x3FFC];
	_ =	sdelay $0x3  }
0x94: {  	_ =	strace s2  }
0x95: {  	s2 =	sld [smem:$0x3FFD];
	_ =	sdelay $0x3  }
0x96: {  	_ =	strace s2  }
0x97: {  	_ =	strace $0x8FFFFFFF  }
0x98: {  	s20 =	sld [smem:$0x3FDB];
	_ =	sdelay $0x1  }
0x99: {  	s4 =	simm.s32 $_scs_section_size  }
0x9a: {  	s5 =	simm.s32 $_size__tile_overlayer_lowered;
	s6 =	simm.s32 $_tile_overlayer_lowered  }
0x9b: {  	s7 =	simm.s32 $0x1BFF;
	s21 =	sshll.u32 s6, $0x1;
	s4 =	sadd.s32 s4, s20  }
0x9c: {  	s22 =	simm.s32 $0x0;
	s5 =	sshll.u32 s5, $0x1;
	s6 =	sadd.s32 s21, s4  }
0x9d: {  	[timem:s22], [sflag:s7] =	dma.local [hbm:s6], s5  }
0x9e: {  	_ =	swait.ge [sflag:s7], s5  }
0x9f: {  	s5 =	ssub.s32 $0x0, s5;
	[sflag:s7] =	ssyncset.done $0x0  }
0xa0: {  	[sflag:s7] =	ssyncadd.s32 s5;
	_ =	sdelay $0x1  }
0xa1: {  	s23 =	simm.s32 $0x1B8B  }
0xa2: {  	_ =	swait.ge [sflag:s23], $0x1  }
0xa3: {  	[sflag:s23] =	ssyncset.done $0x0  }
0xa4: {  	[sflag:s23] =	ssyncadd.s32 $0xFFFFFFFF  }
0xa5: {  	s5 =	sld [smem:$0x0]  }
0xa6: {  	s6 =	sand.u32 $0xFFFFFFFE, s1  }
0xa7: {  	p0 =	sne.s32 s1, s6  }
0xa8: {  	s6 =	sshll.u32 @p0 s6, $0xE  }
0xa9: {  	s6 =	sadd.s32 @p0 $0x11B8D, s6;
	s7 =	sshll.u32 @p0 s5, $0x11  }
0xaa: {  	s6 =	sor.u32 @p0 s7, s6  }
0xab: {  	[sflag:s6] =	ssyncadd.remote.s32 @p0 $0x1;
	_ =	sdelay $0x1  }
0xac: {  	s6 =	simm.s32 @p0 $0x1B8D  }
0xad: {  	_ =	swait.eq @p0 [sflag:s6], $0x1  }
0xae: {  	[sflag:s6] =	ssyncadd.s32 @p0 $0xFFFFFFFF  }
0xaf: {  	s7 =	sshll.u32 @!p0 s1, $0xE  }
0xb0: {  	s7 =	sor.u32 @!p0 $0x4000, s7;
	s6 =	simm.s32 @!p0 $0x1B8D  }
0xb1: {  	s5 =	sshll.u32 @!p0 s5, $0x11;
	s7 =	sadd.s32 @!p0 $0x11B8D, s7;
	_ =	swait.eq @!p0 [sflag:s6], $0x1  }
0xb2: {  	s5 =	sor.u32 @!p0 s5, s7;
	[sflag:s6] =	ssyncadd.s32 @!p0 $0xFFFFFFFF  }
0xb3: {  	s25 =	simm.s32 $0x1B8E;
	s24 =	sld [smem:$0x3FFE];
	[sflag:s5] =	ssyncadd.remote.s32 @!p0 $0x1  }
0xb4: {  	s26 =	simm.s32 $execute0_lowered;
	[smem:$0x3FD2] =	sst s25  }
0xb5: {  	s6 =	sshll.u32 s26, $0x1;
	_ =	strace $0x8000004F;
	[dreg:$0x1] =	wrdreg $0xFFFFFFFF  }
0xb6: {  	s28 =	simm.s32 $_size_execute0_lowered;
	s4 =	sadd.s32 s4, s6;
	[dreg:$0x0] =	wrdreg $0x0  }
0xb7: {  	s6 =	sshll.u32 s28, $0x1;
	[dreg:$0x2] =	wrdreg s4  }
0xb8: {  	[dreg:$0x3] =	wrdreg s6  }
0xb9: {  	[dreg:$0x4] =	wrdreg $0xC0  }
0xba: {  	_ =	task [dreg:s22], $0x5FFFF  }
0xbb: {  	[dreg:$0x1] =	wrdreg $0xFFFFFFFF  }
0xbc: {  	[dreg:$0x0] =	wrdreg $0x60  }
0xbd: {  	[dreg:$0x2] =	wrdreg s18  }
0xbe: {  	[dreg:$0x3] =	wrdreg s24  }
0xbf: {  	[dreg:$0x4] =	wrdreg $0xC  }
0xc0: {  	_ =	task.clear_ibuf [dreg:s22], $0x5FFFF;
	_ =	strace $0x9000004F  }
0xc1: {  	s29 =	simm.s32 $0xC;
	_ =	strace $0x80000051  }
0xc2: {  	_ =	swait.ge [sflag:s29], $0x1  }
0xc3: {  	[sflag:s29] =	ssyncadd.s32 $0xFFFFFFFF  }
0xc4: {  	_ =	strace $0x90000051  }
0xc5: {  	_ =	sfence  }
0xc6: {  	s30 =	sld [smem:$0x0];
	_ =	sdelay $0x2  }
0xc7: {  	s31 =	sshll.u32 s1, $0xD;
	s1 =	sshrl.u32 s1, $0x2  }
0xc8: {  	s4 =	sand.u32 $0x4000, s31;
	s1 =	sadd.s32 s1, s30  }
0xc9: {  	s0 =	sor.u32 s4, s0;
	s1 =	sshll.u32 s1, $0x11  }
0xca: {  	s0 =	sor.u32 s1, s0  }
0xcb: {  	s0 =	sadd.s32 $0x8F2B, s0  }
0xcc: {  	[sflag:s0] =	ssyncadd.remote.s32 $0x1  }
0xcd: {  	_ =	sfence.sel $0xFFFF  }
0xce: {  	[dreg:$0x0] =	wrdreg $0xFFFFFFFF;
	(pc) =	sbr.abs _section_cstart, $3  }
0xcf: {  	[dreg:$0x1] =	wrdreg $0xFFFFFFFF  }
0xd0: {  	_ =	task.clear_ibuf [dreg:s22], $0x2FFFF;
	_ =	strace $0x9FFFFFFF  }
0xd1: {  	(tm) =	ssettm $0x7FFFFFFF  }
tec
execute0_lowered:
.L_overlay_start_1:
0x0: {  	(tag) =	ssettag $0x1  }
0x1: {  	s25 =	rddreg [dreg:$0x0];
	s0 =	srdreg.scid  }
0x2: {  	s3 =	stileid.u32;
	s1 =	rddreg [dreg:$0x1]  }
0x3: {  	s17 =	simm.s32 $0x4600;
	s10 =	simm.s32 $0x7600;
	s12 =	simm.s32 $0x7E00  }
0x4: {  	s13 =	simm.s32 $0x8600;
	s19 =	simm.s32 $0x8E00;
	s14 =	simm.s32 $0x9600  }
0x5: {  	s15 =	simm.s32 $0xC600;
	s31 =	simm.s32 $0xD600;
	s28 =	simm.s32 $0xEE00  }
0x6: {  	s29 =	simm.s32 $0xF600;
	s30 =	simm.s32 $0xFE00;
	s18 =	simm.s32 $0x3  }
0x7: {  	s0 =	sand.u32 $0x1, s0;
	s4 =	sshll.u32 s3, $0x1;
	s3 =	simm.s32 $0x0  }
0x8: {  	s8 =	sadd.s32 $0x300, s25;
	s4 =	sor.u32 s0, s4;
	[smem:$0x7FF] =	sst s3  }
0x9: {  	s5 =	sshll.u32 s4, $0x6;
	_ =	strace $0x80000050;
	s6 =	sshll.u32 s4, $0x7  }
0xa: {  	s7 =	sshll.u32 s4, $0xE;
	s4 =	sshll.u32 s4, $0xB;
	s5 =	sadd.s32 s5, s1  }
0xb: {  	s6 =	sadd.s32 s6, s1;
	s9 =	sadd.s32 s7, s1;
	s5 =	sadd.s32 $0x16C00, s5  }
0xc: {  	s1 =	sadd.s32 s4, s1;
	s21 =	sadd.s32 $0x19400, s6;
	[dreg:$0x3] =	wrdreg s5  }
0xd: {  	s11 =	sadd.s32 $0x100, s25;
	s1 =	sadd.s32 $0x1BA400, s1;
	[dreg:$0x4] =	wrdreg s21  }
0xe: {  	s0 =	ssub.s32 $0x2, s0;
	s22 =	sadd.s32 $0x13A400, s9;
	[dreg:$0x5] =	wrdreg s1  }
0xf: {  	s20 =	sshrl.u32 s0, $0x1;
	s23 =	sadd.s32 $0x13B400, s9;
	[dreg:$0x6] =	wrdreg s22  }
0x10: {  	s7 =	sadd.s32 $0x200, s25;
	s24 =	sadd.s32 $0x13C400, s9;
	[dreg:$0x7] =	wrdreg s23  }
0x11: {  	s0 =	ssub.s32 s0, s20;
	s26 =	sadd.s32 $0x13D400, s9;
	[dreg:$0x8] =	wrdreg s24  }
0x12: {  	s20 =	simm.s32 $0x9E00;
	s0 =	smax.u32 s0, $0x1;
	[dreg:$0x9] =	wrdreg s26  }
0x13: {  	v2 =	vlaneseq.u32;
	s6 =	simm.s32 $0x6600;
	s9 =	simm.s32 $0x6E00;
	[dreg:$0xa] =	wrdreg s0  }
0x14: {  	vm0 =	vmmov $0xffff;
	v1 =	vshrl.u32 v2, $0x3;
	s1 =	simm.s32 $0x0;
	s21 =	simm.s32 $0xA600;
	s22 =	simm.s32 $0xAE00  }
0x15: {  	v0 =	vand.u32 $0x7, v2;
	v2 =	vor.u32 $0x8, v2;
	v1 =	vmul.u32 $0x8, v1;
	s23 =	simm.s32 $0xB600;
	s24 =	simm.s32 $0xBE00;
	s26 =	simm.s32 $0xE600  }
.LBB2_1:
0x16: {  	s0 =	rddreg [dreg:$0x3];
	s5 =	simm.s32 $0x6  }
0x17: {  	[tilespmem:s3], [sflag:$0x6] =	stream.linear.gather [hbm4b:s0+s3], $0x200, $0x38;
	[tilespmem:$0x14600] =	vst v63  }
0x18: {  	_ =	swait.ge [sflag:s5], $0x200  }
0x19: {  	[sflag:s5] =	ssyncset.done $0x0  }
0x1a: {  	s4 =	simm.s32 $0x200;
	s2 =	rddreg [dreg:$0x4];
	[sflag:s5] =	ssyncadd.s32 $0xFFFFFE00  }
0x1b: {  	[tilespmem:s4], [sflag:$0x6] =	stream.linear.gather [hbm4b:s2+s3], $0x400, $0x38;
	[tilespmem:$0x14600] =	vst v63  }
0x1c: {  	_ =	swait.ge [sflag:s5], $0x400  }
0x1d: {  	[sflag:s5] =	ssyncset.done $0x0  }
0x1e: {  	s16 =	simm.s32 $0x0;
	[sflag:s5] =	ssyncadd.s32 $0xFFFFFC00  }
0x1f: {  	v3 =	vld [tilespmem:s16+$0x200];
	_ =	sdelay $0x4  }
0x20: {  	v4 =	vbroadcast v3, $0x0  }
0x21: {  	s0 =	simm.s32 $0xA00;
	v5 =	vbroadcast v3, $0x1  }
0x22: {  	v6 =	vbroadcast v3, $0x2;
	[tilespmem:s0+$0xFFFFFC00] =	vst v4  }
0x23: {  	v52 =	vbroadcast v3, $0x3;
	[tilespmem:s0+$0xFFFFFC80] =	vst v5  }
0x24: {  	v53 =	vbroadcast v3, $0x4;
	[tilespmem:s0+$0xFFFFFD00] =	vst v6  }
0x25: {  	v54 =	vbroadcast v3, $0x5;
	[tilespmem:s0+$0xFFFFFD80] =	vst v52  }
0x26: {  	v55 =	vbroadcast v3, $0x6;
	[tilespmem:s0+$0xFFFFFE00] =	vst v53  }
0x27: {  	v56 =	vbroadcast v3, $0x7;
	[tilespmem:s0+$0xFFFFFE80] =	vst v54  }
0x28: {  	v57 =	vbroadcast v3, $0x8;
	[tilespmem:s0+$0xFFFFFF00] =	vst v55  }
0x29: {  	v58 =	vbroadcast v3, $0x9;
	[tilespmem:s0+$0xFFFFFF80] =	vst v56  }
0x2a: {  	v59 =	vbroadcast v3, $0xA;
	[tilespmem:s0+$0x0] =	vst v57  }
0x2b: {  	v60 =	vbroadcast v3, $0xB;
	[tilespmem:s0+$0x80] =	vst v58  }
0x2c: {  	v61 =	vbroadcast v3, $0xC;
	[tilespmem:s0+$0x100] =	vst v59  }
0x2d: {  	v62 =	vbroadcast v3, $0xD;
	[tilespmem:s0+$0x180] =	vst v60  }
0x2e: {  	v63 =	vbroadcast v3, $0xE;
	[tilespmem:s0+$0x200] =	vst v61  }
0x2f: {  	v3 =	vbroadcast v3, $0xF;
	[tilespmem:s0+$0x280] =	vst v62  }
0x30: {  	[tilespmem:s0+$0x300] =	vst v63  }
0x31: {  	s4 =	simm.s32 $0x80;
	s16 =	simm.s32 $0x400;
	[tilespmem:s0+$0x380] =	vst v3  }
.LBB2_2:
0x32: {  	p0 =	sne.s32 s16, $0xE00;
	v3 =	vld [tilespmem:s4+$0x200];
	_ =	sdelay $0x4  }
0x33: {  	v4 =	vbroadcast v3, $0x0;
	v5 =	vbroadcast v3, $0x1  }
0x34: {  	s0 =	sadd.s32 $0x800, s0;
	v6 =	vbroadcast v3, $0x2;
	v7 =	vbroadcast v3, $0x3  }
0x35: {  	v8 =	vbroadcast v3, $0x5;
	[tilespmem:s0+$0xFFFFFC00] =	vst v4;
	v4 =	vbroadcast v3, $0x4  }
0x36: {  	v9 =	vbroadcast v3, $0x7;
	[tilespmem:s0+$0xFFFFFC80] =	vst v5;
	v5 =	vbroadcast v3, $0x6  }
0x37: {  	v10 =	vbroadcast v3, $0x9;
	[tilespmem:s0+$0xFFFFFD00] =	vst v6;
	v6 =	vbroadcast v3, $0x8  }
0x38: {  	v11 =	vbroadcast v3, $0xB;
	[tilespmem:s0+$0xFFFFFD80] =	vst v7;
	v7 =	vbroadcast v3, $0xA  }
0x39: {  	v12 =	vbroadcast v3, $0xD;
	[tilespmem:s0+$0xFFFFFE00] =	vst v4;
	v4 =	vbroadcast v3, $0xC  }
0x3a: {  	[tilespmem:s0+$0xFFFFFE80] =	vst v8;
	v8 =	vbroadcast v3, $0xE;
	v3 =	vbroadcast v3, $0xF  }
0x3b: {  	[tilespmem:s0+$0xFFFFFF00] =	vst v5  }
0x3c: {  	[tilespmem:s0+$0xFFFFFF80] =	vst v9  }
0x3d: {  	[tilespmem:s0+$0x0] =	vst v6  }
0x3e: {  	[tilespmem:s0+$0x80] =	vst v10  }
0x3f: {  	[tilespmem:s0+$0x100] =	vst v7  }
.Ltmp0:
0x40: {  	[tilespmem:s0+$0x180] =	vst v11;
	(pc) =	sbr.rel @p0 .LBB2_2-.Ltmp0, $4  }
0x41: {  	[tilespmem:s0+$0x200] =	vst v4  }
0x42: {  	[tilespmem:s0+$0x280] =	vst v12  }
0x43: {  	[tilespmem:s0+$0x300] =	vst v8  }
0x44: {  	s4 =	sshra.s32 s16, $0x2;
	s16 =	sadd.s32 $0x200, s16;
	[tilespmem:s0+$0x380] =	vst v3  }
0x45: {  	v3 =	vld [tilespmem:s4+$0x200];
	_ =	sdelay $0x4  }
0x46: {  	v4 =	vbroadcast v3, $0x0  }
0x47: {  	s0 =	sadd.s32 $0x800, s0;
	v5 =	vbroadcast v3, $0x1  }
0x48: {  	v6 =	vbroadcast v3, $0x2;
	[tilespmem:s0+$0xFFFFFC00] =	vst v4  }
0x49: {  	v44 =	vbroadcast v3, $0x3;
	[tilespmem:s0+$0xFFFFFC80] =	vst v5  }
0x4a: {  	v45 =	vbroadcast v3, $0x4;
	[tilespmem:s0+$0xFFFFFD00] =	vst v6  }
0x4b: {  	v46 =	vbroadcast v3, $0x5;
	[tilespmem:s0+$0xFFFFFD80] =	vst v44  }
0x4c: {  	v47 =	vbroadcast v3, $0x6;
	[tilespmem:s0+$0xFFFFFE00] =	vst v45  }
0x4d: {  	v48 =	vbroadcast v3, $0x7;
	[tilespmem:s0+$0xFFFFFE80] =	vst v46  }
0x4e: {  	v49 =	vbroadcast v3, $0x8;
	[tilespmem:s0+$0xFFFFFF00] =	vst v47  }
0x4f: {  	v50 =	vbroadcast v3, $0x9;
	[tilespmem:s0+$0xFFFFFF80] =	vst v48  }
0x50: {  	v51 =	vbroadcast v3, $0xA;
	[tilespmem:s0+$0x0] =	vst v49  }
0x51: {  	v52 =	vbroadcast v3, $0xB;
	[tilespmem:s0+$0x80] =	vst v50  }
0x52: {  	v53 =	vbroadcast v3, $0xC;
	[tilespmem:s0+$0x100] =	vst v51  }
0x53: {  	v54 =	vbroadcast v3, $0xD;
	[tilespmem:s0+$0x180] =	vst v52  }
0x54: {  	v55 =	vbroadcast v3, $0xE;
	[tilespmem:s0+$0x200] =	vst v53  }
0x55: {  	v3 =	vbroadcast v3, $0xF;
	[tilespmem:s0+$0x280] =	vst v54  }
0x56: {  	[tilespmem:s0+$0x300] =	vst v55  }
0x57: {  	s5 =	rddreg [dreg:$0x5];
	s16 =	simm.s32 $0x600;
	[tilespmem:s0+$0x380] =	vst v3  }
0x58: {  	[hbm4b:s5+s3] =	stream.linear.scatter [tilespmem:s16], [sflag:$0x5], $0x4000, $0x38;
	[tilespmem:$0x14600] =	vst v63  }
0x59: {  	v3 =	vld [tilespmem:$0x0];
	_ =	sdelay $0x4  }
0x5a: {  	v56 =	vshll.u32 v3, $0x3  }
0x5b: {  	v3 =	vand.u32 $0x7, v3;
	v4 =	vand.u32 $0xFFFFFFC0, v56  }
0x5c: {  	v3 =	vor.u32 v3, v4  }
0x5d: {  	v4 =	vperm.xlane v3, v0;
	_ =	sdelay $0x1  }
0x5e: {  	v4 =	vadd.s32 v1, v4;
	_ =	sdelay $0x4  }
0x5f: {  	[tilespmem:s17], [sflag:$0x1] =	stream.indirect_vreg.gather [hbm4b:s25+s3], $0x80, v4, vm0, $0xb8;
	[tilespmem:$0x14600] =	vst v63  }
0x60: {  	s4 =	simm.s32 $0x4E00;
	v3 =	vperm.xlane v3, v2  }
0x61: {  	[tilespmem:s4], [sflag:$0x1] =	stream.indirect_vreg.gather [hbm4b:s11+s3], $0x80, v4, vm0, $0xb8;
	[tilespmem:$0x14600] =	vst v63  }
0x62: {  	s16 =	simm.s32 $0x5600;
	v3 =	vadd.s32 v1, v3  }
0x63: {  	[tilespmem:s16], [sflag:$0x1] =	stream.indirect_vreg.gather [hbm4b:s7+s3], $0x80, v4, vm0, $0xb8;
	[tilespmem:$0x14600] =	vst v63  }
0x64: {  	s5 =	simm.s32 $0x5E00  }
0x65: {  	[tilespmem:s5], [sflag:$0x1] =	stream.indirect_vreg.gather [hbm4b:s8+s3], $0x80, v4, vm0, $0xb8;
	[tilespmem:$0x14600] =	vst v63  }
0x66: {  	_ = 	snop  }
0x67: {  	[tilespmem:s6], [sflag:$0x1] =	stream.indirect_vreg.gather [hbm4b:s25+s3], $0x80, v3, vm0, $0xb8;
	[tilespmem:$0x14600] =	vst v63  }
0x68: {  	_ = 	snop  }
0x69: {  	[tilespmem:s9], [sflag:$0x1] =	stream.indirect_vreg.gather [hbm4b:s11+s3], $0x80, v3, vm0, $0xb8;
	[tilespmem:$0x14600] =	vst v63  }
0x6a: {  	_ = 	snop  }
0x6b: {  	[tilespmem:s10], [sflag:$0x1] =	stream.indirect_vreg.gather [hbm4b:s7+s3], $0x80, v3, vm0, $0xb8;
	[tilespmem:$0x14600] =	vst v63  }
0x6c: {  	_ = 	snop  }
0x6d: {  	[tilespmem:s12], [sflag:$0x1] =	stream.indirect_vreg.gather [hbm4b:s8+s3], $0x80, v3, vm0, $0xb8;
	[tilespmem:$0x14600] =	vst v63  }
0x6e: {  	v3 =	vld [tilespmem:$0x10];
	_ =	sdelay $0x4  }
0x6f: {  	v57 =	vshll.u32 v3, $0x3  }
0x70: {  	v3 =	vand.u32 $0x7, v3;
	v4 =	vand.u32 $0xFFFFFFC0, v57  }
0x71: {  	v3 =	vor.u32 v3, v4  }
0x72: {  	v4 =	vperm.xlane v3, v0;
	_ =	sdelay $0x1  }
0x73: {  	v4 =	vadd.s32 v1, v4;
	_ =	sdelay $0x4  }
0x74: {  	[tilespmem:s13], [sflag:$0x1] =	stream.indirect_vreg.gather [hbm4b:s25+s3], $0x80, v4, vm0, $0xb8;
	[tilespmem:$0x14600] =	vst v63  }
0x75: {  	v3 =	vperm.xlane v3, v2  }
0x76: {  	[tilespmem:s19], [sflag:$0x1] =	stream.indirect_vreg.gather [hbm4b:s11+s3], $0x80, v4, vm0, $0xb8;
	[tilespmem:$0x14600] =	vst v63  }
0x77: {  	v3 =	vadd.s32 v1, v3  }
0x78: {  	[tilespmem:s14], [sflag:$0x1] =	stream.indirect_vreg.gather [hbm4b:s7+s3], $0x80, v4, vm0, $0xb8;
	[tilespmem:$0x14600] =	vst v63  }
0x79: {  	_ = 	snop  }
0x7a: {  	[tilespmem:s20], [sflag:$0x1] =	stream.indirect_vreg.gather [hbm4b:s8+s3], $0x80, v4, vm0, $0xb8;
	[tilespmem:$0x14600] =	vst v63  }
0x7b: {  	_ = 	snop  }
0x7c: {  	[tilespmem:s21], [sflag:$0x1] =	stream.indirect_vreg.gather [hbm4b:s25+s3], $0x80, v3, vm0, $0xb8;
	[tilespmem:$0x14600] =	vst v63  }
0x7d: {  	_ = 	snop  }
0x7e: {  	[tilespmem:s22], [sflag:$0x1] =	stream.indirect_vreg.gather [hbm4b:s11+s3], $0x80, v3, vm0, $0xb8;
	[tilespmem:$0x14600] =	vst v63  }
0x7f: {  	_ = 	snop  }
0x80: {  	[tilespmem:s23], [sflag:$0x1] =	stream.indirect_vreg.gather [hbm4b:s7+s3], $0x80, v3, vm0, $0xb8;
	[tilespmem:$0x14600] =	vst v63  }
0x81: {  	_ = 	snop  }
0x82: {  	[tilespmem:s24], [sflag:$0x1] =	stream.indirect_vreg.gather [hbm4b:s8+s3], $0x80, v3, vm0, $0xb8;
	[tilespmem:$0x14600] =	vst v63  }
0x83: {  	v3 =	vld [tilespmem:$0x80];
	_ =	sdelay $0x4  }
0x84: {  	v58 =	vshll.u32 v3, $0x3  }
0x85: {  	v3 =	vand.u32 $0x7, v3;
	v4 =	vand.u32 $0xFFFFFFC0, v58  }
0x86: {  	v3 =	vor.u32 v3, v4  }
0x87: {  	v4 =	vperm.xlane v3, v0;
	_ =	sdelay $0x1  }
0x88: {  	v4 =	vadd.s32 v1, v4;
	_ =	sdelay $0x4  }
0x89: {  	[tilespmem:s15], [sflag:$0x2] =	stream.indirect_vreg.gather [hbm4b:s25+s3], $0x80, v4, vm0, $0xb8;
	[tilespmem:$0x14600] =	vst v63  }
0x8a: {  	s2 =	simm.s32 $0xCE00;
	v3 =	vperm.xlane v3, v2  }
0x8b: {  	[tilespmem:s2], [sflag:$0x2] =	stream.indirect_vreg.gather [hbm4b:s11+s3], $0x80, v4, vm0, $0xb8;
	[tilespmem:$0x14600] =	vst v63  }
0x8c: {  	v3 =	vadd.s32 v1, v3  }
0x8d: {  	[tilespmem:s31], [sflag:$0x2] =	stream.indirect_vreg.gather [hbm4b:s7+s3], $0x80, v4, vm0, $0xb8;
	[tilespmem:$0x14600] =	vst v63  }
0x8e: {  	s2 =	simm.s32 $0xDE00  }
0x8f: {  	[tilespmem:s2], [sflag:$0x2] =	stream.indirect_vreg.gather [hbm4b:s8+s3], $0x80, v4, vm0, $0xb8;
	[tilespmem:$0x14600] =	vst v63  }
0x90: {  	_ = 	snop  }
0x91: {  	[tilespmem:s26], [sflag:$0x2] =	stream.indirect_vreg.gather [hbm4b:s25+s3], $0x80, v3, vm0, $0xb8;
	[tilespmem:$0x14600] =	vst v63  }
0x92: {  	_ = 	snop  }
0x93: {  	[tilespmem:s28], [sflag:$0x2] =	stream.indirect_vreg.gather [hbm4b:s11+s3], $0x80, v3, vm0, $0xb8;
	[tilespmem:$0x14600] =	vst v63  }
0x94: {  	_ = 	snop  }
0x95: {  	[tilespmem:s29], [sflag:$0x2] =	stream.indirect_vreg.gather [hbm4b:s7+s3], $0x80, v3, vm0, $0xb8;
	[tilespmem:$0x14600] =	vst v63  }
0x96: {  	_ = 	snop  }
0x97: {  	[tilespmem:s30], [sflag:$0x2] =	stream.indirect_vreg.gather [hbm4b:s8+s3], $0x80, v3, vm0, $0xb8;
	[tilespmem:$0x14600] =	vst v63  }
0x98: {  	v3 =	vld [tilespmem:$0x90];
	_ =	sdelay $0x4  }
0x99: {  	v59 =	vshll.u32 v3, $0x3  }
0x9a: {  	v3 =	vand.u32 $0x7, v3;
	v4 =	vand.u32 $0xFFFFFFC0, v59  }
0x9b: {  	v3 =	vor.u32 v3, v4  }
0x9c: {  	v4 =	vperm.xlane v3, v0;
	_ =	sdelay $0x1  }
0x9d: {  	v4 =	vadd.s32 v1, v4;
	_ =	sdelay $0x3  }
0x9e: {  	s2 =	simm.s32 $0x10600  }
0x9f: {  	[tilespmem:s2], [sflag:$0x2] =	stream.indirect_vreg.gather [hbm4b:s25+s3], $0x80, v4, vm0, $0xb8;
	[tilespmem:$0x14600] =	vst v63  }
0xa0: {  	v3 =	vperm.xlane v3, v2;
	s2 =	simm.s32 $0x10E00  }
0xa1: {  	[tilespmem:s2], [sflag:$0x2] =	stream.indirect_vreg.gather [hbm4b:s11+s3], $0x80, v4, vm0, $0xb8;
	[tilespmem:$0x14600] =	vst v63  }
0xa2: {  	v3 =	vadd.s32 v1, v3;
	s2 =	simm.s32 $0x11600  }
0xa3: {  	[tilespmem:s2], [sflag:$0x2] =	stream.indirect_vreg.gather [hbm4b:s7+s3], $0x80, v4, vm0, $0xb8;
	[tilespmem:$0x14600] =	vst v63  }
0xa4: {  	s2 =	simm.s32 $0x11E00  }
0xa5: {  	[tilespmem:s2], [sflag:$0x2] =	stream.indirect_vreg.gather [hbm4b:s8+s3], $0x80, v4, vm0, $0xb8;
	[tilespmem:$0x14600] =	vst v63  }
0xa6: {  	s2 =	simm.s32 $0x12600  }
0xa7: {  	[tilespmem:s2], [sflag:$0x2] =	stream.indirect_vreg.gather [hbm4b:s25+s3], $0x80, v3, vm0, $0xb8;
	[tilespmem:$0x14600] =	vst v63  }
0xa8: {  	s2 =	simm.s32 $0x12E00  }
0xa9: {  	[tilespmem:s2], [sflag:$0x2] =	stream.indirect_vreg.gather [hbm4b:s11+s3], $0x80, v3, vm0, $0xb8;
	[tilespmem:$0x14600] =	vst v63  }
0xaa: {  	s2 =	simm.s32 $0x13600  }
0xab: {  	[tilespmem:s2], [sflag:$0x2] =	stream.indirect_vreg.gather [hbm4b:s7+s3], $0x80, v3, vm0, $0xb8;
	[tilespmem:$0x14600] =	vst v63  }
0xac: {  	s2 =	simm.s32 $0x13E00  }
0xad: {  	[tilespmem:s2], [sflag:$0x2] =	stream.indirect_vreg.gather [hbm4b:s8+s3], $0x80, v3, vm0, $0xb8;
	[tilespmem:$0x14600] =	vst v63  }
0xae: {  	s2 =	simm.s32 $0x1  }
0xaf: {  	_ =	swait.ge [sflag:s2], $0x8000  }
0xb0: {  	[sflag:s2] =	ssyncset.done $0x0  }
0xb1: {  	s0 =	rddreg [dreg:$0x6];
	[sflag:s2] =	ssyncadd.s32 $0xFFFF8000  }
0xb2: {  	[hbm4b:s0+s3] =	stream.linear.scatter [tilespmem:s17], [sflag:$0x3], $0x8000, $0x38;
	[tilespmem:$0x14600] =	vst v63  }
0xb3: {  	_ =	swait.ge [sflag:s18], $0x8000  }
0xb4: {  	[sflag:s18] =	ssyncset.done $0x0  }
0xb5: {  	[sflag:s18] =	ssyncadd.s32 $0xFFFF8000  }
0xb6: {  	v3 =	vld [tilespmem:$0x100];
	_ =	sdelay $0x4  }
0xb7: {  	v60 =	vshll.u32 v3, $0x3  }
0xb8: {  	v3 =	vand.u32 $0x7, v3;
	v4 =	vand.u32 $0xFFFFFFC0, v60  }
0xb9: {  	v3 =	vor.u32 v3, v4  }
0xba: {  	v4 =	vperm.xlane v3, v0;
	_ =	sdelay $0x1  }
0xbb: {  	v4 =	vadd.s32 v1, v4;
	_ =	sdelay $0x4  }
0xbc: {  	[tilespmem:s17], [sflag:$0x1] =	stream.indirect_vreg.gather [hbm4b:s25+s3], $0x80, v4, vm0, $0xb8;
	[tilespmem:$0x14600] =	vst v63  }
0xbd: {  	v3 =	vperm.xlane v3, v2  }
0xbe: {  	[tilespmem:s4], [sflag:$0x1] =	stream.indirect_vreg.gather [hbm4b:s11+s3], $0x80, v4, vm0, $0xb8;
	[tilespmem:$0x14600] =	vst v63  }
0xbf: {  	v3 =	vadd.s32 v1, v3  }
0xc0: {  	[tilespmem:s16], [sflag:$0x1] =	stream.indirect_vreg.gather [hbm4b:s7+s3], $0x80, v4, vm0, $0xb8;
	[tilespmem:$0x14600] =	vst v63  }
0xc1: {  	_ = 	snop  }
0xc2: {  	[tilespmem:s5], [sflag:$0x1] =	stream.indirect_vreg.gather [hbm4b:s8+s3], $0x80, v4, vm0, $0xb8;
	[tilespmem:$0x14600] =	vst v63  }
0xc3: {  	_ = 	snop  }
0xc4: {  	[tilespmem:s6], [sflag:$0x1] =	stream.indirect_vreg.gather [hbm4b:s25+s3], $0x80, v3, vm0, $0xb8;
	[tilespmem:$0x14600] =	vst v63  }
0xc5: {  	_ = 	snop  }
0xc6: {  	[tilespmem:s9], [sflag:$0x1] =	stream.indirect_vreg.gather [hbm4b:s11+s3], $0x80, v3, vm0, $0xb8;
	[tilespmem:$0x14600] =	vst v63  }
0xc7: {  	_ = 	snop  }
0xc8: {  	[tilespmem:s10], [sflag:$0x1] =	stream.indirect_vreg.gather [hbm4b:s7+s3], $0x80, v3, vm0, $0xb8;
	[tilespmem:$0x14600] =	vst v63  }
0xc9: {  	_ = 	snop  }
0xca: {  	[tilespmem:s12], [sflag:$0x1] =	stream.indirect_vreg.gather [hbm4b:s8+s3], $0x80, v3, vm0, $0xb8;
	[tilespmem:$0x14600] =	vst v63  }
0xcb: {  	v3 =	vld [tilespmem:$0x110];
	_ =	sdelay $0x4  }
0xcc: {  	v61 =	vshll.u32 v3, $0x3  }
0xcd: {  	v3 =	vand.u32 $0x7, v3;
	v4 =	vand.u32 $0xFFFFFFC0, v61  }
0xce: {  	v3 =	vor.u32 v3, v4  }
0xcf: {  	v4 =	vperm.xlane v3, v0;
	_ =	sdelay $0x1  }
0xd0: {  	v4 =	vadd.s32 v1, v4;
	_ =	sdelay $0x4  }
0xd1: {  	[tilespmem:s13], [sflag:$0x1] =	stream.indirect_vreg.gather [hbm4b:s25+s3], $0x80, v4, vm0, $0xb8;
	[tilespmem:$0x14600] =	vst v63  }
0xd2: {  	v3 =	vperm.xlane v3, v2  }
0xd3: {  	[tilespmem:s19], [sflag:$0x1] =	stream.indirect_vreg.gather [hbm4b:s11+s3], $0x80, v4, vm0, $0xb8;
	[tilespmem:$0x14600] =	vst v63  }
0xd4: {  	v3 =	vadd.s32 v1, v3  }
0xd5: {  	[tilespmem:s14], [sflag:$0x1] =	stream.indirect_vreg.gather [hbm4b:s7+s3], $0x80, v4, vm0, $0xb8;
	[tilespmem:$0x14600] =	vst v63  }
0xd6: {  	_ = 	snop  }
0xd7: {  	[tilespmem:s20], [sflag:$0x1] =	stream.indirect_vreg.gather [hbm4b:s8+s3], $0x80, v4, vm0, $0xb8;
	[tilespmem:$0x14600] =	vst v63  }
0xd8: {  	_ = 	snop  }
0xd9: {  	[tilespmem:s21], [sflag:$0x1] =	stream.indirect_vreg.gather [hbm4b:s25+s3], $0x80, v3, vm0, $0xb8;
	[tilespmem:$0x14600] =	vst v63  }
0xda: {  	_ = 	snop  }
0xdb: {  	[tilespmem:s22], [sflag:$0x1] =	stream.indirect_vreg.gather [hbm4b:s11+s3], $0x80, v3, vm0, $0xb8;
	[tilespmem:$0x14600] =	vst v63  }
0xdc: {  	_ = 	snop  }
0xdd: {  	[tilespmem:s23], [sflag:$0x1] =	stream.indirect_vreg.gather [hbm4b:s7+s3], $0x80, v3, vm0, $0xb8;
	[tilespmem:$0x14600] =	vst v63  }
0xde: {  	s4 =	simm.s32 $0x2  }
0xdf: {  	[tilespmem:s24], [sflag:$0x1] =	stream.indirect_vreg.gather [hbm4b:s8+s3], $0x80, v3, vm0, $0xb8;
	[tilespmem:$0x14600] =	vst v63  }
0xe0: {  	_ =	swait.ge [sflag:s4], $0x8000  }
0xe1: {  	[sflag:s4] =	ssyncset.done $0x0  }
0xe2: {  	s5 =	rddreg [dreg:$0x7];
	[sflag:s4] =	ssyncadd.s32 $0xFFFF8000  }
0xe3: {  	[hbm4b:s5+s3] =	stream.linear.scatter [tilespmem:s15], [sflag:$0x4], $0x8000, $0x38;
	[tilespmem:$0x14600] =	vst v63  }
0xe4: {  	s5 =	simm.s32 $0x4  }
0xe5: {  	_ =	swait.ge [sflag:s5], $0x8000  }
0xe6: {  	[sflag:s5] =	ssyncset.done $0x0  }
0xe7: {  	[sflag:s5] =	ssyncadd.s32 $0xFFFF8000  }
0xe8: {  	v3 =	vld [tilespmem:$0x180];
	_ =	sdelay $0x4  }
0xe9: {  	v62 =	vshll.u32 v3, $0x3  }
0xea: {  	v3 =	vand.u32 $0x7, v3;
	v4 =	vand.u32 $0xFFFFFFC0, v62  }
0xeb: {  	v3 =	vor.u32 v3, v4  }
0xec: {  	v4 =	vperm.xlane v3, v0;
	_ =	sdelay $0x1  }
0xed: {  	v4 =	vadd.s32 v1, v4;
	_ =	sdelay $0x4  }
0xee: {  	[tilespmem:s15], [sflag:$0x2] =	stream.indirect_vreg.gather [hbm4b:s25+s3], $0x80, v4, vm0, $0xb8;
	[tilespmem:$0x14600] =	vst v63  }
0xef: {  	s16 =	simm.s32 $0xCE00;
	v3 =	vperm.xlane v3, v2  }
0xf0: {  	[tilespmem:s16], [sflag:$0x2] =	stream.indirect_vreg.gather [hbm4b:s11+s3], $0x80, v4, vm0, $0xb8;
	[tilespmem:$0x14600] =	vst v63  }
0xf1: {  	v3 =	vadd.s32 v1, v3  }
0xf2: {  	[tilespmem:s31], [sflag:$0x2] =	stream.indirect_vreg.gather [hbm4b:s7+s3], $0x80, v4, vm0, $0xb8;
	[tilespmem:$0x14600] =	vst v63  }
0xf3: {  	s16 =	simm.s32 $0xDE00  }
0xf4: {  	[tilespmem:s16], [sflag:$0x2] =	stream.indirect_vreg.gather [hbm4b:s8+s3], $0x80, v4, vm0, $0xb8;
	[tilespmem:$0x14600] =	vst v63  }
0xf5: {  	_ = 	snop  }
0xf6: {  	[tilespmem:s26], [sflag:$0x2] =	stream.indirect_vreg.gather [hbm4b:s25+s3], $0x80, v3, vm0, $0xb8;
	[tilespmem:$0x14600] =	vst v63  }
0xf7: {  	_ = 	snop  }
0xf8: {  	[tilespmem:s28], [sflag:$0x2] =	stream.indirect_vreg.gather [hbm4b:s11+s3], $0x80, v3, vm0, $0xb8;
	[tilespmem:$0x14600] =	vst v63  }
0xf9: {  	_ = 	snop  }
0xfa: {  	[tilespmem:s29], [sflag:$0x2] =	stream.indirect_vreg.gather [hbm4b:s7+s3], $0x80, v3, vm0, $0xb8;
	[tilespmem:$0x14600] =	vst v63  }
0xfb: {  	_ = 	snop  }
0xfc: {  	[tilespmem:s30], [sflag:$0x2] =	stream.indirect_vreg.gather [hbm4b:s8+s3], $0x80, v3, vm0, $0xb8;
	[tilespmem:$0x14600] =	vst v63  }
0xfd: {  	v3 =	vld [tilespmem:$0x190];
	_ =	sdelay $0x4  }
0xfe: {  	v63 =	vshll.u32 v3, $0x3  }
0xff: {  	v3 =	vand.u32 $0x7, v3;
	v4 =	vand.u32 $0xFFFFFFC0, v63  }
0x100: {  	v3 =	vor.u32 v3, v4  }
0x101: {  	v4 =	vperm.xlane v3, v0;
	_ =	sdelay $0x1  }
0x102: {  	v4 =	vadd.s32 v1, v4;
	_ =	sdelay $0x3  }
0x103: {  	s16 =	simm.s32 $0x10600  }
0x104: {  	[tilespmem:s16], [sflag:$0x2] =	stream.indirect_vreg.gather [hbm4b:s25+s3], $0x80, v4, vm0, $0xb8;
	[tilespmem:$0x14600] =	vst v63  }
0x105: {  	v3 =	vperm.xlane v3, v2;
	s16 =	simm.s32 $0x10E00  }
0x106: {  	[tilespmem:s16], [sflag:$0x2] =	stream.indirect_vreg.gather [hbm4b:s11+s3], $0x80, v4, vm0, $0xb8;
	[tilespmem:$0x14600] =	vst v63  }
0x107: {  	v3 =	vadd.s32 v1, v3;
	s16 =	simm.s32 $0x11600  }
0x108: {  	[tilespmem:s16], [sflag:$0x2] =	stream.indirect_vreg.gather [hbm4b:s7+s3], $0x80, v4, vm0, $0xb8;
	[tilespmem:$0x14600] =	vst v63  }
0x109: {  	s16 =	simm.s32 $0x11E00  }
0x10a: {  	[tilespmem:s16], [sflag:$0x2] =	stream.indirect_vreg.gather [hbm4b:s8+s3], $0x80, v4, vm0, $0xb8;
	[tilespmem:$0x14600] =	vst v63  }
0x10b: {  	s16 =	simm.s32 $0x12600  }
0x10c: {  	[tilespmem:s16], [sflag:$0x2] =	stream.indirect_vreg.gather [hbm4b:s25+s3], $0x80, v3, vm0, $0xb8;
	[tilespmem:$0x14600] =	vst v63  }
0x10d: {  	s16 =	simm.s32 $0x12E00  }
0x10e: {  	[tilespmem:s16], [sflag:$0x2] =	stream.indirect_vreg.gather [hbm4b:s11+s3], $0x80, v3, vm0, $0xb8;
	[tilespmem:$0x14600] =	vst v63  }
0x10f: {  	s16 =	simm.s32 $0x13600  }
0x110: {  	[tilespmem:s16], [sflag:$0x2] =	stream.indirect_vreg.gather [hbm4b:s7+s3], $0x80, v3, vm0, $0xb8;
	[tilespmem:$0x14600] =	vst v63  }
0x111: {  	s16 =	simm.s32 $0x13E00  }
0x112: {  	[tilespmem:s16], [sflag:$0x2] =	stream.indirect_vreg.gather [hbm4b:s8+s3], $0x80, v3, vm0, $0xb8;
	[tilespmem:$0x14600] =	vst v63  }
0x113: {  	_ =	swait.ge [sflag:s2], $0x8000  }
0x114: {  	[sflag:s2] =	ssyncset.done $0x0  }
0x115: {  	[sflag:s2] =	ssyncadd.s32 $0xFFFF8000;
	s2 =	rddreg [dreg:$0x8]  }
0x116: {  	[hbm4b:s2+s3] =	stream.linear.scatter [tilespmem:s17], [sflag:$0x3], $0x8000, $0x38;
	[tilespmem:$0x14600] =	vst v63  }
0x117: {  	_ =	swait.ge [sflag:s4], $0x8000  }
0x118: {  	[sflag:s4] =	ssyncset.done $0x0  }
0x119: {  	[sflag:s4] =	ssyncadd.s32 $0xFFFF8000;
	s4 =	rddreg [dreg:$0x9]  }
0x11a: {  	[hbm4b:s4+s3] =	stream.linear.scatter [tilespmem:s15], [sflag:$0x4], $0x8000, $0x38;
	[tilespmem:$0x14600] =	vst v63  }
0x11b: {  	_ =	swait.ge [sflag:s18], $0x8000  }
0x11c: {  	[sflag:s18] =	ssyncset.done $0x0  }
0x11d: {  	[sflag:s18] =	ssyncadd.s32 $0xFFFF8000  }
0x11e: {  	_ =	swait.ge [sflag:s5], $0x8000  }
0x11f: {  	[sflag:s5] =	ssyncset.done $0x0  }
0x120: {  	[sflag:s5] =	ssyncadd.s32 $0xFFFF8000;
	s5 =	simm.s32 $0x5  }
0x121: {  	_ =	swait.ge [sflag:s5], $0x4000  }
0x122: {  	s1 =	sadd.s32 $0x1, s1;
	s16 =	rddreg [dreg:$0xa]  }
0x123: {  	p0 =	sne.s32 s1, s16  }
.Ltmp1:
0x124: {  	_ = 	snop;
	(pc) =	sbr.rel @p0 .LBB2_1-.Ltmp1, $3  }
0x125: {  	_ =	sdelay $0x1  }
0x126: {  	[sflag:s5] =	ssyncset.done $0x0  }
0x127: {  	[sflag:s5] =	ssyncadd.s32 $0xFFFFC000  }
0x128: {  	_ =	sfence.sel $0x180000  }
0x129: {  	[bflag:$0x0] =	sbarrier.arrive $0xFFFF  }
0x12a: {  	_ =	strace $0x90000050  }
0x12b: {  	s0 =	stileid.u32;
	[bflag:$0x2] =	sbarrier.arrive $0xFFFF  }
0x12c: {  	p0 =	sne.s32 s0, $0x0;
	s0 =	rddreg [dreg:$0x2]  }
0x12d: {  	s0 =	sadd.s32 @!p0 $0x100000, s0  }
0x12e: {  	[sflag:s0] =	ssyncadd.tile.s32 @!p0 $0x1;
	_ =	shalt  }
.Lfunc_end2:
_tile_overlayer_lowered:
.L_overlay_start_2:
0x12f: {  	(tag) =	ssettag $0x2  }
0x130: {  	s0 =	rddreg [dreg:$0x0];
	s2 =	stileid.u32  }
0x131: {  	s1 =	rddreg [dreg:$0x1];
	p0 =	sne.s32 s2, $0x0  }
0x132: {  	s3 =	rddreg [dreg:$0x2];
	[bflag:$0x3] =	sbarrier.arrive $0xFFFF;
	s2 =	simm.s32 @!p0 $0x1C06  }
0x133: {  	[timem:s3], [sflag:s2] =	dma.local @!p0 [hbm:s0], s1  }
0x134: {  	s0 =	simm.s32 @!p0 $0x6  }
0x135: {  	_ =	swait.ge @!p0 [sflag:s0], s1  }
0x136: {  	s1 =	ssub.s32 @!p0 $0x0, s1;
	[sflag:s0] =	ssyncset.done @!p0 $0x0  }
0x137: {  	[sflag:s0] =	ssyncadd.s32 @!p0 s1  }
0x138: {  	[bflag:$0x3] =	sbarrier.arrive $0xFFFF  }
0x139: {  	_ =	shalt  }

</sc_bundles>
